<compile_context>
chip_gen: v7x
topology: tpu7x:2x2x1
jax: 0.10.2.dev20260603
libtpu: 0.0.44.dev20260713+nightly
codegen_flags: <defaults>
</compile_context>

<pallas_src>
import functools

import jax
import jax.numpy as jnp
from jax import lax
from jax.experimental import pallas as pl
from jax.experimental.pallas import tpu as pltpu
from jax.experimental.pallas import tpu_sc as plsc

_CH = 32
_NB = 3
_NW = 32


def _bcast_sc(pe2d, B, L, D):
    n_chunks = L // _CH
    per_w = -(-n_chunks // _NW)
    mesh = plsc.VectorSubcoreMesh(core_axis_name="c", subcore_axis_name="s")

    @functools.partial(
        pl.kernel,
        out_type=jax.ShapeDtypeStruct((B, L, D), jnp.float32),
        mesh=mesh,
        scratch_types=[
            pltpu.VMEM((_NB, _CH, D), jnp.float32),
            pltpu.SemaphoreType.DMA((_NB,)),
            pltpu.SemaphoreType.DMA((_NB,)),
        ],
    )
    def body(pe_hbm, out_hbm, bufs, rsem, wsem):
        w = lax.axis_index("c") * 16 + lax.axis_index("s")
        base = w * per_w

        def read(k):
            row0 = (base + k) * _CH
            pltpu.make_async_copy(pe_hbm.at[pl.ds(row0, _CH), :],
                                  bufs.at[k % _NB], rsem.at[k % _NB]).start()

        def wait_read(k):
            row0 = (base + k) * _CH
            pltpu.make_async_copy(pe_hbm.at[pl.ds(row0, _CH), :],
                                  bufs.at[k % _NB], rsem.at[k % _NB]).wait()

        def write(k, start=True):
            row0 = (base + k) * _CH
            for b in range(B):
                cp = pltpu.make_async_copy(
                    bufs.at[k % _NB],
                    out_hbm.at[b, pl.ds(row0, _CH), :],
                    wsem.at[k % _NB])
                cp.start() if start else cp.wait()

        def work(nk):
            for k in range(min(_NB, nk)):
                read(k)
            for k in range(nk):
                wait_read(k)
                write(k)
                prev = k - 1
                if prev >= 0 and prev + _NB < nk:
                    write(prev, start=False)
                    read(prev + _NB)
            for k in range(max(0, nk - _NB), nk):
                write(k, start=False)

        @pl.when(w != _NW - 1)
        def _():
            work(per_w)

        @pl.when(w == _NW - 1)
        def _():
            work(per_w - 1)

    return body(pe2d)


def _fill_tail(out_main, pe3d, B, L, D, n_chunks):
    def body(_, pe_ref, out_ref):
        out_ref[...] = jnp.broadcast_to(pe_ref[...], (B, _CH, D))

    return pl.pallas_call(
        body,
        grid=(1,),
        in_specs=[
            pl.BlockSpec(memory_space=pltpu.HBM),
            pl.BlockSpec((1, _CH, D), lambda i: (0, n_chunks, 0)),
        ],
        out_specs=pl.BlockSpec((B, _CH, D), lambda i: (0, n_chunks, 0)),
        out_shape=jax.ShapeDtypeStruct((B, L, D), jnp.float32),
        input_output_aliases={0: 0},
    )(out_main, pe3d)


def kernel(x, pe):
    B, S, D = x.shape
    L = 2 * S - 1
    out = _bcast_sc(pe[0], B, L, D)
    return _fill_tail(out, pe, B, L, D, L // _CH)

# --- scband reference (transcript-rebuilt; emitter-appended) ---
"""Pipeline reference for scband-rel-pos-encoding-11201274708220 (READ-ONLY COPY).

The authoritative reference and input builder live on the scoring server;
editing this copy changes nothing except your own understanding.
"""

import jax, jax.numpy as jnp
import numpy as np

D_MODEL = 1024
MAX_LEN = 10000

def _build_pe():
    pe = np.zeros((MAX_LEN, D_MODEL), dtype=np.float32)
    position = np.arange(0, MAX_LEN, dtype=np.float32)[:, None]
    div_term = np.exp(np.arange(0, D_MODEL, 2, dtype=np.float32) * -(np.log(10000.0) / D_MODEL))
    pe[:, 0::2] = np.sin(position * div_term)
    pe[:, 1::2] = np.cos(position * div_term)
    return jnp.asarray(pe[None, :, :])  # [1, max_len, d_model]

def setup_inputs(seed: int = 0) -> dict:
    key = jax.random.key(seed)
    x = jax.random.normal(key, (4, 4096, 1024), dtype=jnp.float32)
    pe = _build_pe()
    return {"x": x, "pe": pe}

def reference(x, pe):
    # rel_att_type='xl': pos_emb = pe[0, :2*seq_len-1, :].repeat(batch, 1, 1); dropout is identity in eval
    B, S, _ = x.shape
    length = 2 * S - 1
    pos = pe[0, :length, :]                      # gather/slice from positional table
    pos_emb = jnp.tile(pos[None, :, :], (B, 1, 1))  # [B, 2S-1, d_model]
    return pos_emb

if __name__ == "__main__":
    import jax
    _d = setup_inputs()
    print(jax.jit(kernel)(*tuple(_d.values())))

</pallas_src>

<mosaic_0001>
#map = affine_map<(d0, d1) -> (0, 0)>
#map1 = affine_map<(d0, d1) -> (0, 0, 0)>
module attributes {stable_mosaic.version = 14 : i64} {
  func.func @body(%arg0: i32, %arg1: i32, %arg2: memref<10000x1024xf32, #tpu.memory_space<hbm>>, %arg3: memref<4x8191x1024xf32, #tpu.memory_space<hbm>>, %arg4: memref<3x32x1024xf32, #tpu.memory_space<vmem>>, %arg5: memref<3x!tpu.dma_semaphore, #tpu.memory_space<semaphore_mem>>, %arg6: memref<3x!tpu.dma_semaphore, #tpu.memory_space<semaphore_mem>>) attributes {dimension_semantics = [#tpu.dimension_semantics<core_parallel>, #tpu.dimension_semantics<subcore_parallel>], iteration_bounds = array<i64: 2, 16>, scalar_prefetch = 0 : i64, scratch_operands = 3 : i64, tpu.core_type = #tpu.core_type<sc_vector_subcore>, window_params = [{transform_indices = #map}, {transform_indices = #map1}]} {
    %mul3A = arith.constant 16 : i32
    %mul3A_0 = arith.muli %arg0, %mul3A : i32
    %add3A = arith.addi %mul3A_0, %arg1 : i32
    %mul3A_1 = arith.constant 8 : i32
    %mul3A_2 = arith.muli %add3A, %mul3A_1 : i32
    %ne3A = arith.constant 31 : i32
    %ne3A_3 = arith.cmpi ne, %add3A, %ne3A : i32
    %convert_element_type3A = arith.extui %ne3A_3 : i1 to i32
    %cond3A = arith.constant 0 : i32
    %cond3A_4 = arith.cmpi ne, %convert_element_type3A, %cond3A : i32
    scf.if %cond3A_4 {
      %add3A_9 = arith.constant 0 : i32
      %add3A_10 = arith.addi %mul3A_2, %add3A_9 : i32
      %mul3A_11 = arith.constant 32 : i32
      %mul3A_12 = arith.muli %add3A_10, %mul3A_11 : i32
      %dma_start3A = arith.constant 0 : i32
      %dma_start3A_13 = arith.constant 0 : i32
      %dma_start3A_14 = arith.constant 0 : i32
      %dma_start3A_15 = arith.constant 0 : i32
      %dma_start3A_16 = tpu.memref_slice %arg4[%dma_start3A, %dma_start3A_14, %dma_start3A_15] : memref<3x32x1024xf32, #tpu.memory_space<vmem>> -> memref<1x32x1024xf32, #tpu.memory_space<vmem>>
      %dma_start3A_17 = tpu.memref_squeeze %dma_start3A_16 : memref<1x32x1024xf32, #tpu.memory_space<vmem>> -> memref<32x1024xf32, #tpu.memory_space<vmem>>
      %dma_start3A_18 = arith.constant 0 : i32
      %dma_start3A_19 = tpu.memref_slice %arg2[%mul3A_12, %dma_start3A_18] : memref<10000x1024xf32, #tpu.memory_space<hbm>> -> memref<32x1024xf32, #tpu.memory_space<hbm>>
      %dma_start3A_20 = tpu.memref_slice %arg5[%dma_start3A_13] : memref<3x!tpu.dma_semaphore, #tpu.memory_space<semaphore_mem>> -> memref<1x!tpu.dma_semaphore, #tpu.memory_space<semaphore_mem>>
      %dma_start3A_21 = tpu.memref_squeeze %dma_start3A_20 : memref<1x!tpu.dma_semaphore, #tpu.memory_space<semaphore_mem>> -> memref<!tpu.dma_semaphore, #tpu.memory_space<semaphore_mem>>
      %dma_start3A_22 = arith.constant 0 : i32
      %dma_start3A_23 = arith.constant 0 : i32
      %dma_start3A_24 = tpu.memref_slice %arg4[%dma_start3A, %dma_start3A_22, %dma_start3A_23] : memref<3x32x1024xf32, #tpu.memory_space<vmem>> -> memref<1x32x1024xf32, #tpu.memory_space<vmem>>
      %dma_start3A_25 = tpu.memref_squeeze %dma_start3A_24 : memref<1x32x1024xf32, #tpu.memory_space<vmem>> -> memref<32x1024xf32, #tpu.memory_space<vmem>>
      %dma_start3A_26 = arith.constant 0 : i32
      %dma_start3A_27 = tpu.memref_slice %arg2[%mul3A_12, %dma_start3A_26] : memref<10000x1024xf32, #tpu.memory_space<hbm>> -> memref<32x1024xf32, #tpu.memory_space<hbm>>
      tpu.enqueue_dma source(%dma_start3A_27 : memref<32x1024xf32, #tpu.memory_space<hbm>>) target(%dma_start3A_25 : memref<32x1024xf32, #tpu.memory_space<vmem>>) target_semaphore(%dma_start3A_21 : memref<!tpu.dma_semaphore, #tpu.memory_space<semaphore_mem>>)
      %add3A_28 = arith.constant 1 : i32
      %add3A_29 = arith.addi %mul3A_2, %add3A_28 : i32
      %mul3A_30 = arith.constant 32 : i32
      %mul3A_31 = arith.muli %add3A_29, %mul3A_30 : i32
      %dma_start3A_32 = arith.constant 1 : i32
      %dma_start3A_33 = arith.constant 1 : i32
      %dma_start3A_34 = arith.constant 0 : i32
      %dma_start3A_35 = arith.constant 0 : i32
      %dma_start3A_36 = tpu.memref_slice %arg4[%dma_start3A_32, %dma_start3A_34, %dma_start3A_35] : memref<3x32x1024xf32, #tpu.memory_space<vmem>> -> memref<1x32x1024xf32, #tpu.memory_space<vmem>>
      %dma_start3A_37 = tpu.memref_squeeze %dma_start3A_36 : memref<1x32x1024xf32, #tpu.memory_space<vmem>> -> memref<32x1024xf32, #tpu.memory_space<vmem>>
      %dma_start3A_38 = arith.constant 0 : i32
      %dma_start3A_39 = tpu.memref_slice %arg2[%mul3A_31, %dma_start3A_38] : memref<10000x1024xf32, #tpu.memory_space<hbm>> -> memref<32x1024xf32, #tpu.memory_space<hbm>>
      %dma_start3A_40 = tpu.memref_slice %arg5[%dma_start3A_33] : memref<3x!tpu.dma_semaphore, #tpu.memory_space<semaphore_mem>> -> memref<1x!tpu.dma_semaphore, #tpu.memory_space<semaphore_mem>>
      %dma_start3A_41 = tpu.memref_squeeze %dma_start3A_40 : memref<1x!tpu.dma_semaphore, #tpu.memory_space<semaphore_mem>> -> memref<!tpu.dma_semaphore, #tpu.memory_space<semaphore_mem>>
      %dma_start3A_42 = arith.constant 0 : i32
      %dma_start3A_43 = arith.constant 0 : i32
      %dma_start3A_44 = tpu.memref_slice %arg4[%dma_start3A_32, %dma_start3A_42, %dma_start3A_43] : memref<3x32x1024xf32, #tpu.memory_space<vmem>> -> memref<1x32x1024xf32, #tpu.memory_space<vmem>>
      %dma_start3A_45 = tpu.memref_squeeze %dma_start3A_44 : memref<1x32x1024xf32, #tpu.memory_space<vmem>> -> memref<32x1024xf32, #tpu.memory_space<vmem>>
      %dma_start3A_46 = arith.constant 0 : i32
      %dma_start3A_47 = tpu.memref_slice %arg2[%mul3A_31, %dma_start3A_46] : memref<10000x1024xf32, #tpu.memory_space<hbm>> -> memref<32x1024xf32, #tpu.memory_space<hbm>>
      tpu.enqueue_dma source(%dma_start3A_47 : memref<32x1024xf32, #tpu.memory_space<hbm>>) target(%dma_start3A_45 : memref<32x1024xf32, #tpu.memory_space<vmem>>) target_semaphore(%dma_start3A_41 : memref<!tpu.dma_semaphore, #tpu.memory_space<semaphore_mem>>)
      %add3A_48 = arith.constant 2 : i32
      %add3A_49 = arith.addi %mul3A_2, %add3A_48 : i32
      %mul3A_50 = arith.constant 32 : i32
      %mul3A_51 = arith.muli %add3A_49, %mul3A_50 : i32
      %dma_start3A_52 = arith.constant 2 : i32
      %dma_start3A_53 = arith.constant 2 : i32
      %dma_start3A_54 = arith.constant 0 : i32
      %dma_start3A_55 = arith.constant 0 : i32
      %dma_start3A_56 = tpu.memref_slice %arg4[%dma_start3A_52, %dma_start3A_54, %dma_start3A_55] : memref<3x32x1024xf32, #tpu.memory_space<vmem>> -> memref<1x32x1024xf32, #tpu.memory_space<vmem>>
      %dma_start3A_57 = tpu.memref_squeeze %dma_start3A_56 : memref<1x32x1024xf32, #tpu.memory_space<vmem>> -> memref<32x1024xf32, #tpu.memory_space<vmem>>
      %dma_start3A_58 = arith.constant 0 : i32
      %dma_start3A_59 = tpu.memref_slice %arg2[%mul3A_51, %dma_start3A_58] : memref<10000x1024xf32, #tpu.memory_space<hbm>> -> memref<32x1024xf32, #tpu.memory_space<hbm>>
      %dma_start3A_60 = tpu.memref_slice %arg5[%dma_start3A_53] : memref<3x!tpu.dma_semaphore, #tpu.memory_space<semaphore_mem>> -> memref<1x!tpu.dma_semaphore, #tpu.memory_space<semaphore_mem>>
      %dma_start3A_61 = tpu.memref_squeeze %dma_start3A_60 : memref<1x!tpu.dma_semaphore, #tpu.memory_space<semaphore_mem>> -> memref<!tpu.dma_semaphore, #tpu.memory_space<semaphore_mem>>
      %dma_start3A_62 = arith.constant 0 : i32
      %dma_start3A_63 = arith.constant 0 : i32
      %dma_start3A_64 = tpu.memref_slice %arg4[%dma_start3A_52, %dma_start3A_62, %dma_start3A_63] : memref<3x32x1024xf32, #tpu.memory_space<vmem>> -> memref<1x32x1024xf32, #tpu.memory_space<vmem>>
      %dma_start3A_65 = tpu.memref_squeeze %dma_start3A_64 : memref<1x32x1024xf32, #tpu.memory_space<vmem>> -> memref<32x1024xf32, #tpu.memory_space<vmem>>
      %dma_start3A_66 = arith.constant 0 : i32
      %dma_start3A_67 = tpu.memref_slice %arg2[%mul3A_51, %dma_start3A_66] : memref<10000x1024xf32, #tpu.memory_space<hbm>> -> memref<32x1024xf32, #tpu.memory_space<hbm>>
      tpu.enqueue_dma source(%dma_start3A_67 : memref<32x1024xf32, #tpu.memory_space<hbm>>) target(%dma_start3A_65 : memref<32x1024xf32, #tpu.memory_space<vmem>>) target_semaphore(%dma_start3A_61 : memref<!tpu.dma_semaphore, #tpu.memory_space<semaphore_mem>>)
      %add3A_68 = arith.constant 0 : i32
      %add3A_69 = arith.addi %mul3A_2, %add3A_68 : i32
      %mul3A_70 = arith.constant 32 : i32
      %mul3A_71 = arith.muli %add3A_69, %mul3A_70 : i32
      %dma_wait3A = arith.constant 0 : i32
      %dma_wait3A_72 = arith.constant 0 : i32
      %dma_wait3A_73 = arith.constant 0 : i32
      %dma_wait3A_74 = arith.constant 0 : i32
      %dma_wait3A_75 = tpu.memref_slice %arg4[%dma_wait3A, %dma_wait3A_73, %dma_wait3A_74] : memref<3x32x1024xf32, #tpu.memory_space<vmem>> -> memref<1x32x1024xf32, #tpu.memory_space<vmem>>
      %dma_wait3A_76 = tpu.memref_squeeze %dma_wait3A_75 : memref<1x32x1024xf32, #tpu.memory_space<vmem>> -> memref<32x1024xf32, #tpu.memory_space<vmem>>
      %dma_wait3A_77 = arith.constant 0 : i32
      %dma_wait3A_78 = tpu.memref_slice %arg2[%mul3A_71, %dma_wait3A_77] : memref<10000x1024xf32, #tpu.memory_space<hbm>> -> memref<32x1024xf32, #tpu.memory_space<hbm>>
      %dma_wait3A_79 = tpu.memref_slice %arg5[%dma_wait3A_72] : memref<3x!tpu.dma_semaphore, #tpu.memory_space<semaphore_mem>> -> memref<1x!tpu.dma_semaphore, #tpu.memory_space<semaphore_mem>>
      %dma_wait3A_80 = tpu.memref_squeeze %dma_wait3A_79 : memref<1x!tpu.dma_semaphore, #tpu.memory_space<semaphore_mem>> -> memref<!tpu.dma_semaphore, #tpu.memory_space<semaphore_mem>>
      %dma_wait3A_81 = arith.constant 0 : i32
      %dma_wait3A_82 = arith.constant 0 : i32
      %dma_wait3A_83 = tpu.memref_slice %arg4[%dma_wait3A, %dma_wait3A_81, %dma_wait3A_82] : memref<3x32x1024xf32, #tpu.memory_space<vmem>> -> memref<1x32x1024xf32, #tpu.memory_space<vmem>>
      %dma_wait3A_84 = tpu.memref_squeeze %dma_wait3A_83 : memref<1x32x1024xf32, #tpu.memory_space<vmem>> -> memref<32x1024xf32, #tpu.memory_space<vmem>>
      %dma_wait3A_85 = arith.constant 0 : i32
      %dma_wait3A_86 = tpu.memref_slice %arg2[%mul3A_71, %dma_wait3A_85] : memref<10000x1024xf32, #tpu.memory_space<hbm>> -> memref<32x1024xf32, #tpu.memory_space<hbm>>
      tpu.wait_dma2 semaphore(%dma_wait3A_80 : memref<!tpu.dma_semaphore, #tpu.memory_space<semaphore_mem>>) src(%dma_wait3A_86 : memref<32x1024xf32, #tpu.memory_space<hbm>>) dst(%dma_wait3A_84 : memref<32x1024xf32, #tpu.memory_space<vmem>>)
      %add3A_87 = arith.constant 0 : i32
      %add3A_88 = arith.addi %mul3A_2, %add3A_87 : i32
      %mul3A_89 = arith.constant 32 : i32
      %mul3A_90 = arith.muli %add3A_88, %mul3A_89 : i32
      %dma_start3A_91 = arith.constant 0 : i32
      %dma_start3A_92 = arith.constant 0 : i32
      %dma_start3A_93 = arith.constant 0 : i32
      %dma_start3A_94 = arith.constant 0 : i32
      %dma_start3A_95 = arith.constant 0 : i32
      %dma_start3A_96 = tpu.memref_slice %arg4[%dma_start3A_91, %dma_start3A_94, %dma_start3A_95] : memref<3x32x1024xf32, #tpu.memory_space<vmem>> -> memref<1x32x1024xf32, #tpu.memory_space<vmem>>
      %dma_start3A_97 = tpu.memref_squeeze %dma_start3A_96 : memref<1x32x1024xf32, #tpu.memory_space<vmem>> -> memref<32x1024xf32, #tpu.memory_space<vmem>>
      %dma_start3A_98 = arith.constant 0 : i32
      %dma_start3A_99 = tpu.memref_slice %arg3[%dma_start3A_92, %mul3A_90, %dma_start3A_98] : memref<4x8191x1024xf32, #tpu.memory_space<hbm>> -> memref<1x32x1024xf32, #tpu.memory_space<hbm>>
      %dma_start3A_100 = tpu.memref_squeeze %dma_start3A_99 : memref<1x32x1024xf32, #tpu.memory_space<hbm>> -> memref<32x1024xf32, #tpu.memory_space<hbm>>
      %dma_start3A_101 = tpu.memref_slice %arg6[%dma_start3A_93] : memref<3x!tpu.dma_semaphore, #tpu.memory_space<semaphore_mem>> -> memref<1x!tpu.dma_semaphore, #tpu.memory_space<semaphore_mem>>
      %dma_start3A_102 = tpu.memref_squeeze %dma_start3A_101 : memref<1x!tpu.dma_semaphore, #tpu.memory_space<semaphore_mem>> -> memref<!tpu.dma_semaphore, #tpu.memory_space<semaphore_mem>>
      %dma_start3A_103 = arith.constant 0 : i32
      %dma_start3A_104 = tpu.memref_slice %arg3[%dma_start3A_92, %mul3A_90, %dma_start3A_103] : memref<4x8191x1024xf32, #tpu.memory_space<hbm>> -> memref<1x32x1024xf32, #tpu.memory_space<hbm>>
      %dma_start3A_105 = tpu.memref_squeeze %dma_start3A_104 : memref<1x32x1024xf32, #tpu.memory_space<hbm>> -> memref<32x1024xf32, #tpu.memory_space<hbm>>
      %dma_start3A_106 = arith.constant 0 : i32
      %dma_start3A_107 = arith.constant 0 : i32
      %dma_start3A_108 = tpu.memref_slice %arg4[%dma_start3A_91, %dma_start3A_106, %dma_start3A_107] : memref<3x32x1024xf32, #tpu.memory_space<vmem>> -> memref<1x32x1024xf32, #tpu.memory_space<vmem>>
      %dma_start3A_109 = tpu.memref_squeeze %dma_start3A_108 : memref<1x32x1024xf32, #tpu.memory_space<vmem>> -> memref<32x1024xf32, #tpu.memory_space<vmem>>
      tpu.enqueue_dma source(%dma_start3A_109 : memref<32x1024xf32, #tpu.memory_space<vmem>>) target(%dma_start3A_105 : memref<32x1024xf32, #tpu.memory_space<hbm>>) target_semaphore(%dma_start3A_102 : memref<!tpu.dma_semaphore, #tpu.memory_space<semaphore_mem>>)
      %dma_start3A_110 = arith.constant 0 : i32
      %dma_start3A_111 = arith.constant 1 : i32
      %dma_start3A_112 = arith.constant 0 : i32
      %dma_start3A_113 = arith.constant 0 : i32
      %dma_start3A_114 = arith.constant 0 : i32
      %dma_start3A_115 = tpu.memref_slice %arg4[%dma_start3A_110, %dma_start3A_113, %dma_start3A_114] : memref<3x32x1024xf32, #tpu.memory_space<vmem>> -> memref<1x32x1024xf32, #tpu.memory_space<vmem>>
      %dma_start3A_116 = tpu.memref_squeeze %dma_start3A_115 : memref<1x32x1024xf32, #tpu.memory_space<vmem>> -> memref<32x1024xf32, #tpu.memory_space<vmem>>
      %dma_start3A_117 = arith.constant 0 : i32
      %dma_start3A_118 = tpu.memref_slice %arg3[%dma_start3A_111, %mul3A_90, %dma_start3A_117] : memref<4x8191x1024xf32, #tpu.memory_space<hbm>> -> memref<1x32x1024xf32, #tpu.memory_space<hbm>>
      %dma_start3A_119 = tpu.memref_squeeze %dma_start3A_118 : memref<1x32x1024xf32, #tpu.memory_space<hbm>> -> memref<32x1024xf32, #tpu.memory_space<hbm>>
      %dma_start3A_120 = tpu.memref_slice %arg6[%dma_start3A_112] : memref<3x!tpu.dma_semaphore, #tpu.memory_space<semaphore_mem>> -> memref<1x!tpu.dma_semaphore, #tpu.memory_space<semaphore_mem>>
      %dma_start3A_121 = tpu.memref_squeeze %dma_start3A_120 : memref<1x!tpu.dma_semaphore, #tpu.memory_space<semaphore_mem>> -> memref<!tpu.dma_semaphore, #tpu.memory_space<semaphore_mem>>
      %dma_start3A_122 = arith.constant 0 : i32
      %dma_start3A_123 = tpu.memref_slice %arg3[%dma_start3A_111, %mul3A_90, %dma_start3A_122] : memref<4x8191x1024xf32, #tpu.memory_space<hbm>> -> memref<1x32x1024xf32, #tpu.memory_space<hbm>>
      %dma_start3A_124 = tpu.memref_squeeze %dma_start3A_123 : memref<1x32x1024xf32, #tpu.memory_space<hbm>> -> memref<32x1024xf32, #tpu.memory_space<hbm>>
      %dma_start3A_125 = arith.constant 0 : i32
      %dma_start3A_126 = arith.constant 0 : i32
      %dma_start3A_127 = tpu.memref_slice %arg4[%dma_start3A_110, %dma_start3A_125, %dma_start3A_126] : memref<3x32x1024xf32, #tpu.memory_space<vmem>> -> memref<1x32x1024xf32, #tpu.memory_space<vmem>>
      %dma_start3A_128 = tpu.memref_squeeze %dma_start3A_127 : memref<1x32x1024xf32, #tpu.memory_space<vmem>> -> memref<32x1024xf32, #tpu.memory_space<vmem>>
      tpu.enqueue_dma source(%dma_start3A_128 : memref<32x1024xf32, #tpu.memory_space<vmem>>) target(%dma_start3A_124 : memref<32x1024xf32, #tpu.memory_space<hbm>>) target_semaphore(%dma_start3A_121 : memref<!tpu.dma_semaphore, #tpu.memory_space<semaphore_mem>>)
      %dma_start3A_129 = arith.constant 0 : i32
      %dma_start3A_130 = arith.constant 2 : i32
      %dma_start3A_131 = arith.constant 0 : i32
      %dma_start3A_132 = arith.constant 0 : i32
      %dma_start3A_133 = arith.constant 0 : i32
      %dma_start3A_134 = tpu.memref_slice %arg4[%dma_start3A_129, %dma_start3A_132, %dma_start3A_133] : memref<3x32x1024xf32, #tpu.memory_space<vmem>> -> memref<1x32x1024xf32, #tpu.memory_space<vmem>>
      %dma_start3A_135 = tpu.memref_squeeze %dma_start3A_134 : memref<1x32x1024xf32, #tpu.memory_space<vmem>> -> memref<32x1024xf32, #tpu.memory_space<vmem>>
      %dma_start3A_136 = arith.constant 0 : i32
      %dma_start3A_137 = tpu.memref_slice %arg3[%dma_start3A_130, %mul3A_90, %dma_start3A_136] : memref<4x8191x1024xf32, #tpu.memory_space<hbm>> -> memref<1x32x1024xf32, #tpu.memory_space<hbm>>
      %dma_start3A_138 = tpu.memref_squeeze %dma_start3A_137 : memref<1x32x1024xf32, #tpu.memory_space<hbm>> -> memref<32x1024xf32, #tpu.memory_space<hbm>>
      %dma_start3A_139 = tpu.memref_slice %arg6[%dma_start3A_131] : memref<3x!tpu.dma_semaphore, #tpu.memory_space<semaphore_mem>> -> memref<1x!tpu.dma_semaphore, #tpu.memory_space<semaphore_mem>>
      %dma_start3A_140 = tpu.memref_squeeze %dma_start3A_139 : memref<1x!tpu.dma_semaphore, #tpu.memory_space<semaphore_mem>> -> memref<!tpu.dma_semaphore, #tpu.memory_space<semaphore_mem>>
      %dma_start3A_141 = arith.constant 0 : i32
      %dma_start3A_142 = tpu.memref_slice %arg3[%dma_start3A_130, %mul3A_90, %dma_start3A_141] : memref<4x8191x1024xf32, #tpu.memory_space<hbm>> -> memref<1x32x1024xf32, #tpu.memory_space<hbm>>
      %dma_start3A_143 = tpu.memref_squeeze %dma_start3A_142 : memref<1x32x1024xf32, #tpu.memory_space<hbm>> -> memref<32x1024xf32, #tpu.memory_space<hbm>>
      %dma_start3A_144 = arith.constant 0 : i32
      %dma_start3A_145 = arith.constant 0 : i32
      %dma_start3A_146 = tpu.memref_slice %arg4[%dma_start3A_129, %dma_start3A_144, %dma_start3A_145] : memref<3x32x1024xf32, #tpu.memory_space<vmem>> -> memref<1x32x1024xf32, #tpu.memory_space<vmem>>
      %dma_start3A_147 = tpu.memref_squeeze %dma_start3A_146 : memref<1x32x1024xf32, #tpu.memory_space<vmem>> -> memref<32x1024xf32, #tpu.memory_space<vmem>>
      tpu.enqueue_dma source(%dma_start3A_147 : memref<32x1024xf32, #tpu.memory_space<vmem>>) target(%dma_start3A_143 : memref<32x1024xf32, #tpu.memory_space<hbm>>) target_semaphore(%dma_start3A_140 : memref<!tpu.dma_semaphore, #tpu.memory_space<semaphore_mem>>)
      %dma_start3A_148 = arith.constant 0 : i32
      %dma_start3A_149 = arith.constant 3 : i32
      %dma_start3A_150 = arith.constant 0 : i32
      %dma_start3A_151 = arith.constant 0 : i32
      %dma_start3A_152 = arith.constant 0 : i32
      %dma_start3A_153 = tpu.memref_slice %arg4[%dma_start3A_148, %dma_start3A_151, %dma_start3A_152] : memref<3x32x1024xf32, #tpu.memory_space<vmem>> -> memref<1x32x1024xf32, #tpu.memory_space<vmem>>
      %dma_start3A_154 = tpu.memref_squeeze %dma_start3A_153 : memref<1x32x1024xf32, #tpu.memory_space<vmem>> -> memref<32x1024xf32, #tpu.memory_space<vmem>>
      %dma_start3A_155 = arith.constant 0 : i32
      %dma_start3A_156 = tpu.memref_slice %arg3[%dma_start3A_149, %mul3A_90, %dma_start3A_155] : memref<4x8191x1024xf32, #tpu.memory_space<hbm>> -> memref<1x32x1024xf32, #tpu.memory_space<hbm>>
      %dma_start3A_157 = tpu.memref_squeeze %dma_start3A_156 : memref<1x32x1024xf32, #tpu.memory_space<hbm>> -> memref<32x1024xf32, #tpu.memory_space<hbm>>
      %dma_start3A_158 = tpu.memref_slice %arg6[%dma_start3A_150] : memref<3x!tpu.dma_semaphore, #tpu.memory_space<semaphore_mem>> -> memref<1x!tpu.dma_semaphore, #tpu.memory_space<semaphore_mem>>
      %dma_start3A_159 = tpu.memref_squeeze %dma_start3A_158 : memref<1x!tpu.dma_semaphore, #tpu.memory_space<semaphore_mem>> -> memref<!tpu.dma_semaphore, #tpu.memory_space<semaphore_mem>>
      %dma_start3A_160 = arith.constant 0 : i32
      %dma_start3A_161 = tpu.memref_slice %arg3[%dma_start3A_149, %mul3A_90, %dma_start3A_160] : memref<4x8191x1024xf32, #tpu.memory_space<hbm>> -> memref<1x32x1024xf32, #tpu.memory_space<hbm>>
      %dma_start3A_162 = tpu.memref_squeeze %dma_start3A_161 : memref<1x32x1024xf32, #tpu.memory_space<hbm>> -> memref<32x1024xf32, #tpu.memory_space<hbm>>
      %dma_start3A_163 = arith.constant 0 : i32
      %dma_start3A_164 = arith.constant 0 : i32
      %dma_start3A_165 = tpu.memref_slice %arg4[%dma_start3A_148, %dma_start3A_163, %dma_start3A_164] : memref<3x32x1024xf32, #tpu.memory_space<vmem>> -> memref<1x32x1024xf32, #tpu.memory_space<vmem>>
      %dma_start3A_166 = tpu.memref_squeeze %dma_start3A_165 : memref<1x32x1024xf32, #tpu.memory_space<vmem>> -> memref<32x1024xf32, #tpu.memory_space<vmem>>
      tpu.enqueue_dma source(%dma_start3A_166 : memref<32x1024xf32, #tpu.memory_space<vmem>>) target(%dma_start3A_162 : memref<32x1024xf32, #tpu.memory_space<hbm>>) target_semaphore(%dma_start3A_159 : memref<!tpu.dma_semaphore, #tpu.memory_space<semaphore_mem>>)
      %add3A_167 = arith.constant 1 : i32
      %add3A_168 = arith.addi %mul3A_2, %add3A_167 : i32
      %mul3A_169 = arith.constant 32 : i32
      %mul3A_170 = arith.muli %add3A_168, %mul3A_169 : i32
      %dma_wait3A_171 = arith.constant 1 : i32
      %dma_wait3A_172 = arith.constant 1 : i32
      %dma_wait3A_173 = arith.constant 0 : i32
      %dma_wait3A_174 = arith.constant 0 : i32
      %dma_wait3A_175 = tpu.memref_slice %arg4[%dma_wait3A_171, %dma_wait3A_173, %dma_wait3A_174] : memref<3x32x1024xf32, #tpu.memory_space<vmem>> -> memref<1x32x1024xf32, #tpu.memory_space<vmem>>
      %dma_wait3A_176 = tpu.memref_squeeze %dma_wait3A_175 : memref<1x32x1024xf32, #tpu.memory_space<vmem>> -> memref<32x1024xf32, #tpu.memory_space<vmem>>
      %dma_wait3A_177 = arith.constant 0 : i32
      %dma_wait3A_178 = tpu.memref_slice %arg2[%mul3A_170, %dma_wait3A_177] : memref<10000x1024xf32, #tpu.memory_space<hbm>> -> memref<32x1024xf32, #tpu.memory_space<hbm>>
      %dma_wait3A_179 = tpu.memref_slice %arg5[%dma_wait3A_172] : memref<3x!tpu.dma_semaphore, #tpu.memory_space<semaphore_mem>> -> memref<1x!tpu.dma_semaphore, #tpu.memory_space<semaphore_mem>>
      %dma_wait3A_180 = tpu.memref_squeeze %dma_wait3A_179 : memref<1x!tpu.dma_semaphore, #tpu.memory_space<semaphore_mem>> -> memref<!tpu.dma_semaphore, #tpu.memory_space<semaphore_mem>>
      %dma_wait3A_181 = arith.constant 0 : i32
      %dma_wait3A_182 = arith.constant 0 : i32
      %dma_wait3A_183 = tpu.memref_slice %arg4[%dma_wait3A_171, %dma_wait3A_181, %dma_wait3A_182] : memref<3x32x1024xf32, #tpu.memory_space<vmem>> -> memref<1x32x1024xf32, #tpu.memory_space<vmem>>
      %dma_wait3A_184 = tpu.memref_squeeze %dma_wait3A_183 : memref<1x32x1024xf32, #tpu.memory_space<vmem>> -> memref<32x1024xf32, #tpu.memory_space<vmem>>
      %dma_wait3A_185 = arith.constant 0 : i32
      %dma_wait3A_186 = tpu.memref_slice %arg2[%mul3A_170, %dma_wait3A_185] : memref<10000x1024xf32, #tpu.memory_space<hbm>> -> memref<32x1024xf32, #tpu.memory_space<hbm>>
      tpu.wait_dma2 semaphore(%dma_wait3A_180 : memref<!tpu.dma_semaphore, #tpu.memory_space<semaphore_mem>>) src(%dma_wait3A_186 : memref<32x1024xf32, #tpu.memory_space<hbm>>) dst(%dma_wait3A_184 : memref<32x1024xf32, #tpu.memory_space<vmem>>)
      %add3A_187 = arith.constant 1 : i32
      %add3A_188 = arith.addi %mul3A_2, %add3A_187 : i32
      %mul3A_189 = arith.constant 32 : i32
      %mul3A_190 = arith.muli %add3A_188, %mul3A_189 : i32
      %dma_start3A_191 = arith.constant 1 : i32
      %dma_start3A_192 = arith.constant 0 : i32
      %dma_start3A_193 = arith.constant 1 : i32
      %dma_start3A_194 = arith.constant 0 : i32
      %dma_start3A_195 = arith.constant 0 : i32
      %dma_start3A_196 = tpu.memref_slice %arg4[%dma_start3A_191, %dma_start3A_194, %dma_start3A_195] : memref<3x32x1024xf32, #tpu.memory_space<vmem>> -> memref<1x32x1024xf32, #tpu.memory_space<vmem>>
      %dma_start3A_197 = tpu.memref_squeeze %dma_start3A_196 : memref<1x32x1024xf32, #tpu.memory_space<vmem>> -> memref<32x1024xf32, #tpu.memory_space<vmem>>
      %dma_start3A_198 = arith.constant 0 : i32
      %dma_start3A_199 = tpu.memref_slice %arg3[%dma_start3A_192, %mul3A_190, %dma_start3A_198] : memref<4x8191x1024xf32, #tpu.memory_space<hbm>> -> memref<1x32x1024xf32, #tpu.memory_space<hbm>>
      %dma_start3A_200 = tpu.memref_squeeze %dma_start3A_199 : memref<1x32x1024xf32, #tpu.memory_space<hbm>> -> memref<32x1024xf32, #tpu.memory_space<hbm>>
      %dma_start3A_201 = tpu.memref_slice %arg6[%dma_start3A_193] : memref<3x!tpu.dma_semaphore, #tpu.memory_space<semaphore_mem>> -> memref<1x!tpu.dma_semaphore, #tpu.memory_space<semaphore_mem>>
      %dma_start3A_202 = tpu.memref_squeeze %dma_start3A_201 : memref<1x!tpu.dma_semaphore, #tpu.memory_space<semaphore_mem>> -> memref<!tpu.dma_semaphore, #tpu.memory_space<semaphore_mem>>
      %dma_start3A_203 = arith.constant 0 : i32
      %dma_start3A_204 = tpu.memref_slice %arg3[%dma_start3A_192, %mul3A_190, %dma_start3A_203] : memref<4x8191x1024xf32, #tpu.memory_space<hbm>> -> memref<1x32x1024xf32, #tpu.memory_space<hbm>>
      %dma_start3A_205 = tpu.memref_squeeze %dma_start3A_204 : memref<1x32x1024xf32, #tpu.memory_space<hbm>> -> memref<32x1024xf32, #tpu.memory_space<hbm>>
      %dma_start3A_206 = arith.constant 0 : i32
      %dma_start3A_207 = arith.constant 0 : i32
      %dma_start3A_208 = tpu.memref_slice %arg4[%dma_start3A_191, %dma_start3A_206, %dma_start3A_207] : memref<3x32x1024xf32, #tpu.memory_space<vmem>> -> memref<1x32x1024xf32, #tpu.memory_space<vmem>>
      %dma_start3A_209 = tpu.memref_squeeze %dma_start3A_208 : memref<1x32x1024xf32, #tpu.memory_space<vmem>> -> memref<32x1024xf32, #tpu.memory_space<vmem>>
      tpu.enqueue_dma source(%dma_start3A_209 : memref<32x1024xf32, #tpu.memory_space<vmem>>) target(%dma_start3A_205 : memref<32x1024xf32, #tpu.memory_space<hbm>>) target_semaphore(%dma_start3A_202 : memref<!tpu.dma_semaphore, #tpu.memory_space<semaphore_mem>>)
      %dma_start3A_210 = arith.constant 1 : i32
      %dma_start3A_211 = arith.constant 1 : i32
      %dma_start3A_212 = arith.constant 1 : i32
      %dma_start3A_213 = arith.constant 0 : i32
      %dma_start3A_214 = arith.constant 0 : i32
      %dma_start3A_215 = tpu.memref_slice %arg4[%dma_start3A_210, %dma_start3A_213, %dma_start3A_214] : memref<3x32x1024xf32, #tpu.memory_space<vmem>> -> memref<1x32x1024xf32, #tpu.memory_space<vmem>>
      %dma_start3A_216 = tpu.memref_squeeze %dma_start3A_215 : memref<1x32x1024xf32, #tpu.memory_space<vmem>> -> memref<32x1024xf32, #tpu.memory_space<vmem>>
      %dma_start3A_217 = arith.constant 0 : i32
      %dma_start3A_218 = tpu.memref_slice %arg3[%dma_start3A_211, %mul3A_190, %dma_start3A_217] : memref<4x8191x1024xf32, #tpu.memory_space<hbm>> -> memref<1x32x1024xf32, #tpu.memory_space<hbm>>
      %dma_start3A_219 = tpu.memref_squeeze %dma_start3A_218 : memref<1x32x1024xf32, #tpu.memory_space<hbm>> -> memref<32x1024xf32, #tpu.memory_space<hbm>>
      %dma_start3A_220 = tpu.memref_slice %arg6[%dma_start3A_212] : memref<3x!tpu.dma_semaphore, #tpu.memory_space<semaphore_mem>> -> memref<1x!tpu.dma_semaphore, #tpu.memory_space<semaphore_mem>>
      %dma_start3A_221 = tpu.memref_squeeze %dma_start3A_220 : memref<1x!tpu.dma_semaphore, #tpu.memory_space<semaphore_mem>> -> memref<!tpu.dma_semaphore, #tpu.memory_space<semaphore_mem>>
      %dma_start3A_222 = arith.constant 0 : i32
      %dma_start3A_223 = tpu.memref_slice %arg3[%dma_start3A_211, %mul3A_190, %dma_start3A_222] : memref<4x8191x1024xf32, #tpu.memory_space<hbm>> -> memref<1x32x1024xf32, #tpu.memory_space<hbm>>
      %dma_start3A_224 = tpu.memref_squeeze %dma_start3A_223 : memref<1x32x1024xf32, #tpu.memory_space<hbm>> -> memref<32x1024xf32, #tpu.memory_space<hbm>>
      %dma_start3A_225 = arith.constant 0 : i32
      %dma_start3A_226 = arith.constant 0 : i32
      %dma_start3A_227 = tpu.memref_slice %arg4[%dma_start3A_210, %dma_start3A_225, %dma_start3A_226] : memref<3x32x1024xf32, #tpu.memory_space<vmem>> -> memref<1x32x1024xf32, #tpu.memory_space<vmem>>
      %dma_start3A_228 = tpu.memref_squeeze %dma_start3A_227 : memref<1x32x1024xf32, #tpu.memory_space<vmem>> -> memref<32x1024xf32, #tpu.memory_space<vmem>>
      tpu.enqueue_dma source(%dma_start3A_228 : memref<32x1024xf32, #tpu.memory_space<vmem>>) target(%dma_start3A_224 : memref<32x1024xf32, #tpu.memory_space<hbm>>) target_semaphore(%dma_start3A_221 : memref<!tpu.dma_semaphore, #tpu.memory_space<semaphore_mem>>)
      %dma_start3A_229 = arith.constant 1 : i32
      %dma_start3A_230 = arith.constant 2 : i32
      %dma_start3A_231 = arith.constant 1 : i32
      %dma_start3A_232 = arith.constant 0 : i32
      %dma_start3A_233 = arith.constant 0 : i32
      %dma_start3A_234 = tpu.memref_slice %arg4[%dma_start3A_229, %dma_start3A_232, %dma_start3A_233] : memref<3x32x1024xf32, #tpu.memory_space<vmem>> -> memref<1x32x1024xf32, #tpu.memory_space<vmem>>
      %dma_start3A_235 = tpu.memref_squeeze %dma_start3A_234 : memref<1x32x1024xf32, #tpu.memory_space<vmem>> -> memref<32x1024xf32, #tpu.memory_space<vmem>>
      %dma_start3A_236 = arith.constant 0 : i32
      %dma_start3A_237 = tpu.memref_slice %arg3[%dma_start3A_230, %mul3A_190, %dma_start3A_236] : memref<4x8191x1024xf32, #tpu.memory_space<hbm>> -> memref<1x32x1024xf32, #tpu.memory_space<hbm>>
      %dma_start3A_238 = tpu.memref_squeeze %dma_start3A_237 : memref<1x32x1024xf32, #tpu.memory_space<hbm>> -> memref<32x1024xf32, #tpu.memory_space<hbm>>
      %dma_start3A_239 = tpu.memref_slice %arg6[%dma_start3A_231] : memref<3x!tpu.dma_semaphore, #tpu.memory_space<semaphore_mem>> -> memref<1x!tpu.dma_semaphore, #tpu.memory_space<semaphore_mem>>
      %dma_start3A_240 = tpu.memref_squeeze %dma_start3A_239 : memref<1x!tpu.dma_semaphore, #tpu.memory_space<semaphore_mem>> -> memref<!tpu.dma_semaphore, #tpu.memory_space<semaphore_mem>>
      %dma_start3A_241 = arith.constant 0 : i32
      %dma_start3A_242 = tpu.memref_slice %arg3[%dma_start3A_230, %mul3A_190, %dma_start3A_241] : memref<4x8191x1024xf32, #tpu.memory_space<hbm>> -> memref<1x32x1024xf32, #tpu.memory_space<hbm>>
      %dma_start3A_243 = tpu.memref_squeeze %dma_start3A_242 : memref<1x32x1024xf32, #tpu.memory_space<hbm>> -> memref<32x1024xf32, #tpu.memory_space<hbm>>
      %dma_start3A_244 = arith.constant 0 : i32
      %dma_start3A_245 = arith.constant 0 : i32
      %dma_start3A_246 = tpu.memref_slice %arg4[%dma_start3A_229, %dma_start3A_244, %dma_start3A_245] : memref<3x32x1024xf32, #tpu.memory_space<vmem>> -> memref<1x32x1024xf32, #tpu.memory_space<vmem>>
      %dma_start3A_247 = tpu.memref_squeeze %dma_start3A_246 : memref<1x32x1024xf32, #tpu.memory_space<vmem>> -> memref<32x1024xf32, #tpu.memory_space<vmem>>
      tpu.enqueue_dma source(%dma_start3A_247 : memref<32x1024xf32, #tpu.memory_space<vmem>>) target(%dma_start3A_243 : memref<32x1024xf32, #tpu.memory_space<hbm>>) target_semaphore(%dma_start3A_240 : memref<!tpu.dma_semaphore, #tpu.memory_space<semaphore_mem>>)
      %dma_start3A_248 = arith.constant 1 : i32
      %dma_start3A_249 = arith.constant 3 : i32
      %dma_start3A_250 = arith.constant 1 : i32
      %dma_start3A_251 = arith.constant 0 : i32
      %dma_start3A_252 = arith.constant 0 : i32
      %dma_start3A_253 = tpu.memref_slice %arg4[%dma_start3A_248, %dma_start3A_251, %dma_start3A_252] : memref<3x32x1024xf32, #tpu.memory_space<vmem>> -> memref<1x32x1024xf32, #tpu.memory_space<vmem>>
      %dma_start3A_254 = tpu.memref_squeeze %dma_start3A_253 : memref<1x32x1024xf32, #tpu.memory_space<vmem>> -> memref<32x1024xf32, #tpu.memory_space<vmem>>
      %dma_start3A_255 = arith.constant 0 : i32
      %dma_start3A_256 = tpu.memref_slice %arg3[%dma_start3A_249, %mul3A_190, %dma_start3A_255] : memref<4x8191x1024xf32, #tpu.memory_space<hbm>> -> memref<1x32x1024xf32, #tpu.memory_space<hbm>>
      %dma_start3A_257 = tpu.memref_squeeze %dma_start3A_256 : memref<1x32x1024xf32, #tpu.memory_space<hbm>> -> memref<32x1024xf32, #tpu.memory_space<hbm>>
      %dma_start3A_258 = tpu.memref_slice %arg6[%dma_start3A_250] : memref<3x!tpu.dma_semaphore, #tpu.memory_space<semaphore_mem>> -> memref<1x!tpu.dma_semaphore, #tpu.memory_space<semaphore_mem>>
      %dma_start3A_259 = tpu.memref_squeeze %dma_start3A_258 : memref<1x!tpu.dma_semaphore, #tpu.memory_space<semaphore_mem>> -> memref<!tpu.dma_semaphore, #tpu.memory_space<semaphore_mem>>
      %dma_start3A_260 = arith.constant 0 : i32
      %dma_start3A_261 = tpu.memref_slice %arg3[%dma_start3A_249, %mul3A_190, %dma_start3A_260] : memref<4x8191x1024xf32, #tpu.memory_space<hbm>> -> memref<1x32x1024xf32, #tpu.memory_space<hbm>>
      %dma_start3A_262 = tpu.memref_squeeze %dma_start3A_261 : memref<1x32x1024xf32, #tpu.memory_space<hbm>> -> memref<32x1024xf32, #tpu.memory_space<hbm>>
      %dma_start3A_263 = arith.constant 0 : i32
      %dma_start3A_264 = arith.constant 0 : i32
      %dma_start3A_265 = tpu.memref_slice %arg4[%dma_start3A_248, %dma_start3A_263, %dma_start3A_264] : memref<3x32x1024xf32, #tpu.memory_space<vmem>> -> memref<1x32x1024xf32, #tpu.memory_space<vmem>>
      %dma_start3A_266 = tpu.memref_squeeze %dma_start3A_265 : memref<1x32x1024xf32, #tpu.memory_space<vmem>> -> memref<32x1024xf32, #tpu.memory_space<vmem>>
      tpu.enqueue_dma source(%dma_start3A_266 : memref<32x1024xf32, #tpu.memory_space<vmem>>) target(%dma_start3A_262 : memref<32x1024xf32, #tpu.memory_space<hbm>>) target_semaphore(%dma_start3A_259 : memref<!tpu.dma_semaphore, #tpu.memory_space<semaphore_mem>>)
      %add3A_267 = arith.constant 0 : i32
      %add3A_268 = arith.addi %mul3A_2, %add3A_267 : i32
      %mul3A_269 = arith.constant 32 : i32
      %mul3A_270 = arith.muli %add3A_268, %mul3A_269 : i32
      %dma_wait3A_271 = arith.constant 0 : i32
      %dma_wait3A_272 = arith.constant 0 : i32
      %dma_wait3A_273 = arith.constant 0 : i32
      %dma_wait3A_274 = arith.constant 0 : i32
      %dma_wait3A_275 = arith.constant 0 : i32
      %dma_wait3A_276 = tpu.memref_slice %arg4[%dma_wait3A_271, %dma_wait3A_274, %dma_wait3A_275] : memref<3x32x1024xf32, #tpu.memory_space<vmem>> -> memref<1x32x1024xf32, #tpu.memory_space<vmem>>
      %dma_wait3A_277 = tpu.memref_squeeze %dma_wait3A_276 : memref<1x32x1024xf32, #tpu.memory_space<vmem>> -> memref<32x1024xf32, #tpu.memory_space<vmem>>
      %dma_wait3A_278 = arith.constant 0 : i32
      %dma_wait3A_279 = tpu.memref_slice %arg3[%dma_wait3A_272, %mul3A_270, %dma_wait3A_278] : memref<4x8191x1024xf32, #tpu.memory_space<hbm>> -> memref<1x32x1024xf32, #tpu.memory_space<hbm>>
      %dma_wait3A_280 = tpu.memref_squeeze %dma_wait3A_279 : memref<1x32x1024xf32, #tpu.memory_space<hbm>> -> memref<32x1024xf32, #tpu.memory_space<hbm>>
      %dma_wait3A_281 = tpu.memref_slice %arg6[%dma_wait3A_273] : memref<3x!tpu.dma_semaphore, #tpu.memory_space<semaphore_mem>> -> memref<1x!tpu.dma_semaphore, #tpu.memory_space<semaphore_mem>>
      %dma_wait3A_282 = tpu.memref_squeeze %dma_wait3A_281 : memref<1x!tpu.dma_semaphore, #tpu.memory_space<semaphore_mem>> -> memref<!tpu.dma_semaphore, #tpu.memory_space<semaphore_mem>>
      %dma_wait3A_283 = arith.constant 0 : i32
      %dma_wait3A_284 = tpu.memref_slice %arg3[%dma_wait3A_272, %mul3A_270, %dma_wait3A_283] : memref<4x8191x1024xf32, #tpu.memory_space<hbm>> -> memref<1x32x1024xf32, #tpu.memory_space<hbm>>
      %dma_wait3A_285 = tpu.memref_squeeze %dma_wait3A_284 : memref<1x32x1024xf32, #tpu.memory_space<hbm>> -> memref<32x1024xf32, #tpu.memory_space<hbm>>
      %dma_wait3A_286 = arith.constant 0 : i32
      %dma_wait3A_287 = arith.constant 0 : i32
      %dma_wait3A_288 = tpu.memref_slice %arg4[%dma_wait3A_271, %dma_wait3A_286, %dma_wait3A_287] : memref<3x32x1024xf32, #tpu.memory_space<vmem>> -> memref<1x32x1024xf32, #tpu.memory_space<vmem>>
      %dma_wait3A_289 = tpu.memref_squeeze %dma_wait3A_288 : memref<1x32x1024xf32, #tpu.memory_space<vmem>> -> memref<32x1024xf32, #tpu.memory_space<vmem>>
      tpu.wait_dma2 semaphore(%dma_wait3A_282 : memref<!tpu.dma_semaphore, #tpu.memory_space<semaphore_mem>>) src(%dma_wait3A_289 : memref<32x1024xf32, #tpu.memory_space<vmem>>) dst(%dma_wait3A_285 : memref<32x1024xf32, #tpu.memory_space<hbm>>)
      %dma_wait3A_290 = arith.constant 0 : i32
      %dma_wait3A_291 = arith.constant 1 : i32
      %dma_wait3A_292 = arith.constant 0 : i32
      %dma_wait3A_293 = arith.constant 0 : i32
      %dma_wait3A_294 = arith.constant 0 : i32
      %dma_wait3A_295 = tpu.memref_slice %arg4[%dma_wait3A_290, %dma_wait3A_293, %dma_wait3A_294] : memref<3x32x1024xf32, #tpu.memory_space<vmem>> -> memref<1x32x1024xf32, #tpu.memory_space<vmem>>
      %dma_wait3A_296 = tpu.memref_squeeze %dma_wait3A_295 : memref<1x32x1024xf32, #tpu.memory_space<vmem>> -> memref<32x1024xf32, #tpu.memory_space<vmem>>
      %dma_wait3A_297 = arith.constant 0 : i32
      %dma_wait3A_298 = tpu.memref_slice %arg3[%dma_wait3A_291, %mul3A_270, %dma_wait3A_297] : memref<4x8191x1024xf32, #tpu.memory_space<hbm>> -> memref<1x32x1024xf32, #tpu.memory_space<hbm>>
      %dma_wait3A_299 = tpu.memref_squeeze %dma_wait3A_298 : memref<1x32x1024xf32, #tpu.memory_space<hbm>> -> memref<32x1024xf32, #tpu.memory_space<hbm>>
      %dma_wait3A_300 = tpu.memref_slice %arg6[%dma_wait3A_292] : memref<3x!tpu.dma_semaphore, #tpu.memory_space<semaphore_mem>> -> memref<1x!tpu.dma_semaphore, #tpu.memory_space<semaphore_mem>>
      %dma_wait3A_301 = tpu.memref_squeeze %dma_wait3A_300 : memref<1x!tpu.dma_semaphore, #tpu.memory_space<semaphore_mem>> -> memref<!tpu.dma_semaphore, #tpu.memory_space<semaphore_mem>>
      %dma_wait3A_302 = arith.constant 0 : i32
      %dma_wait3A_303 = tpu.memref_slice %arg3[%dma_wait3A_291, %mul3A_270, %dma_wait3A_302] : memref<4x8191x1024xf32, #tpu.memory_space<hbm>> -> memref<1x32x1024xf32, #tpu.memory_space<hbm>>
      %dma_wait3A_304 = tpu.memref_squeeze %dma_wait3A_303 : memref<1x32x1024xf32, #tpu.memory_space<hbm>> -> memref<32x1024xf32, #tpu.memory_space<hbm>>
      %dma_wait3A_305 = arith.constant 0 : i32
      %dma_wait3A_306 = arith.constant 0 : i32
      %dma_wait3A_307 = tpu.memref_slice %arg4[%dma_wait3A_290, %dma_wait3A_305, %dma_wait3A_306] : memref<3x32x1024xf32, #tpu.memory_space<vmem>> -> memref<1x32x1024xf32, #tpu.memory_space<vmem>>
      %dma_wait3A_308 = tpu.memref_squeeze %dma_wait3A_307 : memref<1x32x1024xf32, #tpu.memory_space<vmem>> -> memref<32x1024xf32, #tpu.memory_space<vmem>>
      tpu.wait_dma2 semaphore(%dma_wait3A_301 : memref<!tpu.dma_semaphore, #tpu.memory_space<semaphore_mem>>) src(%dma_wait3A_308 : memref<32x1024xf32, #tpu.memory_space<vmem>>) dst(%dma_wait3A_304 : memref<32x1024xf32, #tpu.memory_space<hbm>>)
      %dma_wait3A_309 = arith.constant 0 : i32
      %dma_wait3A_310 = arith.constant 2 : i32
      %dma_wait3A_311 = arith.constant 0 : i32
      %dma_wait3A_312 = arith.constant 0 : i32
      %dma_wait3A_313 = arith.constant 0 : i32
      %dma_wait3A_314 = tpu.memref_slice %arg4[%dma_wait3A_309, %dma_wait3A_312, %dma_wait3A_313] : memref<3x32x1024xf32, #tpu.memory_space<vmem>> -> memref<1x32x1024xf32, #tpu.memory_space<vmem>>
      %dma_wait3A_315 = tpu.memref_squeeze %dma_wait3A_314 : memref<1x32x1024xf32, #tpu.memory_space<vmem>> -> memref<32x1024xf32, #tpu.memory_space<vmem>>
      %dma_wait3A_316 = arith.constant 0 : i32
      %dma_wait3A_317 = tpu.memref_slice %arg3[%dma_wait3A_310, %mul3A_270, %dma_wait3A_316] : memref<4x8191x1024xf32, #tpu.memory_space<hbm>> -> memref<1x32x1024xf32, #tpu.memory_space<hbm>>
      %dma_wait3A_318 = tpu.memref_squeeze %dma_wait3A_317 : memref<1x32x1024xf32, #tpu.memory_space<hbm>> -> memref<32x1024xf32, #tpu.memory_space<hbm>>
      %dma_wait3A_319 = tpu.memref_slice %arg6[%dma_wait3A_311] : memref<3x!tpu.dma_semaphore, #tpu.memory_space<semaphore_mem>> -> memref<1x!tpu.dma_semaphore, #tpu.memory_space<semaphore_mem>>
      %dma_wait3A_320 = tpu.memref_squeeze %dma_wait3A_319 : memref<1x!tpu.dma_semaphore, #tpu.memory_space<semaphore_mem>> -> memref<!tpu.dma_semaphore, #tpu.memory_space<semaphore_mem>>
      %dma_wait3A_321 = arith.constant 0 : i32
      %dma_wait3A_322 = tpu.memref_slice %arg3[%dma_wait3A_310, %mul3A_270, %dma_wait3A_321] : memref<4x8191x1024xf32, #tpu.memory_space<hbm>> -> memref<1x32x1024xf32, #tpu.memory_space<hbm>>
      %dma_wait3A_323 = tpu.memref_squeeze %dma_wait3A_322 : memref<1x32x1024xf32, #tpu.memory_space<hbm>> -> memref<32x1024xf32, #tpu.memory_space<hbm>>
      %dma_wait3A_324 = arith.constant 0 : i32
      %dma_wait3A_325 = arith.constant 0 : i32
      %dma_wait3A_326 = tpu.memref_slice %arg4[%dma_wait3A_309, %dma_wait3A_324, %dma_wait3A_325] : memref<3x32x1024xf32, #tpu.memory_space<vmem>> -> memref<1x32x1024xf32, #tpu.memory_space<vmem>>
      %dma_wait3A_327 = tpu.memref_squeeze %dma_wait3A_326 : memref<1x32x1024xf32, #tpu.memory_space<vmem>> -> memref<32x1024xf32, #tpu.memory_space<vmem>>
      tpu.wait_dma2 semaphore(%dma_wait3A_320 : memref<!tpu.dma_semaphore, #tpu.memory_space<semaphore_mem>>) src(%dma_wait3A_327 : memref<32x1024xf32, #tpu.memory_space<vmem>>) dst(%dma_wait3A_323 : memref<32x1024xf32, #tpu.memory_space<hbm>>)
      %dma_wait3A_328 = arith.constant 0 : i32
      %dma_wait3A_329 = arith.constant 3 : i32
      %dma_wait3A_330 = arith.constant 0 : i32
      %dma_wait3A_331 = arith.constant 0 : i32
      %dma_wait3A_332 = arith.constant 0 : i32
      %dma_wait3A_333 = tpu.memref_slice %arg4[%dma_wait3A_328, %dma_wait3A_331, %dma_wait3A_332] : memref<3x32x1024xf32, #tpu.memory_space<vmem>> -> memref<1x32x1024xf32, #tpu.memory_space<vmem>>
      %dma_wait3A_334 = tpu.memref_squeeze %dma_wait3A_333 : memref<1x32x1024xf32, #tpu.memory_space<vmem>> -> memref<32x1024xf32, #tpu.memory_space<vmem>>
      %dma_wait3A_335 = arith.constant 0 : i32
      %dma_wait3A_336 = tpu.memref_slice %arg3[%dma_wait3A_329, %mul3A_270, %dma_wait3A_335] : memref<4x8191x1024xf32, #tpu.memory_space<hbm>> -> memref<1x32x1024xf32, #tpu.memory_space<hbm>>
      %dma_wait3A_337 = tpu.memref_squeeze %dma_wait3A_336 : memref<1x32x1024xf32, #tpu.memory_space<hbm>> -> memref<32x1024xf32, #tpu.memory_space<hbm>>
      %dma_wait3A_338 = tpu.memref_slice %arg6[%dma_wait3A_330] : memref<3x!tpu.dma_semaphore, #tpu.memory_space<semaphore_mem>> -> memref<1x!tpu.dma_semaphore, #tpu.memory_space<semaphore_mem>>
      %dma_wait3A_339 = tpu.memref_squeeze %dma_wait3A_338 : memref<1x!tpu.dma_semaphore, #tpu.memory_space<semaphore_mem>> -> memref<!tpu.dma_semaphore, #tpu.memory_space<semaphore_mem>>
      %dma_wait3A_340 = arith.constant 0 : i32
      %dma_wait3A_341 = tpu.memref_slice %arg3[%dma_wait3A_329, %mul3A_270, %dma_wait3A_340] : memref<4x8191x1024xf32, #tpu.memory_space<hbm>> -> memref<1x32x1024xf32, #tpu.memory_space<hbm>>
      %dma_wait3A_342 = tpu.memref_squeeze %dma_wait3A_341 : memref<1x32x1024xf32, #tpu.memory_space<hbm>> -> memref<32x1024xf32, #tpu.memory_space<hbm>>
      %dma_wait3A_343 = arith.constant 0 : i32
      %dma_wait3A_344 = arith.constant 0 : i32
      %dma_wait3A_345 = tpu.memref_slice %arg4[%dma_wait3A_328, %dma_wait3A_343, %dma_wait3A_344] : memref<3x32x1024xf32, #tpu.memory_space<vmem>> -> memref<1x32x1024xf32, #tpu.memory_space<vmem>>
      %dma_wait3A_346 = tpu.memref_squeeze %dma_wait3A_345 : memref<1x32x1024xf32, #tpu.memory_space<vmem>> -> memref<32x1024xf32, #tpu.memory_space<vmem>>
      tpu.wait_dma2 semaphore(%dma_wait3A_339 : memref<!tpu.dma_semaphore, #tpu.memory_space<semaphore_mem>>) src(%dma_wait3A_346 : memref<32x1024xf32, #tpu.memory_space<vmem>>) dst(%dma_wait3A_342 : memref<32x1024xf32, #tpu.memory_space<hbm>>)
      %add3A_347 = arith.constant 3 : i32
      %add3A_348 = arith.addi %mul3A_2, %add3A_347 : i32
      %mul3A_349 = arith.constant 32 : i32
      %mul3A_350 = arith.muli %add3A_348, %mul3A_349 : i32
      %dma_start3A_351 = arith.constant 0 : i32
      %dma_start3A_352 = arith.constant 0 : i32
      %dma_start3A_353 = arith.constant 0 : i32
      %dma_start3A_354 = arith.constant 0 : i32
      %dma_start3A_355 = tpu.memref_slice %arg4[%dma_start3A_351, %dma_start3A_353, %dma_start3A_354] : memref<3x32x1024xf32, #tpu.memory_space<vmem>> -> memref<1x32x1024xf32, #tpu.memory_space<vmem>>
      %dma_start3A_356 = tpu.memref_squeeze %dma_start3A_355 : memref<1x32x1024xf32, #tpu.memory_space<vmem>> -> memref<32x1024xf32, #tpu.memory_space<vmem>>
      %dma_start3A_357 = arith.constant 0 : i32
      %dma_start3A_358 = tpu.memref_slice %arg2[%mul3A_350, %dma_start3A_357] : memref<10000x1024xf32, #tpu.memory_space<hbm>> -> memref<32x1024xf32, #tpu.memory_space<hbm>>
      %dma_start3A_359 = tpu.memref_slice %arg5[%dma_start3A_352] : memref<3x!tpu.dma_semaphore, #tpu.memory_space<semaphore_mem>> -> memref<1x!tpu.dma_semaphore, #tpu.memory_space<semaphore_mem>>
      %dma_start3A_360 = tpu.memref_squeeze %dma_start3A_359 : memref<1x!tpu.dma_semaphore, #tpu.memory_space<semaphore_mem>> -> memref<!tpu.dma_semaphore, #tpu.memory_space<semaphore_mem>>
      %dma_start3A_361 = arith.constant 0 : i32
      %dma_start3A_362 = arith.constant 0 : i32
      %dma_start3A_363 = tpu.memref_slice %arg4[%dma_start3A_351, %dma_start3A_361, %dma_start3A_362] : memref<3x32x1024xf32, #tpu.memory_space<vmem>> -> memref<1x32x1024xf32, #tpu.memory_space<vmem>>
      %dma_start3A_364 = tpu.memref_squeeze %dma_start3A_363 : memref<1x32x1024xf32, #tpu.memory_space<vmem>> -> memref<32x1024xf32, #tpu.memory_space<vmem>>
      %dma_start3A_365 = arith.constant 0 : i32
      %dma_start3A_366 = tpu.memref_slice %arg2[%mul3A_350, %dma_start3A_365] : memref<10000x1024xf32, #tpu.memory_space<hbm>> -> memref<32x1024xf32, #tpu.memory_space<hbm>>
      tpu.enqueue_dma source(%dma_start3A_366 : memref<32x1024xf32, #tpu.memory_space<hbm>>) target(%dma_start3A_364 : memref<32x1024xf32, #tpu.memory_space<vmem>>) target_semaphore(%dma_start3A_360 : memref<!tpu.dma_semaphore, #tpu.memory_space<semaphore_mem>>)
      %add3A_367 = arith.constant 2 : i32
      %add3A_368 = arith.addi %mul3A_2, %add3A_367 : i32
      %mul3A_369 = arith.constant 32 : i32
      %mul3A_370 = arith.muli %add3A_368, %mul3A_369 : i32
      %dma_wait3A_371 = arith.constant 2 : i32
      %dma_wait3A_372 = arith.constant 2 : i32
      %dma_wait3A_373 = arith.constant 0 : i32
      %dma_wait3A_374 = arith.constant 0 : i32
      %dma_wait3A_375 = tpu.memref_slice %arg4[%dma_wait3A_371, %dma_wait3A_373, %dma_wait3A_374] : memref<3x32x1024xf32, #tpu.memory_space<vmem>> -> memref<1x32x1024xf32, #tpu.memory_space<vmem>>
      %dma_wait3A_376 = tpu.memref_squeeze %dma_wait3A_375 : memref<1x32x1024xf32, #tpu.memory_space<vmem>> -> memref<32x1024xf32, #tpu.memory_space<vmem>>
      %dma_wait3A_377 = arith.constant 0 : i32
      %dma_wait3A_378 = tpu.memref_slice %arg2[%mul3A_370, %dma_wait3A_377] : memref<10000x1024xf32, #tpu.memory_space<hbm>> -> memref<32x1024xf32, #tpu.memory_space<hbm>>
      %dma_wait3A_379 = tpu.memref_slice %arg5[%dma_wait3A_372] : memref<3x!tpu.dma_semaphore, #tpu.memory_space<semaphore_mem>> -> memref<1x!tpu.dma_semaphore, #tpu.memory_space<semaphore_mem>>
      %dma_wait3A_380 = tpu.memref_squeeze %dma_wait3A_379 : memref<1x!tpu.dma_semaphore, #tpu.memory_space<semaphore_mem>> -> memref<!tpu.dma_semaphore, #tpu.memory_space<semaphore_mem>>
      %dma_wait3A_381 = arith.constant 0 : i32
      %dma_wait3A_382 = arith.constant 0 : i32
      %dma_wait3A_383 = tpu.memref_slice %arg4[%dma_wait3A_371, %dma_wait3A_381, %dma_wait3A_382] : memref<3x32x1024xf32, #tpu.memory_space<vmem>> -> memref<1x32x1024xf32, #tpu.memory_space<vmem>>
      %dma_wait3A_384 = tpu.memref_squeeze %dma_wait3A_383 : memref<1x32x1024xf32, #tpu.memory_space<vmem>> -> memref<32x1024xf32, #tpu.memory_space<vmem>>
      %dma_wait3A_385 = arith.constant 0 : i32
      %dma_wait3A_386 = tpu.memref_slice %arg2[%mul3A_370, %dma_wait3A_385] : memref<10000x1024xf32, #tpu.memory_space<hbm>> -> memref<32x1024xf32, #tpu.memory_space<hbm>>
      tpu.wait_dma2 semaphore(%dma_wait3A_380 : memref<!tpu.dma_semaphore, #tpu.memory_space<semaphore_mem>>) src(%dma_wait3A_386 : memref<32x1024xf32, #tpu.memory_space<hbm>>) dst(%dma_wait3A_384 : memref<32x1024xf32, #tpu.memory_space<vmem>>)
      %add3A_387 = arith.constant 2 : i32
      %add3A_388 = arith.addi %mul3A_2, %add3A_387 : i32
      %mul3A_389 = arith.constant 32 : i32
      %mul3A_390 = arith.muli %add3A_388, %mul3A_389 : i32
      %dma_start3A_391 = arith.constant 2 : i32
      %dma_start3A_392 = arith.constant 0 : i32
      %dma_start3A_393 = arith.constant 2 : i32
      %dma_start3A_394 = arith.constant 0 : i32
      %dma_start3A_395 = arith.constant 0 : i32
      %dma_start3A_396 = tpu.memref_slice %arg4[%dma_start3A_391, %dma_start3A_394, %dma_start3A_395] : memref<3x32x1024xf32, #tpu.memory_space<vmem>> -> memref<1x32x1024xf32, #tpu.memory_space<vmem>>
      %dma_start3A_397 = tpu.memref_squeeze %dma_start3A_396 : memref<1x32x1024xf32, #tpu.memory_space<vmem>> -> memref<32x1024xf32, #tpu.memory_space<vmem>>
      %dma_start3A_398 = arith.constant 0 : i32
      %dma_start3A_399 = tpu.memref_slice %arg3[%dma_start3A_392, %mul3A_390, %dma_start3A_398] : memref<4x8191x1024xf32, #tpu.memory_space<hbm>> -> memref<1x32x1024xf32, #tpu.memory_space<hbm>>
      %dma_start3A_400 = tpu.memref_squeeze %dma_start3A_399 : memref<1x32x1024xf32, #tpu.memory_space<hbm>> -> memref<32x1024xf32, #tpu.memory_space<hbm>>
      %dma_start3A_401 = tpu.memref_slice %arg6[%dma_start3A_393] : memref<3x!tpu.dma_semaphore, #tpu.memory_space<semaphore_mem>> -> memref<1x!tpu.dma_semaphore, #tpu.memory_space<semaphore_mem>>
      %dma_start3A_402 = tpu.memref_squeeze %dma_start3A_401 : memref<1x!tpu.dma_semaphore, #tpu.memory_space<semaphore_mem>> -> memref<!tpu.dma_semaphore, #tpu.memory_space<semaphore_mem>>
      %dma_start3A_403 = arith.constant 0 : i32
      %dma_start3A_404 = tpu.memref_slice %arg3[%dma_start3A_392, %mul3A_390, %dma_start3A_403] : memref<4x8191x1024xf32, #tpu.memory_space<hbm>> -> memref<1x32x1024xf32, #tpu.memory_space<hbm>>
      %dma_start3A_405 = tpu.memref_squeeze %dma_start3A_404 : memref<1x32x1024xf32, #tpu.memory_space<hbm>> -> memref<32x1024xf32, #tpu.memory_space<hbm>>
      %dma_start3A_406 = arith.constant 0 : i32
      %dma_start3A_407 = arith.constant 0 : i32
      %dma_start3A_408 = tpu.memref_slice %arg4[%dma_start3A_391, %dma_start3A_406, %dma_start3A_407] : memref<3x32x1024xf32, #tpu.memory_space<vmem>> -> memref<1x32x1024xf32, #tpu.memory_space<vmem>>
      %dma_start3A_409 = tpu.memref_squeeze %dma_start3A_408 : memref<1x32x1024xf32, #tpu.memory_space<vmem>> -> memref<32x1024xf32, #tpu.memory_space<vmem>>
      tpu.enqueue_dma source(%dma_start3A_409 : memref<32x1024xf32, #tpu.memory_space<vmem>>) target(%dma_start3A_405 : memref<32x1024xf32, #tpu.memory_space<hbm>>) target_semaphore(%dma_start3A_402 : memref<!tpu.dma_semaphore, #tpu.memory_space<semaphore_mem>>)
      %dma_start3A_410 = arith.constant 2 : i32
      %dma_start3A_411 = arith.constant 1 : i32
      %dma_start3A_412 = arith.constant 2 : i32
      %dma_start3A_413 = arith.constant 0 : i32
      %dma_start3A_414 = arith.constant 0 : i32
      %dma_start3A_415 = tpu.memref_slice %arg4[%dma_start3A_410, %dma_start3A_413, %dma_start3A_414] : memref<3x32x1024xf32, #tpu.memory_space<vmem>> -> memref<1x32x1024xf32, #tpu.memory_space<vmem>>
      %dma_start3A_416 = tpu.memref_squeeze %dma_start3A_415 : memref<1x32x1024xf32, #tpu.memory_space<vmem>> -> memref<32x1024xf32, #tpu.memory_space<vmem>>
      %dma_start3A_417 = arith.constant 0 : i32
      %dma_start3A_418 = tpu.memref_slice %arg3[%dma_start3A_411, %mul3A_390, %dma_start3A_417] : memref<4x8191x1024xf32, #tpu.memory_space<hbm>> -> memref<1x32x1024xf32, #tpu.memory_space<hbm>>
      %dma_start3A_419 = tpu.memref_squeeze %dma_start3A_418 : memref<1x32x1024xf32, #tpu.memory_space<hbm>> -> memref<32x1024xf32, #tpu.memory_space<hbm>>
      %dma_start3A_420 = tpu.memref_slice %arg6[%dma_start3A_412] : memref<3x!tpu.dma_semaphore, #tpu.memory_space<semaphore_mem>> -> memref<1x!tpu.dma_semaphore, #tpu.memory_space<semaphore_mem>>
      %dma_start3A_421 = tpu.memref_squeeze %dma_start3A_420 : memref<1x!tpu.dma_semaphore, #tpu.memory_space<semaphore_mem>> -> memref<!tpu.dma_semaphore, #tpu.memory_space<semaphore_mem>>
      %dma_start3A_422 = arith.constant 0 : i32
      %dma_start3A_423 = tpu.memref_slice %arg3[%dma_start3A_411, %mul3A_390, %dma_start3A_422] : memref<4x8191x1024xf32, #tpu.memory_space<hbm>> -> memref<1x32x1024xf32, #tpu.memory_space<hbm>>
      %dma_start3A_424 = tpu.memref_squeeze %dma_start3A_423 : memref<1x32x1024xf32, #tpu.memory_space<hbm>> -> memref<32x1024xf32, #tpu.memory_space<hbm>>
      %dma_start3A_425 = arith.constant 0 : i32
      %dma_start3A_426 = arith.constant 0 : i32
      %dma_start3A_427 = tpu.memref_slice %arg4[%dma_start3A_410, %dma_start3A_425, %dma_start3A_426] : memref<3x32x1024xf32, #tpu.memory_space<vmem>> -> memref<1x32x1024xf32, #tpu.memory_space<vmem>>
      %dma_start3A_428 = tpu.memref_squeeze %dma_start3A_427 : memref<1x32x1024xf32, #tpu.memory_space<vmem>> -> memref<32x1024xf32, #tpu.memory_space<vmem>>
      tpu.enqueue_dma source(%dma_start3A_428 : memref<32x1024xf32, #tpu.memory_space<vmem>>) target(%dma_start3A_424 : memref<32x1024xf32, #tpu.memory_space<hbm>>) target_semaphore(%dma_start3A_421 : memref<!tpu.dma_semaphore, #tpu.memory_space<semaphore_mem>>)
      %dma_start3A_429 = arith.constant 2 : i32
      %dma_start3A_430 = arith.constant 2 : i32
      %dma_start3A_431 = arith.constant 2 : i32
      %dma_start3A_432 = arith.constant 0 : i32
      %dma_start3A_433 = arith.constant 0 : i32
      %dma_start3A_434 = tpu.memref_slice %arg4[%dma_start3A_429, %dma_start3A_432, %dma_start3A_433] : memref<3x32x1024xf32, #tpu.memory_space<vmem>> -> memref<1x32x1024xf32, #tpu.memory_space<vmem>>
      %dma_start3A_435 = tpu.memref_squeeze %dma_start3A_434 : memref<1x32x1024xf32, #tpu.memory_space<vmem>> -> memref<32x1024xf32, #tpu.memory_space<vmem>>
      %dma_start3A_436 = arith.constant 0 : i32
      %dma_start3A_437 = tpu.memref_slice %arg3[%dma_start3A_430, %mul3A_390, %dma_start3A_436] : memref<4x8191x1024xf32, #tpu.memory_space<hbm>> -> memref<1x32x1024xf32, #tpu.memory_space<hbm>>
      %dma_start3A_438 = tpu.memref_squeeze %dma_start3A_437 : memref<1x32x1024xf32, #tpu.memory_space<hbm>> -> memref<32x1024xf32, #tpu.memory_space<hbm>>
      %dma_start3A_439 = tpu.memref_slice %arg6[%dma_start3A_431] : memref<3x!tpu.dma_semaphore, #tpu.memory_space<semaphore_mem>> -> memref<1x!tpu.dma_semaphore, #tpu.memory_space<semaphore_mem>>
      %dma_start3A_440 = tpu.memref_squeeze %dma_start3A_439 : memref<1x!tpu.dma_semaphore, #tpu.memory_space<semaphore_mem>> -> memref<!tpu.dma_semaphore, #tpu.memory_space<semaphore_mem>>
      %dma_start3A_441 = arith.constant 0 : i32
      %dma_start3A_442 = tpu.memref_slice %arg3[%dma_start3A_430, %mul3A_390, %dma_start3A_441] : memref<4x8191x1024xf32, #tpu.memory_space<hbm>> -> memref<1x32x1024xf32, #tpu.memory_space<hbm>>
      %dma_start3A_443 = tpu.memref_squeeze %dma_start3A_442 : memref<1x32x1024xf32, #tpu.memory_space<hbm>> -> memref<32x1024xf32, #tpu.memory_space<hbm>>
      %dma_start3A_444 = arith.constant 0 : i32
      %dma_start3A_445 = arith.constant 0 : i32
      %dma_start3A_446 = tpu.memref_slice %arg4[%dma_start3A_429, %dma_start3A_444, %dma_start3A_445] : memref<3x32x1024xf32, #tpu.memory_space<vmem>> -> memref<1x32x1024xf32, #tpu.memory_space<vmem>>
      %dma_start3A_447 = tpu.memref_squeeze %dma_start3A_446 : memref<1x32x1024xf32, #tpu.memory_space<vmem>> -> memref<32x1024xf32, #tpu.memory_space<vmem>>
      tpu.enqueue_dma source(%dma_start3A_447 : memref<32x1024xf32, #tpu.memory_space<vmem>>) target(%dma_start3A_443 : memref<32x1024xf32, #tpu.memory_space<hbm>>) target_semaphore(%dma_start3A_440 : memref<!tpu.dma_semaphore, #tpu.memory_space<semaphore_mem>>)
      %dma_start3A_448 = arith.constant 2 : i32
      %dma_start3A_449 = arith.constant 3 : i32
      %dma_start3A_450 = arith.constant 2 : i32
      %dma_start3A_451 = arith.constant 0 : i32
      %dma_start3A_452 = arith.constant 0 : i32
      %dma_start3A_453 = tpu.memref_slice %arg4[%dma_start3A_448, %dma_start3A_451, %dma_start3A_452] : memref<3x32x1024xf32, #tpu.memory_space<vmem>> -> memref<1x32x1024xf32, #tpu.memory_space<vmem>>
      %dma_start3A_454 = tpu.memref_squeeze %dma_start3A_453 : memref<1x32x1024xf32, #tpu.memory_space<vmem>> -> memref<32x1024xf32, #tpu.memory_space<vmem>>
      %dma_start3A_455 = arith.constant 0 : i32
      %dma_start3A_456 = tpu.memref_slice %arg3[%dma_start3A_449, %mul3A_390, %dma_start3A_455] : memref<4x8191x1024xf32, #tpu.memory_space<hbm>> -> memref<1x32x1024xf32, #tpu.memory_space<hbm>>
      %dma_start3A_457 = tpu.memref_squeeze %dma_start3A_456 : memref<1x32x1024xf32, #tpu.memory_space<hbm>> -> memref<32x1024xf32, #tpu.memory_space<hbm>>
      %dma_start3A_458 = tpu.memref_slice %arg6[%dma_start3A_450] : memref<3x!tpu.dma_semaphore, #tpu.memory_space<semaphore_mem>> -> memref<1x!tpu.dma_semaphore, #tpu.memory_space<semaphore_mem>>
      %dma_start3A_459 = tpu.memref_squeeze %dma_start3A_458 : memref<1x!tpu.dma_semaphore, #tpu.memory_space<semaphore_mem>> -> memref<!tpu.dma_semaphore, #tpu.memory_space<semaphore_mem>>
      %dma_start3A_460 = arith.constant 0 : i32
      %dma_start3A_461 = tpu.memref_slice %arg3[%dma_start3A_449, %mul3A_390, %dma_start3A_460] : memref<4x8191x1024xf32, #tpu.memory_space<hbm>> -> memref<1x32x1024xf32, #tpu.memory_space<hbm>>
      %dma_start3A_462 = tpu.memref_squeeze %dma_start3A_461 : memref<1x32x1024xf32, #tpu.memory_space<hbm>> -> memref<32x1024xf32, #tpu.memory_space<hbm>>
      %dma_start3A_463 = arith.constant 0 : i32
      %dma_start3A_464 = arith.constant 0 : i32
      %dma_start3A_465 = tpu.memref_slice %arg4[%dma_start3A_448, %dma_start3A_463, %dma_start3A_464] : memref<3x32x1024xf32, #tpu.memory_space<vmem>> -> memref<1x32x1024xf32, #tpu.memory_space<vmem>>
      %dma_start3A_466 = tpu.memref_squeeze %dma_start3A_465 : memref<1x32x1024xf32, #tpu.memory_space<vmem>> -> memref<32x1024xf32, #tpu.memory_space<vmem>>
      tpu.enqueue_dma source(%dma_start3A_466 : memref<32x1024xf32, #tpu.memory_space<vmem>>) target(%dma_start3A_462 : memref<32x1024xf32, #tpu.memory_space<hbm>>) target_semaphore(%dma_start3A_459 : memref<!tpu.dma_semaphore, #tpu.memory_space<semaphore_mem>>)
      %add3A_467 = arith.constant 1 : i32
      %add3A_468 = arith.addi %mul3A_2, %add3A_467 : i32
      %mul3A_469 = arith.constant 32 : i32
      %mul3A_470 = arith.muli %add3A_468, %mul3A_469 : i32
      %dma_wait3A_471 = arith.constant 1 : i32
      %dma_wait3A_472 = arith.constant 0 : i32
      %dma_wait3A_473 = arith.constant 1 : i32
      %dma_wait3A_474 = arith.constant 0 : i32
      %dma_wait3A_475 = arith.constant 0 : i32
      %dma_wait3A_476 = tpu.memref_slice %arg4[%dma_wait3A_471, %dma_wait3A_474, %dma_wait3A_475] : memref<3x32x1024xf32, #tpu.memory_space<vmem>> -> memref<1x32x1024xf32, #tpu.memory_space<vmem>>
      %dma_wait3A_477 = tpu.memref_squeeze %dma_wait3A_476 : memref<1x32x1024xf32, #tpu.memory_space<vmem>> -> memref<32x1024xf32, #tpu.memory_space<vmem>>
      %dma_wait3A_478 = arith.constant 0 : i32
      %dma_wait3A_479 = tpu.memref_slice %arg3[%dma_wait3A_472, %mul3A_470, %dma_wait3A_478] : memref<4x8191x1024xf32, #tpu.memory_space<hbm>> -> memref<1x32x1024xf32, #tpu.memory_space<hbm>>
      %dma_wait3A_480 = tpu.memref_squeeze %dma_wait3A_479 : memref<1x32x1024xf32, #tpu.memory_space<hbm>> -> memref<32x1024xf32, #tpu.memory_space<hbm>>
      %dma_wait3A_481 = tpu.memref_slice %arg6[%dma_wait3A_473] : memref<3x!tpu.dma_semaphore, #tpu.memory_space<semaphore_mem>> -> memref<1x!tpu.dma_semaphore, #tpu.memory_space<semaphore_mem>>
      %dma_wait3A_482 = tpu.memref_squeeze %dma_wait3A_481 : memref<1x!tpu.dma_semaphore, #tpu.memory_space<semaphore_mem>> -> memref<!tpu.dma_semaphore, #tpu.memory_space<semaphore_mem>>
      %dma_wait3A_483 = arith.constant 0 : i32
      %dma_wait3A_484 = tpu.memref_slice %arg3[%dma_wait3A_472, %mul3A_470, %dma_wait3A_483] : memref<4x8191x1024xf32, #tpu.memory_space<hbm>> -> memref<1x32x1024xf32, #tpu.memory_space<hbm>>
      %dma_wait3A_485 = tpu.memref_squeeze %dma_wait3A_484 : memref<1x32x1024xf32, #tpu.memory_space<hbm>> -> memref<32x1024xf32, #tpu.memory_space<hbm>>
      %dma_wait3A_486 = arith.constant 0 : i32
      %dma_wait3A_487 = arith.constant 0 : i32
      %dma_wait3A_488 = tpu.memref_slice %arg4[%dma_wait3A_471, %dma_wait3A_486, %dma_wait3A_487] : memref<3x32x1024xf32, #tpu.memory_space<vmem>> -> memref<1x32x1024xf32, #tpu.memory_space<vmem>>
      %dma_wait3A_489 = tpu.memref_squeeze %dma_wait3A_488 : memref<1x32x1024xf32, #tpu.memory_space<vmem>> -> memref<32x1024xf32, #tpu.memory_space<vmem>>
      tpu.wait_dma2 semaphore(%dma_wait3A_482 : memref<!tpu.dma_semaphore, #tpu.memory_space<semaphore_mem>>) src(%dma_wait3A_489 : memref<32x1024xf32, #tpu.memory_space<vmem>>) dst(%dma_wait3A_485 : memref<32x1024xf32, #tpu.memory_space<hbm>>)
      %dma_wait3A_490 = arith.constant 1 : i32
      %dma_wait3A_491 = arith.constant 1 : i32
      %dma_wait3A_492 = arith.constant 1 : i32
      %dma_wait3A_493 = arith.constant 0 : i32
      %dma_wait3A_494 = arith.constant 0 : i32
      %dma_wait3A_495 = tpu.memref_slice %arg4[%dma_wait3A_490, %dma_wait3A_493, %dma_wait3A_494] : memref<3x32x1024xf32, #tpu.memory_space<vmem>> -> memref<1x32x1024xf32, #tpu.memory_space<vmem>>
      %dma_wait3A_496 = tpu.memref_squeeze %dma_wait3A_495 : memref<1x32x1024xf32, #tpu.memory_space<vmem>> -> memref<32x1024xf32, #tpu.memory_space<vmem>>
      %dma_wait3A_497 = arith.constant 0 : i32
      %dma_wait3A_498 = tpu.memref_slice %arg3[%dma_wait3A_491, %mul3A_470, %dma_wait3A_497] : memref<4x8191x1024xf32, #tpu.memory_space<hbm>> -> memref<1x32x1024xf32, #tpu.memory_space<hbm>>
      %dma_wait3A_499 = tpu.memref_squeeze %dma_wait3A_498 : memref<1x32x1024xf32, #tpu.memory_space<hbm>> -> memref<32x1024xf32, #tpu.memory_space<hbm>>
      %dma_wait3A_500 = tpu.memref_slice %arg6[%dma_wait3A_492] : memref<3x!tpu.dma_semaphore, #tpu.memory_space<semaphore_mem>> -> memref<1x!tpu.dma_semaphore, #tpu.memory_space<semaphore_mem>>
      %dma_wait3A_501 = tpu.memref_squeeze %dma_wait3A_500 : memref<1x!tpu.dma_semaphore, #tpu.memory_space<semaphore_mem>> -> memref<!tpu.dma_semaphore, #tpu.memory_space<semaphore_mem>>
      %dma_wait3A_502 = arith.constant 0 : i32
      %dma_wait3A_503 = tpu.memref_slice %arg3[%dma_wait3A_491, %mul3A_470, %dma_wait3A_502] : memref<4x8191x1024xf32, #tpu.memory_space<hbm>> -> memref<1x32x1024xf32, #tpu.memory_space<hbm>>
      %dma_wait3A_504 = tpu.memref_squeeze %dma_wait3A_503 : memref<1x32x1024xf32, #tpu.memory_space<hbm>> -> memref<32x1024xf32, #tpu.memory_space<hbm>>
      %dma_wait3A_505 = arith.constant 0 : i32
      %dma_wait3A_506 = arith.constant 0 : i32
      %dma_wait3A_507 = tpu.memref_slice %arg4[%dma_wait3A_490, %dma_wait3A_505, %dma_wait3A_506] : memref<3x32x1024xf32, #tpu.memory_space<vmem>> -> memref<1x32x1024xf32, #tpu.memory_space<vmem>>
      %dma_wait3A_508 = tpu.memref_squeeze %dma_wait3A_507 : memref<1x32x1024xf32, #tpu.memory_space<vmem>> -> memref<32x1024xf32, #tpu.memory_space<vmem>>
      tpu.wait_dma2 semaphore(%dma_wait3A_501 : memref<!tpu.dma_semaphore, #tpu.memory_space<semaphore_mem>>) src(%dma_wait3A_508 : memref<32x1024xf32, #tpu.memory_space<vmem>>) dst(%dma_wait3A_504 : memref<32x1024xf32, #tpu.memory_space<hbm>>)
      %dma_wait3A_509 = arith.constant 1 : i32
      %dma_wait3A_510 = arith.constant 2 : i32
      %dma_wait3A_511 = arith.constant 1 : i32
      %dma_wait3A_512 = arith.constant 0 : i32
      %dma_wait3A_513 = arith.constant 0 : i32
      %dma_wait3A_514 = tpu.memref_slice %arg4[%dma_wait3A_509, %dma_wait3A_512, %dma_wait3A_513] : memref<3x32x1024xf32, #tpu.memory_space<vmem>> -> memref<1x32x1024xf32, #tpu.memory_space<vmem>>
      %dma_wait3A_515 = tpu.memref_squeeze %dma_wait3A_514 : memref<1x32x1024xf32, #tpu.memory_space<vmem>> -> memref<32x1024xf32, #tpu.memory_space<vmem>>
      %dma_wait3A_516 = arith.constant 0 : i32
      %dma_wait3A_517 = tpu.memref_slice %arg3[%dma_wait3A_510, %mul3A_470, %dma_wait3A_516] : memref<4x8191x1024xf32, #tpu.memory_space<hbm>> -> memref<1x32x1024xf32, #tpu.memory_space<hbm>>
      %dma_wait3A_518 = tpu.memref_squeeze %dma_wait3A_517 : memref<1x32x1024xf32, #tpu.memory_space<hbm>> -> memref<32x1024xf32, #tpu.memory_space<hbm>>
      %dma_wait3A_519 = tpu.memref_slice %arg6[%dma_wait3A_511] : memref<3x!tpu.dma_semaphore, #tpu.memory_space<semaphore_mem>> -> memref<1x!tpu.dma_semaphore, #tpu.memory_space<semaphore_mem>>
      %dma_wait3A_520 = tpu.memref_squeeze %dma_wait3A_519 : memref<1x!tpu.dma_semaphore, #tpu.memory_space<semaphore_mem>> -> memref<!tpu.dma_semaphore, #tpu.memory_space<semaphore_mem>>
      %dma_wait3A_521 = arith.constant 0 : i32
      %dma_wait3A_522 = tpu.memref_slice %arg3[%dma_wait3A_510, %mul3A_470, %dma_wait3A_521] : memref<4x8191x1024xf32, #tpu.memory_space<hbm>> -> memref<1x32x1024xf32, #tpu.memory_space<hbm>>
      %dma_wait3A_523 = tpu.memref_squeeze %dma_wait3A_522 : memref<1x32x1024xf32, #tpu.memory_space<hbm>> -> memref<32x1024xf32, #tpu.memory_space<hbm>>
      %dma_wait3A_524 = arith.constant 0 : i32
      %dma_wait3A_525 = arith.constant 0 : i32
      %dma_wait3A_526 = tpu.memref_slice %arg4[%dma_wait3A_509, %dma_wait3A_524, %dma_wait3A_525] : memref<3x32x1024xf32, #tpu.memory_space<vmem>> -> memref<1x32x1024xf32, #tpu.memory_space<vmem>>
      %dma_wait3A_527 = tpu.memref_squeeze %dma_wait3A_526 : memref<1x32x1024xf32, #tpu.memory_space<vmem>> -> memref<32x1024xf32, #tpu.memory_space<vmem>>
      tpu.wait_dma2 semaphore(%dma_wait3A_520 : memref<!tpu.dma_semaphore, #tpu.memory_space<semaphore_mem>>) src(%dma_wait3A_527 : memref<32x1024xf32, #tpu.memory_space<vmem>>) dst(%dma_wait3A_523 : memref<32x1024xf32, #tpu.memory_space<hbm>>)
      %dma_wait3A_528 = arith.constant 1 : i32
      %dma_wait3A_529 = arith.constant 3 : i32
      %dma_wait3A_530 = arith.constant 1 : i32
      %dma_wait3A_531 = arith.constant 0 : i32
      %dma_wait3A_532 = arith.constant 0 : i32
      %dma_wait3A_533 = tpu.memref_slice %arg4[%dma_wait3A_528, %dma_wait3A_531, %dma_wait3A_532] : memref<3x32x1024xf32, #tpu.memory_space<vmem>> -> memref<1x32x1024xf32, #tpu.memory_space<vmem>>
      %dma_wait3A_534 = tpu.memref_squeeze %dma_wait3A_533 : memref<1x32x1024xf32, #tpu.memory_space<vmem>> -> memref<32x1024xf32, #tpu.memory_space<vmem>>
      %dma_wait3A_535 = arith.constant 0 : i32
      %dma_wait3A_536 = tpu.memref_slice %arg3[%dma_wait3A_529, %mul3A_470, %dma_wait3A_535] : memref<4x8191x1024xf32, #tpu.memory_space<hbm>> -> memref<1x32x1024xf32, #tpu.memory_space<hbm>>
      %dma_wait3A_537 = tpu.memref_squeeze %dma_wait3A_536 : memref<1x32x1024xf32, #tpu.memory_space<hbm>> -> memref<32x1024xf32, #tpu.memory_space<hbm>>
      %dma_wait3A_538 = tpu.memref_slice %arg6[%dma_wait3A_530] : memref<3x!tpu.dma_semaphore, #tpu.memory_space<semaphore_mem>> -> memref<1x!tpu.dma_semaphore, #tpu.memory_space<semaphore_mem>>
      %dma_wait3A_539 = tpu.memref_squeeze %dma_wait3A_538 : memref<1x!tpu.dma_semaphore, #tpu.memory_space<semaphore_mem>> -> memref<!tpu.dma_semaphore, #tpu.memory_space<semaphore_mem>>
      %dma_wait3A_540 = arith.constant 0 : i32
      %dma_wait3A_541 = tpu.memref_slice %arg3[%dma_wait3A_529, %mul3A_470, %dma_wait3A_540] : memref<4x8191x1024xf32, #tpu.memory_space<hbm>> -> memref<1x32x1024xf32, #tpu.memory_space<hbm>>
      %dma_wait3A_542 = tpu.memref_squeeze %dma_wait3A_541 : memref<1x32x1024xf32, #tpu.memory_space<hbm>> -> memref<32x1024xf32, #tpu.memory_space<hbm>>
      %dma_wait3A_543 = arith.constant 0 : i32
      %dma_wait3A_544 = arith.constant 0 : i32
      %dma_wait3A_545 = tpu.memref_slice %arg4[%dma_wait3A_528, %dma_wait3A_543, %dma_wait3A_544] : memref<3x32x1024xf32, #tpu.memory_space<vmem>> -> memref<1x32x1024xf32, #tpu.memory_space<vmem>>
      %dma_wait3A_546 = tpu.memref_squeeze %dma_wait3A_545 : memref<1x32x1024xf32, #tpu.memory_space<vmem>> -> memref<32x1024xf32, #tpu.memory_space<vmem>>
      tpu.wait_dma2 semaphore(%dma_wait3A_539 : memref<!tpu.dma_semaphore, #tpu.memory_space<semaphore_mem>>) src(%dma_wait3A_546 : memref<32x1024xf32, #tpu.memory_space<vmem>>) dst(%dma_wait3A_542 : memref<32x1024xf32, #tpu.memory_space<hbm>>)
      %add3A_547 = arith.constant 4 : i32
      %add3A_548 = arith.addi %mul3A_2, %add3A_547 : i32
      %mul3A_549 = arith.constant 32 : i32
      %mul3A_550 = arith.muli %add3A_548, %mul3A_549 : i32
      %dma_start3A_551 = arith.constant 1 : i32
      %dma_start3A_552 = arith.constant 1 : i32
      %dma_start3A_553 = arith.constant 0 : i32
      %dma_start3A_554 = arith.constant 0 : i32
      %dma_start3A_555 = tpu.memref_slice %arg4[%dma_start3A_551, %dma_start3A_553, %dma_start3A_554] : memref<3x32x1024xf32, #tpu.memory_space<vmem>> -> memref<1x32x1024xf32, #tpu.memory_space<vmem>>
      %dma_start3A_556 = tpu.memref_squeeze %dma_start3A_555 : memref<1x32x1024xf32, #tpu.memory_space<vmem>> -> memref<32x1024xf32, #tpu.memory_space<vmem>>
      %dma_start3A_557 = arith.constant 0 : i32
      %dma_start3A_558 = tpu.memref_slice %arg2[%mul3A_550, %dma_start3A_557] : memref<10000x1024xf32, #tpu.memory_space<hbm>> -> memref<32x1024xf32, #tpu.memory_space<hbm>>
      %dma_start3A_559 = tpu.memref_slice %arg5[%dma_start3A_552] : memref<3x!tpu.dma_semaphore, #tpu.memory_space<semaphore_mem>> -> memref<1x!tpu.dma_semaphore, #tpu.memory_space<semaphore_mem>>
      %dma_start3A_560 = tpu.memref_squeeze %dma_start3A_559 : memref<1x!tpu.dma_semaphore, #tpu.memory_space<semaphore_mem>> -> memref<!tpu.dma_semaphore, #tpu.memory_space<semaphore_mem>>
      %dma_start3A_561 = arith.constant 0 : i32
      %dma_start3A_562 = arith.constant 0 : i32
      %dma_start3A_563 = tpu.memref_slice %arg4[%dma_start3A_551, %dma_start3A_561, %dma_start3A_562] : memref<3x32x1024xf32, #tpu.memory_space<vmem>> -> memref<1x32x1024xf32, #tpu.memory_space<vmem>>
      %dma_start3A_564 = tpu.memref_squeeze %dma_start3A_563 : memref<1x32x1024xf32, #tpu.memory_space<vmem>> -> memref<32x1024xf32, #tpu.memory_space<vmem>>
      %dma_start3A_565 = arith.constant 0 : i32
      %dma_start3A_566 = tpu.memref_slice %arg2[%mul3A_550, %dma_start3A_565] : memref<10000x1024xf32, #tpu.memory_space<hbm>> -> memref<32x1024xf32, #tpu.memory_space<hbm>>
      tpu.enqueue_dma source(%dma_start3A_566 : memref<32x1024xf32, #tpu.memory_space<hbm>>) target(%dma_start3A_564 : memref<32x1024xf32, #tpu.memory_space<vmem>>) target_semaphore(%dma_start3A_560 : memref<!tpu.dma_semaphore, #tpu.memory_space<semaphore_mem>>)
      %add3A_567 = arith.constant 3 : i32
      %add3A_568 = arith.addi %mul3A_2, %add3A_567 : i32
      %mul3A_569 = arith.constant 32 : i32
      %mul3A_570 = arith.muli %add3A_568, %mul3A_569 : i32
      %dma_wait3A_571 = arith.constant 0 : i32
      %dma_wait3A_572 = arith.constant 0 : i32
      %dma_wait3A_573 = arith.constant 0 : i32
      %dma_wait3A_574 = arith.constant 0 : i32
      %dma_wait3A_575 = tpu.memref_slice %arg4[%dma_wait3A_571, %dma_wait3A_573, %dma_wait3A_574] : memref<3x32x1024xf32, #tpu.memory_space<vmem>> -> memref<1x32x1024xf32, #tpu.memory_space<vmem>>
      %dma_wait3A_576 = tpu.memref_squeeze %dma_wait3A_575 : memref<1x32x1024xf32, #tpu.memory_space<vmem>> -> memref<32x1024xf32, #tpu.memory_space<vmem>>
      %dma_wait3A_577 = arith.constant 0 : i32
      %dma_wait3A_578 = tpu.memref_slice %arg2[%mul3A_570, %dma_wait3A_577] : memref<10000x1024xf32, #tpu.memory_space<hbm>> -> memref<32x1024xf32, #tpu.memory_space<hbm>>
      %dma_wait3A_579 = tpu.memref_slice %arg5[%dma_wait3A_572] : memref<3x!tpu.dma_semaphore, #tpu.memory_space<semaphore_mem>> -> memref<1x!tpu.dma_semaphore, #tpu.memory_space<semaphore_mem>>
      %dma_wait3A_580 = tpu.memref_squeeze %dma_wait3A_579 : memref<1x!tpu.dma_semaphore, #tpu.memory_space<semaphore_mem>> -> memref<!tpu.dma_semaphore, #tpu.memory_space<semaphore_mem>>
      %dma_wait3A_581 = arith.constant 0 : i32
      %dma_wait3A_582 = arith.constant 0 : i32
      %dma_wait3A_583 = tpu.memref_slice %arg4[%dma_wait3A_571, %dma_wait3A_581, %dma_wait3A_582] : memref<3x32x1024xf32, #tpu.memory_space<vmem>> -> memref<1x32x1024xf32, #tpu.memory_space<vmem>>
      %dma_wait3A_584 = tpu.memref_squeeze %dma_wait3A_583 : memref<1x32x1024xf32, #tpu.memory_space<vmem>> -> memref<32x1024xf32, #tpu.memory_space<vmem>>
      %dma_wait3A_585 = arith.constant 0 : i32
      %dma_wait3A_586 = tpu.memref_slice %arg2[%mul3A_570, %dma_wait3A_585] : memref<10000x1024xf32, #tpu.memory_space<hbm>> -> memref<32x1024xf32, #tpu.memory_space<hbm>>
      tpu.wait_dma2 semaphore(%dma_wait3A_580 : memref<!tpu.dma_semaphore, #tpu.memory_space<semaphore_mem>>) src(%dma_wait3A_586 : memref<32x1024xf32, #tpu.memory_space<hbm>>) dst(%dma_wait3A_584 : memref<32x1024xf32, #tpu.memory_space<vmem>>)
      %add3A_587 = arith.constant 3 : i32
      %add3A_588 = arith.addi %mul3A_2, %add3A_587 : i32
      %mul3A_589 = arith.constant 32 : i32
      %mul3A_590 = arith.muli %add3A_588, %mul3A_589 : i32
      %dma_start3A_591 = arith.constant 0 : i32
      %dma_start3A_592 = arith.constant 0 : i32
      %dma_start3A_593 = arith.constant 0 : i32
      %dma_start3A_594 = arith.constant 0 : i32
      %dma_start3A_595 = arith.constant 0 : i32
      %dma_start3A_596 = tpu.memref_slice %arg4[%dma_start3A_591, %dma_start3A_594, %dma_start3A_595] : memref<3x32x1024xf32, #tpu.memory_space<vmem>> -> memref<1x32x1024xf32, #tpu.memory_space<vmem>>
      %dma_start3A_597 = tpu.memref_squeeze %dma_start3A_596 : memref<1x32x1024xf32, #tpu.memory_space<vmem>> -> memref<32x1024xf32, #tpu.memory_space<vmem>>
      %dma_start3A_598 = arith.constant 0 : i32
      %dma_start3A_599 = tpu.memref_slice %arg3[%dma_start3A_592, %mul3A_590, %dma_start3A_598] : memref<4x8191x1024xf32, #tpu.memory_space<hbm>> -> memref<1x32x1024xf32, #tpu.memory_space<hbm>>
      %dma_start3A_600 = tpu.memref_squeeze %dma_start3A_599 : memref<1x32x1024xf32, #tpu.memory_space<hbm>> -> memref<32x1024xf32, #tpu.memory_space<hbm>>
      %dma_start3A_601 = tpu.memref_slice %arg6[%dma_start3A_593] : memref<3x!tpu.dma_semaphore, #tpu.memory_space<semaphore_mem>> -> memref<1x!tpu.dma_semaphore, #tpu.memory_space<semaphore_mem>>
      %dma_start3A_602 = tpu.memref_squeeze %dma_start3A_601 : memref<1x!tpu.dma_semaphore, #tpu.memory_space<semaphore_mem>> -> memref<!tpu.dma_semaphore, #tpu.memory_space<semaphore_mem>>
      %dma_start3A_603 = arith.constant 0 : i32
      %dma_start3A_604 = tpu.memref_slice %arg3[%dma_start3A_592, %mul3A_590, %dma_start3A_603] : memref<4x8191x1024xf32, #tpu.memory_space<hbm>> -> memref<1x32x1024xf32, #tpu.memory_space<hbm>>
      %dma_start3A_605 = tpu.memref_squeeze %dma_start3A_604 : memref<1x32x1024xf32, #tpu.memory_space<hbm>> -> memref<32x1024xf32, #tpu.memory_space<hbm>>
      %dma_start3A_606 = arith.constant 0 : i32
      %dma_start3A_607 = arith.constant 0 : i32
      %dma_start3A_608 = tpu.memref_slice %arg4[%dma_start3A_591, %dma_start3A_606, %dma_start3A_607] : memref<3x32x1024xf32, #tpu.memory_space<vmem>> -> memref<1x32x1024xf32, #tpu.memory_space<vmem>>
      %dma_start3A_609 = tpu.memref_squeeze %dma_start3A_608 : memref<1x32x1024xf32, #tpu.memory_space<vmem>> -> memref<32x1024xf32, #tpu.memory_space<vmem>>
      tpu.enqueue_dma source(%dma_start3A_609 : memref<32x1024xf32, #tpu.memory_space<vmem>>) target(%dma_start3A_605 : memref<32x1024xf32, #tpu.memory_space<hbm>>) target_semaphore(%dma_start3A_602 : memref<!tpu.dma_semaphore, #tpu.memory_space<semaphore_mem>>)
      %dma_start3A_610 = arith.constant 0 : i32
      %dma_start3A_611 = arith.constant 1 : i32
      %dma_start3A_612 = arith.constant 0 : i32
      %dma_start3A_613 = arith.constant 0 : i32
      %dma_start3A_614 = arith.constant 0 : i32
      %dma_start3A_615 = tpu.memref_slice %arg4[%dma_start3A_610, %dma_start3A_613, %dma_start3A_614] : memref<3x32x1024xf32, #tpu.memory_space<vmem>> -> memref<1x32x1024xf32, #tpu.memory_space<vmem>>
      %dma_start3A_616 = tpu.memref_squeeze %dma_start3A_615 : memref<1x32x1024xf32, #tpu.memory_space<vmem>> -> memref<32x1024xf32, #tpu.memory_space<vmem>>
      %dma_start3A_617 = arith.constant 0 : i32
      %dma_start3A_618 = tpu.memref_slice %arg3[%dma_start3A_611, %mul3A_590, %dma_start3A_617] : memref<4x8191x1024xf32, #tpu.memory_space<hbm>> -> memref<1x32x1024xf32, #tpu.memory_space<hbm>>
      %dma_start3A_619 = tpu.memref_squeeze %dma_start3A_618 : memref<1x32x1024xf32, #tpu.memory_space<hbm>> -> memref<32x1024xf32, #tpu.memory_space<hbm>>
      %dma_start3A_620 = tpu.memref_slice %arg6[%dma_start3A_612] : memref<3x!tpu.dma_semaphore, #tpu.memory_space<semaphore_mem>> -> memref<1x!tpu.dma_semaphore, #tpu.memory_space<semaphore_mem>>
      %dma_start3A_621 = tpu.memref_squeeze %dma_start3A_620 : memref<1x!tpu.dma_semaphore, #tpu.memory_space<semaphore_mem>> -> memref<!tpu.dma_semaphore, #tpu.memory_space<semaphore_mem>>
      %dma_start3A_622 = arith.constant 0 : i32
      %dma_start3A_623 = tpu.memref_slice %arg3[%dma_start3A_611, %mul3A_590, %dma_start3A_622] : memref<4x8191x1024xf32, #tpu.memory_space<hbm>> -> memref<1x32x1024xf32, #tpu.memory_space<hbm>>
      %dma_start3A_624 = tpu.memref_squeeze %dma_start3A_623 : memref<1x32x1024xf32, #tpu.memory_space<hbm>> -> memref<32x1024xf32, #tpu.memory_space<hbm>>
      %dma_start3A_625 = arith.constant 0 : i32
      %dma_start3A_626 = arith.constant 0 : i32
      %dma_start3A_627 = tpu.memref_slice %arg4[%dma_start3A_610, %dma_start3A_625, %dma_start3A_626] : memref<3x32x1024xf32, #tpu.memory_space<vmem>> -> memref<1x32x1024xf32, #tpu.memory_space<vmem>>
      %dma_start3A_628 = tpu.memref_squeeze %dma_start3A_627 : memref<1x32x1024xf32, #tpu.memory_space<vmem>> -> memref<32x1024xf32, #tpu.memory_space<vmem>>
      tpu.enqueue_dma source(%dma_start3A_628 : memref<32x1024xf32, #tpu.memory_space<vmem>>) target(%dma_start3A_624 : memref<32x1024xf32, #tpu.memory_space<hbm>>) target_semaphore(%dma_start3A_621 : memref<!tpu.dma_semaphore, #tpu.memory_space<semaphore_mem>>)
      %dma_start3A_629 = arith.constant 0 : i32
      %dma_start3A_630 = arith.constant 2 : i32
      %dma_start3A_631 = arith.constant 0 : i32
      %dma_start3A_632 = arith.constant 0 : i32
      %dma_start3A_633 = arith.constant 0 : i32
      %dma_start3A_634 = tpu.memref_slice %arg4[%dma_start3A_629, %dma_start3A_632, %dma_start3A_633] : memref<3x32x1024xf32, #tpu.memory_space<vmem>> -> memref<1x32x1024xf32, #tpu.memory_space<vmem>>
      %dma_start3A_635 = tpu.memref_squeeze %dma_start3A_634 : memref<1x32x1024xf32, #tpu.memory_space<vmem>> -> memref<32x1024xf32, #tpu.memory_space<vmem>>
      %dma_start3A_636 = arith.constant 0 : i32
      %dma_start3A_637 = tpu.memref_slice %arg3[%dma_start3A_630, %mul3A_590, %dma_start3A_636] : memref<4x8191x1024xf32, #tpu.memory_space<hbm>> -> memref<1x32x1024xf32, #tpu.memory_space<hbm>>
      %dma_start3A_638 = tpu.memref_squeeze %dma_start3A_637 : memref<1x32x1024xf32, #tpu.memory_space<hbm>> -> memref<32x1024xf32, #tpu.memory_space<hbm>>
      %dma_start3A_639 = tpu.memref_slice %arg6[%dma_start3A_631] : memref<3x!tpu.dma_semaphore, #tpu.memory_space<semaphore_mem>> -> memref<1x!tpu.dma_semaphore, #tpu.memory_space<semaphore_mem>>
      %dma_start3A_640 = tpu.memref_squeeze %dma_start3A_639 : memref<1x!tpu.dma_semaphore, #tpu.memory_space<semaphore_mem>> -> memref<!tpu.dma_semaphore, #tpu.memory_space<semaphore_mem>>
      %dma_start3A_641 = arith.constant 0 : i32
      %dma_start3A_642 = tpu.memref_slice %arg3[%dma_start3A_630, %mul3A_590, %dma_start3A_641] : memref<4x8191x1024xf32, #tpu.memory_space<hbm>> -> memref<1x32x1024xf32, #tpu.memory_space<hbm>>
      %dma_start3A_643 = tpu.memref_squeeze %dma_start3A_642 : memref<1x32x1024xf32, #tpu.memory_space<hbm>> -> memref<32x1024xf32, #tpu.memory_space<hbm>>
      %dma_start3A_644 = arith.constant 0 : i32
      %dma_start3A_645 = arith.constant 0 : i32
      %dma_start3A_646 = tpu.memref_slice %arg4[%dma_start3A_629, %dma_start3A_644, %dma_start3A_645] : memref<3x32x1024xf32, #tpu.memory_space<vmem>> -> memref<1x32x1024xf32, #tpu.memory_space<vmem>>
      %dma_start3A_647 = tpu.memref_squeeze %dma_start3A_646 : memref<1x32x1024xf32, #tpu.memory_space<vmem>> -> memref<32x1024xf32, #tpu.memory_space<vmem>>
      tpu.enqueue_dma source(%dma_start3A_647 : memref<32x1024xf32, #tpu.memory_space<vmem>>) target(%dma_start3A_643 : memref<32x1024xf32, #tpu.memory_space<hbm>>) target_semaphore(%dma_start3A_640 : memref<!tpu.dma_semaphore, #tpu.memory_space<semaphore_mem>>)
      %dma_start3A_648 = arith.constant 0 : i32
      %dma_start3A_649 = arith.constant 3 : i32
      %dma_start3A_650 = arith.constant 0 : i32
      %dma_start3A_651 = arith.constant 0 : i32
      %dma_start3A_652 = arith.constant 0 : i32
      %dma_start3A_653 = tpu.memref_slice %arg4[%dma_start3A_648, %dma_start3A_651, %dma_start3A_652] : memref<3x32x1024xf32, #tpu.memory_space<vmem>> -> memref<1x32x1024xf32, #tpu.memory_space<vmem>>
      %dma_start3A_654 = tpu.memref_squeeze %dma_start3A_653 : memref<1x32x1024xf32, #tpu.memory_space<vmem>> -> memref<32x1024xf32, #tpu.memory_space<vmem>>
      %dma_start3A_655 = arith.constant 0 : i32
      %dma_start3A_656 = tpu.memref_slice %arg3[%dma_start3A_649, %mul3A_590, %dma_start3A_655] : memref<4x8191x1024xf32, #tpu.memory_space<hbm>> -> memref<1x32x1024xf32, #tpu.memory_space<hbm>>
      %dma_start3A_657 = tpu.memref_squeeze %dma_start3A_656 : memref<1x32x1024xf32, #tpu.memory_space<hbm>> -> memref<32x1024xf32, #tpu.memory_space<hbm>>
      %dma_start3A_658 = tpu.memref_slice %arg6[%dma_start3A_650] : memref<3x!tpu.dma_semaphore, #tpu.memory_space<semaphore_mem>> -> memref<1x!tpu.dma_semaphore, #tpu.memory_space<semaphore_mem>>
      %dma_start3A_659 = tpu.memref_squeeze %dma_start3A_658 : memref<1x!tpu.dma_semaphore, #tpu.memory_space<semaphore_mem>> -> memref<!tpu.dma_semaphore, #tpu.memory_space<semaphore_mem>>
      %dma_start3A_660 = arith.constant 0 : i32
      %dma_start3A_661 = tpu.memref_slice %arg3[%dma_start3A_649, %mul3A_590, %dma_start3A_660] : memref<4x8191x1024xf32, #tpu.memory_space<hbm>> -> memref<1x32x1024xf32, #tpu.memory_space<hbm>>
      %dma_start3A_662 = tpu.memref_squeeze %dma_start3A_661 : memref<1x32x1024xf32, #tpu.memory_space<hbm>> -> memref<32x1024xf32, #tpu.memory_space<hbm>>
      %dma_start3A_663 = arith.constant 0 : i32
      %dma_start3A_664 = arith.constant 0 : i32
      %dma_start3A_665 = tpu.memref_slice %arg4[%dma_start3A_648, %dma_start3A_663, %dma_start3A_664] : memref<3x32x1024xf32, #tpu.memory_space<vmem>> -> memref<1x32x1024xf32, #tpu.memory_space<vmem>>
      %dma_start3A_666 = tpu.memref_squeeze %dma_start3A_665 : memref<1x32x1024xf32, #tpu.memory_space<vmem>> -> memref<32x1024xf32, #tpu.memory_space<vmem>>
      tpu.enqueue_dma source(%dma_start3A_666 : memref<32x1024xf32, #tpu.memory_space<vmem>>) target(%dma_start3A_662 : memref<32x1024xf32, #tpu.memory_space<hbm>>) target_semaphore(%dma_start3A_659 : memref<!tpu.dma_semaphore, #tpu.memory_space<semaphore_mem>>)
      %add3A_667 = arith.constant 2 : i32
      %add3A_668 = arith.addi %mul3A_2, %add3A_667 : i32
      %mul3A_669 = arith.constant 32 : i32
      %mul3A_670 = arith.muli %add3A_668, %mul3A_669 : i32
      %dma_wait3A_671 = arith.constant 2 : i32
      %dma_wait3A_672 = arith.constant 0 : i32
      %dma_wait3A_673 = arith.constant 2 : i32
      %dma_wait3A_674 = arith.constant 0 : i32
      %dma_wait3A_675 = arith.constant 0 : i32
      %dma_wait3A_676 = tpu.memref_slice %arg4[%dma_wait3A_671, %dma_wait3A_674, %dma_wait3A_675] : memref<3x32x1024xf32, #tpu.memory_space<vmem>> -> memref<1x32x1024xf32, #tpu.memory_space<vmem>>
      %dma_wait3A_677 = tpu.memref_squeeze %dma_wait3A_676 : memref<1x32x1024xf32, #tpu.memory_space<vmem>> -> memref<32x1024xf32, #tpu.memory_space<vmem>>
      %dma_wait3A_678 = arith.constant 0 : i32
      %dma_wait3A_679 = tpu.memref_slice %arg3[%dma_wait3A_672, %mul3A_670, %dma_wait3A_678] : memref<4x8191x1024xf32, #tpu.memory_space<hbm>> -> memref<1x32x1024xf32, #tpu.memory_space<hbm>>
      %dma_wait3A_680 = tpu.memref_squeeze %dma_wait3A_679 : memref<1x32x1024xf32, #tpu.memory_space<hbm>> -> memref<32x1024xf32, #tpu.memory_space<hbm>>
      %dma_wait3A_681 = tpu.memref_slice %arg6[%dma_wait3A_673] : memref<3x!tpu.dma_semaphore, #tpu.memory_space<semaphore_mem>> -> memref<1x!tpu.dma_semaphore, #tpu.memory_space<semaphore_mem>>
      %dma_wait3A_682 = tpu.memref_squeeze %dma_wait3A_681 : memref<1x!tpu.dma_semaphore, #tpu.memory_space<semaphore_mem>> -> memref<!tpu.dma_semaphore, #tpu.memory_space<semaphore_mem>>
      %dma_wait3A_683 = arith.constant 0 : i32
      %dma_wait3A_684 = tpu.memref_slice %arg3[%dma_wait3A_672, %mul3A_670, %dma_wait3A_683] : memref<4x8191x1024xf32, #tpu.memory_space<hbm>> -> memref<1x32x1024xf32, #tpu.memory_space<hbm>>
      %dma_wait3A_685 = tpu.memref_squeeze %dma_wait3A_684 : memref<1x32x1024xf32, #tpu.memory_space<hbm>> -> memref<32x1024xf32, #tpu.memory_space<hbm>>
      %dma_wait3A_686 = arith.constant 0 : i32
      %dma_wait3A_687 = arith.constant 0 : i32
      %dma_wait3A_688 = tpu.memref_slice %arg4[%dma_wait3A_671, %dma_wait3A_686, %dma_wait3A_687] : memref<3x32x1024xf32, #tpu.memory_space<vmem>> -> memref<1x32x1024xf32, #tpu.memory_space<vmem>>
      %dma_wait3A_689 = tpu.memref_squeeze %dma_wait3A_688 : memref<1x32x1024xf32, #tpu.memory_space<vmem>> -> memref<32x1024xf32, #tpu.memory_space<vmem>>
      tpu.wait_dma2 semaphore(%dma_wait3A_682 : memref<!tpu.dma_semaphore, #tpu.memory_space<semaphore_mem>>) src(%dma_wait3A_689 : memref<32x1024xf32, #tpu.memory_space<vmem>>) dst(%dma_wait3A_685 : memref<32x1024xf32, #tpu.memory_space<hbm>>)
      %dma_wait3A_690 = arith.constant 2 : i32
      %dma_wait3A_691 = arith.constant 1 : i32
      %dma_wait3A_692 = arith.constant 2 : i32
      %dma_wait3A_693 = arith.constant 0 : i32
      %dma_wait3A_694 = arith.constant 0 : i32
      %dma_wait3A_695 = tpu.memref_slice %arg4[%dma_wait3A_690, %dma_wait3A_693, %dma_wait3A_694] : memref<3x32x1024xf32, #tpu.memory_space<vmem>> -> memref<1x32x1024xf32, #tpu.memory_space<vmem>>
      %dma_wait3A_696 = tpu.memref_squeeze %dma_wait3A_695 : memref<1x32x1024xf32, #tpu.memory_space<vmem>> -> memref<32x1024xf32, #tpu.memory_space<vmem>>
      %dma_wait3A_697 = arith.constant 0 : i32
      %dma_wait3A_698 = tpu.memref_slice %arg3[%dma_wait3A_691, %mul3A_670, %dma_wait3A_697] : memref<4x8191x1024xf32, #tpu.memory_space<hbm>> -> memref<1x32x1024xf32, #tpu.memory_space<hbm>>
      %dma_wait3A_699 = tpu.memref_squeeze %dma_wait3A_698 : memref<1x32x1024xf32, #tpu.memory_space<hbm>> -> memref<32x1024xf32, #tpu.memory_space<hbm>>
      %dma_wait3A_700 = tpu.memref_slice %arg6[%dma_wait3A_692] : memref<3x!tpu.dma_semaphore, #tpu.memory_space<semaphore_mem>> -> memref<1x!tpu.dma_semaphore, #tpu.memory_space<semaphore_mem>>
      %dma_wait3A_701 = tpu.memref_squeeze %dma_wait3A_700 : memref<1x!tpu.dma_semaphore, #tpu.memory_space<semaphore_mem>> -> memref<!tpu.dma_semaphore, #tpu.memory_space<semaphore_mem>>
      %dma_wait3A_702 = arith.constant 0 : i32
      %dma_wait3A_703 = tpu.memref_slice %arg3[%dma_wait3A_691, %mul3A_670, %dma_wait3A_702] : memref<4x8191x1024xf32, #tpu.memory_space<hbm>> -> memref<1x32x1024xf32, #tpu.memory_space<hbm>>
      %dma_wait3A_704 = tpu.memref_squeeze %dma_wait3A_703 : memref<1x32x1024xf32, #tpu.memory_space<hbm>> -> memref<32x1024xf32, #tpu.memory_space<hbm>>
      %dma_wait3A_705 = arith.constant 0 : i32
      %dma_wait3A_706 = arith.constant 0 : i32
      %dma_wait3A_707 = tpu.memref_slice %arg4[%dma_wait3A_690, %dma_wait3A_705, %dma_wait3A_706] : memref<3x32x1024xf32, #tpu.memory_space<vmem>> -> memref<1x32x1024xf32, #tpu.memory_space<vmem>>
      %dma_wait3A_708 = tpu.memref_squeeze %dma_wait3A_707 : memref<1x32x1024xf32, #tpu.memory_space<vmem>> -> memref<32x1024xf32, #tpu.memory_space<vmem>>
      tpu.wait_dma2 semaphore(%dma_wait3A_701 : memref<!tpu.dma_semaphore, #tpu.memory_space<semaphore_mem>>) src(%dma_wait3A_708 : memref<32x1024xf32, #tpu.memory_space<vmem>>) dst(%dma_wait3A_704 : memref<32x1024xf32, #tpu.memory_space<hbm>>)
      %dma_wait3A_709 = arith.constant 2 : i32
      %dma_wait3A_710 = arith.constant 2 : i32
      %dma_wait3A_711 = arith.constant 2 : i32
      %dma_wait3A_712 = arith.constant 0 : i32
      %dma_wait3A_713 = arith.constant 0 : i32
      %dma_wait3A_714 = tpu.memref_slice %arg4[%dma_wait3A_709, %dma_wait3A_712, %dma_wait3A_713] : memref<3x32x1024xf32, #tpu.memory_space<vmem>> -> memref<1x32x1024xf32, #tpu.memory_space<vmem>>
      %dma_wait3A_715 = tpu.memref_squeeze %dma_wait3A_714 : memref<1x32x1024xf32, #tpu.memory_space<vmem>> -> memref<32x1024xf32, #tpu.memory_space<vmem>>
      %dma_wait3A_716 = arith.constant 0 : i32
      %dma_wait3A_717 = tpu.memref_slice %arg3[%dma_wait3A_710, %mul3A_670, %dma_wait3A_716] : memref<4x8191x1024xf32, #tpu.memory_space<hbm>> -> memref<1x32x1024xf32, #tpu.memory_space<hbm>>
      %dma_wait3A_718 = tpu.memref_squeeze %dma_wait3A_717 : memref<1x32x1024xf32, #tpu.memory_space<hbm>> -> memref<32x1024xf32, #tpu.memory_space<hbm>>
      %dma_wait3A_719 = tpu.memref_slice %arg6[%dma_wait3A_711] : memref<3x!tpu.dma_semaphore, #tpu.memory_space<semaphore_mem>> -> memref<1x!tpu.dma_semaphore, #tpu.memory_space<semaphore_mem>>
      %dma_wait3A_720 = tpu.memref_squeeze %dma_wait3A_719 : memref<1x!tpu.dma_semaphore, #tpu.memory_space<semaphore_mem>> -> memref<!tpu.dma_semaphore, #tpu.memory_space<semaphore_mem>>
      %dma_wait3A_721 = arith.constant 0 : i32
      %dma_wait3A_722 = tpu.memref_slice %arg3[%dma_wait3A_710, %mul3A_670, %dma_wait3A_721] : memref<4x8191x1024xf32, #tpu.memory_space<hbm>> -> memref<1x32x1024xf32, #tpu.memory_space<hbm>>
      %dma_wait3A_723 = tpu.memref_squeeze %dma_wait3A_722 : memref<1x32x1024xf32, #tpu.memory_space<hbm>> -> memref<32x1024xf32, #tpu.memory_space<hbm>>
      %dma_wait3A_724 = arith.constant 0 : i32
      %dma_wait3A_725 = arith.constant 0 : i32
      %dma_wait3A_726 = tpu.memref_slice %arg4[%dma_wait3A_709, %dma_wait3A_724, %dma_wait3A_725] : memref<3x32x1024xf32, #tpu.memory_space<vmem>> -> memref<1x32x1024xf32, #tpu.memory_space<vmem>>
      %dma_wait3A_727 = tpu.memref_squeeze %dma_wait3A_726 : memref<1x32x1024xf32, #tpu.memory_space<vmem>> -> memref<32x1024xf32, #tpu.memory_space<vmem>>
      tpu.wait_dma2 semaphore(%dma_wait3A_720 : memref<!tpu.dma_semaphore, #tpu.memory_space<semaphore_mem>>) src(%dma_wait3A_727 : memref<32x1024xf32, #tpu.memory_space<vmem>>) dst(%dma_wait3A_723 : memref<32x1024xf32, #tpu.memory_space<hbm>>)
      %dma_wait3A_728 = arith.constant 2 : i32
      %dma_wait3A_729 = arith.constant 3 : i32
      %dma_wait3A_730 = arith.constant 2 : i32
      %dma_wait3A_731 = arith.constant 0 : i32
      %dma_wait3A_732 = arith.constant 0 : i32
      %dma_wait3A_733 = tpu.memref_slice %arg4[%dma_wait3A_728, %dma_wait3A_731, %dma_wait3A_732] : memref<3x32x1024xf32, #tpu.memory_space<vmem>> -> memref<1x32x1024xf32, #tpu.memory_space<vmem>>
      %dma_wait3A_734 = tpu.memref_squeeze %dma_wait3A_733 : memref<1x32x1024xf32, #tpu.memory_space<vmem>> -> memref<32x1024xf32, #tpu.memory_space<vmem>>
      %dma_wait3A_735 = arith.constant 0 : i32
      %dma_wait3A_736 = tpu.memref_slice %arg3[%dma_wait3A_729, %mul3A_670, %dma_wait3A_735] : memref<4x8191x1024xf32, #tpu.memory_space<hbm>> -> memref<1x32x1024xf32, #tpu.memory_space<hbm>>
      %dma_wait3A_737 = tpu.memref_squeeze %dma_wait3A_736 : memref<1x32x1024xf32, #tpu.memory_space<hbm>> -> memref<32x1024xf32, #tpu.memory_space<hbm>>
      %dma_wait3A_738 = tpu.memref_slice %arg6[%dma_wait3A_730] : memref<3x!tpu.dma_semaphore, #tpu.memory_space<semaphore_mem>> -> memref<1x!tpu.dma_semaphore, #tpu.memory_space<semaphore_mem>>
      %dma_wait3A_739 = tpu.memref_squeeze %dma_wait3A_738 : memref<1x!tpu.dma_semaphore, #tpu.memory_space<semaphore_mem>> -> memref<!tpu.dma_semaphore, #tpu.memory_space<semaphore_mem>>
      %dma_wait3A_740 = arith.constant 0 : i32
      %dma_wait3A_741 = tpu.memref_slice %arg3[%dma_wait3A_729, %mul3A_670, %dma_wait3A_740] : memref<4x8191x1024xf32, #tpu.memory_space<hbm>> -> memref<1x32x1024xf32, #tpu.memory_space<hbm>>
      %dma_wait3A_742 = tpu.memref_squeeze %dma_wait3A_741 : memref<1x32x1024xf32, #tpu.memory_space<hbm>> -> memref<32x1024xf32, #tpu.memory_space<hbm>>
      %dma_wait3A_743 = arith.constant 0 : i32
      %dma_wait3A_744 = arith.constant 0 : i32
      %dma_wait3A_745 = tpu.memref_slice %arg4[%dma_wait3A_728, %dma_wait3A_743, %dma_wait3A_744] : memref<3x32x1024xf32, #tpu.memory_space<vmem>> -> memref<1x32x1024xf32, #tpu.memory_space<vmem>>
      %dma_wait3A_746 = tpu.memref_squeeze %dma_wait3A_745 : memref<1x32x1024xf32, #tpu.memory_space<vmem>> -> memref<32x1024xf32, #tpu.memory_space<vmem>>
      tpu.wait_dma2 semaphore(%dma_wait3A_739 : memref<!tpu.dma_semaphore, #tpu.memory_space<semaphore_mem>>) src(%dma_wait3A_746 : memref<32x1024xf32, #tpu.memory_space<vmem>>) dst(%dma_wait3A_742 : memref<32x1024xf32, #tpu.memory_space<hbm>>)
      %add3A_747 = arith.constant 5 : i32
      %add3A_748 = arith.addi %mul3A_2, %add3A_747 : i32
      %mul3A_749 = arith.constant 32 : i32
      %mul3A_750 = arith.muli %add3A_748, %mul3A_749 : i32
      %dma_start3A_751 = arith.constant 2 : i32
      %dma_start3A_752 = arith.constant 2 : i32
      %dma_start3A_753 = arith.constant 0 : i32
      %dma_start3A_754 = arith.constant 0 : i32
      %dma_start3A_755 = tpu.memref_slice %arg4[%dma_start3A_751, %dma_start3A_753, %dma_start3A_754] : memref<3x32x1024xf32, #tpu.memory_space<vmem>> -> memref<1x32x1024xf32, #tpu.memory_space<vmem>>
      %dma_start3A_756 = tpu.memref_squeeze %dma_start3A_755 : memref<1x32x1024xf32, #tpu.memory_space<vmem>> -> memref<32x1024xf32, #tpu.memory_space<vmem>>
      %dma_start3A_757 = arith.constant 0 : i32
      %dma_start3A_758 = tpu.memref_slice %arg2[%mul3A_750, %dma_start3A_757] : memref<10000x1024xf32, #tpu.memory_space<hbm>> -> memref<32x1024xf32, #tpu.memory_space<hbm>>
      %dma_start3A_759 = tpu.memref_slice %arg5[%dma_start3A_752] : memref<3x!tpu.dma_semaphore, #tpu.memory_space<semaphore_mem>> -> memref<1x!tpu.dma_semaphore, #tpu.memory_space<semaphore_mem>>
      %dma_start3A_760 = tpu.memref_squeeze %dma_start3A_759 : memref<1x!tpu.dma_semaphore, #tpu.memory_space<semaphore_mem>> -> memref<!tpu.dma_semaphore, #tpu.memory_space<semaphore_mem>>
      %dma_start3A_761 = arith.constant 0 : i32
      %dma_start3A_762 = arith.constant 0 : i32
      %dma_start3A_763 = tpu.memref_slice %arg4[%dma_start3A_751, %dma_start3A_761, %dma_start3A_762] : memref<3x32x1024xf32, #tpu.memory_space<vmem>> -> memref<1x32x1024xf32, #tpu.memory_space<vmem>>
      %dma_start3A_764 = tpu.memref_squeeze %dma_start3A_763 : memref<1x32x1024xf32, #tpu.memory_space<vmem>> -> memref<32x1024xf32, #tpu.memory_space<vmem>>
      %dma_start3A_765 = arith.constant 0 : i32
      %dma_start3A_766 = tpu.memref_slice %arg2[%mul3A_750, %dma_start3A_765] : memref<10000x1024xf32, #tpu.memory_space<hbm>> -> memref<32x1024xf32, #tpu.memory_space<hbm>>
      tpu.enqueue_dma source(%dma_start3A_766 : memref<32x1024xf32, #tpu.memory_space<hbm>>) target(%dma_start3A_764 : memref<32x1024xf32, #tpu.memory_space<vmem>>) target_semaphore(%dma_start3A_760 : memref<!tpu.dma_semaphore, #tpu.memory_space<semaphore_mem>>)
      %add3A_767 = arith.constant 4 : i32
      %add3A_768 = arith.addi %mul3A_2, %add3A_767 : i32
      %mul3A_769 = arith.constant 32 : i32
      %mul3A_770 = arith.muli %add3A_768, %mul3A_769 : i32
      %dma_wait3A_771 = arith.constant 1 : i32
      %dma_wait3A_772 = arith.constant 1 : i32
      %dma_wait3A_773 = arith.constant 0 : i32
      %dma_wait3A_774 = arith.constant 0 : i32
      %dma_wait3A_775 = tpu.memref_slice %arg4[%dma_wait3A_771, %dma_wait3A_773, %dma_wait3A_774] : memref<3x32x1024xf32, #tpu.memory_space<vmem>> -> memref<1x32x1024xf32, #tpu.memory_space<vmem>>
      %dma_wait3A_776 = tpu.memref_squeeze %dma_wait3A_775 : memref<1x32x1024xf32, #tpu.memory_space<vmem>> -> memref<32x1024xf32, #tpu.memory_space<vmem>>
      %dma_wait3A_777 = arith.constant 0 : i32
      %dma_wait3A_778 = tpu.memref_slice %arg2[%mul3A_770, %dma_wait3A_777] : memref<10000x1024xf32, #tpu.memory_space<hbm>> -> memref<32x1024xf32, #tpu.memory_space<hbm>>
      %dma_wait3A_779 = tpu.memref_slice %arg5[%dma_wait3A_772] : memref<3x!tpu.dma_semaphore, #tpu.memory_space<semaphore_mem>> -> memref<1x!tpu.dma_semaphore, #tpu.memory_space<semaphore_mem>>
      %dma_wait3A_780 = tpu.memref_squeeze %dma_wait3A_779 : memref<1x!tpu.dma_semaphore, #tpu.memory_space<semaphore_mem>> -> memref<!tpu.dma_semaphore, #tpu.memory_space<semaphore_mem>>
      %dma_wait3A_781 = arith.constant 0 : i32
      %dma_wait3A_782 = arith.constant 0 : i32
      %dma_wait3A_783 = tpu.memref_slice %arg4[%dma_wait3A_771, %dma_wait3A_781, %dma_wait3A_782] : memref<3x32x1024xf32, #tpu.memory_space<vmem>> -> memref<1x32x1024xf32, #tpu.memory_space<vmem>>
      %dma_wait3A_784 = tpu.memref_squeeze %dma_wait3A_783 : memref<1x32x1024xf32, #tpu.memory_space<vmem>> -> memref<32x1024xf32, #tpu.memory_space<vmem>>
      %dma_wait3A_785 = arith.constant 0 : i32
      %dma_wait3A_786 = tpu.memref_slice %arg2[%mul3A_770, %dma_wait3A_785] : memref<10000x1024xf32, #tpu.memory_space<hbm>> -> memref<32x1024xf32, #tpu.memory_space<hbm>>
      tpu.wait_dma2 semaphore(%dma_wait3A_780 : memref<!tpu.dma_semaphore, #tpu.memory_space<semaphore_mem>>) src(%dma_wait3A_786 : memref<32x1024xf32, #tpu.memory_space<hbm>>) dst(%dma_wait3A_784 : memref<32x1024xf32, #tpu.memory_space<vmem>>)
      %add3A_787 = arith.constant 4 : i32
      %add3A_788 = arith.addi %mul3A_2, %add3A_787 : i32
      %mul3A_789 = arith.constant 32 : i32
      %mul3A_790 = arith.muli %add3A_788, %mul3A_789 : i32
      %dma_start3A_791 = arith.constant 1 : i32
      %dma_start3A_792 = arith.constant 0 : i32
      %dma_start3A_793 = arith.constant 1 : i32
      %dma_start3A_794 = arith.constant 0 : i32
      %dma_start3A_795 = arith.constant 0 : i32
      %dma_start3A_796 = tpu.memref_slice %arg4[%dma_start3A_791, %dma_start3A_794, %dma_start3A_795] : memref<3x32x1024xf32, #tpu.memory_space<vmem>> -> memref<1x32x1024xf32, #tpu.memory_space<vmem>>
      %dma_start3A_797 = tpu.memref_squeeze %dma_start3A_796 : memref<1x32x1024xf32, #tpu.memory_space<vmem>> -> memref<32x1024xf32, #tpu.memory_space<vmem>>
      %dma_start3A_798 = arith.constant 0 : i32
      %dma_start3A_799 = tpu.memref_slice %arg3[%dma_start3A_792, %mul3A_790, %dma_start3A_798] : memref<4x8191x1024xf32, #tpu.memory_space<hbm>> -> memref<1x32x1024xf32, #tpu.memory_space<hbm>>
      %dma_start3A_800 = tpu.memref_squeeze %dma_start3A_799 : memref<1x32x1024xf32, #tpu.memory_space<hbm>> -> memref<32x1024xf32, #tpu.memory_space<hbm>>
      %dma_start3A_801 = tpu.memref_slice %arg6[%dma_start3A_793] : memref<3x!tpu.dma_semaphore, #tpu.memory_space<semaphore_mem>> -> memref<1x!tpu.dma_semaphore, #tpu.memory_space<semaphore_mem>>
      %dma_start3A_802 = tpu.memref_squeeze %dma_start3A_801 : memref<1x!tpu.dma_semaphore, #tpu.memory_space<semaphore_mem>> -> memref<!tpu.dma_semaphore, #tpu.memory_space<semaphore_mem>>
      %dma_start3A_803 = arith.constant 0 : i32
      %dma_start3A_804 = tpu.memref_slice %arg3[%dma_start3A_792, %mul3A_790, %dma_start3A_803] : memref<4x8191x1024xf32, #tpu.memory_space<hbm>> -> memref<1x32x1024xf32, #tpu.memory_space<hbm>>
      %dma_start3A_805 = tpu.memref_squeeze %dma_start3A_804 : memref<1x32x1024xf32, #tpu.memory_space<hbm>> -> memref<32x1024xf32, #tpu.memory_space<hbm>>
      %dma_start3A_806 = arith.constant 0 : i32
      %dma_start3A_807 = arith.constant 0 : i32
      %dma_start3A_808 = tpu.memref_slice %arg4[%dma_start3A_791, %dma_start3A_806, %dma_start3A_807] : memref<3x32x1024xf32, #tpu.memory_space<vmem>> -> memref<1x32x1024xf32, #tpu.memory_space<vmem>>
      %dma_start3A_809 = tpu.memref_squeeze %dma_start3A_808 : memref<1x32x1024xf32, #tpu.memory_space<vmem>> -> memref<32x1024xf32, #tpu.memory_space<vmem>>
      tpu.enqueue_dma source(%dma_start3A_809 : memref<32x1024xf32, #tpu.memory_space<vmem>>) target(%dma_start3A_805 : memref<32x1024xf32, #tpu.memory_space<hbm>>) target_semaphore(%dma_start3A_802 : memref<!tpu.dma_semaphore, #tpu.memory_space<semaphore_mem>>)
      %dma_start3A_810 = arith.constant 1 : i32
      %dma_start3A_811 = arith.constant 1 : i32
      %dma_start3A_812 = arith.constant 1 : i32
      %dma_start3A_813 = arith.constant 0 : i32
      %dma_start3A_814 = arith.constant 0 : i32
      %dma_start3A_815 = tpu.memref_slice %arg4[%dma_start3A_810, %dma_start3A_813, %dma_start3A_814] : memref<3x32x1024xf32, #tpu.memory_space<vmem>> -> memref<1x32x1024xf32, #tpu.memory_space<vmem>>
      %dma_start3A_816 = tpu.memref_squeeze %dma_start3A_815 : memref<1x32x1024xf32, #tpu.memory_space<vmem>> -> memref<32x1024xf32, #tpu.memory_space<vmem>>
      %dma_start3A_817 = arith.constant 0 : i32
      %dma_start3A_818 = tpu.memref_slice %arg3[%dma_start3A_811, %mul3A_790, %dma_start3A_817] : memref<4x8191x1024xf32, #tpu.memory_space<hbm>> -> memref<1x32x1024xf32, #tpu.memory_space<hbm>>
      %dma_start3A_819 = tpu.memref_squeeze %dma_start3A_818 : memref<1x32x1024xf32, #tpu.memory_space<hbm>> -> memref<32x1024xf32, #tpu.memory_space<hbm>>
      %dma_start3A_820 = tpu.memref_slice %arg6[%dma_start3A_812] : memref<3x!tpu.dma_semaphore, #tpu.memory_space<semaphore_mem>> -> memref<1x!tpu.dma_semaphore, #tpu.memory_space<semaphore_mem>>
      %dma_start3A_821 = tpu.memref_squeeze %dma_start3A_820 : memref<1x!tpu.dma_semaphore, #tpu.memory_space<semaphore_mem>> -> memref<!tpu.dma_semaphore, #tpu.memory_space<semaphore_mem>>
      %dma_start3A_822 = arith.constant 0 : i32
      %dma_start3A_823 = tpu.memref_slice %arg3[%dma_start3A_811, %mul3A_790, %dma_start3A_822] : memref<4x8191x1024xf32, #tpu.memory_space<hbm>> -> memref<1x32x1024xf32, #tpu.memory_space<hbm>>
      %dma_start3A_824 = tpu.memref_squeeze %dma_start3A_823 : memref<1x32x1024xf32, #tpu.memory_space<hbm>> -> memref<32x1024xf32, #tpu.memory_space<hbm>>
      %dma_start3A_825 = arith.constant 0 : i32
      %dma_start3A_826 = arith.constant 0 : i32
      %dma_start3A_827 = tpu.memref_slice %arg4[%dma_start3A_810, %dma_start3A_825, %dma_start3A_826] : memref<3x32x1024xf32, #tpu.memory_space<vmem>> -> memref<1x32x1024xf32, #tpu.memory_space<vmem>>
      %dma_start3A_828 = tpu.memref_squeeze %dma_start3A_827 : memref<1x32x1024xf32, #tpu.memory_space<vmem>> -> memref<32x1024xf32, #tpu.memory_space<vmem>>
      tpu.enqueue_dma source(%dma_start3A_828 : memref<32x1024xf32, #tpu.memory_space<vmem>>) target(%dma_start3A_824 : memref<32x1024xf32, #tpu.memory_space<hbm>>) target_semaphore(%dma_start3A_821 : memref<!tpu.dma_semaphore, #tpu.memory_space<semaphore_mem>>)
      %dma_start3A_829 = arith.constant 1 : i32
      %dma_start3A_830 = arith.constant 2 : i32
      %dma_start3A_831 = arith.constant 1 : i32
      %dma_start3A_832 = arith.constant 0 : i32
      %dma_start3A_833 = arith.constant 0 : i32
      %dma_start3A_834 = tpu.memref_slice %arg4[%dma_start3A_829, %dma_start3A_832, %dma_start3A_833] : memref<3x32x1024xf32, #tpu.memory_space<vmem>> -> memref<1x32x1024xf32, #tpu.memory_space<vmem>>
      %dma_start3A_835 = tpu.memref_squeeze %dma_start3A_834 : memref<1x32x1024xf32, #tpu.memory_space<vmem>> -> memref<32x1024xf32, #tpu.memory_space<vmem>>
      %dma_start3A_836 = arith.constant 0 : i32
      %dma_start3A_837 = tpu.memref_slice %arg3[%dma_start3A_830, %mul3A_790, %dma_start3A_836] : memref<4x8191x1024xf32, #tpu.memory_space<hbm>> -> memref<1x32x1024xf32, #tpu.memory_space<hbm>>
      %dma_start3A_838 = tpu.memref_squeeze %dma_start3A_837 : memref<1x32x1024xf32, #tpu.memory_space<hbm>> -> memref<32x1024xf32, #tpu.memory_space<hbm>>
      %dma_start3A_839 = tpu.memref_slice %arg6[%dma_start3A_831] : memref<3x!tpu.dma_semaphore, #tpu.memory_space<semaphore_mem>> -> memref<1x!tpu.dma_semaphore, #tpu.memory_space<semaphore_mem>>
      %dma_start3A_840 = tpu.memref_squeeze %dma_start3A_839 : memref<1x!tpu.dma_semaphore, #tpu.memory_space<semaphore_mem>> -> memref<!tpu.dma_semaphore, #tpu.memory_space<semaphore_mem>>
      %dma_start3A_841 = arith.constant 0 : i32
      %dma_start3A_842 = tpu.memref_slice %arg3[%dma_start3A_830, %mul3A_790, %dma_start3A_841] : memref<4x8191x1024xf32, #tpu.memory_space<hbm>> -> memref<1x32x1024xf32, #tpu.memory_space<hbm>>
      %dma_start3A_843 = tpu.memref_squeeze %dma_start3A_842 : memref<1x32x1024xf32, #tpu.memory_space<hbm>> -> memref<32x1024xf32, #tpu.memory_space<hbm>>
      %dma_start3A_844 = arith.constant 0 : i32
      %dma_start3A_845 = arith.constant 0 : i32
      %dma_start3A_846 = tpu.memref_slice %arg4[%dma_start3A_829, %dma_start3A_844, %dma_start3A_845] : memref<3x32x1024xf32, #tpu.memory_space<vmem>> -> memref<1x32x1024xf32, #tpu.memory_space<vmem>>
      %dma_start3A_847 = tpu.memref_squeeze %dma_start3A_846 : memref<1x32x1024xf32, #tpu.memory_space<vmem>> -> memref<32x1024xf32, #tpu.memory_space<vmem>>
      tpu.enqueue_dma source(%dma_start3A_847 : memref<32x1024xf32, #tpu.memory_space<vmem>>) target(%dma_start3A_843 : memref<32x1024xf32, #tpu.memory_space<hbm>>) target_semaphore(%dma_start3A_840 : memref<!tpu.dma_semaphore, #tpu.memory_space<semaphore_mem>>)
      %dma_start3A_848 = arith.constant 1 : i32
      %dma_start3A_849 = arith.constant 3 : i32
      %dma_start3A_850 = arith.constant 1 : i32
      %dma_start3A_851 = arith.constant 0 : i32
      %dma_start3A_852 = arith.constant 0 : i32
      %dma_start3A_853 = tpu.memref_slice %arg4[%dma_start3A_848, %dma_start3A_851, %dma_start3A_852] : memref<3x32x1024xf32, #tpu.memory_space<vmem>> -> memref<1x32x1024xf32, #tpu.memory_space<vmem>>
      %dma_start3A_854 = tpu.memref_squeeze %dma_start3A_853 : memref<1x32x1024xf32, #tpu.memory_space<vmem>> -> memref<32x1024xf32, #tpu.memory_space<vmem>>
      %dma_start3A_855 = arith.constant 0 : i32
      %dma_start3A_856 = tpu.memref_slice %arg3[%dma_start3A_849, %mul3A_790, %dma_start3A_855] : memref<4x8191x1024xf32, #tpu.memory_space<hbm>> -> memref<1x32x1024xf32, #tpu.memory_space<hbm>>
      %dma_start3A_857 = tpu.memref_squeeze %dma_start3A_856 : memref<1x32x1024xf32, #tpu.memory_space<hbm>> -> memref<32x1024xf32, #tpu.memory_space<hbm>>
      %dma_start3A_858 = tpu.memref_slice %arg6[%dma_start3A_850] : memref<3x!tpu.dma_semaphore, #tpu.memory_space<semaphore_mem>> -> memref<1x!tpu.dma_semaphore, #tpu.memory_space<semaphore_mem>>
      %dma_start3A_859 = tpu.memref_squeeze %dma_start3A_858 : memref<1x!tpu.dma_semaphore, #tpu.memory_space<semaphore_mem>> -> memref<!tpu.dma_semaphore, #tpu.memory_space<semaphore_mem>>
      %dma_start3A_860 = arith.constant 0 : i32
      %dma_start3A_861 = tpu.memref_slice %arg3[%dma_start3A_849, %mul3A_790, %dma_start3A_860] : memref<4x8191x1024xf32, #tpu.memory_space<hbm>> -> memref<1x32x1024xf32, #tpu.memory_space<hbm>>
      %dma_start3A_862 = tpu.memref_squeeze %dma_start3A_861 : memref<1x32x1024xf32, #tpu.memory_space<hbm>> -> memref<32x1024xf32, #tpu.memory_space<hbm>>
      %dma_start3A_863 = arith.constant 0 : i32
      %dma_start3A_864 = arith.constant 0 : i32
      %dma_start3A_865 = tpu.memref_slice %arg4[%dma_start3A_848, %dma_start3A_863, %dma_start3A_864] : memref<3x32x1024xf32, #tpu.memory_space<vmem>> -> memref<1x32x1024xf32, #tpu.memory_space<vmem>>
      %dma_start3A_866 = tpu.memref_squeeze %dma_start3A_865 : memref<1x32x1024xf32, #tpu.memory_space<vmem>> -> memref<32x1024xf32, #tpu.memory_space<vmem>>
      tpu.enqueue_dma source(%dma_start3A_866 : memref<32x1024xf32, #tpu.memory_space<vmem>>) target(%dma_start3A_862 : memref<32x1024xf32, #tpu.memory_space<hbm>>) target_semaphore(%dma_start3A_859 : memref<!tpu.dma_semaphore, #tpu.memory_space<semaphore_mem>>)
      %add3A_867 = arith.constant 3 : i32
      %add3A_868 = arith.addi %mul3A_2, %add3A_867 : i32
      %mul3A_869 = arith.constant 32 : i32
      %mul3A_870 = arith.muli %add3A_868, %mul3A_869 : i32
      %dma_wait3A_871 = arith.constant 0 : i32
      %dma_wait3A_872 = arith.constant 0 : i32
      %dma_wait3A_873 = arith.constant 0 : i32
      %dma_wait3A_874 = arith.constant 0 : i32
      %dma_wait3A_875 = arith.constant 0 : i32
      %dma_wait3A_876 = tpu.memref_slice %arg4[%dma_wait3A_871, %dma_wait3A_874, %dma_wait3A_875] : memref<3x32x1024xf32, #tpu.memory_space<vmem>> -> memref<1x32x1024xf32, #tpu.memory_space<vmem>>
      %dma_wait3A_877 = tpu.memref_squeeze %dma_wait3A_876 : memref<1x32x1024xf32, #tpu.memory_space<vmem>> -> memref<32x1024xf32, #tpu.memory_space<vmem>>
      %dma_wait3A_878 = arith.constant 0 : i32
      %dma_wait3A_879 = tpu.memref_slice %arg3[%dma_wait3A_872, %mul3A_870, %dma_wait3A_878] : memref<4x8191x1024xf32, #tpu.memory_space<hbm>> -> memref<1x32x1024xf32, #tpu.memory_space<hbm>>
      %dma_wait3A_880 = tpu.memref_squeeze %dma_wait3A_879 : memref<1x32x1024xf32, #tpu.memory_space<hbm>> -> memref<32x1024xf32, #tpu.memory_space<hbm>>
      %dma_wait3A_881 = tpu.memref_slice %arg6[%dma_wait3A_873] : memref<3x!tpu.dma_semaphore, #tpu.memory_space<semaphore_mem>> -> memref<1x!tpu.dma_semaphore, #tpu.memory_space<semaphore_mem>>
      %dma_wait3A_882 = tpu.memref_squeeze %dma_wait3A_881 : memref<1x!tpu.dma_semaphore, #tpu.memory_space<semaphore_mem>> -> memref<!tpu.dma_semaphore, #tpu.memory_space<semaphore_mem>>
      %dma_wait3A_883 = arith.constant 0 : i32
      %dma_wait3A_884 = tpu.memref_slice %arg3[%dma_wait3A_872, %mul3A_870, %dma_wait3A_883] : memref<4x8191x1024xf32, #tpu.memory_space<hbm>> -> memref<1x32x1024xf32, #tpu.memory_space<hbm>>
      %dma_wait3A_885 = tpu.memref_squeeze %dma_wait3A_884 : memref<1x32x1024xf32, #tpu.memory_space<hbm>> -> memref<32x1024xf32, #tpu.memory_space<hbm>>
      %dma_wait3A_886 = arith.constant 0 : i32
      %dma_wait3A_887 = arith.constant 0 : i32
      %dma_wait3A_888 = tpu.memref_slice %arg4[%dma_wait3A_871, %dma_wait3A_886, %dma_wait3A_887] : memref<3x32x1024xf32, #tpu.memory_space<vmem>> -> memref<1x32x1024xf32, #tpu.memory_space<vmem>>
      %dma_wait3A_889 = tpu.memref_squeeze %dma_wait3A_888 : memref<1x32x1024xf32, #tpu.memory_space<vmem>> -> memref<32x1024xf32, #tpu.memory_space<vmem>>
      tpu.wait_dma2 semaphore(%dma_wait3A_882 : memref<!tpu.dma_semaphore, #tpu.memory_space<semaphore_mem>>) src(%dma_wait3A_889 : memref<32x1024xf32, #tpu.memory_space<vmem>>) dst(%dma_wait3A_885 : memref<32x1024xf32, #tpu.memory_space<hbm>>)
      %dma_wait3A_890 = arith.constant 0 : i32
      %dma_wait3A_891 = arith.constant 1 : i32
      %dma_wait3A_892 = arith.constant 0 : i32
      %dma_wait3A_893 = arith.constant 0 : i32
      %dma_wait3A_894 = arith.constant 0 : i32
      %dma_wait3A_895 = tpu.memref_slice %arg4[%dma_wait3A_890, %dma_wait3A_893, %dma_wait3A_894] : memref<3x32x1024xf32, #tpu.memory_space<vmem>> -> memref<1x32x1024xf32, #tpu.memory_space<vmem>>
      %dma_wait3A_896 = tpu.memref_squeeze %dma_wait3A_895 : memref<1x32x1024xf32, #tpu.memory_space<vmem>> -> memref<32x1024xf32, #tpu.memory_space<vmem>>
      %dma_wait3A_897 = arith.constant 0 : i32
      %dma_wait3A_898 = tpu.memref_slice %arg3[%dma_wait3A_891, %mul3A_870, %dma_wait3A_897] : memref<4x8191x1024xf32, #tpu.memory_space<hbm>> -> memref<1x32x1024xf32, #tpu.memory_space<hbm>>
      %dma_wait3A_899 = tpu.memref_squeeze %dma_wait3A_898 : memref<1x32x1024xf32, #tpu.memory_space<hbm>> -> memref<32x1024xf32, #tpu.memory_space<hbm>>
      %dma_wait3A_900 = tpu.memref_slice %arg6[%dma_wait3A_892] : memref<3x!tpu.dma_semaphore, #tpu.memory_space<semaphore_mem>> -> memref<1x!tpu.dma_semaphore, #tpu.memory_space<semaphore_mem>>
      %dma_wait3A_901 = tpu.memref_squeeze %dma_wait3A_900 : memref<1x!tpu.dma_semaphore, #tpu.memory_space<semaphore_mem>> -> memref<!tpu.dma_semaphore, #tpu.memory_space<semaphore_mem>>
      %dma_wait3A_902 = arith.constant 0 : i32
      %dma_wait3A_903 = tpu.memref_slice %arg3[%dma_wait3A_891, %mul3A_870, %dma_wait3A_902] : memref<4x8191x1024xf32, #tpu.memory_space<hbm>> -> memref<1x32x1024xf32, #tpu.memory_space<hbm>>
      %dma_wait3A_904 = tpu.memref_squeeze %dma_wait3A_903 : memref<1x32x1024xf32, #tpu.memory_space<hbm>> -> memref<32x1024xf32, #tpu.memory_space<hbm>>
      %dma_wait3A_905 = arith.constant 0 : i32
      %dma_wait3A_906 = arith.constant 0 : i32
      %dma_wait3A_907 = tpu.memref_slice %arg4[%dma_wait3A_890, %dma_wait3A_905, %dma_wait3A_906] : memref<3x32x1024xf32, #tpu.memory_space<vmem>> -> memref<1x32x1024xf32, #tpu.memory_space<vmem>>
      %dma_wait3A_908 = tpu.memref_squeeze %dma_wait3A_907 : memref<1x32x1024xf32, #tpu.memory_space<vmem>> -> memref<32x1024xf32, #tpu.memory_space<vmem>>
      tpu.wait_dma2 semaphore(%dma_wait3A_901 : memref<!tpu.dma_semaphore, #tpu.memory_space<semaphore_mem>>) src(%dma_wait3A_908 : memref<32x1024xf32, #tpu.memory_space<vmem>>) dst(%dma_wait3A_904 : memref<32x1024xf32, #tpu.memory_space<hbm>>)
      %dma_wait3A_909 = arith.constant 0 : i32
      %dma_wait3A_910 = arith.constant 2 : i32
      %dma_wait3A_911 = arith.constant 0 : i32
      %dma_wait3A_912 = arith.constant 0 : i32
      %dma_wait3A_913 = arith.constant 0 : i32
      %dma_wait3A_914 = tpu.memref_slice %arg4[%dma_wait3A_909, %dma_wait3A_912, %dma_wait3A_913] : memref<3x32x1024xf32, #tpu.memory_space<vmem>> -> memref<1x32x1024xf32, #tpu.memory_space<vmem>>
      %dma_wait3A_915 = tpu.memref_squeeze %dma_wait3A_914 : memref<1x32x1024xf32, #tpu.memory_space<vmem>> -> memref<32x1024xf32, #tpu.memory_space<vmem>>
      %dma_wait3A_916 = arith.constant 0 : i32
      %dma_wait3A_917 = tpu.memref_slice %arg3[%dma_wait3A_910, %mul3A_870, %dma_wait3A_916] : memref<4x8191x1024xf32, #tpu.memory_space<hbm>> -> memref<1x32x1024xf32, #tpu.memory_space<hbm>>
      %dma_wait3A_918 = tpu.memref_squeeze %dma_wait3A_917 : memref<1x32x1024xf32, #tpu.memory_space<hbm>> -> memref<32x1024xf32, #tpu.memory_space<hbm>>
      %dma_wait3A_919 = tpu.memref_slice %arg6[%dma_wait3A_911] : memref<3x!tpu.dma_semaphore, #tpu.memory_space<semaphore_mem>> -> memref<1x!tpu.dma_semaphore, #tpu.memory_space<semaphore_mem>>
      %dma_wait3A_920 = tpu.memref_squeeze %dma_wait3A_919 : memref<1x!tpu.dma_semaphore, #tpu.memory_space<semaphore_mem>> -> memref<!tpu.dma_semaphore, #tpu.memory_space<semaphore_mem>>
      %dma_wait3A_921 = arith.constant 0 : i32
      %dma_wait3A_922 = tpu.memref_slice %arg3[%dma_wait3A_910, %mul3A_870, %dma_wait3A_921] : memref<4x8191x1024xf32, #tpu.memory_space<hbm>> -> memref<1x32x1024xf32, #tpu.memory_space<hbm>>
      %dma_wait3A_923 = tpu.memref_squeeze %dma_wait3A_922 : memref<1x32x1024xf32, #tpu.memory_space<hbm>> -> memref<32x1024xf32, #tpu.memory_space<hbm>>
      %dma_wait3A_924 = arith.constant 0 : i32
      %dma_wait3A_925 = arith.constant 0 : i32
      %dma_wait3A_926 = tpu.memref_slice %arg4[%dma_wait3A_909, %dma_wait3A_924, %dma_wait3A_925] : memref<3x32x1024xf32, #tpu.memory_space<vmem>> -> memref<1x32x1024xf32, #tpu.memory_space<vmem>>
      %dma_wait3A_927 = tpu.memref_squeeze %dma_wait3A_926 : memref<1x32x1024xf32, #tpu.memory_space<vmem>> -> memref<32x1024xf32, #tpu.memory_space<vmem>>
      tpu.wait_dma2 semaphore(%dma_wait3A_920 : memref<!tpu.dma_semaphore, #tpu.memory_space<semaphore_mem>>) src(%dma_wait3A_927 : memref<32x1024xf32, #tpu.memory_space<vmem>>) dst(%dma_wait3A_923 : memref<32x1024xf32, #tpu.memory_space<hbm>>)
      %dma_wait3A_928 = arith.constant 0 : i32
      %dma_wait3A_929 = arith.constant 3 : i32
      %dma_wait3A_930 = arith.constant 0 : i32
      %dma_wait3A_931 = arith.constant 0 : i32
      %dma_wait3A_932 = arith.constant 0 : i32
      %dma_wait3A_933 = tpu.memref_slice %arg4[%dma_wait3A_928, %dma_wait3A_931, %dma_wait3A_932] : memref<3x32x1024xf32, #tpu.memory_space<vmem>> -> memref<1x32x1024xf32, #tpu.memory_space<vmem>>
      %dma_wait3A_934 = tpu.memref_squeeze %dma_wait3A_933 : memref<1x32x1024xf32, #tpu.memory_space<vmem>> -> memref<32x1024xf32, #tpu.memory_space<vmem>>
      %dma_wait3A_935 = arith.constant 0 : i32
      %dma_wait3A_936 = tpu.memref_slice %arg3[%dma_wait3A_929, %mul3A_870, %dma_wait3A_935] : memref<4x8191x1024xf32, #tpu.memory_space<hbm>> -> memref<1x32x1024xf32, #tpu.memory_space<hbm>>
      %dma_wait3A_937 = tpu.memref_squeeze %dma_wait3A_936 : memref<1x32x1024xf32, #tpu.memory_space<hbm>> -> memref<32x1024xf32, #tpu.memory_space<hbm>>
      %dma_wait3A_938 = tpu.memref_slice %arg6[%dma_wait3A_930] : memref<3x!tpu.dma_semaphore, #tpu.memory_space<semaphore_mem>> -> memref<1x!tpu.dma_semaphore, #tpu.memory_space<semaphore_mem>>
      %dma_wait3A_939 = tpu.memref_squeeze %dma_wait3A_938 : memref<1x!tpu.dma_semaphore, #tpu.memory_space<semaphore_mem>> -> memref<!tpu.dma_semaphore, #tpu.memory_space<semaphore_mem>>
      %dma_wait3A_940 = arith.constant 0 : i32
      %dma_wait3A_941 = tpu.memref_slice %arg3[%dma_wait3A_929, %mul3A_870, %dma_wait3A_940] : memref<4x8191x1024xf32, #tpu.memory_space<hbm>> -> memref<1x32x1024xf32, #tpu.memory_space<hbm>>
      %dma_wait3A_942 = tpu.memref_squeeze %dma_wait3A_941 : memref<1x32x1024xf32, #tpu.memory_space<hbm>> -> memref<32x1024xf32, #tpu.memory_space<hbm>>
      %dma_wait3A_943 = arith.constant 0 : i32
      %dma_wait3A_944 = arith.constant 0 : i32
      %dma_wait3A_945 = tpu.memref_slice %arg4[%dma_wait3A_928, %dma_wait3A_943, %dma_wait3A_944] : memref<3x32x1024xf32, #tpu.memory_space<vmem>> -> memref<1x32x1024xf32, #tpu.memory_space<vmem>>
      %dma_wait3A_946 = tpu.memref_squeeze %dma_wait3A_945 : memref<1x32x1024xf32, #tpu.memory_space<vmem>> -> memref<32x1024xf32, #tpu.memory_space<vmem>>
      tpu.wait_dma2 semaphore(%dma_wait3A_939 : memref<!tpu.dma_semaphore, #tpu.memory_space<semaphore_mem>>) src(%dma_wait3A_946 : memref<32x1024xf32, #tpu.memory_space<vmem>>) dst(%dma_wait3A_942 : memref<32x1024xf32, #tpu.memory_space<hbm>>)
      %add3A_947 = arith.constant 6 : i32
      %add3A_948 = arith.addi %mul3A_2, %add3A_947 : i32
      %mul3A_949 = arith.constant 32 : i32
      %mul3A_950 = arith.muli %add3A_948, %mul3A_949 : i32
      %dma_start3A_951 = arith.constant 0 : i32
      %dma_start3A_952 = arith.constant 0 : i32
      %dma_start3A_953 = arith.constant 0 : i32
      %dma_start3A_954 = arith.constant 0 : i32
      %dma_start3A_955 = tpu.memref_slice %arg4[%dma_start3A_951, %dma_start3A_953, %dma_start3A_954] : memref<3x32x1024xf32, #tpu.memory_space<vmem>> -> memref<1x32x1024xf32, #tpu.memory_space<vmem>>
      %dma_start3A_956 = tpu.memref_squeeze %dma_start3A_955 : memref<1x32x1024xf32, #tpu.memory_space<vmem>> -> memref<32x1024xf32, #tpu.memory_space<vmem>>
      %dma_start3A_957 = arith.constant 0 : i32
      %dma_start3A_958 = tpu.memref_slice %arg2[%mul3A_950, %dma_start3A_957] : memref<10000x1024xf32, #tpu.memory_space<hbm>> -> memref<32x1024xf32, #tpu.memory_space<hbm>>
      %dma_start3A_959 = tpu.memref_slice %arg5[%dma_start3A_952] : memref<3x!tpu.dma_semaphore, #tpu.memory_space<semaphore_mem>> -> memref<1x!tpu.dma_semaphore, #tpu.memory_space<semaphore_mem>>
      %dma_start3A_960 = tpu.memref_squeeze %dma_start3A_959 : memref<1x!tpu.dma_semaphore, #tpu.memory_space<semaphore_mem>> -> memref<!tpu.dma_semaphore, #tpu.memory_space<semaphore_mem>>
      %dma_start3A_961 = arith.constant 0 : i32
      %dma_start3A_962 = arith.constant 0 : i32
      %dma_start3A_963 = tpu.memref_slice %arg4[%dma_start3A_951, %dma_start3A_961, %dma_start3A_962] : memref<3x32x1024xf32, #tpu.memory_space<vmem>> -> memref<1x32x1024xf32, #tpu.memory_space<vmem>>
      %dma_start3A_964 = tpu.memref_squeeze %dma_start3A_963 : memref<1x32x1024xf32, #tpu.memory_space<vmem>> -> memref<32x1024xf32, #tpu.memory_space<vmem>>
      %dma_start3A_965 = arith.constant 0 : i32
      %dma_start3A_966 = tpu.memref_slice %arg2[%mul3A_950, %dma_start3A_965] : memref<10000x1024xf32, #tpu.memory_space<hbm>> -> memref<32x1024xf32, #tpu.memory_space<hbm>>
      tpu.enqueue_dma source(%dma_start3A_966 : memref<32x1024xf32, #tpu.memory_space<hbm>>) target(%dma_start3A_964 : memref<32x1024xf32, #tpu.memory_space<vmem>>) target_semaphore(%dma_start3A_960 : memref<!tpu.dma_semaphore, #tpu.memory_space<semaphore_mem>>)
      %add3A_967 = arith.constant 5 : i32
      %add3A_968 = arith.addi %mul3A_2, %add3A_967 : i32
      %mul3A_969 = arith.constant 32 : i32
      %mul3A_970 = arith.muli %add3A_968, %mul3A_969 : i32
      %dma_wait3A_971 = arith.constant 2 : i32
      %dma_wait3A_972 = arith.constant 2 : i32
      %dma_wait3A_973 = arith.constant 0 : i32
      %dma_wait3A_974 = arith.constant 0 : i32
      %dma_wait3A_975 = tpu.memref_slice %arg4[%dma_wait3A_971, %dma_wait3A_973, %dma_wait3A_974] : memref<3x32x1024xf32, #tpu.memory_space<vmem>> -> memref<1x32x1024xf32, #tpu.memory_space<vmem>>
      %dma_wait3A_976 = tpu.memref_squeeze %dma_wait3A_975 : memref<1x32x1024xf32, #tpu.memory_space<vmem>> -> memref<32x1024xf32, #tpu.memory_space<vmem>>
      %dma_wait3A_977 = arith.constant 0 : i32
      %dma_wait3A_978 = tpu.memref_slice %arg2[%mul3A_970, %dma_wait3A_977] : memref<10000x1024xf32, #tpu.memory_space<hbm>> -> memref<32x1024xf32, #tpu.memory_space<hbm>>
      %dma_wait3A_979 = tpu.memref_slice %arg5[%dma_wait3A_972] : memref<3x!tpu.dma_semaphore, #tpu.memory_space<semaphore_mem>> -> memref<1x!tpu.dma_semaphore, #tpu.memory_space<semaphore_mem>>
      %dma_wait3A_980 = tpu.memref_squeeze %dma_wait3A_979 : memref<1x!tpu.dma_semaphore, #tpu.memory_space<semaphore_mem>> -> memref<!tpu.dma_semaphore, #tpu.memory_space<semaphore_mem>>
      %dma_wait3A_981 = arith.constant 0 : i32
      %dma_wait3A_982 = arith.constant 0 : i32
      %dma_wait3A_983 = tpu.memref_slice %arg4[%dma_wait3A_971, %dma_wait3A_981, %dma_wait3A_982] : memref<3x32x1024xf32, #tpu.memory_space<vmem>> -> memref<1x32x1024xf32, #tpu.memory_space<vmem>>
      %dma_wait3A_984 = tpu.memref_squeeze %dma_wait3A_983 : memref<1x32x1024xf32, #tpu.memory_space<vmem>> -> memref<32x1024xf32, #tpu.memory_space<vmem>>
      %dma_wait3A_985 = arith.constant 0 : i32
      %dma_wait3A_986 = tpu.memref_slice %arg2[%mul3A_970, %dma_wait3A_985] : memref<10000x1024xf32, #tpu.memory_space<hbm>> -> memref<32x1024xf32, #tpu.memory_space<hbm>>
      tpu.wait_dma2 semaphore(%dma_wait3A_980 : memref<!tpu.dma_semaphore, #tpu.memory_space<semaphore_mem>>) src(%dma_wait3A_986 : memref<32x1024xf32, #tpu.memory_space<hbm>>) dst(%dma_wait3A_984 : memref<32x1024xf32, #tpu.memory_space<vmem>>)
      %add3A_987 = arith.constant 5 : i32
      %add3A_988 = arith.addi %mul3A_2, %add3A_987 : i32
      %mul3A_989 = arith.constant 32 : i32
      %mul3A_990 = arith.muli %add3A_988, %mul3A_989 : i32
      %dma_start3A_991 = arith.constant 2 : i32
      %dma_start3A_992 = arith.constant 0 : i32
      %dma_start3A_993 = arith.constant 2 : i32
      %dma_start3A_994 = arith.constant 0 : i32
      %dma_start3A_995 = arith.constant 0 : i32
      %dma_start3A_996 = tpu.memref_slice %arg4[%dma_start3A_991, %dma_start3A_994, %dma_start3A_995] : memref<3x32x1024xf32, #tpu.memory_space<vmem>> -> memref<1x32x1024xf32, #tpu.memory_space<vmem>>
      %dma_start3A_997 = tpu.memref_squeeze %dma_start3A_996 : memref<1x32x1024xf32, #tpu.memory_space<vmem>> -> memref<32x1024xf32, #tpu.memory_space<vmem>>
      %dma_start3A_998 = arith.constant 0 : i32
      %dma_start3A_999 = tpu.memref_slice %arg3[%dma_start3A_992, %mul3A_990, %dma_start3A_998] : memref<4x8191x1024xf32, #tpu.memory_space<hbm>> -> memref<1x32x1024xf32, #tpu.memory_space<hbm>>
      %dma_start3A_1000 = tpu.memref_squeeze %dma_start3A_999 : memref<1x32x1024xf32, #tpu.memory_space<hbm>> -> memref<32x1024xf32, #tpu.memory_space<hbm>>
      %dma_start3A_1001 = tpu.memref_slice %arg6[%dma_start3A_993] : memref<3x!tpu.dma_semaphore, #tpu.memory_space<semaphore_mem>> -> memref<1x!tpu.dma_semaphore, #tpu.memory_space<semaphore_mem>>
      %dma_start3A_1002 = tpu.memref_squeeze %dma_start3A_1001 : memref<1x!tpu.dma_semaphore, #tpu.memory_space<semaphore_mem>> -> memref<!tpu.dma_semaphore, #tpu.memory_space<semaphore_mem>>
      %dma_start3A_1003 = arith.constant 0 : i32
      %dma_start3A_1004 = tpu.memref_slice %arg3[%dma_start3A_992, %mul3A_990, %dma_start3A_1003] : memref<4x8191x1024xf32, #tpu.memory_space<hbm>> -> memref<1x32x1024xf32, #tpu.memory_space<hbm>>
      %dma_start3A_1005 = tpu.memref_squeeze %dma_start3A_1004 : memref<1x32x1024xf32, #tpu.memory_space<hbm>> -> memref<32x1024xf32, #tpu.memory_space<hbm>>
      %dma_start3A_1006 = arith.constant 0 : i32
      %dma_start3A_1007 = arith.constant 0 : i32
      %dma_start3A_1008 = tpu.memref_slice %arg4[%dma_start3A_991, %dma_start3A_1006, %dma_start3A_1007] : memref<3x32x1024xf32, #tpu.memory_space<vmem>> -> memref<1x32x1024xf32, #tpu.memory_space<vmem>>
      %dma_start3A_1009 = tpu.memref_squeeze %dma_start3A_1008 : memref<1x32x1024xf32, #tpu.memory_space<vmem>> -> memref<32x1024xf32, #tpu.memory_space<vmem>>
      tpu.enqueue_dma source(%dma_start3A_1009 : memref<32x1024xf32, #tpu.memory_space<vmem>>) target(%dma_start3A_1005 : memref<32x1024xf32, #tpu.memory_space<hbm>>) target_semaphore(%dma_start3A_1002 : memref<!tpu.dma_semaphore, #tpu.memory_space<semaphore_mem>>)
      %dma_start3A_1010 = arith.constant 2 : i32
      %dma_start3A_1011 = arith.constant 1 : i32
      %dma_start3A_1012 = arith.constant 2 : i32
      %dma_start3A_1013 = arith.constant 0 : i32
      %dma_start3A_1014 = arith.constant 0 : i32
      %dma_start3A_1015 = tpu.memref_slice %arg4[%dma_start3A_1010, %dma_start3A_1013, %dma_start3A_1014] : memref<3x32x1024xf32, #tpu.memory_space<vmem>> -> memref<1x32x1024xf32, #tpu.memory_space<vmem>>
      %dma_start3A_1016 = tpu.memref_squeeze %dma_start3A_1015 : memref<1x32x1024xf32, #tpu.memory_space<vmem>> -> memref<32x1024xf32, #tpu.memory_space<vmem>>
      %dma_start3A_1017 = arith.constant 0 : i32
      %dma_start3A_1018 = tpu.memref_slice %arg3[%dma_start3A_1011, %mul3A_990, %dma_start3A_1017] : memref<4x8191x1024xf32, #tpu.memory_space<hbm>> -> memref<1x32x1024xf32, #tpu.memory_space<hbm>>
      %dma_start3A_1019 = tpu.memref_squeeze %dma_start3A_1018 : memref<1x32x1024xf32, #tpu.memory_space<hbm>> -> memref<32x1024xf32, #tpu.memory_space<hbm>>
      %dma_start3A_1020 = tpu.memref_slice %arg6[%dma_start3A_1012] : memref<3x!tpu.dma_semaphore, #tpu.memory_space<semaphore_mem>> -> memref<1x!tpu.dma_semaphore, #tpu.memory_space<semaphore_mem>>
      %dma_start3A_1021 = tpu.memref_squeeze %dma_start3A_1020 : memref<1x!tpu.dma_semaphore, #tpu.memory_space<semaphore_mem>> -> memref<!tpu.dma_semaphore, #tpu.memory_space<semaphore_mem>>
      %dma_start3A_1022 = arith.constant 0 : i32
      %dma_start3A_1023 = tpu.memref_slice %arg3[%dma_start3A_1011, %mul3A_990, %dma_start3A_1022] : memref<4x8191x1024xf32, #tpu.memory_space<hbm>> -> memref<1x32x1024xf32, #tpu.memory_space<hbm>>
      %dma_start3A_1024 = tpu.memref_squeeze %dma_start3A_1023 : memref<1x32x1024xf32, #tpu.memory_space<hbm>> -> memref<32x1024xf32, #tpu.memory_space<hbm>>
      %dma_start3A_1025 = arith.constant 0 : i32
      %dma_start3A_1026 = arith.constant 0 : i32
      %dma_start3A_1027 = tpu.memref_slice %arg4[%dma_start3A_1010, %dma_start3A_1025, %dma_start3A_1026] : memref<3x32x1024xf32, #tpu.memory_space<vmem>> -> memref<1x32x1024xf32, #tpu.memory_space<vmem>>
      %dma_start3A_1028 = tpu.memref_squeeze %dma_start3A_1027 : memref<1x32x1024xf32, #tpu.memory_space<vmem>> -> memref<32x1024xf32, #tpu.memory_space<vmem>>
      tpu.enqueue_dma source(%dma_start3A_1028 : memref<32x1024xf32, #tpu.memory_space<vmem>>) target(%dma_start3A_1024 : memref<32x1024xf32, #tpu.memory_space<hbm>>) target_semaphore(%dma_start3A_1021 : memref<!tpu.dma_semaphore, #tpu.memory_space<semaphore_mem>>)
      %dma_start3A_1029 = arith.constant 2 : i32
      %dma_start3A_1030 = arith.constant 2 : i32
      %dma_start3A_1031 = arith.constant 2 : i32
      %dma_start3A_1032 = arith.constant 0 : i32
      %dma_start3A_1033 = arith.constant 0 : i32
      %dma_start3A_1034 = tpu.memref_slice %arg4[%dma_start3A_1029, %dma_start3A_1032, %dma_start3A_1033] : memref<3x32x1024xf32, #tpu.memory_space<vmem>> -> memref<1x32x1024xf32, #tpu.memory_space<vmem>>
      %dma_start3A_1035 = tpu.memref_squeeze %dma_start3A_1034 : memref<1x32x1024xf32, #tpu.memory_space<vmem>> -> memref<32x1024xf32, #tpu.memory_space<vmem>>
      %dma_start3A_1036 = arith.constant 0 : i32
      %dma_start3A_1037 = tpu.memref_slice %arg3[%dma_start3A_1030, %mul3A_990, %dma_start3A_1036] : memref<4x8191x1024xf32, #tpu.memory_space<hbm>> -> memref<1x32x1024xf32, #tpu.memory_space<hbm>>
      %dma_start3A_1038 = tpu.memref_squeeze %dma_start3A_1037 : memref<1x32x1024xf32, #tpu.memory_space<hbm>> -> memref<32x1024xf32, #tpu.memory_space<hbm>>
      %dma_start3A_1039 = tpu.memref_slice %arg6[%dma_start3A_1031] : memref<3x!tpu.dma_semaphore, #tpu.memory_space<semaphore_mem>> -> memref<1x!tpu.dma_semaphore, #tpu.memory_space<semaphore_mem>>
      %dma_start3A_1040 = tpu.memref_squeeze %dma_start3A_1039 : memref<1x!tpu.dma_semaphore, #tpu.memory_space<semaphore_mem>> -> memref<!tpu.dma_semaphore, #tpu.memory_space<semaphore_mem>>
      %dma_start3A_1041 = arith.constant 0 : i32
      %dma_start3A_1042 = tpu.memref_slice %arg3[%dma_start3A_1030, %mul3A_990, %dma_start3A_1041] : memref<4x8191x1024xf32, #tpu.memory_space<hbm>> -> memref<1x32x1024xf32, #tpu.memory_space<hbm>>
      %dma_start3A_1043 = tpu.memref_squeeze %dma_start3A_1042 : memref<1x32x1024xf32, #tpu.memory_space<hbm>> -> memref<32x1024xf32, #tpu.memory_space<hbm>>
      %dma_start3A_1044 = arith.constant 0 : i32
      %dma_start3A_1045 = arith.constant 0 : i32
      %dma_start3A_1046 = tpu.memref_slice %arg4[%dma_start3A_1029, %dma_start3A_1044, %dma_start3A_1045] : memref<3x32x1024xf32, #tpu.memory_space<vmem>> -> memref<1x32x1024xf32, #tpu.memory_space<vmem>>
      %dma_start3A_1047 = tpu.memref_squeeze %dma_start3A_1046 : memref<1x32x1024xf32, #tpu.memory_space<vmem>> -> memref<32x1024xf32, #tpu.memory_space<vmem>>
      tpu.enqueue_dma source(%dma_start3A_1047 : memref<32x1024xf32, #tpu.memory_space<vmem>>) target(%dma_start3A_1043 : memref<32x1024xf32, #tpu.memory_space<hbm>>) target_semaphore(%dma_start3A_1040 : memref<!tpu.dma_semaphore, #tpu.memory_space<semaphore_mem>>)
      %dma_start3A_1048 = arith.constant 2 : i32
      %dma_start3A_1049 = arith.constant 3 : i32
      %dma_start3A_1050 = arith.constant 2 : i32
      %dma_start3A_1051 = arith.constant 0 : i32
      %dma_start3A_1052 = arith.constant 0 : i32
      %dma_start3A_1053 = tpu.memref_slice %arg4[%dma_start3A_1048, %dma_start3A_1051, %dma_start3A_1052] : memref<3x32x1024xf32, #tpu.memory_space<vmem>> -> memref<1x32x1024xf32, #tpu.memory_space<vmem>>
      %dma_start3A_1054 = tpu.memref_squeeze %dma_start3A_1053 : memref<1x32x1024xf32, #tpu.memory_space<vmem>> -> memref<32x1024xf32, #tpu.memory_space<vmem>>
      %dma_start3A_1055 = arith.constant 0 : i32
      %dma_start3A_1056 = tpu.memref_slice %arg3[%dma_start3A_1049, %mul3A_990, %dma_start3A_1055] : memref<4x8191x1024xf32, #tpu.memory_space<hbm>> -> memref<1x32x1024xf32, #tpu.memory_space<hbm>>
      %dma_start3A_1057 = tpu.memref_squeeze %dma_start3A_1056 : memref<1x32x1024xf32, #tpu.memory_space<hbm>> -> memref<32x1024xf32, #tpu.memory_space<hbm>>
      %dma_start3A_1058 = tpu.memref_slice %arg6[%dma_start3A_1050] : memref<3x!tpu.dma_semaphore, #tpu.memory_space<semaphore_mem>> -> memref<1x!tpu.dma_semaphore, #tpu.memory_space<semaphore_mem>>
      %dma_start3A_1059 = tpu.memref_squeeze %dma_start3A_1058 : memref<1x!tpu.dma_semaphore, #tpu.memory_space<semaphore_mem>> -> memref<!tpu.dma_semaphore, #tpu.memory_space<semaphore_mem>>
      %dma_start3A_1060 = arith.constant 0 : i32
      %dma_start3A_1061 = tpu.memref_slice %arg3[%dma_start3A_1049, %mul3A_990, %dma_start3A_1060] : memref<4x8191x1024xf32, #tpu.memory_space<hbm>> -> memref<1x32x1024xf32, #tpu.memory_space<hbm>>
      %dma_start3A_1062 = tpu.memref_squeeze %dma_start3A_1061 : memref<1x32x1024xf32, #tpu.memory_space<hbm>> -> memref<32x1024xf32, #tpu.memory_space<hbm>>
      %dma_start3A_1063 = arith.constant 0 : i32
      %dma_start3A_1064 = arith.constant 0 : i32
      %dma_start3A_1065 = tpu.memref_slice %arg4[%dma_start3A_1048, %dma_start3A_1063, %dma_start3A_1064] : memref<3x32x1024xf32, #tpu.memory_space<vmem>> -> memref<1x32x1024xf32, #tpu.memory_space<vmem>>
      %dma_start3A_1066 = tpu.memref_squeeze %dma_start3A_1065 : memref<1x32x1024xf32, #tpu.memory_space<vmem>> -> memref<32x1024xf32, #tpu.memory_space<vmem>>
      tpu.enqueue_dma source(%dma_start3A_1066 : memref<32x1024xf32, #tpu.memory_space<vmem>>) target(%dma_start3A_1062 : memref<32x1024xf32, #tpu.memory_space<hbm>>) target_semaphore(%dma_start3A_1059 : memref<!tpu.dma_semaphore, #tpu.memory_space<semaphore_mem>>)
      %add3A_1067 = arith.constant 4 : i32
      %add3A_1068 = arith.addi %mul3A_2, %add3A_1067 : i32
      %mul3A_1069 = arith.constant 32 : i32
      %mul3A_1070 = arith.muli %add3A_1068, %mul3A_1069 : i32
      %dma_wait3A_1071 = arith.constant 1 : i32
      %dma_wait3A_1072 = arith.constant 0 : i32
      %dma_wait3A_1073 = arith.constant 1 : i32
      %dma_wait3A_1074 = arith.constant 0 : i32
      %dma_wait3A_1075 = arith.constant 0 : i32
      %dma_wait3A_1076 = tpu.memref_slice %arg4[%dma_wait3A_1071, %dma_wait3A_1074, %dma_wait3A_1075] : memref<3x32x1024xf32, #tpu.memory_space<vmem>> -> memref<1x32x1024xf32, #tpu.memory_space<vmem>>
      %dma_wait3A_1077 = tpu.memref_squeeze %dma_wait3A_1076 : memref<1x32x1024xf32, #tpu.memory_space<vmem>> -> memref<32x1024xf32, #tpu.memory_space<vmem>>
      %dma_wait3A_1078 = arith.constant 0 : i32
      %dma_wait3A_1079 = tpu.memref_slice %arg3[%dma_wait3A_1072, %mul3A_1070, %dma_wait3A_1078] : memref<4x8191x1024xf32, #tpu.memory_space<hbm>> -> memref<1x32x1024xf32, #tpu.memory_space<hbm>>
      %dma_wait3A_1080 = tpu.memref_squeeze %dma_wait3A_1079 : memref<1x32x1024xf32, #tpu.memory_space<hbm>> -> memref<32x1024xf32, #tpu.memory_space<hbm>>
      %dma_wait3A_1081 = tpu.memref_slice %arg6[%dma_wait3A_1073] : memref<3x!tpu.dma_semaphore, #tpu.memory_space<semaphore_mem>> -> memref<1x!tpu.dma_semaphore, #tpu.memory_space<semaphore_mem>>
      %dma_wait3A_1082 = tpu.memref_squeeze %dma_wait3A_1081 : memref<1x!tpu.dma_semaphore, #tpu.memory_space<semaphore_mem>> -> memref<!tpu.dma_semaphore, #tpu.memory_space<semaphore_mem>>
      %dma_wait3A_1083 = arith.constant 0 : i32
      %dma_wait3A_1084 = tpu.memref_slice %arg3[%dma_wait3A_1072, %mul3A_1070, %dma_wait3A_1083] : memref<4x8191x1024xf32, #tpu.memory_space<hbm>> -> memref<1x32x1024xf32, #tpu.memory_space<hbm>>
      %dma_wait3A_1085 = tpu.memref_squeeze %dma_wait3A_1084 : memref<1x32x1024xf32, #tpu.memory_space<hbm>> -> memref<32x1024xf32, #tpu.memory_space<hbm>>
      %dma_wait3A_1086 = arith.constant 0 : i32
      %dma_wait3A_1087 = arith.constant 0 : i32
      %dma_wait3A_1088 = tpu.memref_slice %arg4[%dma_wait3A_1071, %dma_wait3A_1086, %dma_wait3A_1087] : memref<3x32x1024xf32, #tpu.memory_space<vmem>> -> memref<1x32x1024xf32, #tpu.memory_space<vmem>>
      %dma_wait3A_1089 = tpu.memref_squeeze %dma_wait3A_1088 : memref<1x32x1024xf32, #tpu.memory_space<vmem>> -> memref<32x1024xf32, #tpu.memory_space<vmem>>
      tpu.wait_dma2 semaphore(%dma_wait3A_1082 : memref<!tpu.dma_semaphore, #tpu.memory_space<semaphore_mem>>) src(%dma_wait3A_1089 : memref<32x1024xf32, #tpu.memory_space<vmem>>) dst(%dma_wait3A_1085 : memref<32x1024xf32, #tpu.memory_space<hbm>>)
      %dma_wait3A_1090 = arith.constant 1 : i32
      %dma_wait3A_1091 = arith.constant 1 : i32
      %dma_wait3A_1092 = arith.constant 1 : i32
      %dma_wait3A_1093 = arith.constant 0 : i32
      %dma_wait3A_1094 = arith.constant 0 : i32
      %dma_wait3A_1095 = tpu.memref_slice %arg4[%dma_wait3A_1090, %dma_wait3A_1093, %dma_wait3A_1094] : memref<3x32x1024xf32, #tpu.memory_space<vmem>> -> memref<1x32x1024xf32, #tpu.memory_space<vmem>>
      %dma_wait3A_1096 = tpu.memref_squeeze %dma_wait3A_1095 : memref<1x32x1024xf32, #tpu.memory_space<vmem>> -> memref<32x1024xf32, #tpu.memory_space<vmem>>
      %dma_wait3A_1097 = arith.constant 0 : i32
      %dma_wait3A_1098 = tpu.memref_slice %arg3[%dma_wait3A_1091, %mul3A_1070, %dma_wait3A_1097] : memref<4x8191x1024xf32, #tpu.memory_space<hbm>> -> memref<1x32x1024xf32, #tpu.memory_space<hbm>>
      %dma_wait3A_1099 = tpu.memref_squeeze %dma_wait3A_1098 : memref<1x32x1024xf32, #tpu.memory_space<hbm>> -> memref<32x1024xf32, #tpu.memory_space<hbm>>
      %dma_wait3A_1100 = tpu.memref_slice %arg6[%dma_wait3A_1092] : memref<3x!tpu.dma_semaphore, #tpu.memory_space<semaphore_mem>> -> memref<1x!tpu.dma_semaphore, #tpu.memory_space<semaphore_mem>>
      %dma_wait3A_1101 = tpu.memref_squeeze %dma_wait3A_1100 : memref<1x!tpu.dma_semaphore, #tpu.memory_space<semaphore_mem>> -> memref<!tpu.dma_semaphore, #tpu.memory_space<semaphore_mem>>
      %dma_wait3A_1102 = arith.constant 0 : i32
      %dma_wait3A_1103 = tpu.memref_slice %arg3[%dma_wait3A_1091, %mul3A_1070, %dma_wait3A_1102] : memref<4x8191x1024xf32, #tpu.memory_space<hbm>> -> memref<1x32x1024xf32, #tpu.memory_space<hbm>>
      %dma_wait3A_1104 = tpu.memref_squeeze %dma_wait3A_1103 : memref<1x32x1024xf32, #tpu.memory_space<hbm>> -> memref<32x1024xf32, #tpu.memory_space<hbm>>
      %dma_wait3A_1105 = arith.constant 0 : i32
      %dma_wait3A_1106 = arith.constant 0 : i32
      %dma_wait3A_1107 = tpu.memref_slice %arg4[%dma_wait3A_1090, %dma_wait3A_1105, %dma_wait3A_1106] : memref<3x32x1024xf32, #tpu.memory_space<vmem>> -> memref<1x32x1024xf32, #tpu.memory_space<vmem>>
      %dma_wait3A_1108 = tpu.memref_squeeze %dma_wait3A_1107 : memref<1x32x1024xf32, #tpu.memory_space<vmem>> -> memref<32x1024xf32, #tpu.memory_space<vmem>>
      tpu.wait_dma2 semaphore(%dma_wait3A_1101 : memref<!tpu.dma_semaphore, #tpu.memory_space<semaphore_mem>>) src(%dma_wait3A_1108 : memref<32x1024xf32, #tpu.memory_space<vmem>>) dst(%dma_wait3A_1104 : memref<32x1024xf32, #tpu.memory_space<hbm>>)
      %dma_wait3A_1109 = arith.constant 1 : i32
      %dma_wait3A_1110 = arith.constant 2 : i32
      %dma_wait3A_1111 = arith.constant 1 : i32
      %dma_wait3A_1112 = arith.constant 0 : i32
      %dma_wait3A_1113 = arith.constant 0 : i32
      %dma_wait3A_1114 = tpu.memref_slice %arg4[%dma_wait3A_1109, %dma_wait3A_1112, %dma_wait3A_1113] : memref<3x32x1024xf32, #tpu.memory_space<vmem>> -> memref<1x32x1024xf32, #tpu.memory_space<vmem>>
      %dma_wait3A_1115 = tpu.memref_squeeze %dma_wait3A_1114 : memref<1x32x1024xf32, #tpu.memory_space<vmem>> -> memref<32x1024xf32, #tpu.memory_space<vmem>>
      %dma_wait3A_1116 = arith.constant 0 : i32
      %dma_wait3A_1117 = tpu.memref_slice %arg3[%dma_wait3A_1110, %mul3A_1070, %dma_wait3A_1116] : memref<4x8191x1024xf32, #tpu.memory_space<hbm>> -> memref<1x32x1024xf32, #tpu.memory_space<hbm>>
      %dma_wait3A_1118 = tpu.memref_squeeze %dma_wait3A_1117 : memref<1x32x1024xf32, #tpu.memory_space<hbm>> -> memref<32x1024xf32, #tpu.memory_space<hbm>>
      %dma_wait3A_1119 = tpu.memref_slice %arg6[%dma_wait3A_1111] : memref<3x!tpu.dma_semaphore, #tpu.memory_space<semaphore_mem>> -> memref<1x!tpu.dma_semaphore, #tpu.memory_space<semaphore_mem>>
      %dma_wait3A_1120 = tpu.memref_squeeze %dma_wait3A_1119 : memref<1x!tpu.dma_semaphore, #tpu.memory_space<semaphore_mem>> -> memref<!tpu.dma_semaphore, #tpu.memory_space<semaphore_mem>>
      %dma_wait3A_1121 = arith.constant 0 : i32
      %dma_wait3A_1122 = tpu.memref_slice %arg3[%dma_wait3A_1110, %mul3A_1070, %dma_wait3A_1121] : memref<4x8191x1024xf32, #tpu.memory_space<hbm>> -> memref<1x32x1024xf32, #tpu.memory_space<hbm>>
      %dma_wait3A_1123 = tpu.memref_squeeze %dma_wait3A_1122 : memref<1x32x1024xf32, #tpu.memory_space<hbm>> -> memref<32x1024xf32, #tpu.memory_space<hbm>>
      %dma_wait3A_1124 = arith.constant 0 : i32
      %dma_wait3A_1125 = arith.constant 0 : i32
      %dma_wait3A_1126 = tpu.memref_slice %arg4[%dma_wait3A_1109, %dma_wait3A_1124, %dma_wait3A_1125] : memref<3x32x1024xf32, #tpu.memory_space<vmem>> -> memref<1x32x1024xf32, #tpu.memory_space<vmem>>
      %dma_wait3A_1127 = tpu.memref_squeeze %dma_wait3A_1126 : memref<1x32x1024xf32, #tpu.memory_space<vmem>> -> memref<32x1024xf32, #tpu.memory_space<vmem>>
      tpu.wait_dma2 semaphore(%dma_wait3A_1120 : memref<!tpu.dma_semaphore, #tpu.memory_space<semaphore_mem>>) src(%dma_wait3A_1127 : memref<32x1024xf32, #tpu.memory_space<vmem>>) dst(%dma_wait3A_1123 : memref<32x1024xf32, #tpu.memory_space<hbm>>)
      %dma_wait3A_1128 = arith.constant 1 : i32
      %dma_wait3A_1129 = arith.constant 3 : i32
      %dma_wait3A_1130 = arith.constant 1 : i32
      %dma_wait3A_1131 = arith.constant 0 : i32
      %dma_wait3A_1132 = arith.constant 0 : i32
      %dma_wait3A_1133 = tpu.memref_slice %arg4[%dma_wait3A_1128, %dma_wait3A_1131, %dma_wait3A_1132] : memref<3x32x1024xf32, #tpu.memory_space<vmem>> -> memref<1x32x1024xf32, #tpu.memory_space<vmem>>
      %dma_wait3A_1134 = tpu.memref_squeeze %dma_wait3A_1133 : memref<1x32x1024xf32, #tpu.memory_space<vmem>> -> memref<32x1024xf32, #tpu.memory_space<vmem>>
      %dma_wait3A_1135 = arith.constant 0 : i32
      %dma_wait3A_1136 = tpu.memref_slice %arg3[%dma_wait3A_1129, %mul3A_1070, %dma_wait3A_1135] : memref<4x8191x1024xf32, #tpu.memory_space<hbm>> -> memref<1x32x1024xf32, #tpu.memory_space<hbm>>
      %dma_wait3A_1137 = tpu.memref_squeeze %dma_wait3A_1136 : memref<1x32x1024xf32, #tpu.memory_space<hbm>> -> memref<32x1024xf32, #tpu.memory_space<hbm>>
      %dma_wait3A_1138 = tpu.memref_slice %arg6[%dma_wait3A_1130] : memref<3x!tpu.dma_semaphore, #tpu.memory_space<semaphore_mem>> -> memref<1x!tpu.dma_semaphore, #tpu.memory_space<semaphore_mem>>
      %dma_wait3A_1139 = tpu.memref_squeeze %dma_wait3A_1138 : memref<1x!tpu.dma_semaphore, #tpu.memory_space<semaphore_mem>> -> memref<!tpu.dma_semaphore, #tpu.memory_space<semaphore_mem>>
      %dma_wait3A_1140 = arith.constant 0 : i32
      %dma_wait3A_1141 = tpu.memref_slice %arg3[%dma_wait3A_1129, %mul3A_1070, %dma_wait3A_1140] : memref<4x8191x1024xf32, #tpu.memory_space<hbm>> -> memref<1x32x1024xf32, #tpu.memory_space<hbm>>
      %dma_wait3A_1142 = tpu.memref_squeeze %dma_wait3A_1141 : memref<1x32x1024xf32, #tpu.memory_space<hbm>> -> memref<32x1024xf32, #tpu.memory_space<hbm>>
      %dma_wait3A_1143 = arith.constant 0 : i32
      %dma_wait3A_1144 = arith.constant 0 : i32
      %dma_wait3A_1145 = tpu.memref_slice %arg4[%dma_wait3A_1128, %dma_wait3A_1143, %dma_wait3A_1144] : memref<3x32x1024xf32, #tpu.memory_space<vmem>> -> memref<1x32x1024xf32, #tpu.memory_space<vmem>>
      %dma_wait3A_1146 = tpu.memref_squeeze %dma_wait3A_1145 : memref<1x32x1024xf32, #tpu.memory_space<vmem>> -> memref<32x1024xf32, #tpu.memory_space<vmem>>
      tpu.wait_dma2 semaphore(%dma_wait3A_1139 : memref<!tpu.dma_semaphore, #tpu.memory_space<semaphore_mem>>) src(%dma_wait3A_1146 : memref<32x1024xf32, #tpu.memory_space<vmem>>) dst(%dma_wait3A_1142 : memref<32x1024xf32, #tpu.memory_space<hbm>>)
      %add3A_1147 = arith.constant 7 : i32
      %add3A_1148 = arith.addi %mul3A_2, %add3A_1147 : i32
      %mul3A_1149 = arith.constant 32 : i32
      %mul3A_1150 = arith.muli %add3A_1148, %mul3A_1149 : i32
      %dma_start3A_1151 = arith.constant 1 : i32
      %dma_start3A_1152 = arith.constant 1 : i32
      %dma_start3A_1153 = arith.constant 0 : i32
      %dma_start3A_1154 = arith.constant 0 : i32
      %dma_start3A_1155 = tpu.memref_slice %arg4[%dma_start3A_1151, %dma_start3A_1153, %dma_start3A_1154] : memref<3x32x1024xf32, #tpu.memory_space<vmem>> -> memref<1x32x1024xf32, #tpu.memory_space<vmem>>
      %dma_start3A_1156 = tpu.memref_squeeze %dma_start3A_1155 : memref<1x32x1024xf32, #tpu.memory_space<vmem>> -> memref<32x1024xf32, #tpu.memory_space<vmem>>
      %dma_start3A_1157 = arith.constant 0 : i32
      %dma_start3A_1158 = tpu.memref_slice %arg2[%mul3A_1150, %dma_start3A_1157] : memref<10000x1024xf32, #tpu.memory_space<hbm>> -> memref<32x1024xf32, #tpu.memory_space<hbm>>
      %dma_start3A_1159 = tpu.memref_slice %arg5[%dma_start3A_1152] : memref<3x!tpu.dma_semaphore, #tpu.memory_space<semaphore_mem>> -> memref<1x!tpu.dma_semaphore, #tpu.memory_space<semaphore_mem>>
      %dma_start3A_1160 = tpu.memref_squeeze %dma_start3A_1159 : memref<1x!tpu.dma_semaphore, #tpu.memory_space<semaphore_mem>> -> memref<!tpu.dma_semaphore, #tpu.memory_space<semaphore_mem>>
      %dma_start3A_1161 = arith.constant 0 : i32
      %dma_start3A_1162 = arith.constant 0 : i32
      %dma_start3A_1163 = tpu.memref_slice %arg4[%dma_start3A_1151, %dma_start3A_1161, %dma_start3A_1162] : memref<3x32x1024xf32, #tpu.memory_space<vmem>> -> memref<1x32x1024xf32, #tpu.memory_space<vmem>>
      %dma_start3A_1164 = tpu.memref_squeeze %dma_start3A_1163 : memref<1x32x1024xf32, #tpu.memory_space<vmem>> -> memref<32x1024xf32, #tpu.memory_space<vmem>>
      %dma_start3A_1165 = arith.constant 0 : i32
      %dma_start3A_1166 = tpu.memref_slice %arg2[%mul3A_1150, %dma_start3A_1165] : memref<10000x1024xf32, #tpu.memory_space<hbm>> -> memref<32x1024xf32, #tpu.memory_space<hbm>>
      tpu.enqueue_dma source(%dma_start3A_1166 : memref<32x1024xf32, #tpu.memory_space<hbm>>) target(%dma_start3A_1164 : memref<32x1024xf32, #tpu.memory_space<vmem>>) target_semaphore(%dma_start3A_1160 : memref<!tpu.dma_semaphore, #tpu.memory_space<semaphore_mem>>)
      %add3A_1167 = arith.constant 6 : i32
      %add3A_1168 = arith.addi %mul3A_2, %add3A_1167 : i32
      %mul3A_1169 = arith.constant 32 : i32
      %mul3A_1170 = arith.muli %add3A_1168, %mul3A_1169 : i32
      %dma_wait3A_1171 = arith.constant 0 : i32
      %dma_wait3A_1172 = arith.constant 0 : i32
      %dma_wait3A_1173 = arith.constant 0 : i32
      %dma_wait3A_1174 = arith.constant 0 : i32
      %dma_wait3A_1175 = tpu.memref_slice %arg4[%dma_wait3A_1171, %dma_wait3A_1173, %dma_wait3A_1174] : memref<3x32x1024xf32, #tpu.memory_space<vmem>> -> memref<1x32x1024xf32, #tpu.memory_space<vmem>>
      %dma_wait3A_1176 = tpu.memref_squeeze %dma_wait3A_1175 : memref<1x32x1024xf32, #tpu.memory_space<vmem>> -> memref<32x1024xf32, #tpu.memory_space<vmem>>
      %dma_wait3A_1177 = arith.constant 0 : i32
      %dma_wait3A_1178 = tpu.memref_slice %arg2[%mul3A_1170, %dma_wait3A_1177] : memref<10000x1024xf32, #tpu.memory_space<hbm>> -> memref<32x1024xf32, #tpu.memory_space<hbm>>
      %dma_wait3A_1179 = tpu.memref_slice %arg5[%dma_wait3A_1172] : memref<3x!tpu.dma_semaphore, #tpu.memory_space<semaphore_mem>> -> memref<1x!tpu.dma_semaphore, #tpu.memory_space<semaphore_mem>>
      %dma_wait3A_1180 = tpu.memref_squeeze %dma_wait3A_1179 : memref<1x!tpu.dma_semaphore, #tpu.memory_space<semaphore_mem>> -> memref<!tpu.dma_semaphore, #tpu.memory_space<semaphore_mem>>
      %dma_wait3A_1181 = arith.constant 0 : i32
      %dma_wait3A_1182 = arith.constant 0 : i32
      %dma_wait3A_1183 = tpu.memref_slice %arg4[%dma_wait3A_1171, %dma_wait3A_1181, %dma_wait3A_1182] : memref<3x32x1024xf32, #tpu.memory_space<vmem>> -> memref<1x32x1024xf32, #tpu.memory_space<vmem>>
      %dma_wait3A_1184 = tpu.memref_squeeze %dma_wait3A_1183 : memref<1x32x1024xf32, #tpu.memory_space<vmem>> -> memref<32x1024xf32, #tpu.memory_space<vmem>>
      %dma_wait3A_1185 = arith.constant 0 : i32
      %dma_wait3A_1186 = tpu.memref_slice %arg2[%mul3A_1170, %dma_wait3A_1185] : memref<10000x1024xf32, #tpu.memory_space<hbm>> -> memref<32x1024xf32, #tpu.memory_space<hbm>>
      tpu.wait_dma2 semaphore(%dma_wait3A_1180 : memref<!tpu.dma_semaphore, #tpu.memory_space<semaphore_mem>>) src(%dma_wait3A_1186 : memref<32x1024xf32, #tpu.memory_space<hbm>>) dst(%dma_wait3A_1184 : memref<32x1024xf32, #tpu.memory_space<vmem>>)
      %add3A_1187 = arith.constant 6 : i32
      %add3A_1188 = arith.addi %mul3A_2, %add3A_1187 : i32
      %mul3A_1189 = arith.constant 32 : i32
      %mul3A_1190 = arith.muli %add3A_1188, %mul3A_1189 : i32
      %dma_start3A_1191 = arith.constant 0 : i32
      %dma_start3A_1192 = arith.constant 0 : i32
      %dma_start3A_1193 = arith.constant 0 : i32
      %dma_start3A_1194 = arith.constant 0 : i32
      %dma_start3A_1195 = arith.constant 0 : i32
      %dma_start3A_1196 = tpu.memref_slice %arg4[%dma_start3A_1191, %dma_start3A_1194, %dma_start3A_1195] : memref<3x32x1024xf32, #tpu.memory_space<vmem>> -> memref<1x32x1024xf32, #tpu.memory_space<vmem>>
      %dma_start3A_1197 = tpu.memref_squeeze %dma_start3A_1196 : memref<1x32x1024xf32, #tpu.memory_space<vmem>> -> memref<32x1024xf32, #tpu.memory_space<vmem>>
      %dma_start3A_1198 = arith.constant 0 : i32
      %dma_start3A_1199 = tpu.memref_slice %arg3[%dma_start3A_1192, %mul3A_1190, %dma_start3A_1198] : memref<4x8191x1024xf32, #tpu.memory_space<hbm>> -> memref<1x32x1024xf32, #tpu.memory_space<hbm>>
      %dma_start3A_1200 = tpu.memref_squeeze %dma_start3A_1199 : memref<1x32x1024xf32, #tpu.memory_space<hbm>> -> memref<32x1024xf32, #tpu.memory_space<hbm>>
      %dma_start3A_1201 = tpu.memref_slice %arg6[%dma_start3A_1193] : memref<3x!tpu.dma_semaphore, #tpu.memory_space<semaphore_mem>> -> memref<1x!tpu.dma_semaphore, #tpu.memory_space<semaphore_mem>>
      %dma_start3A_1202 = tpu.memref_squeeze %dma_start3A_1201 : memref<1x!tpu.dma_semaphore, #tpu.memory_space<semaphore_mem>> -> memref<!tpu.dma_semaphore, #tpu.memory_space<semaphore_mem>>
      %dma_start3A_1203 = arith.constant 0 : i32
      %dma_start3A_1204 = tpu.memref_slice %arg3[%dma_start3A_1192, %mul3A_1190, %dma_start3A_1203] : memref<4x8191x1024xf32, #tpu.memory_space<hbm>> -> memref<1x32x1024xf32, #tpu.memory_space<hbm>>
      %dma_start3A_1205 = tpu.memref_squeeze %dma_start3A_1204 : memref<1x32x1024xf32, #tpu.memory_space<hbm>> -> memref<32x1024xf32, #tpu.memory_space<hbm>>
      %dma_start3A_1206 = arith.constant 0 : i32
      %dma_start3A_1207 = arith.constant 0 : i32
      %dma_start3A_1208 = tpu.memref_slice %arg4[%dma_start3A_1191, %dma_start3A_1206, %dma_start3A_1207] : memref<3x32x1024xf32, #tpu.memory_space<vmem>> -> memref<1x32x1024xf32, #tpu.memory_space<vmem>>
      %dma_start3A_1209 = tpu.memref_squeeze %dma_start3A_1208 : memref<1x32x1024xf32, #tpu.memory_space<vmem>> -> memref<32x1024xf32, #tpu.memory_space<vmem>>
      tpu.enqueue_dma source(%dma_start3A_1209 : memref<32x1024xf32, #tpu.memory_space<vmem>>) target(%dma_start3A_1205 : memref<32x1024xf32, #tpu.memory_space<hbm>>) target_semaphore(%dma_start3A_1202 : memref<!tpu.dma_semaphore, #tpu.memory_space<semaphore_mem>>)
      %dma_start3A_1210 = arith.constant 0 : i32
      %dma_start3A_1211 = arith.constant 1 : i32
      %dma_start3A_1212 = arith.constant 0 : i32
      %dma_start3A_1213 = arith.constant 0 : i32
      %dma_start3A_1214 = arith.constant 0 : i32
      %dma_start3A_1215 = tpu.memref_slice %arg4[%dma_start3A_1210, %dma_start3A_1213, %dma_start3A_1214] : memref<3x32x1024xf32, #tpu.memory_space<vmem>> -> memref<1x32x1024xf32, #tpu.memory_space<vmem>>
      %dma_start3A_1216 = tpu.memref_squeeze %dma_start3A_1215 : memref<1x32x1024xf32, #tpu.memory_space<vmem>> -> memref<32x1024xf32, #tpu.memory_space<vmem>>
      %dma_start3A_1217 = arith.constant 0 : i32
      %dma_start3A_1218 = tpu.memref_slice %arg3[%dma_start3A_1211, %mul3A_1190, %dma_start3A_1217] : memref<4x8191x1024xf32, #tpu.memory_space<hbm>> -> memref<1x32x1024xf32, #tpu.memory_space<hbm>>
      %dma_start3A_1219 = tpu.memref_squeeze %dma_start3A_1218 : memref<1x32x1024xf32, #tpu.memory_space<hbm>> -> memref<32x1024xf32, #tpu.memory_space<hbm>>
      %dma_start3A_1220 = tpu.memref_slice %arg6[%dma_start3A_1212] : memref<3x!tpu.dma_semaphore, #tpu.memory_space<semaphore_mem>> -> memref<1x!tpu.dma_semaphore, #tpu.memory_space<semaphore_mem>>
      %dma_start3A_1221 = tpu.memref_squeeze %dma_start3A_1220 : memref<1x!tpu.dma_semaphore, #tpu.memory_space<semaphore_mem>> -> memref<!tpu.dma_semaphore, #tpu.memory_space<semaphore_mem>>
      %dma_start3A_1222 = arith.constant 0 : i32
      %dma_start3A_1223 = tpu.memref_slice %arg3[%dma_start3A_1211, %mul3A_1190, %dma_start3A_1222] : memref<4x8191x1024xf32, #tpu.memory_space<hbm>> -> memref<1x32x1024xf32, #tpu.memory_space<hbm>>
      %dma_start3A_1224 = tpu.memref_squeeze %dma_start3A_1223 : memref<1x32x1024xf32, #tpu.memory_space<hbm>> -> memref<32x1024xf32, #tpu.memory_space<hbm>>
      %dma_start3A_1225 = arith.constant 0 : i32
      %dma_start3A_1226 = arith.constant 0 : i32
      %dma_start3A_1227 = tpu.memref_slice %arg4[%dma_start3A_1210, %dma_start3A_1225, %dma_start3A_1226] : memref<3x32x1024xf32, #tpu.memory_space<vmem>> -> memref<1x32x1024xf32, #tpu.memory_space<vmem>>
      %dma_start3A_1228 = tpu.memref_squeeze %dma_start3A_1227 : memref<1x32x1024xf32, #tpu.memory_space<vmem>> -> memref<32x1024xf32, #tpu.memory_space<vmem>>
      tpu.enqueue_dma source(%dma_start3A_1228 : memref<32x1024xf32, #tpu.memory_space<vmem>>) target(%dma_start3A_1224 : memref<32x1024xf32, #tpu.memory_space<hbm>>) target_semaphore(%dma_start3A_1221 : memref<!tpu.dma_semaphore, #tpu.memory_space<semaphore_mem>>)
      %dma_start3A_1229 = arith.constant 0 : i32
      %dma_start3A_1230 = arith.constant 2 : i32
      %dma_start3A_1231 = arith.constant 0 : i32
      %dma_start3A_1232 = arith.constant 0 : i32
      %dma_start3A_1233 = arith.constant 0 : i32
      %dma_start3A_1234 = tpu.memref_slice %arg4[%dma_start3A_1229, %dma_start3A_1232, %dma_start3A_1233] : memref<3x32x1024xf32, #tpu.memory_space<vmem>> -> memref<1x32x1024xf32, #tpu.memory_space<vmem>>
      %dma_start3A_1235 = tpu.memref_squeeze %dma_start3A_1234 : memref<1x32x1024xf32, #tpu.memory_space<vmem>> -> memref<32x1024xf32, #tpu.memory_space<vmem>>
      %dma_start3A_1236 = arith.constant 0 : i32
      %dma_start3A_1237 = tpu.memref_slice %arg3[%dma_start3A_1230, %mul3A_1190, %dma_start3A_1236] : memref<4x8191x1024xf32, #tpu.memory_space<hbm>> -> memref<1x32x1024xf32, #tpu.memory_space<hbm>>
      %dma_start3A_1238 = tpu.memref_squeeze %dma_start3A_1237 : memref<1x32x1024xf32, #tpu.memory_space<hbm>> -> memref<32x1024xf32, #tpu.memory_space<hbm>>
      %dma_start3A_1239 = tpu.memref_slice %arg6[%dma_start3A_1231] : memref<3x!tpu.dma_semaphore, #tpu.memory_space<semaphore_mem>> -> memref<1x!tpu.dma_semaphore, #tpu.memory_space<semaphore_mem>>
      %dma_start3A_1240 = tpu.memref_squeeze %dma_start3A_1239 : memref<1x!tpu.dma_semaphore, #tpu.memory_space<semaphore_mem>> -> memref<!tpu.dma_semaphore, #tpu.memory_space<semaphore_mem>>
      %dma_start3A_1241 = arith.constant 0 : i32
      %dma_start3A_1242 = tpu.memref_slice %arg3[%dma_start3A_1230, %mul3A_1190, %dma_start3A_1241] : memref<4x8191x1024xf32, #tpu.memory_space<hbm>> -> memref<1x32x1024xf32, #tpu.memory_space<hbm>>
      %dma_start3A_1243 = tpu.memref_squeeze %dma_start3A_1242 : memref<1x32x1024xf32, #tpu.memory_space<hbm>> -> memref<32x1024xf32, #tpu.memory_space<hbm>>
      %dma_start3A_1244 = arith.constant 0 : i32
      %dma_start3A_1245 = arith.constant 0 : i32
      %dma_start3A_1246 = tpu.memref_slice %arg4[%dma_start3A_1229, %dma_start3A_1244, %dma_start3A_1245] : memref<3x32x1024xf32, #tpu.memory_space<vmem>> -> memref<1x32x1024xf32, #tpu.memory_space<vmem>>
      %dma_start3A_1247 = tpu.memref_squeeze %dma_start3A_1246 : memref<1x32x1024xf32, #tpu.memory_space<vmem>> -> memref<32x1024xf32, #tpu.memory_space<vmem>>
      tpu.enqueue_dma source(%dma_start3A_1247 : memref<32x1024xf32, #tpu.memory_space<vmem>>) target(%dma_start3A_1243 : memref<32x1024xf32, #tpu.memory_space<hbm>>) target_semaphore(%dma_start3A_1240 : memref<!tpu.dma_semaphore, #tpu.memory_space<semaphore_mem>>)
      %dma_start3A_1248 = arith.constant 0 : i32
      %dma_start3A_1249 = arith.constant 3 : i32
      %dma_start3A_1250 = arith.constant 0 : i32
      %dma_start3A_1251 = arith.constant 0 : i32
      %dma_start3A_1252 = arith.constant 0 : i32
      %dma_start3A_1253 = tpu.memref_slice %arg4[%dma_start3A_1248, %dma_start3A_1251, %dma_start3A_1252] : memref<3x32x1024xf32, #tpu.memory_space<vmem>> -> memref<1x32x1024xf32, #tpu.memory_space<vmem>>
      %dma_start3A_1254 = tpu.memref_squeeze %dma_start3A_1253 : memref<1x32x1024xf32, #tpu.memory_space<vmem>> -> memref<32x1024xf32, #tpu.memory_space<vmem>>
      %dma_start3A_1255 = arith.constant 0 : i32
      %dma_start3A_1256 = tpu.memref_slice %arg3[%dma_start3A_1249, %mul3A_1190, %dma_start3A_1255] : memref<4x8191x1024xf32, #tpu.memory_space<hbm>> -> memref<1x32x1024xf32, #tpu.memory_space<hbm>>
      %dma_start3A_1257 = tpu.memref_squeeze %dma_start3A_1256 : memref<1x32x1024xf32, #tpu.memory_space<hbm>> -> memref<32x1024xf32, #tpu.memory_space<hbm>>
      %dma_start3A_1258 = tpu.memref_slice %arg6[%dma_start3A_1250] : memref<3x!tpu.dma_semaphore, #tpu.memory_space<semaphore_mem>> -> memref<1x!tpu.dma_semaphore, #tpu.memory_space<semaphore_mem>>
      %dma_start3A_1259 = tpu.memref_squeeze %dma_start3A_1258 : memref<1x!tpu.dma_semaphore, #tpu.memory_space<semaphore_mem>> -> memref<!tpu.dma_semaphore, #tpu.memory_space<semaphore_mem>>
      %dma_start3A_1260 = arith.constant 0 : i32
      %dma_start3A_1261 = tpu.memref_slice %arg3[%dma_start3A_1249, %mul3A_1190, %dma_start3A_1260] : memref<4x8191x1024xf32, #tpu.memory_space<hbm>> -> memref<1x32x1024xf32, #tpu.memory_space<hbm>>
      %dma_start3A_1262 = tpu.memref_squeeze %dma_start3A_1261 : memref<1x32x1024xf32, #tpu.memory_space<hbm>> -> memref<32x1024xf32, #tpu.memory_space<hbm>>
      %dma_start3A_1263 = arith.constant 0 : i32
      %dma_start3A_1264 = arith.constant 0 : i32
      %dma_start3A_1265 = tpu.memref_slice %arg4[%dma_start3A_1248, %dma_start3A_1263, %dma_start3A_1264] : memref<3x32x1024xf32, #tpu.memory_space<vmem>> -> memref<1x32x1024xf32, #tpu.memory_space<vmem>>
      %dma_start3A_1266 = tpu.memref_squeeze %dma_start3A_1265 : memref<1x32x1024xf32, #tpu.memory_space<vmem>> -> memref<32x1024xf32, #tpu.memory_space<vmem>>
      tpu.enqueue_dma source(%dma_start3A_1266 : memref<32x1024xf32, #tpu.memory_space<vmem>>) target(%dma_start3A_1262 : memref<32x1024xf32, #tpu.memory_space<hbm>>) target_semaphore(%dma_start3A_1259 : memref<!tpu.dma_semaphore, #tpu.memory_space<semaphore_mem>>)
      %add3A_1267 = arith.constant 7 : i32
      %add3A_1268 = arith.addi %mul3A_2, %add3A_1267 : i32
      %mul3A_1269 = arith.constant 32 : i32
      %mul3A_1270 = arith.muli %add3A_1268, %mul3A_1269 : i32
      %dma_wait3A_1271 = arith.constant 1 : i32
      %dma_wait3A_1272 = arith.constant 1 : i32
      %dma_wait3A_1273 = arith.constant 0 : i32
      %dma_wait3A_1274 = arith.constant 0 : i32
      %dma_wait3A_1275 = tpu.memref_slice %arg4[%dma_wait3A_1271, %dma_wait3A_1273, %dma_wait3A_1274] : memref<3x32x1024xf32, #tpu.memory_space<vmem>> -> memref<1x32x1024xf32, #tpu.memory_space<vmem>>
      %dma_wait3A_1276 = tpu.memref_squeeze %dma_wait3A_1275 : memref<1x32x1024xf32, #tpu.memory_space<vmem>> -> memref<32x1024xf32, #tpu.memory_space<vmem>>
      %dma_wait3A_1277 = arith.constant 0 : i32
      %dma_wait3A_1278 = tpu.memref_slice %arg2[%mul3A_1270, %dma_wait3A_1277] : memref<10000x1024xf32, #tpu.memory_space<hbm>> -> memref<32x1024xf32, #tpu.memory_space<hbm>>
      %dma_wait3A_1279 = tpu.memref_slice %arg5[%dma_wait3A_1272] : memref<3x!tpu.dma_semaphore, #tpu.memory_space<semaphore_mem>> -> memref<1x!tpu.dma_semaphore, #tpu.memory_space<semaphore_mem>>
      %dma_wait3A_1280 = tpu.memref_squeeze %dma_wait3A_1279 : memref<1x!tpu.dma_semaphore, #tpu.memory_space<semaphore_mem>> -> memref<!tpu.dma_semaphore, #tpu.memory_space<semaphore_mem>>
      %dma_wait3A_1281 = arith.constant 0 : i32
      %dma_wait3A_1282 = arith.constant 0 : i32
      %dma_wait3A_1283 = tpu.memref_slice %arg4[%dma_wait3A_1271, %dma_wait3A_1281, %dma_wait3A_1282] : memref<3x32x1024xf32, #tpu.memory_space<vmem>> -> memref<1x32x1024xf32, #tpu.memory_space<vmem>>
      %dma_wait3A_1284 = tpu.memref_squeeze %dma_wait3A_1283 : memref<1x32x1024xf32, #tpu.memory_space<vmem>> -> memref<32x1024xf32, #tpu.memory_space<vmem>>
      %dma_wait3A_1285 = arith.constant 0 : i32
      %dma_wait3A_1286 = tpu.memref_slice %arg2[%mul3A_1270, %dma_wait3A_1285] : memref<10000x1024xf32, #tpu.memory_space<hbm>> -> memref<32x1024xf32, #tpu.memory_space<hbm>>
      tpu.wait_dma2 semaphore(%dma_wait3A_1280 : memref<!tpu.dma_semaphore, #tpu.memory_space<semaphore_mem>>) src(%dma_wait3A_1286 : memref<32x1024xf32, #tpu.memory_space<hbm>>) dst(%dma_wait3A_1284 : memref<32x1024xf32, #tpu.memory_space<vmem>>)
      %add3A_1287 = arith.constant 7 : i32
      %add3A_1288 = arith.addi %mul3A_2, %add3A_1287 : i32
      %mul3A_1289 = arith.constant 32 : i32
      %mul3A_1290 = arith.muli %add3A_1288, %mul3A_1289 : i32
      %dma_start3A_1291 = arith.constant 1 : i32
      %dma_start3A_1292 = arith.constant 0 : i32
      %dma_start3A_1293 = arith.constant 1 : i32
      %dma_start3A_1294 = arith.constant 0 : i32
      %dma_start3A_1295 = arith.constant 0 : i32
      %dma_start3A_1296 = tpu.memref_slice %arg4[%dma_start3A_1291, %dma_start3A_1294, %dma_start3A_1295] : memref<3x32x1024xf32, #tpu.memory_space<vmem>> -> memref<1x32x1024xf32, #tpu.memory_space<vmem>>
      %dma_start3A_1297 = tpu.memref_squeeze %dma_start3A_1296 : memref<1x32x1024xf32, #tpu.memory_space<vmem>> -> memref<32x1024xf32, #tpu.memory_space<vmem>>
      %dma_start3A_1298 = arith.constant 0 : i32
      %dma_start3A_1299 = tpu.memref_slice %arg3[%dma_start3A_1292, %mul3A_1290, %dma_start3A_1298] : memref<4x8191x1024xf32, #tpu.memory_space<hbm>> -> memref<1x32x1024xf32, #tpu.memory_space<hbm>>
      %dma_start3A_1300 = tpu.memref_squeeze %dma_start3A_1299 : memref<1x32x1024xf32, #tpu.memory_space<hbm>> -> memref<32x1024xf32, #tpu.memory_space<hbm>>
      %dma_start3A_1301 = tpu.memref_slice %arg6[%dma_start3A_1293] : memref<3x!tpu.dma_semaphore, #tpu.memory_space<semaphore_mem>> -> memref<1x!tpu.dma_semaphore, #tpu.memory_space<semaphore_mem>>
      %dma_start3A_1302 = tpu.memref_squeeze %dma_start3A_1301 : memref<1x!tpu.dma_semaphore, #tpu.memory_space<semaphore_mem>> -> memref<!tpu.dma_semaphore, #tpu.memory_space<semaphore_mem>>
      %dma_start3A_1303 = arith.constant 0 : i32
      %dma_start3A_1304 = tpu.memref_slice %arg3[%dma_start3A_1292, %mul3A_1290, %dma_start3A_1303] : memref<4x8191x1024xf32, #tpu.memory_space<hbm>> -> memref<1x32x1024xf32, #tpu.memory_space<hbm>>
      %dma_start3A_1305 = tpu.memref_squeeze %dma_start3A_1304 : memref<1x32x1024xf32, #tpu.memory_space<hbm>> -> memref<32x1024xf32, #tpu.memory_space<hbm>>
      %dma_start3A_1306 = arith.constant 0 : i32
      %dma_start3A_1307 = arith.constant 0 : i32
      %dma_start3A_1308 = tpu.memref_slice %arg4[%dma_start3A_1291, %dma_start3A_1306, %dma_start3A_1307] : memref<3x32x1024xf32, #tpu.memory_space<vmem>> -> memref<1x32x1024xf32, #tpu.memory_space<vmem>>
      %dma_start3A_1309 = tpu.memref_squeeze %dma_start3A_1308 : memref<1x32x1024xf32, #tpu.memory_space<vmem>> -> memref<32x1024xf32, #tpu.memory_space<vmem>>
      tpu.enqueue_dma source(%dma_start3A_1309 : memref<32x1024xf32, #tpu.memory_space<vmem>>) target(%dma_start3A_1305 : memref<32x1024xf32, #tpu.memory_space<hbm>>) target_semaphore(%dma_start3A_1302 : memref<!tpu.dma_semaphore, #tpu.memory_space<semaphore_mem>>)
      %dma_start3A_1310 = arith.constant 1 : i32
      %dma_start3A_1311 = arith.constant 1 : i32
      %dma_start3A_1312 = arith.constant 1 : i32
      %dma_start3A_1313 = arith.constant 0 : i32
      %dma_start3A_1314 = arith.constant 0 : i32
      %dma_start3A_1315 = tpu.memref_slice %arg4[%dma_start3A_1310, %dma_start3A_1313, %dma_start3A_1314] : memref<3x32x1024xf32, #tpu.memory_space<vmem>> -> memref<1x32x1024xf32, #tpu.memory_space<vmem>>
      %dma_start3A_1316 = tpu.memref_squeeze %dma_start3A_1315 : memref<1x32x1024xf32, #tpu.memory_space<vmem>> -> memref<32x1024xf32, #tpu.memory_space<vmem>>
      %dma_start3A_1317 = arith.constant 0 : i32
      %dma_start3A_1318 = tpu.memref_slice %arg3[%dma_start3A_1311, %mul3A_1290, %dma_start3A_1317] : memref<4x8191x1024xf32, #tpu.memory_space<hbm>> -> memref<1x32x1024xf32, #tpu.memory_space<hbm>>
      %dma_start3A_1319 = tpu.memref_squeeze %dma_start3A_1318 : memref<1x32x1024xf32, #tpu.memory_space<hbm>> -> memref<32x1024xf32, #tpu.memory_space<hbm>>
      %dma_start3A_1320 = tpu.memref_slice %arg6[%dma_start3A_1312] : memref<3x!tpu.dma_semaphore, #tpu.memory_space<semaphore_mem>> -> memref<1x!tpu.dma_semaphore, #tpu.memory_space<semaphore_mem>>
      %dma_start3A_1321 = tpu.memref_squeeze %dma_start3A_1320 : memref<1x!tpu.dma_semaphore, #tpu.memory_space<semaphore_mem>> -> memref<!tpu.dma_semaphore, #tpu.memory_space<semaphore_mem>>
      %dma_start3A_1322 = arith.constant 0 : i32
      %dma_start3A_1323 = tpu.memref_slice %arg3[%dma_start3A_1311, %mul3A_1290, %dma_start3A_1322] : memref<4x8191x1024xf32, #tpu.memory_space<hbm>> -> memref<1x32x1024xf32, #tpu.memory_space<hbm>>
      %dma_start3A_1324 = tpu.memref_squeeze %dma_start3A_1323 : memref<1x32x1024xf32, #tpu.memory_space<hbm>> -> memref<32x1024xf32, #tpu.memory_space<hbm>>
      %dma_start3A_1325 = arith.constant 0 : i32
      %dma_start3A_1326 = arith.constant 0 : i32
      %dma_start3A_1327 = tpu.memref_slice %arg4[%dma_start3A_1310, %dma_start3A_1325, %dma_start3A_1326] : memref<3x32x1024xf32, #tpu.memory_space<vmem>> -> memref<1x32x1024xf32, #tpu.memory_space<vmem>>
      %dma_start3A_1328 = tpu.memref_squeeze %dma_start3A_1327 : memref<1x32x1024xf32, #tpu.memory_space<vmem>> -> memref<32x1024xf32, #tpu.memory_space<vmem>>
      tpu.enqueue_dma source(%dma_start3A_1328 : memref<32x1024xf32, #tpu.memory_space<vmem>>) target(%dma_start3A_1324 : memref<32x1024xf32, #tpu.memory_space<hbm>>) target_semaphore(%dma_start3A_1321 : memref<!tpu.dma_semaphore, #tpu.memory_space<semaphore_mem>>)
      %dma_start3A_1329 = arith.constant 1 : i32
      %dma_start3A_1330 = arith.constant 2 : i32
      %dma_start3A_1331 = arith.constant 1 : i32
      %dma_start3A_1332 = arith.constant 0 : i32
      %dma_start3A_1333 = arith.constant 0 : i32
      %dma_start3A_1334 = tpu.memref_slice %arg4[%dma_start3A_1329, %dma_start3A_1332, %dma_start3A_1333] : memref<3x32x1024xf32, #tpu.memory_space<vmem>> -> memref<1x32x1024xf32, #tpu.memory_space<vmem>>
      %dma_start3A_1335 = tpu.memref_squeeze %dma_start3A_1334 : memref<1x32x1024xf32, #tpu.memory_space<vmem>> -> memref<32x1024xf32, #tpu.memory_space<vmem>>
      %dma_start3A_1336 = arith.constant 0 : i32
      %dma_start3A_1337 = tpu.memref_slice %arg3[%dma_start3A_1330, %mul3A_1290, %dma_start3A_1336] : memref<4x8191x1024xf32, #tpu.memory_space<hbm>> -> memref<1x32x1024xf32, #tpu.memory_space<hbm>>
      %dma_start3A_1338 = tpu.memref_squeeze %dma_start3A_1337 : memref<1x32x1024xf32, #tpu.memory_space<hbm>> -> memref<32x1024xf32, #tpu.memory_space<hbm>>
      %dma_start3A_1339 = tpu.memref_slice %arg6[%dma_start3A_1331] : memref<3x!tpu.dma_semaphore, #tpu.memory_space<semaphore_mem>> -> memref<1x!tpu.dma_semaphore, #tpu.memory_space<semaphore_mem>>
      %dma_start3A_1340 = tpu.memref_squeeze %dma_start3A_1339 : memref<1x!tpu.dma_semaphore, #tpu.memory_space<semaphore_mem>> -> memref<!tpu.dma_semaphore, #tpu.memory_space<semaphore_mem>>
      %dma_start3A_1341 = arith.constant 0 : i32
      %dma_start3A_1342 = tpu.memref_slice %arg3[%dma_start3A_1330, %mul3A_1290, %dma_start3A_1341] : memref<4x8191x1024xf32, #tpu.memory_space<hbm>> -> memref<1x32x1024xf32, #tpu.memory_space<hbm>>
      %dma_start3A_1343 = tpu.memref_squeeze %dma_start3A_1342 : memref<1x32x1024xf32, #tpu.memory_space<hbm>> -> memref<32x1024xf32, #tpu.memory_space<hbm>>
      %dma_start3A_1344 = arith.constant 0 : i32
      %dma_start3A_1345 = arith.constant 0 : i32
      %dma_start3A_1346 = tpu.memref_slice %arg4[%dma_start3A_1329, %dma_start3A_1344, %dma_start3A_1345] : memref<3x32x1024xf32, #tpu.memory_space<vmem>> -> memref<1x32x1024xf32, #tpu.memory_space<vmem>>
      %dma_start3A_1347 = tpu.memref_squeeze %dma_start3A_1346 : memref<1x32x1024xf32, #tpu.memory_space<vmem>> -> memref<32x1024xf32, #tpu.memory_space<vmem>>
      tpu.enqueue_dma source(%dma_start3A_1347 : memref<32x1024xf32, #tpu.memory_space<vmem>>) target(%dma_start3A_1343 : memref<32x1024xf32, #tpu.memory_space<hbm>>) target_semaphore(%dma_start3A_1340 : memref<!tpu.dma_semaphore, #tpu.memory_space<semaphore_mem>>)
      %dma_start3A_1348 = arith.constant 1 : i32
      %dma_start3A_1349 = arith.constant 3 : i32
      %dma_start3A_1350 = arith.constant 1 : i32
      %dma_start3A_1351 = arith.constant 0 : i32
      %dma_start3A_1352 = arith.constant 0 : i32
      %dma_start3A_1353 = tpu.memref_slice %arg4[%dma_start3A_1348, %dma_start3A_1351, %dma_start3A_1352] : memref<3x32x1024xf32, #tpu.memory_space<vmem>> -> memref<1x32x1024xf32, #tpu.memory_space<vmem>>
      %dma_start3A_1354 = tpu.memref_squeeze %dma_start3A_1353 : memref<1x32x1024xf32, #tpu.memory_space<vmem>> -> memref<32x1024xf32, #tpu.memory_space<vmem>>
      %dma_start3A_1355 = arith.constant 0 : i32
      %dma_start3A_1356 = tpu.memref_slice %arg3[%dma_start3A_1349, %mul3A_1290, %dma_start3A_1355] : memref<4x8191x1024xf32, #tpu.memory_space<hbm>> -> memref<1x32x1024xf32, #tpu.memory_space<hbm>>
      %dma_start3A_1357 = tpu.memref_squeeze %dma_start3A_1356 : memref<1x32x1024xf32, #tpu.memory_space<hbm>> -> memref<32x1024xf32, #tpu.memory_space<hbm>>
      %dma_start3A_1358 = tpu.memref_slice %arg6[%dma_start3A_1350] : memref<3x!tpu.dma_semaphore, #tpu.memory_space<semaphore_mem>> -> memref<1x!tpu.dma_semaphore, #tpu.memory_space<semaphore_mem>>
      %dma_start3A_1359 = tpu.memref_squeeze %dma_start3A_1358 : memref<1x!tpu.dma_semaphore, #tpu.memory_space<semaphore_mem>> -> memref<!tpu.dma_semaphore, #tpu.memory_space<semaphore_mem>>
      %dma_start3A_1360 = arith.constant 0 : i32
      %dma_start3A_1361 = tpu.memref_slice %arg3[%dma_start3A_1349, %mul3A_1290, %dma_start3A_1360] : memref<4x8191x1024xf32, #tpu.memory_space<hbm>> -> memref<1x32x1024xf32, #tpu.memory_space<hbm>>
      %dma_start3A_1362 = tpu.memref_squeeze %dma_start3A_1361 : memref<1x32x1024xf32, #tpu.memory_space<hbm>> -> memref<32x1024xf32, #tpu.memory_space<hbm>>
      %dma_start3A_1363 = arith.constant 0 : i32
      %dma_start3A_1364 = arith.constant 0 : i32
      %dma_start3A_1365 = tpu.memref_slice %arg4[%dma_start3A_1348, %dma_start3A_1363, %dma_start3A_1364] : memref<3x32x1024xf32, #tpu.memory_space<vmem>> -> memref<1x32x1024xf32, #tpu.memory_space<vmem>>
      %dma_start3A_1366 = tpu.memref_squeeze %dma_start3A_1365 : memref<1x32x1024xf32, #tpu.memory_space<vmem>> -> memref<32x1024xf32, #tpu.memory_space<vmem>>
      tpu.enqueue_dma source(%dma_start3A_1366 : memref<32x1024xf32, #tpu.memory_space<vmem>>) target(%dma_start3A_1362 : memref<32x1024xf32, #tpu.memory_space<hbm>>) target_semaphore(%dma_start3A_1359 : memref<!tpu.dma_semaphore, #tpu.memory_space<semaphore_mem>>)
      %add3A_1367 = arith.constant 5 : i32
      %add3A_1368 = arith.addi %mul3A_2, %add3A_1367 : i32
      %mul3A_1369 = arith.constant 32 : i32
      %mul3A_1370 = arith.muli %add3A_1368, %mul3A_1369 : i32
      %dma_wait3A_1371 = arith.constant 2 : i32
      %dma_wait3A_1372 = arith.constant 0 : i32
      %dma_wait3A_1373 = arith.constant 2 : i32
      %dma_wait3A_1374 = arith.constant 0 : i32
      %dma_wait3A_1375 = arith.constant 0 : i32
      %dma_wait3A_1376 = tpu.memref_slice %arg4[%dma_wait3A_1371, %dma_wait3A_1374, %dma_wait3A_1375] : memref<3x32x1024xf32, #tpu.memory_space<vmem>> -> memref<1x32x1024xf32, #tpu.memory_space<vmem>>
      %dma_wait3A_1377 = tpu.memref_squeeze %dma_wait3A_1376 : memref<1x32x1024xf32, #tpu.memory_space<vmem>> -> memref<32x1024xf32, #tpu.memory_space<vmem>>
      %dma_wait3A_1378 = arith.constant 0 : i32
      %dma_wait3A_1379 = tpu.memref_slice %arg3[%dma_wait3A_1372, %mul3A_1370, %dma_wait3A_1378] : memref<4x8191x1024xf32, #tpu.memory_space<hbm>> -> memref<1x32x1024xf32, #tpu.memory_space<hbm>>
      %dma_wait3A_1380 = tpu.memref_squeeze %dma_wait3A_1379 : memref<1x32x1024xf32, #tpu.memory_space<hbm>> -> memref<32x1024xf32, #tpu.memory_space<hbm>>
      %dma_wait3A_1381 = tpu.memref_slice %arg6[%dma_wait3A_1373] : memref<3x!tpu.dma_semaphore, #tpu.memory_space<semaphore_mem>> -> memref<1x!tpu.dma_semaphore, #tpu.memory_space<semaphore_mem>>
      %dma_wait3A_1382 = tpu.memref_squeeze %dma_wait3A_1381 : memref<1x!tpu.dma_semaphore, #tpu.memory_space<semaphore_mem>> -> memref<!tpu.dma_semaphore, #tpu.memory_space<semaphore_mem>>
      %dma_wait3A_1383 = arith.constant 0 : i32
      %dma_wait3A_1384 = tpu.memref_slice %arg3[%dma_wait3A_1372, %mul3A_1370, %dma_wait3A_1383] : memref<4x8191x1024xf32, #tpu.memory_space<hbm>> -> memref<1x32x1024xf32, #tpu.memory_space<hbm>>
      %dma_wait3A_1385 = tpu.memref_squeeze %dma_wait3A_1384 : memref<1x32x1024xf32, #tpu.memory_space<hbm>> -> memref<32x1024xf32, #tpu.memory_space<hbm>>
      %dma_wait3A_1386 = arith.constant 0 : i32
      %dma_wait3A_1387 = arith.constant 0 : i32
      %dma_wait3A_1388 = tpu.memref_slice %arg4[%dma_wait3A_1371, %dma_wait3A_1386, %dma_wait3A_1387] : memref<3x32x1024xf32, #tpu.memory_space<vmem>> -> memref<1x32x1024xf32, #tpu.memory_space<vmem>>
      %dma_wait3A_1389 = tpu.memref_squeeze %dma_wait3A_1388 : memref<1x32x1024xf32, #tpu.memory_space<vmem>> -> memref<32x1024xf32, #tpu.memory_space<vmem>>
      tpu.wait_dma2 semaphore(%dma_wait3A_1382 : memref<!tpu.dma_semaphore, #tpu.memory_space<semaphore_mem>>) src(%dma_wait3A_1389 : memref<32x1024xf32, #tpu.memory_space<vmem>>) dst(%dma_wait3A_1385 : memref<32x1024xf32, #tpu.memory_space<hbm>>)
      %dma_wait3A_1390 = arith.constant 2 : i32
      %dma_wait3A_1391 = arith.constant 1 : i32
      %dma_wait3A_1392 = arith.constant 2 : i32
      %dma_wait3A_1393 = arith.constant 0 : i32
      %dma_wait3A_1394 = arith.constant 0 : i32
      %dma_wait3A_1395 = tpu.memref_slice %arg4[%dma_wait3A_1390, %dma_wait3A_1393, %dma_wait3A_1394] : memref<3x32x1024xf32, #tpu.memory_space<vmem>> -> memref<1x32x1024xf32, #tpu.memory_space<vmem>>
      %dma_wait3A_1396 = tpu.memref_squeeze %dma_wait3A_1395 : memref<1x32x1024xf32, #tpu.memory_space<vmem>> -> memref<32x1024xf32, #tpu.memory_space<vmem>>
      %dma_wait3A_1397 = arith.constant 0 : i32
      %dma_wait3A_1398 = tpu.memref_slice %arg3[%dma_wait3A_1391, %mul3A_1370, %dma_wait3A_1397] : memref<4x8191x1024xf32, #tpu.memory_space<hbm>> -> memref<1x32x1024xf32, #tpu.memory_space<hbm>>
      %dma_wait3A_1399 = tpu.memref_squeeze %dma_wait3A_1398 : memref<1x32x1024xf32, #tpu.memory_space<hbm>> -> memref<32x1024xf32, #tpu.memory_space<hbm>>
      %dma_wait3A_1400 = tpu.memref_slice %arg6[%dma_wait3A_1392] : memref<3x!tpu.dma_semaphore, #tpu.memory_space<semaphore_mem>> -> memref<1x!tpu.dma_semaphore, #tpu.memory_space<semaphore_mem>>
      %dma_wait3A_1401 = tpu.memref_squeeze %dma_wait3A_1400 : memref<1x!tpu.dma_semaphore, #tpu.memory_space<semaphore_mem>> -> memref<!tpu.dma_semaphore, #tpu.memory_space<semaphore_mem>>
      %dma_wait3A_1402 = arith.constant 0 : i32
      %dma_wait3A_1403 = tpu.memref_slice %arg3[%dma_wait3A_1391, %mul3A_1370, %dma_wait3A_1402] : memref<4x8191x1024xf32, #tpu.memory_space<hbm>> -> memref<1x32x1024xf32, #tpu.memory_space<hbm>>
      %dma_wait3A_1404 = tpu.memref_squeeze %dma_wait3A_1403 : memref<1x32x1024xf32, #tpu.memory_space<hbm>> -> memref<32x1024xf32, #tpu.memory_space<hbm>>
      %dma_wait3A_1405 = arith.constant 0 : i32
      %dma_wait3A_1406 = arith.constant 0 : i32
      %dma_wait3A_1407 = tpu.memref_slice %arg4[%dma_wait3A_1390, %dma_wait3A_1405, %dma_wait3A_1406] : memref<3x32x1024xf32, #tpu.memory_space<vmem>> -> memref<1x32x1024xf32, #tpu.memory_space<vmem>>
      %dma_wait3A_1408 = tpu.memref_squeeze %dma_wait3A_1407 : memref<1x32x1024xf32, #tpu.memory_space<vmem>> -> memref<32x1024xf32, #tpu.memory_space<vmem>>
      tpu.wait_dma2 semaphore(%dma_wait3A_1401 : memref<!tpu.dma_semaphore, #tpu.memory_space<semaphore_mem>>) src(%dma_wait3A_1408 : memref<32x1024xf32, #tpu.memory_space<vmem>>) dst(%dma_wait3A_1404 : memref<32x1024xf32, #tpu.memory_space<hbm>>)
      %dma_wait3A_1409 = arith.constant 2 : i32
      %dma_wait3A_1410 = arith.constant 2 : i32
      %dma_wait3A_1411 = arith.constant 2 : i32
      %dma_wait3A_1412 = arith.constant 0 : i32
      %dma_wait3A_1413 = arith.constant 0 : i32
      %dma_wait3A_1414 = tpu.memref_slice %arg4[%dma_wait3A_1409, %dma_wait3A_1412, %dma_wait3A_1413] : memref<3x32x1024xf32, #tpu.memory_space<vmem>> -> memref<1x32x1024xf32, #tpu.memory_space<vmem>>
      %dma_wait3A_1415 = tpu.memref_squeeze %dma_wait3A_1414 : memref<1x32x1024xf32, #tpu.memory_space<vmem>> -> memref<32x1024xf32, #tpu.memory_space<vmem>>
      %dma_wait3A_1416 = arith.constant 0 : i32
      %dma_wait3A_1417 = tpu.memref_slice %arg3[%dma_wait3A_1410, %mul3A_1370, %dma_wait3A_1416] : memref<4x8191x1024xf32, #tpu.memory_space<hbm>> -> memref<1x32x1024xf32, #tpu.memory_space<hbm>>
      %dma_wait3A_1418 = tpu.memref_squeeze %dma_wait3A_1417 : memref<1x32x1024xf32, #tpu.memory_space<hbm>> -> memref<32x1024xf32, #tpu.memory_space<hbm>>
      %dma_wait3A_1419 = tpu.memref_slice %arg6[%dma_wait3A_1411] : memref<3x!tpu.dma_semaphore, #tpu.memory_space<semaphore_mem>> -> memref<1x!tpu.dma_semaphore, #tpu.memory_space<semaphore_mem>>
      %dma_wait3A_1420 = tpu.memref_squeeze %dma_wait3A_1419 : memref<1x!tpu.dma_semaphore, #tpu.memory_space<semaphore_mem>> -> memref<!tpu.dma_semaphore, #tpu.memory_space<semaphore_mem>>
      %dma_wait3A_1421 = arith.constant 0 : i32
      %dma_wait3A_1422 = tpu.memref_slice %arg3[%dma_wait3A_1410, %mul3A_1370, %dma_wait3A_1421] : memref<4x8191x1024xf32, #tpu.memory_space<hbm>> -> memref<1x32x1024xf32, #tpu.memory_space<hbm>>
      %dma_wait3A_1423 = tpu.memref_squeeze %dma_wait3A_1422 : memref<1x32x1024xf32, #tpu.memory_space<hbm>> -> memref<32x1024xf32, #tpu.memory_space<hbm>>
      %dma_wait3A_1424 = arith.constant 0 : i32
      %dma_wait3A_1425 = arith.constant 0 : i32
      %dma_wait3A_1426 = tpu.memref_slice %arg4[%dma_wait3A_1409, %dma_wait3A_1424, %dma_wait3A_1425] : memref<3x32x1024xf32, #tpu.memory_space<vmem>> -> memref<1x32x1024xf32, #tpu.memory_space<vmem>>
      %dma_wait3A_1427 = tpu.memref_squeeze %dma_wait3A_1426 : memref<1x32x1024xf32, #tpu.memory_space<vmem>> -> memref<32x1024xf32, #tpu.memory_space<vmem>>
      tpu.wait_dma2 semaphore(%dma_wait3A_1420 : memref<!tpu.dma_semaphore, #tpu.memory_space<semaphore_mem>>) src(%dma_wait3A_1427 : memref<32x1024xf32, #tpu.memory_space<vmem>>) dst(%dma_wait3A_1423 : memref<32x1024xf32, #tpu.memory_space<hbm>>)
      %dma_wait3A_1428 = arith.constant 2 : i32
      %dma_wait3A_1429 = arith.constant 3 : i32
      %dma_wait3A_1430 = arith.constant 2 : i32
      %dma_wait3A_1431 = arith.constant 0 : i32
      %dma_wait3A_1432 = arith.constant 0 : i32
      %dma_wait3A_1433 = tpu.memref_slice %arg4[%dma_wait3A_1428, %dma_wait3A_1431, %dma_wait3A_1432] : memref<3x32x1024xf32, #tpu.memory_space<vmem>> -> memref<1x32x1024xf32, #tpu.memory_space<vmem>>
      %dma_wait3A_1434 = tpu.memref_squeeze %dma_wait3A_1433 : memref<1x32x1024xf32, #tpu.memory_space<vmem>> -> memref<32x1024xf32, #tpu.memory_space<vmem>>
      %dma_wait3A_1435 = arith.constant 0 : i32
      %dma_wait3A_1436 = tpu.memref_slice %arg3[%dma_wait3A_1429, %mul3A_1370, %dma_wait3A_1435] : memref<4x8191x1024xf32, #tpu.memory_space<hbm>> -> memref<1x32x1024xf32, #tpu.memory_space<hbm>>
      %dma_wait3A_1437 = tpu.memref_squeeze %dma_wait3A_1436 : memref<1x32x1024xf32, #tpu.memory_space<hbm>> -> memref<32x1024xf32, #tpu.memory_space<hbm>>
      %dma_wait3A_1438 = tpu.memref_slice %arg6[%dma_wait3A_1430] : memref<3x!tpu.dma_semaphore, #tpu.memory_space<semaphore_mem>> -> memref<1x!tpu.dma_semaphore, #tpu.memory_space<semaphore_mem>>
      %dma_wait3A_1439 = tpu.memref_squeeze %dma_wait3A_1438 : memref<1x!tpu.dma_semaphore, #tpu.memory_space<semaphore_mem>> -> memref<!tpu.dma_semaphore, #tpu.memory_space<semaphore_mem>>
      %dma_wait3A_1440 = arith.constant 0 : i32
      %dma_wait3A_1441 = tpu.memref_slice %arg3[%dma_wait3A_1429, %mul3A_1370, %dma_wait3A_1440] : memref<4x8191x1024xf32, #tpu.memory_space<hbm>> -> memref<1x32x1024xf32, #tpu.memory_space<hbm>>
      %dma_wait3A_1442 = tpu.memref_squeeze %dma_wait3A_1441 : memref<1x32x1024xf32, #tpu.memory_space<hbm>> -> memref<32x1024xf32, #tpu.memory_space<hbm>>
      %dma_wait3A_1443 = arith.constant 0 : i32
      %dma_wait3A_1444 = arith.constant 0 : i32
      %dma_wait3A_1445 = tpu.memref_slice %arg4[%dma_wait3A_1428, %dma_wait3A_1443, %dma_wait3A_1444] : memref<3x32x1024xf32, #tpu.memory_space<vmem>> -> memref<1x32x1024xf32, #tpu.memory_space<vmem>>
      %dma_wait3A_1446 = tpu.memref_squeeze %dma_wait3A_1445 : memref<1x32x1024xf32, #tpu.memory_space<vmem>> -> memref<32x1024xf32, #tpu.memory_space<vmem>>
      tpu.wait_dma2 semaphore(%dma_wait3A_1439 : memref<!tpu.dma_semaphore, #tpu.memory_space<semaphore_mem>>) src(%dma_wait3A_1446 : memref<32x1024xf32, #tpu.memory_space<vmem>>) dst(%dma_wait3A_1442 : memref<32x1024xf32, #tpu.memory_space<hbm>>)
      %add3A_1447 = arith.constant 6 : i32
      %add3A_1448 = arith.addi %mul3A_2, %add3A_1447 : i32
      %mul3A_1449 = arith.constant 32 : i32
      %mul3A_1450 = arith.muli %add3A_1448, %mul3A_1449 : i32
      %dma_wait3A_1451 = arith.constant 0 : i32
      %dma_wait3A_1452 = arith.constant 0 : i32
      %dma_wait3A_1453 = arith.constant 0 : i32
      %dma_wait3A_1454 = arith.constant 0 : i32
      %dma_wait3A_1455 = arith.constant 0 : i32
      %dma_wait3A_1456 = tpu.memref_slice %arg4[%dma_wait3A_1451, %dma_wait3A_1454, %dma_wait3A_1455] : memref<3x32x1024xf32, #tpu.memory_space<vmem>> -> memref<1x32x1024xf32, #tpu.memory_space<vmem>>
      %dma_wait3A_1457 = tpu.memref_squeeze %dma_wait3A_1456 : memref<1x32x1024xf32, #tpu.memory_space<vmem>> -> memref<32x1024xf32, #tpu.memory_space<vmem>>
      %dma_wait3A_1458 = arith.constant 0 : i32
      %dma_wait3A_1459 = tpu.memref_slice %arg3[%dma_wait3A_1452, %mul3A_1450, %dma_wait3A_1458] : memref<4x8191x1024xf32, #tpu.memory_space<hbm>> -> memref<1x32x1024xf32, #tpu.memory_space<hbm>>
      %dma_wait3A_1460 = tpu.memref_squeeze %dma_wait3A_1459 : memref<1x32x1024xf32, #tpu.memory_space<hbm>> -> memref<32x1024xf32, #tpu.memory_space<hbm>>
      %dma_wait3A_1461 = tpu.memref_slice %arg6[%dma_wait3A_1453] : memref<3x!tpu.dma_semaphore, #tpu.memory_space<semaphore_mem>> -> memref<1x!tpu.dma_semaphore, #tpu.memory_space<semaphore_mem>>
      %dma_wait3A_1462 = tpu.memref_squeeze %dma_wait3A_1461 : memref<1x!tpu.dma_semaphore, #tpu.memory_space<semaphore_mem>> -> memref<!tpu.dma_semaphore, #tpu.memory_space<semaphore_mem>>
      %dma_wait3A_1463 = arith.constant 0 : i32
      %dma_wait3A_1464 = tpu.memref_slice %arg3[%dma_wait3A_1452, %mul3A_1450, %dma_wait3A_1463] : memref<4x8191x1024xf32, #tpu.memory_space<hbm>> -> memref<1x32x1024xf32, #tpu.memory_space<hbm>>
      %dma_wait3A_1465 = tpu.memref_squeeze %dma_wait3A_1464 : memref<1x32x1024xf32, #tpu.memory_space<hbm>> -> memref<32x1024xf32, #tpu.memory_space<hbm>>
      %dma_wait3A_1466 = arith.constant 0 : i32
      %dma_wait3A_1467 = arith.constant 0 : i32
      %dma_wait3A_1468 = tpu.memref_slice %arg4[%dma_wait3A_1451, %dma_wait3A_1466, %dma_wait3A_1467] : memref<3x32x1024xf32, #tpu.memory_space<vmem>> -> memref<1x32x1024xf32, #tpu.memory_space<vmem>>
      %dma_wait3A_1469 = tpu.memref_squeeze %dma_wait3A_1468 : memref<1x32x1024xf32, #tpu.memory_space<vmem>> -> memref<32x1024xf32, #tpu.memory_space<vmem>>
      tpu.wait_dma2 semaphore(%dma_wait3A_1462 : memref<!tpu.dma_semaphore, #tpu.memory_space<semaphore_mem>>) src(%dma_wait3A_1469 : memref<32x1024xf32, #tpu.memory_space<vmem>>) dst(%dma_wait3A_1465 : memref<32x1024xf32, #tpu.memory_space<hbm>>)
      %dma_wait3A_1470 = arith.constant 0 : i32
      %dma_wait3A_1471 = arith.constant 1 : i32
      %dma_wait3A_1472 = arith.constant 0 : i32
      %dma_wait3A_1473 = arith.constant 0 : i32
      %dma_wait3A_1474 = arith.constant 0 : i32
      %dma_wait3A_1475 = tpu.memref_slice %arg4[%dma_wait3A_1470, %dma_wait3A_1473, %dma_wait3A_1474] : memref<3x32x1024xf32, #tpu.memory_space<vmem>> -> memref<1x32x1024xf32, #tpu.memory_space<vmem>>
      %dma_wait3A_1476 = tpu.memref_squeeze %dma_wait3A_1475 : memref<1x32x1024xf32, #tpu.memory_space<vmem>> -> memref<32x1024xf32, #tpu.memory_space<vmem>>
      %dma_wait3A_1477 = arith.constant 0 : i32
      %dma_wait3A_1478 = tpu.memref_slice %arg3[%dma_wait3A_1471, %mul3A_1450, %dma_wait3A_1477] : memref<4x8191x1024xf32, #tpu.memory_space<hbm>> -> memref<1x32x1024xf32, #tpu.memory_space<hbm>>
      %dma_wait3A_1479 = tpu.memref_squeeze %dma_wait3A_1478 : memref<1x32x1024xf32, #tpu.memory_space<hbm>> -> memref<32x1024xf32, #tpu.memory_space<hbm>>
      %dma_wait3A_1480 = tpu.memref_slice %arg6[%dma_wait3A_1472] : memref<3x!tpu.dma_semaphore, #tpu.memory_space<semaphore_mem>> -> memref<1x!tpu.dma_semaphore, #tpu.memory_space<semaphore_mem>>
      %dma_wait3A_1481 = tpu.memref_squeeze %dma_wait3A_1480 : memref<1x!tpu.dma_semaphore, #tpu.memory_space<semaphore_mem>> -> memref<!tpu.dma_semaphore, #tpu.memory_space<semaphore_mem>>
      %dma_wait3A_1482 = arith.constant 0 : i32
      %dma_wait3A_1483 = tpu.memref_slice %arg3[%dma_wait3A_1471, %mul3A_1450, %dma_wait3A_1482] : memref<4x8191x1024xf32, #tpu.memory_space<hbm>> -> memref<1x32x1024xf32, #tpu.memory_space<hbm>>
      %dma_wait3A_1484 = tpu.memref_squeeze %dma_wait3A_1483 : memref<1x32x1024xf32, #tpu.memory_space<hbm>> -> memref<32x1024xf32, #tpu.memory_space<hbm>>
      %dma_wait3A_1485 = arith.constant 0 : i32
      %dma_wait3A_1486 = arith.constant 0 : i32
      %dma_wait3A_1487 = tpu.memref_slice %arg4[%dma_wait3A_1470, %dma_wait3A_1485, %dma_wait3A_1486] : memref<3x32x1024xf32, #tpu.memory_space<vmem>> -> memref<1x32x1024xf32, #tpu.memory_space<vmem>>
      %dma_wait3A_1488 = tpu.memref_squeeze %dma_wait3A_1487 : memref<1x32x1024xf32, #tpu.memory_space<vmem>> -> memref<32x1024xf32, #tpu.memory_space<vmem>>
      tpu.wait_dma2 semaphore(%dma_wait3A_1481 : memref<!tpu.dma_semaphore, #tpu.memory_space<semaphore_mem>>) src(%dma_wait3A_1488 : memref<32x1024xf32, #tpu.memory_space<vmem>>) dst(%dma_wait3A_1484 : memref<32x1024xf32, #tpu.memory_space<hbm>>)
      %dma_wait3A_1489 = arith.constant 0 : i32
      %dma_wait3A_1490 = arith.constant 2 : i32
      %dma_wait3A_1491 = arith.constant 0 : i32
      %dma_wait3A_1492 = arith.constant 0 : i32
      %dma_wait3A_1493 = arith.constant 0 : i32
      %dma_wait3A_1494 = tpu.memref_slice %arg4[%dma_wait3A_1489, %dma_wait3A_1492, %dma_wait3A_1493] : memref<3x32x1024xf32, #tpu.memory_space<vmem>> -> memref<1x32x1024xf32, #tpu.memory_space<vmem>>
      %dma_wait3A_1495 = tpu.memref_squeeze %dma_wait3A_1494 : memref<1x32x1024xf32, #tpu.memory_space<vmem>> -> memref<32x1024xf32, #tpu.memory_space<vmem>>
      %dma_wait3A_1496 = arith.constant 0 : i32
      %dma_wait3A_1497 = tpu.memref_slice %arg3[%dma_wait3A_1490, %mul3A_1450, %dma_wait3A_1496] : memref<4x8191x1024xf32, #tpu.memory_space<hbm>> -> memref<1x32x1024xf32, #tpu.memory_space<hbm>>
      %dma_wait3A_1498 = tpu.memref_squeeze %dma_wait3A_1497 : memref<1x32x1024xf32, #tpu.memory_space<hbm>> -> memref<32x1024xf32, #tpu.memory_space<hbm>>
      %dma_wait3A_1499 = tpu.memref_slice %arg6[%dma_wait3A_1491] : memref<3x!tpu.dma_semaphore, #tpu.memory_space<semaphore_mem>> -> memref<1x!tpu.dma_semaphore, #tpu.memory_space<semaphore_mem>>
      %dma_wait3A_1500 = tpu.memref_squeeze %dma_wait3A_1499 : memref<1x!tpu.dma_semaphore, #tpu.memory_space<semaphore_mem>> -> memref<!tpu.dma_semaphore, #tpu.memory_space<semaphore_mem>>
      %dma_wait3A_1501 = arith.constant 0 : i32
      %dma_wait3A_1502 = tpu.memref_slice %arg3[%dma_wait3A_1490, %mul3A_1450, %dma_wait3A_1501] : memref<4x8191x1024xf32, #tpu.memory_space<hbm>> -> memref<1x32x1024xf32, #tpu.memory_space<hbm>>
      %dma_wait3A_1503 = tpu.memref_squeeze %dma_wait3A_1502 : memref<1x32x1024xf32, #tpu.memory_space<hbm>> -> memref<32x1024xf32, #tpu.memory_space<hbm>>
      %dma_wait3A_1504 = arith.constant 0 : i32
      %dma_wait3A_1505 = arith.constant 0 : i32
      %dma_wait3A_1506 = tpu.memref_slice %arg4[%dma_wait3A_1489, %dma_wait3A_1504, %dma_wait3A_1505] : memref<3x32x1024xf32, #tpu.memory_space<vmem>> -> memref<1x32x1024xf32, #tpu.memory_space<vmem>>
      %dma_wait3A_1507 = tpu.memref_squeeze %dma_wait3A_1506 : memref<1x32x1024xf32, #tpu.memory_space<vmem>> -> memref<32x1024xf32, #tpu.memory_space<vmem>>
      tpu.wait_dma2 semaphore(%dma_wait3A_1500 : memref<!tpu.dma_semaphore, #tpu.memory_space<semaphore_mem>>) src(%dma_wait3A_1507 : memref<32x1024xf32, #tpu.memory_space<vmem>>) dst(%dma_wait3A_1503 : memref<32x1024xf32, #tpu.memory_space<hbm>>)
      %dma_wait3A_1508 = arith.constant 0 : i32
      %dma_wait3A_1509 = arith.constant 3 : i32
      %dma_wait3A_1510 = arith.constant 0 : i32
      %dma_wait3A_1511 = arith.constant 0 : i32
      %dma_wait3A_1512 = arith.constant 0 : i32
      %dma_wait3A_1513 = tpu.memref_slice %arg4[%dma_wait3A_1508, %dma_wait3A_1511, %dma_wait3A_1512] : memref<3x32x1024xf32, #tpu.memory_space<vmem>> -> memref<1x32x1024xf32, #tpu.memory_space<vmem>>
      %dma_wait3A_1514 = tpu.memref_squeeze %dma_wait3A_1513 : memref<1x32x1024xf32, #tpu.memory_space<vmem>> -> memref<32x1024xf32, #tpu.memory_space<vmem>>
      %dma_wait3A_1515 = arith.constant 0 : i32
      %dma_wait3A_1516 = tpu.memref_slice %arg3[%dma_wait3A_1509, %mul3A_1450, %dma_wait3A_1515] : memref<4x8191x1024xf32, #tpu.memory_space<hbm>> -> memref<1x32x1024xf32, #tpu.memory_space<hbm>>
      %dma_wait3A_1517 = tpu.memref_squeeze %dma_wait3A_1516 : memref<1x32x1024xf32, #tpu.memory_space<hbm>> -> memref<32x1024xf32, #tpu.memory_space<hbm>>
      %dma_wait3A_1518 = tpu.memref_slice %arg6[%dma_wait3A_1510] : memref<3x!tpu.dma_semaphore, #tpu.memory_space<semaphore_mem>> -> memref<1x!tpu.dma_semaphore, #tpu.memory_space<semaphore_mem>>
      %dma_wait3A_1519 = tpu.memref_squeeze %dma_wait3A_1518 : memref<1x!tpu.dma_semaphore, #tpu.memory_space<semaphore_mem>> -> memref<!tpu.dma_semaphore, #tpu.memory_space<semaphore_mem>>
      %dma_wait3A_1520 = arith.constant 0 : i32
      %dma_wait3A_1521 = tpu.memref_slice %arg3[%dma_wait3A_1509, %mul3A_1450, %dma_wait3A_1520] : memref<4x8191x1024xf32, #tpu.memory_space<hbm>> -> memref<1x32x1024xf32, #tpu.memory_space<hbm>>
      %dma_wait3A_1522 = tpu.memref_squeeze %dma_wait3A_1521 : memref<1x32x1024xf32, #tpu.memory_space<hbm>> -> memref<32x1024xf32, #tpu.memory_space<hbm>>
      %dma_wait3A_1523 = arith.constant 0 : i32
      %dma_wait3A_1524 = arith.constant 0 : i32
      %dma_wait3A_1525 = tpu.memref_slice %arg4[%dma_wait3A_1508, %dma_wait3A_1523, %dma_wait3A_1524] : memref<3x32x1024xf32, #tpu.memory_space<vmem>> -> memref<1x32x1024xf32, #tpu.memory_space<vmem>>
      %dma_wait3A_1526 = tpu.memref_squeeze %dma_wait3A_1525 : memref<1x32x1024xf32, #tpu.memory_space<vmem>> -> memref<32x1024xf32, #tpu.memory_space<vmem>>
      tpu.wait_dma2 semaphore(%dma_wait3A_1519 : memref<!tpu.dma_semaphore, #tpu.memory_space<semaphore_mem>>) src(%dma_wait3A_1526 : memref<32x1024xf32, #tpu.memory_space<vmem>>) dst(%dma_wait3A_1522 : memref<32x1024xf32, #tpu.memory_space<hbm>>)
      %add3A_1527 = arith.constant 7 : i32
      %add3A_1528 = arith.addi %mul3A_2, %add3A_1527 : i32
      %mul3A_1529 = arith.constant 32 : i32
      %mul3A_1530 = arith.muli %add3A_1528, %mul3A_1529 : i32
      %dma_wait3A_1531 = arith.constant 1 : i32
      %dma_wait3A_1532 = arith.constant 0 : i32
      %dma_wait3A_1533 = arith.constant 1 : i32
      %dma_wait3A_1534 = arith.constant 0 : i32
      %dma_wait3A_1535 = arith.constant 0 : i32
      %dma_wait3A_1536 = tpu.memref_slice %arg4[%dma_wait3A_1531, %dma_wait3A_1534, %dma_wait3A_1535] : memref<3x32x1024xf32, #tpu.memory_space<vmem>> -> memref<1x32x1024xf32, #tpu.memory_space<vmem>>
      %dma_wait3A_1537 = tpu.memref_squeeze %dma_wait3A_1536 : memref<1x32x1024xf32, #tpu.memory_space<vmem>> -> memref<32x1024xf32, #tpu.memory_space<vmem>>
      %dma_wait3A_1538 = arith.constant 0 : i32
      %dma_wait3A_1539 = tpu.memref_slice %arg3[%dma_wait3A_1532, %mul3A_1530, %dma_wait3A_1538] : memref<4x8191x1024xf32, #tpu.memory_space<hbm>> -> memref<1x32x1024xf32, #tpu.memory_space<hbm>>
      %dma_wait3A_1540 = tpu.memref_squeeze %dma_wait3A_1539 : memref<1x32x1024xf32, #tpu.memory_space<hbm>> -> memref<32x1024xf32, #tpu.memory_space<hbm>>
      %dma_wait3A_1541 = tpu.memref_slice %arg6[%dma_wait3A_1533] : memref<3x!tpu.dma_semaphore, #tpu.memory_space<semaphore_mem>> -> memref<1x!tpu.dma_semaphore, #tpu.memory_space<semaphore_mem>>
      %dma_wait3A_1542 = tpu.memref_squeeze %dma_wait3A_1541 : memref<1x!tpu.dma_semaphore, #tpu.memory_space<semaphore_mem>> -> memref<!tpu.dma_semaphore, #tpu.memory_space<semaphore_mem>>
      %dma_wait3A_1543 = arith.constant 0 : i32
      %dma_wait3A_1544 = tpu.memref_slice %arg3[%dma_wait3A_1532, %mul3A_1530, %dma_wait3A_1543] : memref<4x8191x1024xf32, #tpu.memory_space<hbm>> -> memref<1x32x1024xf32, #tpu.memory_space<hbm>>
      %dma_wait3A_1545 = tpu.memref_squeeze %dma_wait3A_1544 : memref<1x32x1024xf32, #tpu.memory_space<hbm>> -> memref<32x1024xf32, #tpu.memory_space<hbm>>
      %dma_wait3A_1546 = arith.constant 0 : i32
      %dma_wait3A_1547 = arith.constant 0 : i32
      %dma_wait3A_1548 = tpu.memref_slice %arg4[%dma_wait3A_1531, %dma_wait3A_1546, %dma_wait3A_1547] : memref<3x32x1024xf32, #tpu.memory_space<vmem>> -> memref<1x32x1024xf32, #tpu.memory_space<vmem>>
      %dma_wait3A_1549 = tpu.memref_squeeze %dma_wait3A_1548 : memref<1x32x1024xf32, #tpu.memory_space<vmem>> -> memref<32x1024xf32, #tpu.memory_space<vmem>>
      tpu.wait_dma2 semaphore(%dma_wait3A_1542 : memref<!tpu.dma_semaphore, #tpu.memory_space<semaphore_mem>>) src(%dma_wait3A_1549 : memref<32x1024xf32, #tpu.memory_space<vmem>>) dst(%dma_wait3A_1545 : memref<32x1024xf32, #tpu.memory_space<hbm>>)
      %dma_wait3A_1550 = arith.constant 1 : i32
      %dma_wait3A_1551 = arith.constant 1 : i32
      %dma_wait3A_1552 = arith.constant 1 : i32
      %dma_wait3A_1553 = arith.constant 0 : i32
      %dma_wait3A_1554 = arith.constant 0 : i32
      %dma_wait3A_1555 = tpu.memref_slice %arg4[%dma_wait3A_1550, %dma_wait3A_1553, %dma_wait3A_1554] : memref<3x32x1024xf32, #tpu.memory_space<vmem>> -> memref<1x32x1024xf32, #tpu.memory_space<vmem>>
      %dma_wait3A_1556 = tpu.memref_squeeze %dma_wait3A_1555 : memref<1x32x1024xf32, #tpu.memory_space<vmem>> -> memref<32x1024xf32, #tpu.memory_space<vmem>>
      %dma_wait3A_1557 = arith.constant 0 : i32
      %dma_wait3A_1558 = tpu.memref_slice %arg3[%dma_wait3A_1551, %mul3A_1530, %dma_wait3A_1557] : memref<4x8191x1024xf32, #tpu.memory_space<hbm>> -> memref<1x32x1024xf32, #tpu.memory_space<hbm>>
      %dma_wait3A_1559 = tpu.memref_squeeze %dma_wait3A_1558 : memref<1x32x1024xf32, #tpu.memory_space<hbm>> -> memref<32x1024xf32, #tpu.memory_space<hbm>>
      %dma_wait3A_1560 = tpu.memref_slice %arg6[%dma_wait3A_1552] : memref<3x!tpu.dma_semaphore, #tpu.memory_space<semaphore_mem>> -> memref<1x!tpu.dma_semaphore, #tpu.memory_space<semaphore_mem>>
      %dma_wait3A_1561 = tpu.memref_squeeze %dma_wait3A_1560 : memref<1x!tpu.dma_semaphore, #tpu.memory_space<semaphore_mem>> -> memref<!tpu.dma_semaphore, #tpu.memory_space<semaphore_mem>>
      %dma_wait3A_1562 = arith.constant 0 : i32
      %dma_wait3A_1563 = tpu.memref_slice %arg3[%dma_wait3A_1551, %mul3A_1530, %dma_wait3A_1562] : memref<4x8191x1024xf32, #tpu.memory_space<hbm>> -> memref<1x32x1024xf32, #tpu.memory_space<hbm>>
      %dma_wait3A_1564 = tpu.memref_squeeze %dma_wait3A_1563 : memref<1x32x1024xf32, #tpu.memory_space<hbm>> -> memref<32x1024xf32, #tpu.memory_space<hbm>>
      %dma_wait3A_1565 = arith.constant 0 : i32
      %dma_wait3A_1566 = arith.constant 0 : i32
      %dma_wait3A_1567 = tpu.memref_slice %arg4[%dma_wait3A_1550, %dma_wait3A_1565, %dma_wait3A_1566] : memref<3x32x1024xf32, #tpu.memory_space<vmem>> -> memref<1x32x1024xf32, #tpu.memory_space<vmem>>
      %dma_wait3A_1568 = tpu.memref_squeeze %dma_wait3A_1567 : memref<1x32x1024xf32, #tpu.memory_space<vmem>> -> memref<32x1024xf32, #tpu.memory_space<vmem>>
      tpu.wait_dma2 semaphore(%dma_wait3A_1561 : memref<!tpu.dma_semaphore, #tpu.memory_space<semaphore_mem>>) src(%dma_wait3A_1568 : memref<32x1024xf32, #tpu.memory_space<vmem>>) dst(%dma_wait3A_1564 : memref<32x1024xf32, #tpu.memory_space<hbm>>)
      %dma_wait3A_1569 = arith.constant 1 : i32
      %dma_wait3A_1570 = arith.constant 2 : i32
      %dma_wait3A_1571 = arith.constant 1 : i32
      %dma_wait3A_1572 = arith.constant 0 : i32
      %dma_wait3A_1573 = arith.constant 0 : i32
      %dma_wait3A_1574 = tpu.memref_slice %arg4[%dma_wait3A_1569, %dma_wait3A_1572, %dma_wait3A_1573] : memref<3x32x1024xf32, #tpu.memory_space<vmem>> -> memref<1x32x1024xf32, #tpu.memory_space<vmem>>
      %dma_wait3A_1575 = tpu.memref_squeeze %dma_wait3A_1574 : memref<1x32x1024xf32, #tpu.memory_space<vmem>> -> memref<32x1024xf32, #tpu.memory_space<vmem>>
      %dma_wait3A_1576 = arith.constant 0 : i32
      %dma_wait3A_1577 = tpu.memref_slice %arg3[%dma_wait3A_1570, %mul3A_1530, %dma_wait3A_1576] : memref<4x8191x1024xf32, #tpu.memory_space<hbm>> -> memref<1x32x1024xf32, #tpu.memory_space<hbm>>
      %dma_wait3A_1578 = tpu.memref_squeeze %dma_wait3A_1577 : memref<1x32x1024xf32, #tpu.memory_space<hbm>> -> memref<32x1024xf32, #tpu.memory_space<hbm>>
      %dma_wait3A_1579 = tpu.memref_slice %arg6[%dma_wait3A_1571] : memref<3x!tpu.dma_semaphore, #tpu.memory_space<semaphore_mem>> -> memref<1x!tpu.dma_semaphore, #tpu.memory_space<semaphore_mem>>
      %dma_wait3A_1580 = tpu.memref_squeeze %dma_wait3A_1579 : memref<1x!tpu.dma_semaphore, #tpu.memory_space<semaphore_mem>> -> memref<!tpu.dma_semaphore, #tpu.memory_space<semaphore_mem>>
      %dma_wait3A_1581 = arith.constant 0 : i32
      %dma_wait3A_1582 = tpu.memref_slice %arg3[%dma_wait3A_1570, %mul3A_1530, %dma_wait3A_1581] : memref<4x8191x1024xf32, #tpu.memory_space<hbm>> -> memref<1x32x1024xf32, #tpu.memory_space<hbm>>
      %dma_wait3A_1583 = tpu.memref_squeeze %dma_wait3A_1582 : memref<1x32x1024xf32, #tpu.memory_space<hbm>> -> memref<32x1024xf32, #tpu.memory_space<hbm>>
      %dma_wait3A_1584 = arith.constant 0 : i32
      %dma_wait3A_1585 = arith.constant 0 : i32
      %dma_wait3A_1586 = tpu.memref_slice %arg4[%dma_wait3A_1569, %dma_wait3A_1584, %dma_wait3A_1585] : memref<3x32x1024xf32, #tpu.memory_space<vmem>> -> memref<1x32x1024xf32, #tpu.memory_space<vmem>>
      %dma_wait3A_1587 = tpu.memref_squeeze %dma_wait3A_1586 : memref<1x32x1024xf32, #tpu.memory_space<vmem>> -> memref<32x1024xf32, #tpu.memory_space<vmem>>
      tpu.wait_dma2 semaphore(%dma_wait3A_1580 : memref<!tpu.dma_semaphore, #tpu.memory_space<semaphore_mem>>) src(%dma_wait3A_1587 : memref<32x1024xf32, #tpu.memory_space<vmem>>) dst(%dma_wait3A_1583 : memref<32x1024xf32, #tpu.memory_space<hbm>>)
      %dma_wait3A_1588 = arith.constant 1 : i32
      %dma_wait3A_1589 = arith.constant 3 : i32
      %dma_wait3A_1590 = arith.constant 1 : i32
      %dma_wait3A_1591 = arith.constant 0 : i32
      %dma_wait3A_1592 = arith.constant 0 : i32
      %dma_wait3A_1593 = tpu.memref_slice %arg4[%dma_wait3A_1588, %dma_wait3A_1591, %dma_wait3A_1592] : memref<3x32x1024xf32, #tpu.memory_space<vmem>> -> memref<1x32x1024xf32, #tpu.memory_space<vmem>>
      %dma_wait3A_1594 = tpu.memref_squeeze %dma_wait3A_1593 : memref<1x32x1024xf32, #tpu.memory_space<vmem>> -> memref<32x1024xf32, #tpu.memory_space<vmem>>
      %dma_wait3A_1595 = arith.constant 0 : i32
      %dma_wait3A_1596 = tpu.memref_slice %arg3[%dma_wait3A_1589, %mul3A_1530, %dma_wait3A_1595] : memref<4x8191x1024xf32, #tpu.memory_space<hbm>> -> memref<1x32x1024xf32, #tpu.memory_space<hbm>>
      %dma_wait3A_1597 = tpu.memref_squeeze %dma_wait3A_1596 : memref<1x32x1024xf32, #tpu.memory_space<hbm>> -> memref<32x1024xf32, #tpu.memory_space<hbm>>
      %dma_wait3A_1598 = tpu.memref_slice %arg6[%dma_wait3A_1590] : memref<3x!tpu.dma_semaphore, #tpu.memory_space<semaphore_mem>> -> memref<1x!tpu.dma_semaphore, #tpu.memory_space<semaphore_mem>>
      %dma_wait3A_1599 = tpu.memref_squeeze %dma_wait3A_1598 : memref<1x!tpu.dma_semaphore, #tpu.memory_space<semaphore_mem>> -> memref<!tpu.dma_semaphore, #tpu.memory_space<semaphore_mem>>
      %dma_wait3A_1600 = arith.constant 0 : i32
      %dma_wait3A_1601 = tpu.memref_slice %arg3[%dma_wait3A_1589, %mul3A_1530, %dma_wait3A_1600] : memref<4x8191x1024xf32, #tpu.memory_space<hbm>> -> memref<1x32x1024xf32, #tpu.memory_space<hbm>>
      %dma_wait3A_1602 = tpu.memref_squeeze %dma_wait3A_1601 : memref<1x32x1024xf32, #tpu.memory_space<hbm>> -> memref<32x1024xf32, #tpu.memory_space<hbm>>
      %dma_wait3A_1603 = arith.constant 0 : i32
      %dma_wait3A_1604 = arith.constant 0 : i32
      %dma_wait3A_1605 = tpu.memref_slice %arg4[%dma_wait3A_1588, %dma_wait3A_1603, %dma_wait3A_1604] : memref<3x32x1024xf32, #tpu.memory_space<vmem>> -> memref<1x32x1024xf32, #tpu.memory_space<vmem>>
      %dma_wait3A_1606 = tpu.memref_squeeze %dma_wait3A_1605 : memref<1x32x1024xf32, #tpu.memory_space<vmem>> -> memref<32x1024xf32, #tpu.memory_space<vmem>>
      tpu.wait_dma2 semaphore(%dma_wait3A_1599 : memref<!tpu.dma_semaphore, #tpu.memory_space<semaphore_mem>>) src(%dma_wait3A_1606 : memref<32x1024xf32, #tpu.memory_space<vmem>>) dst(%dma_wait3A_1602 : memref<32x1024xf32, #tpu.memory_space<hbm>>)
    } else {
    }
    %eq3A = arith.constant 31 : i32
    %eq3A_5 = arith.cmpi eq, %add3A, %eq3A : i32
    %convert_element_type3A_6 = arith.extui %eq3A_5 : i1 to i32
    %cond3A_7 = arith.constant 0 : i32
    %cond3A_8 = arith.cmpi ne, %convert_element_type3A_6, %cond3A_7 : i32
    scf.if %cond3A_8 {
      %add3A_9 = arith.constant 0 : i32
      %add3A_10 = arith.addi %mul3A_2, %add3A_9 : i32
      %mul3A_11 = arith.constant 32 : i32
      %mul3A_12 = arith.muli %add3A_10, %mul3A_11 : i32
      %dma_start3A = arith.constant 0 : i32
      %dma_start3A_13 = arith.constant 0 : i32
      %dma_start3A_14 = arith.constant 0 : i32
      %dma_start3A_15 = arith.constant 0 : i32
      %dma_start3A_16 = tpu.memref_slice %arg4[%dma_start3A, %dma_start3A_14, %dma_start3A_15] : memref<3x32x1024xf32, #tpu.memory_space<vmem>> -> memref<1x32x1024xf32, #tpu.memory_space<vmem>>
      %dma_start3A_17 = tpu.memref_squeeze %dma_start3A_16 : memref<1x32x1024xf32, #tpu.memory_space<vmem>> -> memref<32x1024xf32, #tpu.memory_space<vmem>>
      %dma_start3A_18 = arith.constant 0 : i32
      %dma_start3A_19 = tpu.memref_slice %arg2[%mul3A_12, %dma_start3A_18] : memref<10000x1024xf32, #tpu.memory_space<hbm>> -> memref<32x1024xf32, #tpu.memory_space<hbm>>
      %dma_start3A_20 = tpu.memref_slice %arg5[%dma_start3A_13] : memref<3x!tpu.dma_semaphore, #tpu.memory_space<semaphore_mem>> -> memref<1x!tpu.dma_semaphore, #tpu.memory_space<semaphore_mem>>
      %dma_start3A_21 = tpu.memref_squeeze %dma_start3A_20 : memref<1x!tpu.dma_semaphore, #tpu.memory_space<semaphore_mem>> -> memref<!tpu.dma_semaphore, #tpu.memory_space<semaphore_mem>>
      %dma_start3A_22 = arith.constant 0 : i32
      %dma_start3A_23 = arith.constant 0 : i32
      %dma_start3A_24 = tpu.memref_slice %arg4[%dma_start3A, %dma_start3A_22, %dma_start3A_23] : memref<3x32x1024xf32, #tpu.memory_space<vmem>> -> memref<1x32x1024xf32, #tpu.memory_space<vmem>>
      %dma_start3A_25 = tpu.memref_squeeze %dma_start3A_24 : memref<1x32x1024xf32, #tpu.memory_space<vmem>> -> memref<32x1024xf32, #tpu.memory_space<vmem>>
      %dma_start3A_26 = arith.constant 0 : i32
      %dma_start3A_27 = tpu.memref_slice %arg2[%mul3A_12, %dma_start3A_26] : memref<10000x1024xf32, #tpu.memory_space<hbm>> -> memref<32x1024xf32, #tpu.memory_space<hbm>>
      tpu.enqueue_dma source(%dma_start3A_27 : memref<32x1024xf32, #tpu.memory_space<hbm>>) target(%dma_start3A_25 : memref<32x1024xf32, #tpu.memory_space<vmem>>) target_semaphore(%dma_start3A_21 : memref<!tpu.dma_semaphore, #tpu.memory_space<semaphore_mem>>)
      %add3A_28 = arith.constant 1 : i32
      %add3A_29 = arith.addi %mul3A_2, %add3A_28 : i32
      %mul3A_30 = arith.constant 32 : i32
      %mul3A_31 = arith.muli %add3A_29, %mul3A_30 : i32
      %dma_start3A_32 = arith.constant 1 : i32
      %dma_start3A_33 = arith.constant 1 : i32
      %dma_start3A_34 = arith.constant 0 : i32
      %dma_start3A_35 = arith.constant 0 : i32
      %dma_start3A_36 = tpu.memref_slice %arg4[%dma_start3A_32, %dma_start3A_34, %dma_start3A_35] : memref<3x32x1024xf32, #tpu.memory_space<vmem>> -> memref<1x32x1024xf32, #tpu.memory_space<vmem>>
      %dma_start3A_37 = tpu.memref_squeeze %dma_start3A_36 : memref<1x32x1024xf32, #tpu.memory_space<vmem>> -> memref<32x1024xf32, #tpu.memory_space<vmem>>
      %dma_start3A_38 = arith.constant 0 : i32
      %dma_start3A_39 = tpu.memref_slice %arg2[%mul3A_31, %dma_start3A_38] : memref<10000x1024xf32, #tpu.memory_space<hbm>> -> memref<32x1024xf32, #tpu.memory_space<hbm>>
      %dma_start3A_40 = tpu.memref_slice %arg5[%dma_start3A_33] : memref<3x!tpu.dma_semaphore, #tpu.memory_space<semaphore_mem>> -> memref<1x!tpu.dma_semaphore, #tpu.memory_space<semaphore_mem>>
      %dma_start3A_41 = tpu.memref_squeeze %dma_start3A_40 : memref<1x!tpu.dma_semaphore, #tpu.memory_space<semaphore_mem>> -> memref<!tpu.dma_semaphore, #tpu.memory_space<semaphore_mem>>
      %dma_start3A_42 = arith.constant 0 : i32
      %dma_start3A_43 = arith.constant 0 : i32
      %dma_start3A_44 = tpu.memref_slice %arg4[%dma_start3A_32, %dma_start3A_42, %dma_start3A_43] : memref<3x32x1024xf32, #tpu.memory_space<vmem>> -> memref<1x32x1024xf32, #tpu.memory_space<vmem>>
      %dma_start3A_45 = tpu.memref_squeeze %dma_start3A_44 : memref<1x32x1024xf32, #tpu.memory_space<vmem>> -> memref<32x1024xf32, #tpu.memory_space<vmem>>
      %dma_start3A_46 = arith.constant 0 : i32
      %dma_start3A_47 = tpu.memref_slice %arg2[%mul3A_31, %dma_start3A_46] : memref<10000x1024xf32, #tpu.memory_space<hbm>> -> memref<32x1024xf32, #tpu.memory_space<hbm>>
      tpu.enqueue_dma source(%dma_start3A_47 : memref<32x1024xf32, #tpu.memory_space<hbm>>) target(%dma_start3A_45 : memref<32x1024xf32, #tpu.memory_space<vmem>>) target_semaphore(%dma_start3A_41 : memref<!tpu.dma_semaphore, #tpu.memory_space<semaphore_mem>>)
      %add3A_48 = arith.constant 2 : i32
      %add3A_49 = arith.addi %mul3A_2, %add3A_48 : i32
      %mul3A_50 = arith.constant 32 : i32
      %mul3A_51 = arith.muli %add3A_49, %mul3A_50 : i32
      %dma_start3A_52 = arith.constant 2 : i32
      %dma_start3A_53 = arith.constant 2 : i32
      %dma_start3A_54 = arith.constant 0 : i32
      %dma_start3A_55 = arith.constant 0 : i32
      %dma_start3A_56 = tpu.memref_slice %arg4[%dma_start3A_52, %dma_start3A_54, %dma_start3A_55] : memref<3x32x1024xf32, #tpu.memory_space<vmem>> -> memref<1x32x1024xf32, #tpu.memory_space<vmem>>
      %dma_start3A_57 = tpu.memref_squeeze %dma_start3A_56 : memref<1x32x1024xf32, #tpu.memory_space<vmem>> -> memref<32x1024xf32, #tpu.memory_space<vmem>>
      %dma_start3A_58 = arith.constant 0 : i32
      %dma_start3A_59 = tpu.memref_slice %arg2[%mul3A_51, %dma_start3A_58] : memref<10000x1024xf32, #tpu.memory_space<hbm>> -> memref<32x1024xf32, #tpu.memory_space<hbm>>
      %dma_start3A_60 = tpu.memref_slice %arg5[%dma_start3A_53] : memref<3x!tpu.dma_semaphore, #tpu.memory_space<semaphore_mem>> -> memref<1x!tpu.dma_semaphore, #tpu.memory_space<semaphore_mem>>
      %dma_start3A_61 = tpu.memref_squeeze %dma_start3A_60 : memref<1x!tpu.dma_semaphore, #tpu.memory_space<semaphore_mem>> -> memref<!tpu.dma_semaphore, #tpu.memory_space<semaphore_mem>>
      %dma_start3A_62 = arith.constant 0 : i32
      %dma_start3A_63 = arith.constant 0 : i32
      %dma_start3A_64 = tpu.memref_slice %arg4[%dma_start3A_52, %dma_start3A_62, %dma_start3A_63] : memref<3x32x1024xf32, #tpu.memory_space<vmem>> -> memref<1x32x1024xf32, #tpu.memory_space<vmem>>
      %dma_start3A_65 = tpu.memref_squeeze %dma_start3A_64 : memref<1x32x1024xf32, #tpu.memory_space<vmem>> -> memref<32x1024xf32, #tpu.memory_space<vmem>>
      %dma_start3A_66 = arith.constant 0 : i32
      %dma_start3A_67 = tpu.memref_slice %arg2[%mul3A_51, %dma_start3A_66] : memref<10000x1024xf32, #tpu.memory_space<hbm>> -> memref<32x1024xf32, #tpu.memory_space<hbm>>
      tpu.enqueue_dma source(%dma_start3A_67 : memref<32x1024xf32, #tpu.memory_space<hbm>>) target(%dma_start3A_65 : memref<32x1024xf32, #tpu.memory_space<vmem>>) target_semaphore(%dma_start3A_61 : memref<!tpu.dma_semaphore, #tpu.memory_space<semaphore_mem>>)
      %add3A_68 = arith.constant 0 : i32
      %add3A_69 = arith.addi %mul3A_2, %add3A_68 : i32
      %mul3A_70 = arith.constant 32 : i32
      %mul3A_71 = arith.muli %add3A_69, %mul3A_70 : i32
      %dma_wait3A = arith.constant 0 : i32
      %dma_wait3A_72 = arith.constant 0 : i32
      %dma_wait3A_73 = arith.constant 0 : i32
      %dma_wait3A_74 = arith.constant 0 : i32
      %dma_wait3A_75 = tpu.memref_slice %arg4[%dma_wait3A, %dma_wait3A_73, %dma_wait3A_74] : memref<3x32x1024xf32, #tpu.memory_space<vmem>> -> memref<1x32x1024xf32, #tpu.memory_space<vmem>>
      %dma_wait3A_76 = tpu.memref_squeeze %dma_wait3A_75 : memref<1x32x1024xf32, #tpu.memory_space<vmem>> -> memref<32x1024xf32, #tpu.memory_space<vmem>>
      %dma_wait3A_77 = arith.constant 0 : i32
      %dma_wait3A_78 = tpu.memref_slice %arg2[%mul3A_71, %dma_wait3A_77] : memref<10000x1024xf32, #tpu.memory_space<hbm>> -> memref<32x1024xf32, #tpu.memory_space<hbm>>
      %dma_wait3A_79 = tpu.memref_slice %arg5[%dma_wait3A_72] : memref<3x!tpu.dma_semaphore, #tpu.memory_space<semaphore_mem>> -> memref<1x!tpu.dma_semaphore, #tpu.memory_space<semaphore_mem>>
      %dma_wait3A_80 = tpu.memref_squeeze %dma_wait3A_79 : memref<1x!tpu.dma_semaphore, #tpu.memory_space<semaphore_mem>> -> memref<!tpu.dma_semaphore, #tpu.memory_space<semaphore_mem>>
      %dma_wait3A_81 = arith.constant 0 : i32
      %dma_wait3A_82 = arith.constant 0 : i32
      %dma_wait3A_83 = tpu.memref_slice %arg4[%dma_wait3A, %dma_wait3A_81, %dma_wait3A_82] : memref<3x32x1024xf32, #tpu.memory_space<vmem>> -> memref<1x32x1024xf32, #tpu.memory_space<vmem>>
      %dma_wait3A_84 = tpu.memref_squeeze %dma_wait3A_83 : memref<1x32x1024xf32, #tpu.memory_space<vmem>> -> memref<32x1024xf32, #tpu.memory_space<vmem>>
      %dma_wait3A_85 = arith.constant 0 : i32
      %dma_wait3A_86 = tpu.memref_slice %arg2[%mul3A_71, %dma_wait3A_85] : memref<10000x1024xf32, #tpu.memory_space<hbm>> -> memref<32x1024xf32, #tpu.memory_space<hbm>>
      tpu.wait_dma2 semaphore(%dma_wait3A_80 : memref<!tpu.dma_semaphore, #tpu.memory_space<semaphore_mem>>) src(%dma_wait3A_86 : memref<32x1024xf32, #tpu.memory_space<hbm>>) dst(%dma_wait3A_84 : memref<32x1024xf32, #tpu.memory_space<vmem>>)
      %add3A_87 = arith.constant 0 : i32
      %add3A_88 = arith.addi %mul3A_2, %add3A_87 : i32
      %mul3A_89 = arith.constant 32 : i32
      %mul3A_90 = arith.muli %add3A_88, %mul3A_89 : i32
      %dma_start3A_91 = arith.constant 0 : i32
      %dma_start3A_92 = arith.constant 0 : i32
      %dma_start3A_93 = arith.constant 0 : i32
      %dma_start3A_94 = arith.constant 0 : i32
      %dma_start3A_95 = arith.constant 0 : i32
      %dma_start3A_96 = tpu.memref_slice %arg4[%dma_start3A_91, %dma_start3A_94, %dma_start3A_95] : memref<3x32x1024xf32, #tpu.memory_space<vmem>> -> memref<1x32x1024xf32, #tpu.memory_space<vmem>>
      %dma_start3A_97 = tpu.memref_squeeze %dma_start3A_96 : memref<1x32x1024xf32, #tpu.memory_space<vmem>> -> memref<32x1024xf32, #tpu.memory_space<vmem>>
      %dma_start3A_98 = arith.constant 0 : i32
      %dma_start3A_99 = tpu.memref_slice %arg3[%dma_start3A_92, %mul3A_90, %dma_start3A_98] : memref<4x8191x1024xf32, #tpu.memory_space<hbm>> -> memref<1x32x1024xf32, #tpu.memory_space<hbm>>
      %dma_start3A_100 = tpu.memref_squeeze %dma_start3A_99 : memref<1x32x1024xf32, #tpu.memory_space<hbm>> -> memref<32x1024xf32, #tpu.memory_space<hbm>>
      %dma_start3A_101 = tpu.memref_slice %arg6[%dma_start3A_93] : memref<3x!tpu.dma_semaphore, #tpu.memory_space<semaphore_mem>> -> memref<1x!tpu.dma_semaphore, #tpu.memory_space<semaphore_mem>>
      %dma_start3A_102 = tpu.memref_squeeze %dma_start3A_101 : memref<1x!tpu.dma_semaphore, #tpu.memory_space<semaphore_mem>> -> memref<!tpu.dma_semaphore, #tpu.memory_space<semaphore_mem>>
      %dma_start3A_103 = arith.constant 0 : i32
      %dma_start3A_104 = tpu.memref_slice %arg3[%dma_start3A_92, %mul3A_90, %dma_start3A_103] : memref<4x8191x1024xf32, #tpu.memory_space<hbm>> -> memref<1x32x1024xf32, #tpu.memory_space<hbm>>
      %dma_start3A_105 = tpu.memref_squeeze %dma_start3A_104 : memref<1x32x1024xf32, #tpu.memory_space<hbm>> -> memref<32x1024xf32, #tpu.memory_space<hbm>>
      %dma_start3A_106 = arith.constant 0 : i32
      %dma_start3A_107 = arith.constant 0 : i32
      %dma_start3A_108 = tpu.memref_slice %arg4[%dma_start3A_91, %dma_start3A_106, %dma_start3A_107] : memref<3x32x1024xf32, #tpu.memory_space<vmem>> -> memref<1x32x1024xf32, #tpu.memory_space<vmem>>
      %dma_start3A_109 = tpu.memref_squeeze %dma_start3A_108 : memref<1x32x1024xf32, #tpu.memory_space<vmem>> -> memref<32x1024xf32, #tpu.memory_space<vmem>>
      tpu.enqueue_dma source(%dma_start3A_109 : memref<32x1024xf32, #tpu.memory_space<vmem>>) target(%dma_start3A_105 : memref<32x1024xf32, #tpu.memory_space<hbm>>) target_semaphore(%dma_start3A_102 : memref<!tpu.dma_semaphore, #tpu.memory_space<semaphore_mem>>)
      %dma_start3A_110 = arith.constant 0 : i32
      %dma_start3A_111 = arith.constant 1 : i32
      %dma_start3A_112 = arith.constant 0 : i32
      %dma_start3A_113 = arith.constant 0 : i32
      %dma_start3A_114 = arith.constant 0 : i32
      %dma_start3A_115 = tpu.memref_slice %arg4[%dma_start3A_110, %dma_start3A_113, %dma_start3A_114] : memref<3x32x1024xf32, #tpu.memory_space<vmem>> -> memref<1x32x1024xf32, #tpu.memory_space<vmem>>
      %dma_start3A_116 = tpu.memref_squeeze %dma_start3A_115 : memref<1x32x1024xf32, #tpu.memory_space<vmem>> -> memref<32x1024xf32, #tpu.memory_space<vmem>>
      %dma_start3A_117 = arith.constant 0 : i32
      %dma_start3A_118 = tpu.memref_slice %arg3[%dma_start3A_111, %mul3A_90, %dma_start3A_117] : memref<4x8191x1024xf32, #tpu.memory_space<hbm>> -> memref<1x32x1024xf32, #tpu.memory_space<hbm>>
      %dma_start3A_119 = tpu.memref_squeeze %dma_start3A_118 : memref<1x32x1024xf32, #tpu.memory_space<hbm>> -> memref<32x1024xf32, #tpu.memory_space<hbm>>
      %dma_start3A_120 = tpu.memref_slice %arg6[%dma_start3A_112] : memref<3x!tpu.dma_semaphore, #tpu.memory_space<semaphore_mem>> -> memref<1x!tpu.dma_semaphore, #tpu.memory_space<semaphore_mem>>
      %dma_start3A_121 = tpu.memref_squeeze %dma_start3A_120 : memref<1x!tpu.dma_semaphore, #tpu.memory_space<semaphore_mem>> -> memref<!tpu.dma_semaphore, #tpu.memory_space<semaphore_mem>>
      %dma_start3A_122 = arith.constant 0 : i32
      %dma_start3A_123 = tpu.memref_slice %arg3[%dma_start3A_111, %mul3A_90, %dma_start3A_122] : memref<4x8191x1024xf32, #tpu.memory_space<hbm>> -> memref<1x32x1024xf32, #tpu.memory_space<hbm>>
      %dma_start3A_124 = tpu.memref_squeeze %dma_start3A_123 : memref<1x32x1024xf32, #tpu.memory_space<hbm>> -> memref<32x1024xf32, #tpu.memory_space<hbm>>
      %dma_start3A_125 = arith.constant 0 : i32
      %dma_start3A_126 = arith.constant 0 : i32
      %dma_start3A_127 = tpu.memref_slice %arg4[%dma_start3A_110, %dma_start3A_125, %dma_start3A_126] : memref<3x32x1024xf32, #tpu.memory_space<vmem>> -> memref<1x32x1024xf32, #tpu.memory_space<vmem>>
      %dma_start3A_128 = tpu.memref_squeeze %dma_start3A_127 : memref<1x32x1024xf32, #tpu.memory_space<vmem>> -> memref<32x1024xf32, #tpu.memory_space<vmem>>
      tpu.enqueue_dma source(%dma_start3A_128 : memref<32x1024xf32, #tpu.memory_space<vmem>>) target(%dma_start3A_124 : memref<32x1024xf32, #tpu.memory_space<hbm>>) target_semaphore(%dma_start3A_121 : memref<!tpu.dma_semaphore, #tpu.memory_space<semaphore_mem>>)
      %dma_start3A_129 = arith.constant 0 : i32
      %dma_start3A_130 = arith.constant 2 : i32
      %dma_start3A_131 = arith.constant 0 : i32
      %dma_start3A_132 = arith.constant 0 : i32
      %dma_start3A_133 = arith.constant 0 : i32
      %dma_start3A_134 = tpu.memref_slice %arg4[%dma_start3A_129, %dma_start3A_132, %dma_start3A_133] : memref<3x32x1024xf32, #tpu.memory_space<vmem>> -> memref<1x32x1024xf32, #tpu.memory_space<vmem>>
      %dma_start3A_135 = tpu.memref_squeeze %dma_start3A_134 : memref<1x32x1024xf32, #tpu.memory_space<vmem>> -> memref<32x1024xf32, #tpu.memory_space<vmem>>
      %dma_start3A_136 = arith.constant 0 : i32
      %dma_start3A_137 = tpu.memref_slice %arg3[%dma_start3A_130, %mul3A_90, %dma_start3A_136] : memref<4x8191x1024xf32, #tpu.memory_space<hbm>> -> memref<1x32x1024xf32, #tpu.memory_space<hbm>>
      %dma_start3A_138 = tpu.memref_squeeze %dma_start3A_137 : memref<1x32x1024xf32, #tpu.memory_space<hbm>> -> memref<32x1024xf32, #tpu.memory_space<hbm>>
      %dma_start3A_139 = tpu.memref_slice %arg6[%dma_start3A_131] : memref<3x!tpu.dma_semaphore, #tpu.memory_space<semaphore_mem>> -> memref<1x!tpu.dma_semaphore, #tpu.memory_space<semaphore_mem>>
      %dma_start3A_140 = tpu.memref_squeeze %dma_start3A_139 : memref<1x!tpu.dma_semaphore, #tpu.memory_space<semaphore_mem>> -> memref<!tpu.dma_semaphore, #tpu.memory_space<semaphore_mem>>
      %dma_start3A_141 = arith.constant 0 : i32
      %dma_start3A_142 = tpu.memref_slice %arg3[%dma_start3A_130, %mul3A_90, %dma_start3A_141] : memref<4x8191x1024xf32, #tpu.memory_space<hbm>> -> memref<1x32x1024xf32, #tpu.memory_space<hbm>>
      %dma_start3A_143 = tpu.memref_squeeze %dma_start3A_142 : memref<1x32x1024xf32, #tpu.memory_space<hbm>> -> memref<32x1024xf32, #tpu.memory_space<hbm>>
      %dma_start3A_144 = arith.constant 0 : i32
      %dma_start3A_145 = arith.constant 0 : i32
      %dma_start3A_146 = tpu.memref_slice %arg4[%dma_start3A_129, %dma_start3A_144, %dma_start3A_145] : memref<3x32x1024xf32, #tpu.memory_space<vmem>> -> memref<1x32x1024xf32, #tpu.memory_space<vmem>>
      %dma_start3A_147 = tpu.memref_squeeze %dma_start3A_146 : memref<1x32x1024xf32, #tpu.memory_space<vmem>> -> memref<32x1024xf32, #tpu.memory_space<vmem>>
      tpu.enqueue_dma source(%dma_start3A_147 : memref<32x1024xf32, #tpu.memory_space<vmem>>) target(%dma_start3A_143 : memref<32x1024xf32, #tpu.memory_space<hbm>>) target_semaphore(%dma_start3A_140 : memref<!tpu.dma_semaphore, #tpu.memory_space<semaphore_mem>>)
      %dma_start3A_148 = arith.constant 0 : i32
      %dma_start3A_149 = arith.constant 3 : i32
      %dma_start3A_150 = arith.constant 0 : i32
      %dma_start3A_151 = arith.constant 0 : i32
      %dma_start3A_152 = arith.constant 0 : i32
      %dma_start3A_153 = tpu.memref_slice %arg4[%dma_start3A_148, %dma_start3A_151, %dma_start3A_152] : memref<3x32x1024xf32, #tpu.memory_space<vmem>> -> memref<1x32x1024xf32, #tpu.memory_space<vmem>>
      %dma_start3A_154 = tpu.memref_squeeze %dma_start3A_153 : memref<1x32x1024xf32, #tpu.memory_space<vmem>> -> memref<32x1024xf32, #tpu.memory_space<vmem>>
      %dma_start3A_155 = arith.constant 0 : i32
      %dma_start3A_156 = tpu.memref_slice %arg3[%dma_start3A_149, %mul3A_90, %dma_start3A_155] : memref<4x8191x1024xf32, #tpu.memory_space<hbm>> -> memref<1x32x1024xf32, #tpu.memory_space<hbm>>
      %dma_start3A_157 = tpu.memref_squeeze %dma_start3A_156 : memref<1x32x1024xf32, #tpu.memory_space<hbm>> -> memref<32x1024xf32, #tpu.memory_space<hbm>>
      %dma_start3A_158 = tpu.memref_slice %arg6[%dma_start3A_150] : memref<3x!tpu.dma_semaphore, #tpu.memory_space<semaphore_mem>> -> memref<1x!tpu.dma_semaphore, #tpu.memory_space<semaphore_mem>>
      %dma_start3A_159 = tpu.memref_squeeze %dma_start3A_158 : memref<1x!tpu.dma_semaphore, #tpu.memory_space<semaphore_mem>> -> memref<!tpu.dma_semaphore, #tpu.memory_space<semaphore_mem>>
      %dma_start3A_160 = arith.constant 0 : i32
      %dma_start3A_161 = tpu.memref_slice %arg3[%dma_start3A_149, %mul3A_90, %dma_start3A_160] : memref<4x8191x1024xf32, #tpu.memory_space<hbm>> -> memref<1x32x1024xf32, #tpu.memory_space<hbm>>
      %dma_start3A_162 = tpu.memref_squeeze %dma_start3A_161 : memref<1x32x1024xf32, #tpu.memory_space<hbm>> -> memref<32x1024xf32, #tpu.memory_space<hbm>>
      %dma_start3A_163 = arith.constant 0 : i32
      %dma_start3A_164 = arith.constant 0 : i32
      %dma_start3A_165 = tpu.memref_slice %arg4[%dma_start3A_148, %dma_start3A_163, %dma_start3A_164] : memref<3x32x1024xf32, #tpu.memory_space<vmem>> -> memref<1x32x1024xf32, #tpu.memory_space<vmem>>
      %dma_start3A_166 = tpu.memref_squeeze %dma_start3A_165 : memref<1x32x1024xf32, #tpu.memory_space<vmem>> -> memref<32x1024xf32, #tpu.memory_space<vmem>>
      tpu.enqueue_dma source(%dma_start3A_166 : memref<32x1024xf32, #tpu.memory_space<vmem>>) target(%dma_start3A_162 : memref<32x1024xf32, #tpu.memory_space<hbm>>) target_semaphore(%dma_start3A_159 : memref<!tpu.dma_semaphore, #tpu.memory_space<semaphore_mem>>)
      %add3A_167 = arith.constant 1 : i32
      %add3A_168 = arith.addi %mul3A_2, %add3A_167 : i32
      %mul3A_169 = arith.constant 32 : i32
      %mul3A_170 = arith.muli %add3A_168, %mul3A_169 : i32
      %dma_wait3A_171 = arith.constant 1 : i32
      %dma_wait3A_172 = arith.constant 1 : i32
      %dma_wait3A_173 = arith.constant 0 : i32
      %dma_wait3A_174 = arith.constant 0 : i32
      %dma_wait3A_175 = tpu.memref_slice %arg4[%dma_wait3A_171, %dma_wait3A_173, %dma_wait3A_174] : memref<3x32x1024xf32, #tpu.memory_space<vmem>> -> memref<1x32x1024xf32, #tpu.memory_space<vmem>>
      %dma_wait3A_176 = tpu.memref_squeeze %dma_wait3A_175 : memref<1x32x1024xf32, #tpu.memory_space<vmem>> -> memref<32x1024xf32, #tpu.memory_space<vmem>>
      %dma_wait3A_177 = arith.constant 0 : i32
      %dma_wait3A_178 = tpu.memref_slice %arg2[%mul3A_170, %dma_wait3A_177] : memref<10000x1024xf32, #tpu.memory_space<hbm>> -> memref<32x1024xf32, #tpu.memory_space<hbm>>
      %dma_wait3A_179 = tpu.memref_slice %arg5[%dma_wait3A_172] : memref<3x!tpu.dma_semaphore, #tpu.memory_space<semaphore_mem>> -> memref<1x!tpu.dma_semaphore, #tpu.memory_space<semaphore_mem>>
      %dma_wait3A_180 = tpu.memref_squeeze %dma_wait3A_179 : memref<1x!tpu.dma_semaphore, #tpu.memory_space<semaphore_mem>> -> memref<!tpu.dma_semaphore, #tpu.memory_space<semaphore_mem>>
      %dma_wait3A_181 = arith.constant 0 : i32
      %dma_wait3A_182 = arith.constant 0 : i32
      %dma_wait3A_183 = tpu.memref_slice %arg4[%dma_wait3A_171, %dma_wait3A_181, %dma_wait3A_182] : memref<3x32x1024xf32, #tpu.memory_space<vmem>> -> memref<1x32x1024xf32, #tpu.memory_space<vmem>>
      %dma_wait3A_184 = tpu.memref_squeeze %dma_wait3A_183 : memref<1x32x1024xf32, #tpu.memory_space<vmem>> -> memref<32x1024xf32, #tpu.memory_space<vmem>>
      %dma_wait3A_185 = arith.constant 0 : i32
      %dma_wait3A_186 = tpu.memref_slice %arg2[%mul3A_170, %dma_wait3A_185] : memref<10000x1024xf32, #tpu.memory_space<hbm>> -> memref<32x1024xf32, #tpu.memory_space<hbm>>
      tpu.wait_dma2 semaphore(%dma_wait3A_180 : memref<!tpu.dma_semaphore, #tpu.memory_space<semaphore_mem>>) src(%dma_wait3A_186 : memref<32x1024xf32, #tpu.memory_space<hbm>>) dst(%dma_wait3A_184 : memref<32x1024xf32, #tpu.memory_space<vmem>>)
      %add3A_187 = arith.constant 1 : i32
      %add3A_188 = arith.addi %mul3A_2, %add3A_187 : i32
      %mul3A_189 = arith.constant 32 : i32
      %mul3A_190 = arith.muli %add3A_188, %mul3A_189 : i32
      %dma_start3A_191 = arith.constant 1 : i32
      %dma_start3A_192 = arith.constant 0 : i32
      %dma_start3A_193 = arith.constant 1 : i32
      %dma_start3A_194 = arith.constant 0 : i32
      %dma_start3A_195 = arith.constant 0 : i32
      %dma_start3A_196 = tpu.memref_slice %arg4[%dma_start3A_191, %dma_start3A_194, %dma_start3A_195] : memref<3x32x1024xf32, #tpu.memory_space<vmem>> -> memref<1x32x1024xf32, #tpu.memory_space<vmem>>
      %dma_start3A_197 = tpu.memref_squeeze %dma_start3A_196 : memref<1x32x1024xf32, #tpu.memory_space<vmem>> -> memref<32x1024xf32, #tpu.memory_space<vmem>>
      %dma_start3A_198 = arith.constant 0 : i32
      %dma_start3A_199 = tpu.memref_slice %arg3[%dma_start3A_192, %mul3A_190, %dma_start3A_198] : memref<4x8191x1024xf32, #tpu.memory_space<hbm>> -> memref<1x32x1024xf32, #tpu.memory_space<hbm>>
      %dma_start3A_200 = tpu.memref_squeeze %dma_start3A_199 : memref<1x32x1024xf32, #tpu.memory_space<hbm>> -> memref<32x1024xf32, #tpu.memory_space<hbm>>
      %dma_start3A_201 = tpu.memref_slice %arg6[%dma_start3A_193] : memref<3x!tpu.dma_semaphore, #tpu.memory_space<semaphore_mem>> -> memref<1x!tpu.dma_semaphore, #tpu.memory_space<semaphore_mem>>
      %dma_start3A_202 = tpu.memref_squeeze %dma_start3A_201 : memref<1x!tpu.dma_semaphore, #tpu.memory_space<semaphore_mem>> -> memref<!tpu.dma_semaphore, #tpu.memory_space<semaphore_mem>>
      %dma_start3A_203 = arith.constant 0 : i32
      %dma_start3A_204 = tpu.memref_slice %arg3[%dma_start3A_192, %mul3A_190, %dma_start3A_203] : memref<4x8191x1024xf32, #tpu.memory_space<hbm>> -> memref<1x32x1024xf32, #tpu.memory_space<hbm>>
      %dma_start3A_205 = tpu.memref_squeeze %dma_start3A_204 : memref<1x32x1024xf32, #tpu.memory_space<hbm>> -> memref<32x1024xf32, #tpu.memory_space<hbm>>
      %dma_start3A_206 = arith.constant 0 : i32
      %dma_start3A_207 = arith.constant 0 : i32
      %dma_start3A_208 = tpu.memref_slice %arg4[%dma_start3A_191, %dma_start3A_206, %dma_start3A_207] : memref<3x32x1024xf32, #tpu.memory_space<vmem>> -> memref<1x32x1024xf32, #tpu.memory_space<vmem>>
      %dma_start3A_209 = tpu.memref_squeeze %dma_start3A_208 : memref<1x32x1024xf32, #tpu.memory_space<vmem>> -> memref<32x1024xf32, #tpu.memory_space<vmem>>
      tpu.enqueue_dma source(%dma_start3A_209 : memref<32x1024xf32, #tpu.memory_space<vmem>>) target(%dma_start3A_205 : memref<32x1024xf32, #tpu.memory_space<hbm>>) target_semaphore(%dma_start3A_202 : memref<!tpu.dma_semaphore, #tpu.memory_space<semaphore_mem>>)
      %dma_start3A_210 = arith.constant 1 : i32
      %dma_start3A_211 = arith.constant 1 : i32
      %dma_start3A_212 = arith.constant 1 : i32
      %dma_start3A_213 = arith.constant 0 : i32
      %dma_start3A_214 = arith.constant 0 : i32
      %dma_start3A_215 = tpu.memref_slice %arg4[%dma_start3A_210, %dma_start3A_213, %dma_start3A_214] : memref<3x32x1024xf32, #tpu.memory_space<vmem>> -> memref<1x32x1024xf32, #tpu.memory_space<vmem>>
      %dma_start3A_216 = tpu.memref_squeeze %dma_start3A_215 : memref<1x32x1024xf32, #tpu.memory_space<vmem>> -> memref<32x1024xf32, #tpu.memory_space<vmem>>
      %dma_start3A_217 = arith.constant 0 : i32
      %dma_start3A_218 = tpu.memref_slice %arg3[%dma_start3A_211, %mul3A_190, %dma_start3A_217] : memref<4x8191x1024xf32, #tpu.memory_space<hbm>> -> memref<1x32x1024xf32, #tpu.memory_space<hbm>>
      %dma_start3A_219 = tpu.memref_squeeze %dma_start3A_218 : memref<1x32x1024xf32, #tpu.memory_space<hbm>> -> memref<32x1024xf32, #tpu.memory_space<hbm>>
      %dma_start3A_220 = tpu.memref_slice %arg6[%dma_start3A_212] : memref<3x!tpu.dma_semaphore, #tpu.memory_space<semaphore_mem>> -> memref<1x!tpu.dma_semaphore, #tpu.memory_space<semaphore_mem>>
      %dma_start3A_221 = tpu.memref_squeeze %dma_start3A_220 : memref<1x!tpu.dma_semaphore, #tpu.memory_space<semaphore_mem>> -> memref<!tpu.dma_semaphore, #tpu.memory_space<semaphore_mem>>
      %dma_start3A_222 = arith.constant 0 : i32
      %dma_start3A_223 = tpu.memref_slice %arg3[%dma_start3A_211, %mul3A_190, %dma_start3A_222] : memref<4x8191x1024xf32, #tpu.memory_space<hbm>> -> memref<1x32x1024xf32, #tpu.memory_space<hbm>>
      %dma_start3A_224 = tpu.memref_squeeze %dma_start3A_223 : memref<1x32x1024xf32, #tpu.memory_space<hbm>> -> memref<32x1024xf32, #tpu.memory_space<hbm>>
      %dma_start3A_225 = arith.constant 0 : i32
      %dma_start3A_226 = arith.constant 0 : i32
      %dma_start3A_227 = tpu.memref_slice %arg4[%dma_start3A_210, %dma_start3A_225, %dma_start3A_226] : memref<3x32x1024xf32, #tpu.memory_space<vmem>> -> memref<1x32x1024xf32, #tpu.memory_space<vmem>>
      %dma_start3A_228 = tpu.memref_squeeze %dma_start3A_227 : memref<1x32x1024xf32, #tpu.memory_space<vmem>> -> memref<32x1024xf32, #tpu.memory_space<vmem>>
      tpu.enqueue_dma source(%dma_start3A_228 : memref<32x1024xf32, #tpu.memory_space<vmem>>) target(%dma_start3A_224 : memref<32x1024xf32, #tpu.memory_space<hbm>>) target_semaphore(%dma_start3A_221 : memref<!tpu.dma_semaphore, #tpu.memory_space<semaphore_mem>>)
      %dma_start3A_229 = arith.constant 1 : i32
      %dma_start3A_230 = arith.constant 2 : i32
      %dma_start3A_231 = arith.constant 1 : i32
      %dma_start3A_232 = arith.constant 0 : i32
      %dma_start3A_233 = arith.constant 0 : i32
      %dma_start3A_234 = tpu.memref_slice %arg4[%dma_start3A_229, %dma_start3A_232, %dma_start3A_233] : memref<3x32x1024xf32, #tpu.memory_space<vmem>> -> memref<1x32x1024xf32, #tpu.memory_space<vmem>>
      %dma_start3A_235 = tpu.memref_squeeze %dma_start3A_234 : memref<1x32x1024xf32, #tpu.memory_space<vmem>> -> memref<32x1024xf32, #tpu.memory_space<vmem>>
      %dma_start3A_236 = arith.constant 0 : i32
      %dma_start3A_237 = tpu.memref_slice %arg3[%dma_start3A_230, %mul3A_190, %dma_start3A_236] : memref<4x8191x1024xf32, #tpu.memory_space<hbm>> -> memref<1x32x1024xf32, #tpu.memory_space<hbm>>
      %dma_start3A_238 = tpu.memref_squeeze %dma_start3A_237 : memref<1x32x1024xf32, #tpu.memory_space<hbm>> -> memref<32x1024xf32, #tpu.memory_space<hbm>>
      %dma_start3A_239 = tpu.memref_slice %arg6[%dma_start3A_231] : memref<3x!tpu.dma_semaphore, #tpu.memory_space<semaphore_mem>> -> memref<1x!tpu.dma_semaphore, #tpu.memory_space<semaphore_mem>>
      %dma_start3A_240 = tpu.memref_squeeze %dma_start3A_239 : memref<1x!tpu.dma_semaphore, #tpu.memory_space<semaphore_mem>> -> memref<!tpu.dma_semaphore, #tpu.memory_space<semaphore_mem>>
      %dma_start3A_241 = arith.constant 0 : i32
      %dma_start3A_242 = tpu.memref_slice %arg3[%dma_start3A_230, %mul3A_190, %dma_start3A_241] : memref<4x8191x1024xf32, #tpu.memory_space<hbm>> -> memref<1x32x1024xf32, #tpu.memory_space<hbm>>
      %dma_start3A_243 = tpu.memref_squeeze %dma_start3A_242 : memref<1x32x1024xf32, #tpu.memory_space<hbm>> -> memref<32x1024xf32, #tpu.memory_space<hbm>>
      %dma_start3A_244 = arith.constant 0 : i32
      %dma_start3A_245 = arith.constant 0 : i32
      %dma_start3A_246 = tpu.memref_slice %arg4[%dma_start3A_229, %dma_start3A_244, %dma_start3A_245] : memref<3x32x1024xf32, #tpu.memory_space<vmem>> -> memref<1x32x1024xf32, #tpu.memory_space<vmem>>
      %dma_start3A_247 = tpu.memref_squeeze %dma_start3A_246 : memref<1x32x1024xf32, #tpu.memory_space<vmem>> -> memref<32x1024xf32, #tpu.memory_space<vmem>>
      tpu.enqueue_dma source(%dma_start3A_247 : memref<32x1024xf32, #tpu.memory_space<vmem>>) target(%dma_start3A_243 : memref<32x1024xf32, #tpu.memory_space<hbm>>) target_semaphore(%dma_start3A_240 : memref<!tpu.dma_semaphore, #tpu.memory_space<semaphore_mem>>)
      %dma_start3A_248 = arith.constant 1 : i32
      %dma_start3A_249 = arith.constant 3 : i32
      %dma_start3A_250 = arith.constant 1 : i32
      %dma_start3A_251 = arith.constant 0 : i32
      %dma_start3A_252 = arith.constant 0 : i32
      %dma_start3A_253 = tpu.memref_slice %arg4[%dma_start3A_248, %dma_start3A_251, %dma_start3A_252] : memref<3x32x1024xf32, #tpu.memory_space<vmem>> -> memref<1x32x1024xf32, #tpu.memory_space<vmem>>
      %dma_start3A_254 = tpu.memref_squeeze %dma_start3A_253 : memref<1x32x1024xf32, #tpu.memory_space<vmem>> -> memref<32x1024xf32, #tpu.memory_space<vmem>>
      %dma_start3A_255 = arith.constant 0 : i32
      %dma_start3A_256 = tpu.memref_slice %arg3[%dma_start3A_249, %mul3A_190, %dma_start3A_255] : memref<4x8191x1024xf32, #tpu.memory_space<hbm>> -> memref<1x32x1024xf32, #tpu.memory_space<hbm>>
      %dma_start3A_257 = tpu.memref_squeeze %dma_start3A_256 : memref<1x32x1024xf32, #tpu.memory_space<hbm>> -> memref<32x1024xf32, #tpu.memory_space<hbm>>
      %dma_start3A_258 = tpu.memref_slice %arg6[%dma_start3A_250] : memref<3x!tpu.dma_semaphore, #tpu.memory_space<semaphore_mem>> -> memref<1x!tpu.dma_semaphore, #tpu.memory_space<semaphore_mem>>
      %dma_start3A_259 = tpu.memref_squeeze %dma_start3A_258 : memref<1x!tpu.dma_semaphore, #tpu.memory_space<semaphore_mem>> -> memref<!tpu.dma_semaphore, #tpu.memory_space<semaphore_mem>>
      %dma_start3A_260 = arith.constant 0 : i32
      %dma_start3A_261 = tpu.memref_slice %arg3[%dma_start3A_249, %mul3A_190, %dma_start3A_260] : memref<4x8191x1024xf32, #tpu.memory_space<hbm>> -> memref<1x32x1024xf32, #tpu.memory_space<hbm>>
      %dma_start3A_262 = tpu.memref_squeeze %dma_start3A_261 : memref<1x32x1024xf32, #tpu.memory_space<hbm>> -> memref<32x1024xf32, #tpu.memory_space<hbm>>
      %dma_start3A_263 = arith.constant 0 : i32
      %dma_start3A_264 = arith.constant 0 : i32
      %dma_start3A_265 = tpu.memref_slice %arg4[%dma_start3A_248, %dma_start3A_263, %dma_start3A_264] : memref<3x32x1024xf32, #tpu.memory_space<vmem>> -> memref<1x32x1024xf32, #tpu.memory_space<vmem>>
      %dma_start3A_266 = tpu.memref_squeeze %dma_start3A_265 : memref<1x32x1024xf32, #tpu.memory_space<vmem>> -> memref<32x1024xf32, #tpu.memory_space<vmem>>
      tpu.enqueue_dma source(%dma_start3A_266 : memref<32x1024xf32, #tpu.memory_space<vmem>>) target(%dma_start3A_262 : memref<32x1024xf32, #tpu.memory_space<hbm>>) target_semaphore(%dma_start3A_259 : memref<!tpu.dma_semaphore, #tpu.memory_space<semaphore_mem>>)
      %add3A_267 = arith.constant 0 : i32
      %add3A_268 = arith.addi %mul3A_2, %add3A_267 : i32
      %mul3A_269 = arith.constant 32 : i32
      %mul3A_270 = arith.muli %add3A_268, %mul3A_269 : i32
      %dma_wait3A_271 = arith.constant 0 : i32
      %dma_wait3A_272 = arith.constant 0 : i32
      %dma_wait3A_273 = arith.constant 0 : i32
      %dma_wait3A_274 = arith.constant 0 : i32
      %dma_wait3A_275 = arith.constant 0 : i32
      %dma_wait3A_276 = tpu.memref_slice %arg4[%dma_wait3A_271, %dma_wait3A_274, %dma_wait3A_275] : memref<3x32x1024xf32, #tpu.memory_space<vmem>> -> memref<1x32x1024xf32, #tpu.memory_space<vmem>>
      %dma_wait3A_277 = tpu.memref_squeeze %dma_wait3A_276 : memref<1x32x1024xf32, #tpu.memory_space<vmem>> -> memref<32x1024xf32, #tpu.memory_space<vmem>>
      %dma_wait3A_278 = arith.constant 0 : i32
      %dma_wait3A_279 = tpu.memref_slice %arg3[%dma_wait3A_272, %mul3A_270, %dma_wait3A_278] : memref<4x8191x1024xf32, #tpu.memory_space<hbm>> -> memref<1x32x1024xf32, #tpu.memory_space<hbm>>
      %dma_wait3A_280 = tpu.memref_squeeze %dma_wait3A_279 : memref<1x32x1024xf32, #tpu.memory_space<hbm>> -> memref<32x1024xf32, #tpu.memory_space<hbm>>
      %dma_wait3A_281 = tpu.memref_slice %arg6[%dma_wait3A_273] : memref<3x!tpu.dma_semaphore, #tpu.memory_space<semaphore_mem>> -> memref<1x!tpu.dma_semaphore, #tpu.memory_space<semaphore_mem>>
      %dma_wait3A_282 = tpu.memref_squeeze %dma_wait3A_281 : memref<1x!tpu.dma_semaphore, #tpu.memory_space<semaphore_mem>> -> memref<!tpu.dma_semaphore, #tpu.memory_space<semaphore_mem>>
      %dma_wait3A_283 = arith.constant 0 : i32
      %dma_wait3A_284 = tpu.memref_slice %arg3[%dma_wait3A_272, %mul3A_270, %dma_wait3A_283] : memref<4x8191x1024xf32, #tpu.memory_space<hbm>> -> memref<1x32x1024xf32, #tpu.memory_space<hbm>>
      %dma_wait3A_285 = tpu.memref_squeeze %dma_wait3A_284 : memref<1x32x1024xf32, #tpu.memory_space<hbm>> -> memref<32x1024xf32, #tpu.memory_space<hbm>>
      %dma_wait3A_286 = arith.constant 0 : i32
      %dma_wait3A_287 = arith.constant 0 : i32
      %dma_wait3A_288 = tpu.memref_slice %arg4[%dma_wait3A_271, %dma_wait3A_286, %dma_wait3A_287] : memref<3x32x1024xf32, #tpu.memory_space<vmem>> -> memref<1x32x1024xf32, #tpu.memory_space<vmem>>
      %dma_wait3A_289 = tpu.memref_squeeze %dma_wait3A_288 : memref<1x32x1024xf32, #tpu.memory_space<vmem>> -> memref<32x1024xf32, #tpu.memory_space<vmem>>
      tpu.wait_dma2 semaphore(%dma_wait3A_282 : memref<!tpu.dma_semaphore, #tpu.memory_space<semaphore_mem>>) src(%dma_wait3A_289 : memref<32x1024xf32, #tpu.memory_space<vmem>>) dst(%dma_wait3A_285 : memref<32x1024xf32, #tpu.memory_space<hbm>>)
      %dma_wait3A_290 = arith.constant 0 : i32
      %dma_wait3A_291 = arith.constant 1 : i32
      %dma_wait3A_292 = arith.constant 0 : i32
      %dma_wait3A_293 = arith.constant 0 : i32
      %dma_wait3A_294 = arith.constant 0 : i32
      %dma_wait3A_295 = tpu.memref_slice %arg4[%dma_wait3A_290, %dma_wait3A_293, %dma_wait3A_294] : memref<3x32x1024xf32, #tpu.memory_space<vmem>> -> memref<1x32x1024xf32, #tpu.memory_space<vmem>>
      %dma_wait3A_296 = tpu.memref_squeeze %dma_wait3A_295 : memref<1x32x1024xf32, #tpu.memory_space<vmem>> -> memref<32x1024xf32, #tpu.memory_space<vmem>>
      %dma_wait3A_297 = arith.constant 0 : i32
      %dma_wait3A_298 = tpu.memref_slice %arg3[%dma_wait3A_291, %mul3A_270, %dma_wait3A_297] : memref<4x8191x1024xf32, #tpu.memory_space<hbm>> -> memref<1x32x1024xf32, #tpu.memory_space<hbm>>
      %dma_wait3A_299 = tpu.memref_squeeze %dma_wait3A_298 : memref<1x32x1024xf32, #tpu.memory_space<hbm>> -> memref<32x1024xf32, #tpu.memory_space<hbm>>
      %dma_wait3A_300 = tpu.memref_slice %arg6[%dma_wait3A_292] : memref<3x!tpu.dma_semaphore, #tpu.memory_space<semaphore_mem>> -> memref<1x!tpu.dma_semaphore, #tpu.memory_space<semaphore_mem>>
      %dma_wait3A_301 = tpu.memref_squeeze %dma_wait3A_300 : memref<1x!tpu.dma_semaphore, #tpu.memory_space<semaphore_mem>> -> memref<!tpu.dma_semaphore, #tpu.memory_space<semaphore_mem>>
      %dma_wait3A_302 = arith.constant 0 : i32
      %dma_wait3A_303 = tpu.memref_slice %arg3[%dma_wait3A_291, %mul3A_270, %dma_wait3A_302] : memref<4x8191x1024xf32, #tpu.memory_space<hbm>> -> memref<1x32x1024xf32, #tpu.memory_space<hbm>>
      %dma_wait3A_304 = tpu.memref_squeeze %dma_wait3A_303 : memref<1x32x1024xf32, #tpu.memory_space<hbm>> -> memref<32x1024xf32, #tpu.memory_space<hbm>>
      %dma_wait3A_305 = arith.constant 0 : i32
      %dma_wait3A_306 = arith.constant 0 : i32
      %dma_wait3A_307 = tpu.memref_slice %arg4[%dma_wait3A_290, %dma_wait3A_305, %dma_wait3A_306] : memref<3x32x1024xf32, #tpu.memory_space<vmem>> -> memref<1x32x1024xf32, #tpu.memory_space<vmem>>
      %dma_wait3A_308 = tpu.memref_squeeze %dma_wait3A_307 : memref<1x32x1024xf32, #tpu.memory_space<vmem>> -> memref<32x1024xf32, #tpu.memory_space<vmem>>
      tpu.wait_dma2 semaphore(%dma_wait3A_301 : memref<!tpu.dma_semaphore, #tpu.memory_space<semaphore_mem>>) src(%dma_wait3A_308 : memref<32x1024xf32, #tpu.memory_space<vmem>>) dst(%dma_wait3A_304 : memref<32x1024xf32, #tpu.memory_space<hbm>>)
      %dma_wait3A_309 = arith.constant 0 : i32
      %dma_wait3A_310 = arith.constant 2 : i32
      %dma_wait3A_311 = arith.constant 0 : i32
      %dma_wait3A_312 = arith.constant 0 : i32
      %dma_wait3A_313 = arith.constant 0 : i32
      %dma_wait3A_314 = tpu.memref_slice %arg4[%dma_wait3A_309, %dma_wait3A_312, %dma_wait3A_313] : memref<3x32x1024xf32, #tpu.memory_space<vmem>> -> memref<1x32x1024xf32, #tpu.memory_space<vmem>>
      %dma_wait3A_315 = tpu.memref_squeeze %dma_wait3A_314 : memref<1x32x1024xf32, #tpu.memory_space<vmem>> -> memref<32x1024xf32, #tpu.memory_space<vmem>>
      %dma_wait3A_316 = arith.constant 0 : i32
      %dma_wait3A_317 = tpu.memref_slice %arg3[%dma_wait3A_310, %mul3A_270, %dma_wait3A_316] : memref<4x8191x1024xf32, #tpu.memory_space<hbm>> -> memref<1x32x1024xf32, #tpu.memory_space<hbm>>
      %dma_wait3A_318 = tpu.memref_squeeze %dma_wait3A_317 : memref<1x32x1024xf32, #tpu.memory_space<hbm>> -> memref<32x1024xf32, #tpu.memory_space<hbm>>
      %dma_wait3A_319 = tpu.memref_slice %arg6[%dma_wait3A_311] : memref<3x!tpu.dma_semaphore, #tpu.memory_space<semaphore_mem>> -> memref<1x!tpu.dma_semaphore, #tpu.memory_space<semaphore_mem>>
      %dma_wait3A_320 = tpu.memref_squeeze %dma_wait3A_319 : memref<1x!tpu.dma_semaphore, #tpu.memory_space<semaphore_mem>> -> memref<!tpu.dma_semaphore, #tpu.memory_space<semaphore_mem>>
      %dma_wait3A_321 = arith.constant 0 : i32
      %dma_wait3A_322 = tpu.memref_slice %arg3[%dma_wait3A_310, %mul3A_270, %dma_wait3A_321] : memref<4x8191x1024xf32, #tpu.memory_space<hbm>> -> memref<1x32x1024xf32, #tpu.memory_space<hbm>>
      %dma_wait3A_323 = tpu.memref_squeeze %dma_wait3A_322 : memref<1x32x1024xf32, #tpu.memory_space<hbm>> -> memref<32x1024xf32, #tpu.memory_space<hbm>>
      %dma_wait3A_324 = arith.constant 0 : i32
      %dma_wait3A_325 = arith.constant 0 : i32
      %dma_wait3A_326 = tpu.memref_slice %arg4[%dma_wait3A_309, %dma_wait3A_324, %dma_wait3A_325] : memref<3x32x1024xf32, #tpu.memory_space<vmem>> -> memref<1x32x1024xf32, #tpu.memory_space<vmem>>
      %dma_wait3A_327 = tpu.memref_squeeze %dma_wait3A_326 : memref<1x32x1024xf32, #tpu.memory_space<vmem>> -> memref<32x1024xf32, #tpu.memory_space<vmem>>
      tpu.wait_dma2 semaphore(%dma_wait3A_320 : memref<!tpu.dma_semaphore, #tpu.memory_space<semaphore_mem>>) src(%dma_wait3A_327 : memref<32x1024xf32, #tpu.memory_space<vmem>>) dst(%dma_wait3A_323 : memref<32x1024xf32, #tpu.memory_space<hbm>>)
      %dma_wait3A_328 = arith.constant 0 : i32
      %dma_wait3A_329 = arith.constant 3 : i32
      %dma_wait3A_330 = arith.constant 0 : i32
      %dma_wait3A_331 = arith.constant 0 : i32
      %dma_wait3A_332 = arith.constant 0 : i32
      %dma_wait3A_333 = tpu.memref_slice %arg4[%dma_wait3A_328, %dma_wait3A_331, %dma_wait3A_332] : memref<3x32x1024xf32, #tpu.memory_space<vmem>> -> memref<1x32x1024xf32, #tpu.memory_space<vmem>>
      %dma_wait3A_334 = tpu.memref_squeeze %dma_wait3A_333 : memref<1x32x1024xf32, #tpu.memory_space<vmem>> -> memref<32x1024xf32, #tpu.memory_space<vmem>>
      %dma_wait3A_335 = arith.constant 0 : i32
      %dma_wait3A_336 = tpu.memref_slice %arg3[%dma_wait3A_329, %mul3A_270, %dma_wait3A_335] : memref<4x8191x1024xf32, #tpu.memory_space<hbm>> -> memref<1x32x1024xf32, #tpu.memory_space<hbm>>
      %dma_wait3A_337 = tpu.memref_squeeze %dma_wait3A_336 : memref<1x32x1024xf32, #tpu.memory_space<hbm>> -> memref<32x1024xf32, #tpu.memory_space<hbm>>
      %dma_wait3A_338 = tpu.memref_slice %arg6[%dma_wait3A_330] : memref<3x!tpu.dma_semaphore, #tpu.memory_space<semaphore_mem>> -> memref<1x!tpu.dma_semaphore, #tpu.memory_space<semaphore_mem>>
      %dma_wait3A_339 = tpu.memref_squeeze %dma_wait3A_338 : memref<1x!tpu.dma_semaphore, #tpu.memory_space<semaphore_mem>> -> memref<!tpu.dma_semaphore, #tpu.memory_space<semaphore_mem>>
      %dma_wait3A_340 = arith.constant 0 : i32
      %dma_wait3A_341 = tpu.memref_slice %arg3[%dma_wait3A_329, %mul3A_270, %dma_wait3A_340] : memref<4x8191x1024xf32, #tpu.memory_space<hbm>> -> memref<1x32x1024xf32, #tpu.memory_space<hbm>>
      %dma_wait3A_342 = tpu.memref_squeeze %dma_wait3A_341 : memref<1x32x1024xf32, #tpu.memory_space<hbm>> -> memref<32x1024xf32, #tpu.memory_space<hbm>>
      %dma_wait3A_343 = arith.constant 0 : i32
      %dma_wait3A_344 = arith.constant 0 : i32
      %dma_wait3A_345 = tpu.memref_slice %arg4[%dma_wait3A_328, %dma_wait3A_343, %dma_wait3A_344] : memref<3x32x1024xf32, #tpu.memory_space<vmem>> -> memref<1x32x1024xf32, #tpu.memory_space<vmem>>
      %dma_wait3A_346 = tpu.memref_squeeze %dma_wait3A_345 : memref<1x32x1024xf32, #tpu.memory_space<vmem>> -> memref<32x1024xf32, #tpu.memory_space<vmem>>
      tpu.wait_dma2 semaphore(%dma_wait3A_339 : memref<!tpu.dma_semaphore, #tpu.memory_space<semaphore_mem>>) src(%dma_wait3A_346 : memref<32x1024xf32, #tpu.memory_space<vmem>>) dst(%dma_wait3A_342 : memref<32x1024xf32, #tpu.memory_space<hbm>>)
      %add3A_347 = arith.constant 3 : i32
      %add3A_348 = arith.addi %mul3A_2, %add3A_347 : i32
      %mul3A_349 = arith.constant 32 : i32
      %mul3A_350 = arith.muli %add3A_348, %mul3A_349 : i32
      %dma_start3A_351 = arith.constant 0 : i32
      %dma_start3A_352 = arith.constant 0 : i32
      %dma_start3A_353 = arith.constant 0 : i32
      %dma_start3A_354 = arith.constant 0 : i32
      %dma_start3A_355 = tpu.memref_slice %arg4[%dma_start3A_351, %dma_start3A_353, %dma_start3A_354] : memref<3x32x1024xf32, #tpu.memory_space<vmem>> -> memref<1x32x1024xf32, #tpu.memory_space<vmem>>
      %dma_start3A_356 = tpu.memref_squeeze %dma_start3A_355 : memref<1x32x1024xf32, #tpu.memory_space<vmem>> -> memref<32x1024xf32, #tpu.memory_space<vmem>>
      %dma_start3A_357 = arith.constant 0 : i32
      %dma_start3A_358 = tpu.memref_slice %arg2[%mul3A_350, %dma_start3A_357] : memref<10000x1024xf32, #tpu.memory_space<hbm>> -> memref<32x1024xf32, #tpu.memory_space<hbm>>
      %dma_start3A_359 = tpu.memref_slice %arg5[%dma_start3A_352] : memref<3x!tpu.dma_semaphore, #tpu.memory_space<semaphore_mem>> -> memref<1x!tpu.dma_semaphore, #tpu.memory_space<semaphore_mem>>
      %dma_start3A_360 = tpu.memref_squeeze %dma_start3A_359 : memref<1x!tpu.dma_semaphore, #tpu.memory_space<semaphore_mem>> -> memref<!tpu.dma_semaphore, #tpu.memory_space<semaphore_mem>>
      %dma_start3A_361 = arith.constant 0 : i32
      %dma_start3A_362 = arith.constant 0 : i32
      %dma_start3A_363 = tpu.memref_slice %arg4[%dma_start3A_351, %dma_start3A_361, %dma_start3A_362] : memref<3x32x1024xf32, #tpu.memory_space<vmem>> -> memref<1x32x1024xf32, #tpu.memory_space<vmem>>
      %dma_start3A_364 = tpu.memref_squeeze %dma_start3A_363 : memref<1x32x1024xf32, #tpu.memory_space<vmem>> -> memref<32x1024xf32, #tpu.memory_space<vmem>>
      %dma_start3A_365 = arith.constant 0 : i32
      %dma_start3A_366 = tpu.memref_slice %arg2[%mul3A_350, %dma_start3A_365] : memref<10000x1024xf32, #tpu.memory_space<hbm>> -> memref<32x1024xf32, #tpu.memory_space<hbm>>
      tpu.enqueue_dma source(%dma_start3A_366 : memref<32x1024xf32, #tpu.memory_space<hbm>>) target(%dma_start3A_364 : memref<32x1024xf32, #tpu.memory_space<vmem>>) target_semaphore(%dma_start3A_360 : memref<!tpu.dma_semaphore, #tpu.memory_space<semaphore_mem>>)
      %add3A_367 = arith.constant 2 : i32
      %add3A_368 = arith.addi %mul3A_2, %add3A_367 : i32
      %mul3A_369 = arith.constant 32 : i32
      %mul3A_370 = arith.muli %add3A_368, %mul3A_369 : i32
      %dma_wait3A_371 = arith.constant 2 : i32
      %dma_wait3A_372 = arith.constant 2 : i32
      %dma_wait3A_373 = arith.constant 0 : i32
      %dma_wait3A_374 = arith.constant 0 : i32
      %dma_wait3A_375 = tpu.memref_slice %arg4[%dma_wait3A_371, %dma_wait3A_373, %dma_wait3A_374] : memref<3x32x1024xf32, #tpu.memory_space<vmem>> -> memref<1x32x1024xf32, #tpu.memory_space<vmem>>
      %dma_wait3A_376 = tpu.memref_squeeze %dma_wait3A_375 : memref<1x32x1024xf32, #tpu.memory_space<vmem>> -> memref<32x1024xf32, #tpu.memory_space<vmem>>
      %dma_wait3A_377 = arith.constant 0 : i32
      %dma_wait3A_378 = tpu.memref_slice %arg2[%mul3A_370, %dma_wait3A_377] : memref<10000x1024xf32, #tpu.memory_space<hbm>> -> memref<32x1024xf32, #tpu.memory_space<hbm>>
      %dma_wait3A_379 = tpu.memref_slice %arg5[%dma_wait3A_372] : memref<3x!tpu.dma_semaphore, #tpu.memory_space<semaphore_mem>> -> memref<1x!tpu.dma_semaphore, #tpu.memory_space<semaphore_mem>>
      %dma_wait3A_380 = tpu.memref_squeeze %dma_wait3A_379 : memref<1x!tpu.dma_semaphore, #tpu.memory_space<semaphore_mem>> -> memref<!tpu.dma_semaphore, #tpu.memory_space<semaphore_mem>>
      %dma_wait3A_381 = arith.constant 0 : i32
      %dma_wait3A_382 = arith.constant 0 : i32
      %dma_wait3A_383 = tpu.memref_slice %arg4[%dma_wait3A_371, %dma_wait3A_381, %dma_wait3A_382] : memref<3x32x1024xf32, #tpu.memory_space<vmem>> -> memref<1x32x1024xf32, #tpu.memory_space<vmem>>
      %dma_wait3A_384 = tpu.memref_squeeze %dma_wait3A_383 : memref<1x32x1024xf32, #tpu.memory_space<vmem>> -> memref<32x1024xf32, #tpu.memory_space<vmem>>
      %dma_wait3A_385 = arith.constant 0 : i32
      %dma_wait3A_386 = tpu.memref_slice %arg2[%mul3A_370, %dma_wait3A_385] : memref<10000x1024xf32, #tpu.memory_space<hbm>> -> memref<32x1024xf32, #tpu.memory_space<hbm>>
      tpu.wait_dma2 semaphore(%dma_wait3A_380 : memref<!tpu.dma_semaphore, #tpu.memory_space<semaphore_mem>>) src(%dma_wait3A_386 : memref<32x1024xf32, #tpu.memory_space<hbm>>) dst(%dma_wait3A_384 : memref<32x1024xf32, #tpu.memory_space<vmem>>)
      %add3A_387 = arith.constant 2 : i32
      %add3A_388 = arith.addi %mul3A_2, %add3A_387 : i32
      %mul3A_389 = arith.constant 32 : i32
      %mul3A_390 = arith.muli %add3A_388, %mul3A_389 : i32
      %dma_start3A_391 = arith.constant 2 : i32
      %dma_start3A_392 = arith.constant 0 : i32
      %dma_start3A_393 = arith.constant 2 : i32
      %dma_start3A_394 = arith.constant 0 : i32
      %dma_start3A_395 = arith.constant 0 : i32
      %dma_start3A_396 = tpu.memref_slice %arg4[%dma_start3A_391, %dma_start3A_394, %dma_start3A_395] : memref<3x32x1024xf32, #tpu.memory_space<vmem>> -> memref<1x32x1024xf32, #tpu.memory_space<vmem>>
      %dma_start3A_397 = tpu.memref_squeeze %dma_start3A_396 : memref<1x32x1024xf32, #tpu.memory_space<vmem>> -> memref<32x1024xf32, #tpu.memory_space<vmem>>
      %dma_start3A_398 = arith.constant 0 : i32
      %dma_start3A_399 = tpu.memref_slice %arg3[%dma_start3A_392, %mul3A_390, %dma_start3A_398] : memref<4x8191x1024xf32, #tpu.memory_space<hbm>> -> memref<1x32x1024xf32, #tpu.memory_space<hbm>>
      %dma_start3A_400 = tpu.memref_squeeze %dma_start3A_399 : memref<1x32x1024xf32, #tpu.memory_space<hbm>> -> memref<32x1024xf32, #tpu.memory_space<hbm>>
      %dma_start3A_401 = tpu.memref_slice %arg6[%dma_start3A_393] : memref<3x!tpu.dma_semaphore, #tpu.memory_space<semaphore_mem>> -> memref<1x!tpu.dma_semaphore, #tpu.memory_space<semaphore_mem>>
      %dma_start3A_402 = tpu.memref_squeeze %dma_start3A_401 : memref<1x!tpu.dma_semaphore, #tpu.memory_space<semaphore_mem>> -> memref<!tpu.dma_semaphore, #tpu.memory_space<semaphore_mem>>
      %dma_start3A_403 = arith.constant 0 : i32
      %dma_start3A_404 = tpu.memref_slice %arg3[%dma_start3A_392, %mul3A_390, %dma_start3A_403] : memref<4x8191x1024xf32, #tpu.memory_space<hbm>> -> memref<1x32x1024xf32, #tpu.memory_space<hbm>>
      %dma_start3A_405 = tpu.memref_squeeze %dma_start3A_404 : memref<1x32x1024xf32, #tpu.memory_space<hbm>> -> memref<32x1024xf32, #tpu.memory_space<hbm>>
      %dma_start3A_406 = arith.constant 0 : i32
      %dma_start3A_407 = arith.constant 0 : i32
      %dma_start3A_408 = tpu.memref_slice %arg4[%dma_start3A_391, %dma_start3A_406, %dma_start3A_407] : memref<3x32x1024xf32, #tpu.memory_space<vmem>> -> memref<1x32x1024xf32, #tpu.memory_space<vmem>>
      %dma_start3A_409 = tpu.memref_squeeze %dma_start3A_408 : memref<1x32x1024xf32, #tpu.memory_space<vmem>> -> memref<32x1024xf32, #tpu.memory_space<vmem>>
      tpu.enqueue_dma source(%dma_start3A_409 : memref<32x1024xf32, #tpu.memory_space<vmem>>) target(%dma_start3A_405 : memref<32x1024xf32, #tpu.memory_space<hbm>>) target_semaphore(%dma_start3A_402 : memref<!tpu.dma_semaphore, #tpu.memory_space<semaphore_mem>>)
      %dma_start3A_410 = arith.constant 2 : i32
      %dma_start3A_411 = arith.constant 1 : i32
      %dma_start3A_412 = arith.constant 2 : i32
      %dma_start3A_413 = arith.constant 0 : i32
      %dma_start3A_414 = arith.constant 0 : i32
      %dma_start3A_415 = tpu.memref_slice %arg4[%dma_start3A_410, %dma_start3A_413, %dma_start3A_414] : memref<3x32x1024xf32, #tpu.memory_space<vmem>> -> memref<1x32x1024xf32, #tpu.memory_space<vmem>>
      %dma_start3A_416 = tpu.memref_squeeze %dma_start3A_415 : memref<1x32x1024xf32, #tpu.memory_space<vmem>> -> memref<32x1024xf32, #tpu.memory_space<vmem>>
      %dma_start3A_417 = arith.constant 0 : i32
      %dma_start3A_418 = tpu.memref_slice %arg3[%dma_start3A_411, %mul3A_390, %dma_start3A_417] : memref<4x8191x1024xf32, #tpu.memory_space<hbm>> -> memref<1x32x1024xf32, #tpu.memory_space<hbm>>
      %dma_start3A_419 = tpu.memref_squeeze %dma_start3A_418 : memref<1x32x1024xf32, #tpu.memory_space<hbm>> -> memref<32x1024xf32, #tpu.memory_space<hbm>>
      %dma_start3A_420 = tpu.memref_slice %arg6[%dma_start3A_412] : memref<3x!tpu.dma_semaphore, #tpu.memory_space<semaphore_mem>> -> memref<1x!tpu.dma_semaphore, #tpu.memory_space<semaphore_mem>>
      %dma_start3A_421 = tpu.memref_squeeze %dma_start3A_420 : memref<1x!tpu.dma_semaphore, #tpu.memory_space<semaphore_mem>> -> memref<!tpu.dma_semaphore, #tpu.memory_space<semaphore_mem>>
      %dma_start3A_422 = arith.constant 0 : i32
      %dma_start3A_423 = tpu.memref_slice %arg3[%dma_start3A_411, %mul3A_390, %dma_start3A_422] : memref<4x8191x1024xf32, #tpu.memory_space<hbm>> -> memref<1x32x1024xf32, #tpu.memory_space<hbm>>
      %dma_start3A_424 = tpu.memref_squeeze %dma_start3A_423 : memref<1x32x1024xf32, #tpu.memory_space<hbm>> -> memref<32x1024xf32, #tpu.memory_space<hbm>>
      %dma_start3A_425 = arith.constant 0 : i32
      %dma_start3A_426 = arith.constant 0 : i32
      %dma_start3A_427 = tpu.memref_slice %arg4[%dma_start3A_410, %dma_start3A_425, %dma_start3A_426] : memref<3x32x1024xf32, #tpu.memory_space<vmem>> -> memref<1x32x1024xf32, #tpu.memory_space<vmem>>
      %dma_start3A_428 = tpu.memref_squeeze %dma_start3A_427 : memref<1x32x1024xf32, #tpu.memory_space<vmem>> -> memref<32x1024xf32, #tpu.memory_space<vmem>>
      tpu.enqueue_dma source(%dma_start3A_428 : memref<32x1024xf32, #tpu.memory_space<vmem>>) target(%dma_start3A_424 : memref<32x1024xf32, #tpu.memory_space<hbm>>) target_semaphore(%dma_start3A_421 : memref<!tpu.dma_semaphore, #tpu.memory_space<semaphore_mem>>)
      %dma_start3A_429 = arith.constant 2 : i32
      %dma_start3A_430 = arith.constant 2 : i32
      %dma_start3A_431 = arith.constant 2 : i32
      %dma_start3A_432 = arith.constant 0 : i32
      %dma_start3A_433 = arith.constant 0 : i32
      %dma_start3A_434 = tpu.memref_slice %arg4[%dma_start3A_429, %dma_start3A_432, %dma_start3A_433] : memref<3x32x1024xf32, #tpu.memory_space<vmem>> -> memref<1x32x1024xf32, #tpu.memory_space<vmem>>
      %dma_start3A_435 = tpu.memref_squeeze %dma_start3A_434 : memref<1x32x1024xf32, #tpu.memory_space<vmem>> -> memref<32x1024xf32, #tpu.memory_space<vmem>>
      %dma_start3A_436 = arith.constant 0 : i32
      %dma_start3A_437 = tpu.memref_slice %arg3[%dma_start3A_430, %mul3A_390, %dma_start3A_436] : memref<4x8191x1024xf32, #tpu.memory_space<hbm>> -> memref<1x32x1024xf32, #tpu.memory_space<hbm>>
      %dma_start3A_438 = tpu.memref_squeeze %dma_start3A_437 : memref<1x32x1024xf32, #tpu.memory_space<hbm>> -> memref<32x1024xf32, #tpu.memory_space<hbm>>
      %dma_start3A_439 = tpu.memref_slice %arg6[%dma_start3A_431] : memref<3x!tpu.dma_semaphore, #tpu.memory_space<semaphore_mem>> -> memref<1x!tpu.dma_semaphore, #tpu.memory_space<semaphore_mem>>
      %dma_start3A_440 = tpu.memref_squeeze %dma_start3A_439 : memref<1x!tpu.dma_semaphore, #tpu.memory_space<semaphore_mem>> -> memref<!tpu.dma_semaphore, #tpu.memory_space<semaphore_mem>>
      %dma_start3A_441 = arith.constant 0 : i32
      %dma_start3A_442 = tpu.memref_slice %arg3[%dma_start3A_430, %mul3A_390, %dma_start3A_441] : memref<4x8191x1024xf32, #tpu.memory_space<hbm>> -> memref<1x32x1024xf32, #tpu.memory_space<hbm>>
      %dma_start3A_443 = tpu.memref_squeeze %dma_start3A_442 : memref<1x32x1024xf32, #tpu.memory_space<hbm>> -> memref<32x1024xf32, #tpu.memory_space<hbm>>
      %dma_start3A_444 = arith.constant 0 : i32
      %dma_start3A_445 = arith.constant 0 : i32
      %dma_start3A_446 = tpu.memref_slice %arg4[%dma_start3A_429, %dma_start3A_444, %dma_start3A_445] : memref<3x32x1024xf32, #tpu.memory_space<vmem>> -> memref<1x32x1024xf32, #tpu.memory_space<vmem>>
      %dma_start3A_447 = tpu.memref_squeeze %dma_start3A_446 : memref<1x32x1024xf32, #tpu.memory_space<vmem>> -> memref<32x1024xf32, #tpu.memory_space<vmem>>
      tpu.enqueue_dma source(%dma_start3A_447 : memref<32x1024xf32, #tpu.memory_space<vmem>>) target(%dma_start3A_443 : memref<32x1024xf32, #tpu.memory_space<hbm>>) target_semaphore(%dma_start3A_440 : memref<!tpu.dma_semaphore, #tpu.memory_space<semaphore_mem>>)
      %dma_start3A_448 = arith.constant 2 : i32
      %dma_start3A_449 = arith.constant 3 : i32
      %dma_start3A_450 = arith.constant 2 : i32
      %dma_start3A_451 = arith.constant 0 : i32
      %dma_start3A_452 = arith.constant 0 : i32
      %dma_start3A_453 = tpu.memref_slice %arg4[%dma_start3A_448, %dma_start3A_451, %dma_start3A_452] : memref<3x32x1024xf32, #tpu.memory_space<vmem>> -> memref<1x32x1024xf32, #tpu.memory_space<vmem>>
      %dma_start3A_454 = tpu.memref_squeeze %dma_start3A_453 : memref<1x32x1024xf32, #tpu.memory_space<vmem>> -> memref<32x1024xf32, #tpu.memory_space<vmem>>
      %dma_start3A_455 = arith.constant 0 : i32
      %dma_start3A_456 = tpu.memref_slice %arg3[%dma_start3A_449, %mul3A_390, %dma_start3A_455] : memref<4x8191x1024xf32, #tpu.memory_space<hbm>> -> memref<1x32x1024xf32, #tpu.memory_space<hbm>>
      %dma_start3A_457 = tpu.memref_squeeze %dma_start3A_456 : memref<1x32x1024xf32, #tpu.memory_space<hbm>> -> memref<32x1024xf32, #tpu.memory_space<hbm>>
      %dma_start3A_458 = tpu.memref_slice %arg6[%dma_start3A_450] : memref<3x!tpu.dma_semaphore, #tpu.memory_space<semaphore_mem>> -> memref<1x!tpu.dma_semaphore, #tpu.memory_space<semaphore_mem>>
      %dma_start3A_459 = tpu.memref_squeeze %dma_start3A_458 : memref<1x!tpu.dma_semaphore, #tpu.memory_space<semaphore_mem>> -> memref<!tpu.dma_semaphore, #tpu.memory_space<semaphore_mem>>
      %dma_start3A_460 = arith.constant 0 : i32
      %dma_start3A_461 = tpu.memref_slice %arg3[%dma_start3A_449, %mul3A_390, %dma_start3A_460] : memref<4x8191x1024xf32, #tpu.memory_space<hbm>> -> memref<1x32x1024xf32, #tpu.memory_space<hbm>>
      %dma_start3A_462 = tpu.memref_squeeze %dma_start3A_461 : memref<1x32x1024xf32, #tpu.memory_space<hbm>> -> memref<32x1024xf32, #tpu.memory_space<hbm>>
      %dma_start3A_463 = arith.constant 0 : i32
      %dma_start3A_464 = arith.constant 0 : i32
      %dma_start3A_465 = tpu.memref_slice %arg4[%dma_start3A_448, %dma_start3A_463, %dma_start3A_464] : memref<3x32x1024xf32, #tpu.memory_space<vmem>> -> memref<1x32x1024xf32, #tpu.memory_space<vmem>>
      %dma_start3A_466 = tpu.memref_squeeze %dma_start3A_465 : memref<1x32x1024xf32, #tpu.memory_space<vmem>> -> memref<32x1024xf32, #tpu.memory_space<vmem>>
      tpu.enqueue_dma source(%dma_start3A_466 : memref<32x1024xf32, #tpu.memory_space<vmem>>) target(%dma_start3A_462 : memref<32x1024xf32, #tpu.memory_space<hbm>>) target_semaphore(%dma_start3A_459 : memref<!tpu.dma_semaphore, #tpu.memory_space<semaphore_mem>>)
      %add3A_467 = arith.constant 1 : i32
      %add3A_468 = arith.addi %mul3A_2, %add3A_467 : i32
      %mul3A_469 = arith.constant 32 : i32
      %mul3A_470 = arith.muli %add3A_468, %mul3A_469 : i32
      %dma_wait3A_471 = arith.constant 1 : i32
      %dma_wait3A_472 = arith.constant 0 : i32
      %dma_wait3A_473 = arith.constant 1 : i32
      %dma_wait3A_474 = arith.constant 0 : i32
      %dma_wait3A_475 = arith.constant 0 : i32
      %dma_wait3A_476 = tpu.memref_slice %arg4[%dma_wait3A_471, %dma_wait3A_474, %dma_wait3A_475] : memref<3x32x1024xf32, #tpu.memory_space<vmem>> -> memref<1x32x1024xf32, #tpu.memory_space<vmem>>
      %dma_wait3A_477 = tpu.memref_squeeze %dma_wait3A_476 : memref<1x32x1024xf32, #tpu.memory_space<vmem>> -> memref<32x1024xf32, #tpu.memory_space<vmem>>
      %dma_wait3A_478 = arith.constant 0 : i32
      %dma_wait3A_479 = tpu.memref_slice %arg3[%dma_wait3A_472, %mul3A_470, %dma_wait3A_478] : memref<4x8191x1024xf32, #tpu.memory_space<hbm>> -> memref<1x32x1024xf32, #tpu.memory_space<hbm>>
      %dma_wait3A_480 = tpu.memref_squeeze %dma_wait3A_479 : memref<1x32x1024xf32, #tpu.memory_space<hbm>> -> memref<32x1024xf32, #tpu.memory_space<hbm>>
      %dma_wait3A_481 = tpu.memref_slice %arg6[%dma_wait3A_473] : memref<3x!tpu.dma_semaphore, #tpu.memory_space<semaphore_mem>> -> memref<1x!tpu.dma_semaphore, #tpu.memory_space<semaphore_mem>>
      %dma_wait3A_482 = tpu.memref_squeeze %dma_wait3A_481 : memref<1x!tpu.dma_semaphore, #tpu.memory_space<semaphore_mem>> -> memref<!tpu.dma_semaphore, #tpu.memory_space<semaphore_mem>>
      %dma_wait3A_483 = arith.constant 0 : i32
      %dma_wait3A_484 = tpu.memref_slice %arg3[%dma_wait3A_472, %mul3A_470, %dma_wait3A_483] : memref<4x8191x1024xf32, #tpu.memory_space<hbm>> -> memref<1x32x1024xf32, #tpu.memory_space<hbm>>
      %dma_wait3A_485 = tpu.memref_squeeze %dma_wait3A_484 : memref<1x32x1024xf32, #tpu.memory_space<hbm>> -> memref<32x1024xf32, #tpu.memory_space<hbm>>
      %dma_wait3A_486 = arith.constant 0 : i32
      %dma_wait3A_487 = arith.constant 0 : i32
      %dma_wait3A_488 = tpu.memref_slice %arg4[%dma_wait3A_471, %dma_wait3A_486, %dma_wait3A_487] : memref<3x32x1024xf32, #tpu.memory_space<vmem>> -> memref<1x32x1024xf32, #tpu.memory_space<vmem>>
      %dma_wait3A_489 = tpu.memref_squeeze %dma_wait3A_488 : memref<1x32x1024xf32, #tpu.memory_space<vmem>> -> memref<32x1024xf32, #tpu.memory_space<vmem>>
      tpu.wait_dma2 semaphore(%dma_wait3A_482 : memref<!tpu.dma_semaphore, #tpu.memory_space<semaphore_mem>>) src(%dma_wait3A_489 : memref<32x1024xf32, #tpu.memory_space<vmem>>) dst(%dma_wait3A_485 : memref<32x1024xf32, #tpu.memory_space<hbm>>)
      %dma_wait3A_490 = arith.constant 1 : i32
      %dma_wait3A_491 = arith.constant 1 : i32
      %dma_wait3A_492 = arith.constant 1 : i32
      %dma_wait3A_493 = arith.constant 0 : i32
      %dma_wait3A_494 = arith.constant 0 : i32
      %dma_wait3A_495 = tpu.memref_slice %arg4[%dma_wait3A_490, %dma_wait3A_493, %dma_wait3A_494] : memref<3x32x1024xf32, #tpu.memory_space<vmem>> -> memref<1x32x1024xf32, #tpu.memory_space<vmem>>
      %dma_wait3A_496 = tpu.memref_squeeze %dma_wait3A_495 : memref<1x32x1024xf32, #tpu.memory_space<vmem>> -> memref<32x1024xf32, #tpu.memory_space<vmem>>
      %dma_wait3A_497 = arith.constant 0 : i32
      %dma_wait3A_498 = tpu.memref_slice %arg3[%dma_wait3A_491, %mul3A_470, %dma_wait3A_497] : memref<4x8191x1024xf32, #tpu.memory_space<hbm>> -> memref<1x32x1024xf32, #tpu.memory_space<hbm>>
      %dma_wait3A_499 = tpu.memref_squeeze %dma_wait3A_498 : memref<1x32x1024xf32, #tpu.memory_space<hbm>> -> memref<32x1024xf32, #tpu.memory_space<hbm>>
      %dma_wait3A_500 = tpu.memref_slice %arg6[%dma_wait3A_492] : memref<3x!tpu.dma_semaphore, #tpu.memory_space<semaphore_mem>> -> memref<1x!tpu.dma_semaphore, #tpu.memory_space<semaphore_mem>>
      %dma_wait3A_501 = tpu.memref_squeeze %dma_wait3A_500 : memref<1x!tpu.dma_semaphore, #tpu.memory_space<semaphore_mem>> -> memref<!tpu.dma_semaphore, #tpu.memory_space<semaphore_mem>>
      %dma_wait3A_502 = arith.constant 0 : i32
      %dma_wait3A_503 = tpu.memref_slice %arg3[%dma_wait3A_491, %mul3A_470, %dma_wait3A_502] : memref<4x8191x1024xf32, #tpu.memory_space<hbm>> -> memref<1x32x1024xf32, #tpu.memory_space<hbm>>
      %dma_wait3A_504 = tpu.memref_squeeze %dma_wait3A_503 : memref<1x32x1024xf32, #tpu.memory_space<hbm>> -> memref<32x1024xf32, #tpu.memory_space<hbm>>
      %dma_wait3A_505 = arith.constant 0 : i32
      %dma_wait3A_506 = arith.constant 0 : i32
      %dma_wait3A_507 = tpu.memref_slice %arg4[%dma_wait3A_490, %dma_wait3A_505, %dma_wait3A_506] : memref<3x32x1024xf32, #tpu.memory_space<vmem>> -> memref<1x32x1024xf32, #tpu.memory_space<vmem>>
      %dma_wait3A_508 = tpu.memref_squeeze %dma_wait3A_507 : memref<1x32x1024xf32, #tpu.memory_space<vmem>> -> memref<32x1024xf32, #tpu.memory_space<vmem>>
      tpu.wait_dma2 semaphore(%dma_wait3A_501 : memref<!tpu.dma_semaphore, #tpu.memory_space<semaphore_mem>>) src(%dma_wait3A_508 : memref<32x1024xf32, #tpu.memory_space<vmem>>) dst(%dma_wait3A_504 : memref<32x1024xf32, #tpu.memory_space<hbm>>)
      %dma_wait3A_509 = arith.constant 1 : i32
      %dma_wait3A_510 = arith.constant 2 : i32
      %dma_wait3A_511 = arith.constant 1 : i32
      %dma_wait3A_512 = arith.constant 0 : i32
      %dma_wait3A_513 = arith.constant 0 : i32
      %dma_wait3A_514 = tpu.memref_slice %arg4[%dma_wait3A_509, %dma_wait3A_512, %dma_wait3A_513] : memref<3x32x1024xf32, #tpu.memory_space<vmem>> -> memref<1x32x1024xf32, #tpu.memory_space<vmem>>
      %dma_wait3A_515 = tpu.memref_squeeze %dma_wait3A_514 : memref<1x32x1024xf32, #tpu.memory_space<vmem>> -> memref<32x1024xf32, #tpu.memory_space<vmem>>
      %dma_wait3A_516 = arith.constant 0 : i32
      %dma_wait3A_517 = tpu.memref_slice %arg3[%dma_wait3A_510, %mul3A_470, %dma_wait3A_516] : memref<4x8191x1024xf32, #tpu.memory_space<hbm>> -> memref<1x32x1024xf32, #tpu.memory_space<hbm>>
      %dma_wait3A_518 = tpu.memref_squeeze %dma_wait3A_517 : memref<1x32x1024xf32, #tpu.memory_space<hbm>> -> memref<32x1024xf32, #tpu.memory_space<hbm>>
      %dma_wait3A_519 = tpu.memref_slice %arg6[%dma_wait3A_511] : memref<3x!tpu.dma_semaphore, #tpu.memory_space<semaphore_mem>> -> memref<1x!tpu.dma_semaphore, #tpu.memory_space<semaphore_mem>>
      %dma_wait3A_520 = tpu.memref_squeeze %dma_wait3A_519 : memref<1x!tpu.dma_semaphore, #tpu.memory_space<semaphore_mem>> -> memref<!tpu.dma_semaphore, #tpu.memory_space<semaphore_mem>>
      %dma_wait3A_521 = arith.constant 0 : i32
      %dma_wait3A_522 = tpu.memref_slice %arg3[%dma_wait3A_510, %mul3A_470, %dma_wait3A_521] : memref<4x8191x1024xf32, #tpu.memory_space<hbm>> -> memref<1x32x1024xf32, #tpu.memory_space<hbm>>
      %dma_wait3A_523 = tpu.memref_squeeze %dma_wait3A_522 : memref<1x32x1024xf32, #tpu.memory_space<hbm>> -> memref<32x1024xf32, #tpu.memory_space<hbm>>
      %dma_wait3A_524 = arith.constant 0 : i32
      %dma_wait3A_525 = arith.constant 0 : i32
      %dma_wait3A_526 = tpu.memref_slice %arg4[%dma_wait3A_509, %dma_wait3A_524, %dma_wait3A_525] : memref<3x32x1024xf32, #tpu.memory_space<vmem>> -> memref<1x32x1024xf32, #tpu.memory_space<vmem>>
      %dma_wait3A_527 = tpu.memref_squeeze %dma_wait3A_526 : memref<1x32x1024xf32, #tpu.memory_space<vmem>> -> memref<32x1024xf32, #tpu.memory_space<vmem>>
      tpu.wait_dma2 semaphore(%dma_wait3A_520 : memref<!tpu.dma_semaphore, #tpu.memory_space<semaphore_mem>>) src(%dma_wait3A_527 : memref<32x1024xf32, #tpu.memory_space<vmem>>) dst(%dma_wait3A_523 : memref<32x1024xf32, #tpu.memory_space<hbm>>)
      %dma_wait3A_528 = arith.constant 1 : i32
      %dma_wait3A_529 = arith.constant 3 : i32
      %dma_wait3A_530 = arith.constant 1 : i32
      %dma_wait3A_531 = arith.constant 0 : i32
      %dma_wait3A_532 = arith.constant 0 : i32
      %dma_wait3A_533 = tpu.memref_slice %arg4[%dma_wait3A_528, %dma_wait3A_531, %dma_wait3A_532] : memref<3x32x1024xf32, #tpu.memory_space<vmem>> -> memref<1x32x1024xf32, #tpu.memory_space<vmem>>
      %dma_wait3A_534 = tpu.memref_squeeze %dma_wait3A_533 : memref<1x32x1024xf32, #tpu.memory_space<vmem>> -> memref<32x1024xf32, #tpu.memory_space<vmem>>
      %dma_wait3A_535 = arith.constant 0 : i32
      %dma_wait3A_536 = tpu.memref_slice %arg3[%dma_wait3A_529, %mul3A_470, %dma_wait3A_535] : memref<4x8191x1024xf32, #tpu.memory_space<hbm>> -> memref<1x32x1024xf32, #tpu.memory_space<hbm>>
      %dma_wait3A_537 = tpu.memref_squeeze %dma_wait3A_536 : memref<1x32x1024xf32, #tpu.memory_space<hbm>> -> memref<32x1024xf32, #tpu.memory_space<hbm>>
      %dma_wait3A_538 = tpu.memref_slice %arg6[%dma_wait3A_530] : memref<3x!tpu.dma_semaphore, #tpu.memory_space<semaphore_mem>> -> memref<1x!tpu.dma_semaphore, #tpu.memory_space<semaphore_mem>>
      %dma_wait3A_539 = tpu.memref_squeeze %dma_wait3A_538 : memref<1x!tpu.dma_semaphore, #tpu.memory_space<semaphore_mem>> -> memref<!tpu.dma_semaphore, #tpu.memory_space<semaphore_mem>>
      %dma_wait3A_540 = arith.constant 0 : i32
      %dma_wait3A_541 = tpu.memref_slice %arg3[%dma_wait3A_529, %mul3A_470, %dma_wait3A_540] : memref<4x8191x1024xf32, #tpu.memory_space<hbm>> -> memref<1x32x1024xf32, #tpu.memory_space<hbm>>
      %dma_wait3A_542 = tpu.memref_squeeze %dma_wait3A_541 : memref<1x32x1024xf32, #tpu.memory_space<hbm>> -> memref<32x1024xf32, #tpu.memory_space<hbm>>
      %dma_wait3A_543 = arith.constant 0 : i32
      %dma_wait3A_544 = arith.constant 0 : i32
      %dma_wait3A_545 = tpu.memref_slice %arg4[%dma_wait3A_528, %dma_wait3A_543, %dma_wait3A_544] : memref<3x32x1024xf32, #tpu.memory_space<vmem>> -> memref<1x32x1024xf32, #tpu.memory_space<vmem>>
      %dma_wait3A_546 = tpu.memref_squeeze %dma_wait3A_545 : memref<1x32x1024xf32, #tpu.memory_space<vmem>> -> memref<32x1024xf32, #tpu.memory_space<vmem>>
      tpu.wait_dma2 semaphore(%dma_wait3A_539 : memref<!tpu.dma_semaphore, #tpu.memory_space<semaphore_mem>>) src(%dma_wait3A_546 : memref<32x1024xf32, #tpu.memory_space<vmem>>) dst(%dma_wait3A_542 : memref<32x1024xf32, #tpu.memory_space<hbm>>)
      %add3A_547 = arith.constant 4 : i32
      %add3A_548 = arith.addi %mul3A_2, %add3A_547 : i32
      %mul3A_549 = arith.constant 32 : i32
      %mul3A_550 = arith.muli %add3A_548, %mul3A_549 : i32
      %dma_start3A_551 = arith.constant 1 : i32
      %dma_start3A_552 = arith.constant 1 : i32
      %dma_start3A_553 = arith.constant 0 : i32
      %dma_start3A_554 = arith.constant 0 : i32
      %dma_start3A_555 = tpu.memref_slice %arg4[%dma_start3A_551, %dma_start3A_553, %dma_start3A_554] : memref<3x32x1024xf32, #tpu.memory_space<vmem>> -> memref<1x32x1024xf32, #tpu.memory_space<vmem>>
      %dma_start3A_556 = tpu.memref_squeeze %dma_start3A_555 : memref<1x32x1024xf32, #tpu.memory_space<vmem>> -> memref<32x1024xf32, #tpu.memory_space<vmem>>
      %dma_start3A_557 = arith.constant 0 : i32
      %dma_start3A_558 = tpu.memref_slice %arg2[%mul3A_550, %dma_start3A_557] : memref<10000x1024xf32, #tpu.memory_space<hbm>> -> memref<32x1024xf32, #tpu.memory_space<hbm>>
      %dma_start3A_559 = tpu.memref_slice %arg5[%dma_start3A_552] : memref<3x!tpu.dma_semaphore, #tpu.memory_space<semaphore_mem>> -> memref<1x!tpu.dma_semaphore, #tpu.memory_space<semaphore_mem>>
      %dma_start3A_560 = tpu.memref_squeeze %dma_start3A_559 : memref<1x!tpu.dma_semaphore, #tpu.memory_space<semaphore_mem>> -> memref<!tpu.dma_semaphore, #tpu.memory_space<semaphore_mem>>
      %dma_start3A_561 = arith.constant 0 : i32
      %dma_start3A_562 = arith.constant 0 : i32
      %dma_start3A_563 = tpu.memref_slice %arg4[%dma_start3A_551, %dma_start3A_561, %dma_start3A_562] : memref<3x32x1024xf32, #tpu.memory_space<vmem>> -> memref<1x32x1024xf32, #tpu.memory_space<vmem>>
      %dma_start3A_564 = tpu.memref_squeeze %dma_start3A_563 : memref<1x32x1024xf32, #tpu.memory_space<vmem>> -> memref<32x1024xf32, #tpu.memory_space<vmem>>
      %dma_start3A_565 = arith.constant 0 : i32
      %dma_start3A_566 = tpu.memref_slice %arg2[%mul3A_550, %dma_start3A_565] : memref<10000x1024xf32, #tpu.memory_space<hbm>> -> memref<32x1024xf32, #tpu.memory_space<hbm>>
      tpu.enqueue_dma source(%dma_start3A_566 : memref<32x1024xf32, #tpu.memory_space<hbm>>) target(%dma_start3A_564 : memref<32x1024xf32, #tpu.memory_space<vmem>>) target_semaphore(%dma_start3A_560 : memref<!tpu.dma_semaphore, #tpu.memory_space<semaphore_mem>>)
      %add3A_567 = arith.constant 3 : i32
      %add3A_568 = arith.addi %mul3A_2, %add3A_567 : i32
      %mul3A_569 = arith.constant 32 : i32
      %mul3A_570 = arith.muli %add3A_568, %mul3A_569 : i32
      %dma_wait3A_571 = arith.constant 0 : i32
      %dma_wait3A_572 = arith.constant 0 : i32
      %dma_wait3A_573 = arith.constant 0 : i32
      %dma_wait3A_574 = arith.constant 0 : i32
      %dma_wait3A_575 = tpu.memref_slice %arg4[%dma_wait3A_571, %dma_wait3A_573, %dma_wait3A_574] : memref<3x32x1024xf32, #tpu.memory_space<vmem>> -> memref<1x32x1024xf32, #tpu.memory_space<vmem>>
      %dma_wait3A_576 = tpu.memref_squeeze %dma_wait3A_575 : memref<1x32x1024xf32, #tpu.memory_space<vmem>> -> memref<32x1024xf32, #tpu.memory_space<vmem>>
      %dma_wait3A_577 = arith.constant 0 : i32
      %dma_wait3A_578 = tpu.memref_slice %arg2[%mul3A_570, %dma_wait3A_577] : memref<10000x1024xf32, #tpu.memory_space<hbm>> -> memref<32x1024xf32, #tpu.memory_space<hbm>>
      %dma_wait3A_579 = tpu.memref_slice %arg5[%dma_wait3A_572] : memref<3x!tpu.dma_semaphore, #tpu.memory_space<semaphore_mem>> -> memref<1x!tpu.dma_semaphore, #tpu.memory_space<semaphore_mem>>
      %dma_wait3A_580 = tpu.memref_squeeze %dma_wait3A_579 : memref<1x!tpu.dma_semaphore, #tpu.memory_space<semaphore_mem>> -> memref<!tpu.dma_semaphore, #tpu.memory_space<semaphore_mem>>
      %dma_wait3A_581 = arith.constant 0 : i32
      %dma_wait3A_582 = arith.constant 0 : i32
      %dma_wait3A_583 = tpu.memref_slice %arg4[%dma_wait3A_571, %dma_wait3A_581, %dma_wait3A_582] : memref<3x32x1024xf32, #tpu.memory_space<vmem>> -> memref<1x32x1024xf32, #tpu.memory_space<vmem>>
      %dma_wait3A_584 = tpu.memref_squeeze %dma_wait3A_583 : memref<1x32x1024xf32, #tpu.memory_space<vmem>> -> memref<32x1024xf32, #tpu.memory_space<vmem>>
      %dma_wait3A_585 = arith.constant 0 : i32
      %dma_wait3A_586 = tpu.memref_slice %arg2[%mul3A_570, %dma_wait3A_585] : memref<10000x1024xf32, #tpu.memory_space<hbm>> -> memref<32x1024xf32, #tpu.memory_space<hbm>>
      tpu.wait_dma2 semaphore(%dma_wait3A_580 : memref<!tpu.dma_semaphore, #tpu.memory_space<semaphore_mem>>) src(%dma_wait3A_586 : memref<32x1024xf32, #tpu.memory_space<hbm>>) dst(%dma_wait3A_584 : memref<32x1024xf32, #tpu.memory_space<vmem>>)
      %add3A_587 = arith.constant 3 : i32
      %add3A_588 = arith.addi %mul3A_2, %add3A_587 : i32
      %mul3A_589 = arith.constant 32 : i32
      %mul3A_590 = arith.muli %add3A_588, %mul3A_589 : i32
      %dma_start3A_591 = arith.constant 0 : i32
      %dma_start3A_592 = arith.constant 0 : i32
      %dma_start3A_593 = arith.constant 0 : i32
      %dma_start3A_594 = arith.constant 0 : i32
      %dma_start3A_595 = arith.constant 0 : i32
      %dma_start3A_596 = tpu.memref_slice %arg4[%dma_start3A_591, %dma_start3A_594, %dma_start3A_595] : memref<3x32x1024xf32, #tpu.memory_space<vmem>> -> memref<1x32x1024xf32, #tpu.memory_space<vmem>>
      %dma_start3A_597 = tpu.memref_squeeze %dma_start3A_596 : memref<1x32x1024xf32, #tpu.memory_space<vmem>> -> memref<32x1024xf32, #tpu.memory_space<vmem>>
      %dma_start3A_598 = arith.constant 0 : i32
      %dma_start3A_599 = tpu.memref_slice %arg3[%dma_start3A_592, %mul3A_590, %dma_start3A_598] : memref<4x8191x1024xf32, #tpu.memory_space<hbm>> -> memref<1x32x1024xf32, #tpu.memory_space<hbm>>
      %dma_start3A_600 = tpu.memref_squeeze %dma_start3A_599 : memref<1x32x1024xf32, #tpu.memory_space<hbm>> -> memref<32x1024xf32, #tpu.memory_space<hbm>>
      %dma_start3A_601 = tpu.memref_slice %arg6[%dma_start3A_593] : memref<3x!tpu.dma_semaphore, #tpu.memory_space<semaphore_mem>> -> memref<1x!tpu.dma_semaphore, #tpu.memory_space<semaphore_mem>>
      %dma_start3A_602 = tpu.memref_squeeze %dma_start3A_601 : memref<1x!tpu.dma_semaphore, #tpu.memory_space<semaphore_mem>> -> memref<!tpu.dma_semaphore, #tpu.memory_space<semaphore_mem>>
      %dma_start3A_603 = arith.constant 0 : i32
      %dma_start3A_604 = tpu.memref_slice %arg3[%dma_start3A_592, %mul3A_590, %dma_start3A_603] : memref<4x8191x1024xf32, #tpu.memory_space<hbm>> -> memref<1x32x1024xf32, #tpu.memory_space<hbm>>
      %dma_start3A_605 = tpu.memref_squeeze %dma_start3A_604 : memref<1x32x1024xf32, #tpu.memory_space<hbm>> -> memref<32x1024xf32, #tpu.memory_space<hbm>>
      %dma_start3A_606 = arith.constant 0 : i32
      %dma_start3A_607 = arith.constant 0 : i32
      %dma_start3A_608 = tpu.memref_slice %arg4[%dma_start3A_591, %dma_start3A_606, %dma_start3A_607] : memref<3x32x1024xf32, #tpu.memory_space<vmem>> -> memref<1x32x1024xf32, #tpu.memory_space<vmem>>
      %dma_start3A_609 = tpu.memref_squeeze %dma_start3A_608 : memref<1x32x1024xf32, #tpu.memory_space<vmem>> -> memref<32x1024xf32, #tpu.memory_space<vmem>>
      tpu.enqueue_dma source(%dma_start3A_609 : memref<32x1024xf32, #tpu.memory_space<vmem>>) target(%dma_start3A_605 : memref<32x1024xf32, #tpu.memory_space<hbm>>) target_semaphore(%dma_start3A_602 : memref<!tpu.dma_semaphore, #tpu.memory_space<semaphore_mem>>)
      %dma_start3A_610 = arith.constant 0 : i32
      %dma_start3A_611 = arith.constant 1 : i32
      %dma_start3A_612 = arith.constant 0 : i32
      %dma_start3A_613 = arith.constant 0 : i32
      %dma_start3A_614 = arith.constant 0 : i32
      %dma_start3A_615 = tpu.memref_slice %arg4[%dma_start3A_610, %dma_start3A_613, %dma_start3A_614] : memref<3x32x1024xf32, #tpu.memory_space<vmem>> -> memref<1x32x1024xf32, #tpu.memory_space<vmem>>
      %dma_start3A_616 = tpu.memref_squeeze %dma_start3A_615 : memref<1x32x1024xf32, #tpu.memory_space<vmem>> -> memref<32x1024xf32, #tpu.memory_space<vmem>>
      %dma_start3A_617 = arith.constant 0 : i32
      %dma_start3A_618 = tpu.memref_slice %arg3[%dma_start3A_611, %mul3A_590, %dma_start3A_617] : memref<4x8191x1024xf32, #tpu.memory_space<hbm>> -> memref<1x32x1024xf32, #tpu.memory_space<hbm>>
      %dma_start3A_619 = tpu.memref_squeeze %dma_start3A_618 : memref<1x32x1024xf32, #tpu.memory_space<hbm>> -> memref<32x1024xf32, #tpu.memory_space<hbm>>
      %dma_start3A_620 = tpu.memref_slice %arg6[%dma_start3A_612] : memref<3x!tpu.dma_semaphore, #tpu.memory_space<semaphore_mem>> -> memref<1x!tpu.dma_semaphore, #tpu.memory_space<semaphore_mem>>
      %dma_start3A_621 = tpu.memref_squeeze %dma_start3A_620 : memref<1x!tpu.dma_semaphore, #tpu.memory_space<semaphore_mem>> -> memref<!tpu.dma_semaphore, #tpu.memory_space<semaphore_mem>>
      %dma_start3A_622 = arith.constant 0 : i32
      %dma_start3A_623 = tpu.memref_slice %arg3[%dma_start3A_611, %mul3A_590, %dma_start3A_622] : memref<4x8191x1024xf32, #tpu.memory_space<hbm>> -> memref<1x32x1024xf32, #tpu.memory_space<hbm>>
      %dma_start3A_624 = tpu.memref_squeeze %dma_start3A_623 : memref<1x32x1024xf32, #tpu.memory_space<hbm>> -> memref<32x1024xf32, #tpu.memory_space<hbm>>
      %dma_start3A_625 = arith.constant 0 : i32
      %dma_start3A_626 = arith.constant 0 : i32
      %dma_start3A_627 = tpu.memref_slice %arg4[%dma_start3A_610, %dma_start3A_625, %dma_start3A_626] : memref<3x32x1024xf32, #tpu.memory_space<vmem>> -> memref<1x32x1024xf32, #tpu.memory_space<vmem>>
      %dma_start3A_628 = tpu.memref_squeeze %dma_start3A_627 : memref<1x32x1024xf32, #tpu.memory_space<vmem>> -> memref<32x1024xf32, #tpu.memory_space<vmem>>
      tpu.enqueue_dma source(%dma_start3A_628 : memref<32x1024xf32, #tpu.memory_space<vmem>>) target(%dma_start3A_624 : memref<32x1024xf32, #tpu.memory_space<hbm>>) target_semaphore(%dma_start3A_621 : memref<!tpu.dma_semaphore, #tpu.memory_space<semaphore_mem>>)
      %dma_start3A_629 = arith.constant 0 : i32
      %dma_start3A_630 = arith.constant 2 : i32
      %dma_start3A_631 = arith.constant 0 : i32
      %dma_start3A_632 = arith.constant 0 : i32
      %dma_start3A_633 = arith.constant 0 : i32
      %dma_start3A_634 = tpu.memref_slice %arg4[%dma_start3A_629, %dma_start3A_632, %dma_start3A_633] : memref<3x32x1024xf32, #tpu.memory_space<vmem>> -> memref<1x32x1024xf32, #tpu.memory_space<vmem>>
      %dma_start3A_635 = tpu.memref_squeeze %dma_start3A_634 : memref<1x32x1024xf32, #tpu.memory_space<vmem>> -> memref<32x1024xf32, #tpu.memory_space<vmem>>
      %dma_start3A_636 = arith.constant 0 : i32
      %dma_start3A_637 = tpu.memref_slice %arg3[%dma_start3A_630, %mul3A_590, %dma_start3A_636] : memref<4x8191x1024xf32, #tpu.memory_space<hbm>> -> memref<1x32x1024xf32, #tpu.memory_space<hbm>>
      %dma_start3A_638 = tpu.memref_squeeze %dma_start3A_637 : memref<1x32x1024xf32, #tpu.memory_space<hbm>> -> memref<32x1024xf32, #tpu.memory_space<hbm>>
      %dma_start3A_639 = tpu.memref_slice %arg6[%dma_start3A_631] : memref<3x!tpu.dma_semaphore, #tpu.memory_space<semaphore_mem>> -> memref<1x!tpu.dma_semaphore, #tpu.memory_space<semaphore_mem>>
      %dma_start3A_640 = tpu.memref_squeeze %dma_start3A_639 : memref<1x!tpu.dma_semaphore, #tpu.memory_space<semaphore_mem>> -> memref<!tpu.dma_semaphore, #tpu.memory_space<semaphore_mem>>
      %dma_start3A_641 = arith.constant 0 : i32
      %dma_start3A_642 = tpu.memref_slice %arg3[%dma_start3A_630, %mul3A_590, %dma_start3A_641] : memref<4x8191x1024xf32, #tpu.memory_space<hbm>> -> memref<1x32x1024xf32, #tpu.memory_space<hbm>>
      %dma_start3A_643 = tpu.memref_squeeze %dma_start3A_642 : memref<1x32x1024xf32, #tpu.memory_space<hbm>> -> memref<32x1024xf32, #tpu.memory_space<hbm>>
      %dma_start3A_644 = arith.constant 0 : i32
      %dma_start3A_645 = arith.constant 0 : i32
      %dma_start3A_646 = tpu.memref_slice %arg4[%dma_start3A_629, %dma_start3A_644, %dma_start3A_645] : memref<3x32x1024xf32, #tpu.memory_space<vmem>> -> memref<1x32x1024xf32, #tpu.memory_space<vmem>>
      %dma_start3A_647 = tpu.memref_squeeze %dma_start3A_646 : memref<1x32x1024xf32, #tpu.memory_space<vmem>> -> memref<32x1024xf32, #tpu.memory_space<vmem>>
      tpu.enqueue_dma source(%dma_start3A_647 : memref<32x1024xf32, #tpu.memory_space<vmem>>) target(%dma_start3A_643 : memref<32x1024xf32, #tpu.memory_space<hbm>>) target_semaphore(%dma_start3A_640 : memref<!tpu.dma_semaphore, #tpu.memory_space<semaphore_mem>>)
      %dma_start3A_648 = arith.constant 0 : i32
      %dma_start3A_649 = arith.constant 3 : i32
      %dma_start3A_650 = arith.constant 0 : i32
      %dma_start3A_651 = arith.constant 0 : i32
      %dma_start3A_652 = arith.constant 0 : i32
      %dma_start3A_653 = tpu.memref_slice %arg4[%dma_start3A_648, %dma_start3A_651, %dma_start3A_652] : memref<3x32x1024xf32, #tpu.memory_space<vmem>> -> memref<1x32x1024xf32, #tpu.memory_space<vmem>>
      %dma_start3A_654 = tpu.memref_squeeze %dma_start3A_653 : memref<1x32x1024xf32, #tpu.memory_space<vmem>> -> memref<32x1024xf32, #tpu.memory_space<vmem>>
      %dma_start3A_655 = arith.constant 0 : i32
      %dma_start3A_656 = tpu.memref_slice %arg3[%dma_start3A_649, %mul3A_590, %dma_start3A_655] : memref<4x8191x1024xf32, #tpu.memory_space<hbm>> -> memref<1x32x1024xf32, #tpu.memory_space<hbm>>
      %dma_start3A_657 = tpu.memref_squeeze %dma_start3A_656 : memref<1x32x1024xf32, #tpu.memory_space<hbm>> -> memref<32x1024xf32, #tpu.memory_space<hbm>>
      %dma_start3A_658 = tpu.memref_slice %arg6[%dma_start3A_650] : memref<3x!tpu.dma_semaphore, #tpu.memory_space<semaphore_mem>> -> memref<1x!tpu.dma_semaphore, #tpu.memory_space<semaphore_mem>>
      %dma_start3A_659 = tpu.memref_squeeze %dma_start3A_658 : memref<1x!tpu.dma_semaphore, #tpu.memory_space<semaphore_mem>> -> memref<!tpu.dma_semaphore, #tpu.memory_space<semaphore_mem>>
      %dma_start3A_660 = arith.constant 0 : i32
      %dma_start3A_661 = tpu.memref_slice %arg3[%dma_start3A_649, %mul3A_590, %dma_start3A_660] : memref<4x8191x1024xf32, #tpu.memory_space<hbm>> -> memref<1x32x1024xf32, #tpu.memory_space<hbm>>
      %dma_start3A_662 = tpu.memref_squeeze %dma_start3A_661 : memref<1x32x1024xf32, #tpu.memory_space<hbm>> -> memref<32x1024xf32, #tpu.memory_space<hbm>>
      %dma_start3A_663 = arith.constant 0 : i32
      %dma_start3A_664 = arith.constant 0 : i32
      %dma_start3A_665 = tpu.memref_slice %arg4[%dma_start3A_648, %dma_start3A_663, %dma_start3A_664] : memref<3x32x1024xf32, #tpu.memory_space<vmem>> -> memref<1x32x1024xf32, #tpu.memory_space<vmem>>
      %dma_start3A_666 = tpu.memref_squeeze %dma_start3A_665 : memref<1x32x1024xf32, #tpu.memory_space<vmem>> -> memref<32x1024xf32, #tpu.memory_space<vmem>>
      tpu.enqueue_dma source(%dma_start3A_666 : memref<32x1024xf32, #tpu.memory_space<vmem>>) target(%dma_start3A_662 : memref<32x1024xf32, #tpu.memory_space<hbm>>) target_semaphore(%dma_start3A_659 : memref<!tpu.dma_semaphore, #tpu.memory_space<semaphore_mem>>)
      %add3A_667 = arith.constant 2 : i32
      %add3A_668 = arith.addi %mul3A_2, %add3A_667 : i32
      %mul3A_669 = arith.constant 32 : i32
      %mul3A_670 = arith.muli %add3A_668, %mul3A_669 : i32
      %dma_wait3A_671 = arith.constant 2 : i32
      %dma_wait3A_672 = arith.constant 0 : i32
      %dma_wait3A_673 = arith.constant 2 : i32
      %dma_wait3A_674 = arith.constant 0 : i32
      %dma_wait3A_675 = arith.constant 0 : i32
      %dma_wait3A_676 = tpu.memref_slice %arg4[%dma_wait3A_671, %dma_wait3A_674, %dma_wait3A_675] : memref<3x32x1024xf32, #tpu.memory_space<vmem>> -> memref<1x32x1024xf32, #tpu.memory_space<vmem>>
      %dma_wait3A_677 = tpu.memref_squeeze %dma_wait3A_676 : memref<1x32x1024xf32, #tpu.memory_space<vmem>> -> memref<32x1024xf32, #tpu.memory_space<vmem>>
      %dma_wait3A_678 = arith.constant 0 : i32
      %dma_wait3A_679 = tpu.memref_slice %arg3[%dma_wait3A_672, %mul3A_670, %dma_wait3A_678] : memref<4x8191x1024xf32, #tpu.memory_space<hbm>> -> memref<1x32x1024xf32, #tpu.memory_space<hbm>>
      %dma_wait3A_680 = tpu.memref_squeeze %dma_wait3A_679 : memref<1x32x1024xf32, #tpu.memory_space<hbm>> -> memref<32x1024xf32, #tpu.memory_space<hbm>>
      %dma_wait3A_681 = tpu.memref_slice %arg6[%dma_wait3A_673] : memref<3x!tpu.dma_semaphore, #tpu.memory_space<semaphore_mem>> -> memref<1x!tpu.dma_semaphore, #tpu.memory_space<semaphore_mem>>
      %dma_wait3A_682 = tpu.memref_squeeze %dma_wait3A_681 : memref<1x!tpu.dma_semaphore, #tpu.memory_space<semaphore_mem>> -> memref<!tpu.dma_semaphore, #tpu.memory_space<semaphore_mem>>
      %dma_wait3A_683 = arith.constant 0 : i32
      %dma_wait3A_684 = tpu.memref_slice %arg3[%dma_wait3A_672, %mul3A_670, %dma_wait3A_683] : memref<4x8191x1024xf32, #tpu.memory_space<hbm>> -> memref<1x32x1024xf32, #tpu.memory_space<hbm>>
      %dma_wait3A_685 = tpu.memref_squeeze %dma_wait3A_684 : memref<1x32x1024xf32, #tpu.memory_space<hbm>> -> memref<32x1024xf32, #tpu.memory_space<hbm>>
      %dma_wait3A_686 = arith.constant 0 : i32
      %dma_wait3A_687 = arith.constant 0 : i32
      %dma_wait3A_688 = tpu.memref_slice %arg4[%dma_wait3A_671, %dma_wait3A_686, %dma_wait3A_687] : memref<3x32x1024xf32, #tpu.memory_space<vmem>> -> memref<1x32x1024xf32, #tpu.memory_space<vmem>>
      %dma_wait3A_689 = tpu.memref_squeeze %dma_wait3A_688 : memref<1x32x1024xf32, #tpu.memory_space<vmem>> -> memref<32x1024xf32, #tpu.memory_space<vmem>>
      tpu.wait_dma2 semaphore(%dma_wait3A_682 : memref<!tpu.dma_semaphore, #tpu.memory_space<semaphore_mem>>) src(%dma_wait3A_689 : memref<32x1024xf32, #tpu.memory_space<vmem>>) dst(%dma_wait3A_685 : memref<32x1024xf32, #tpu.memory_space<hbm>>)
      %dma_wait3A_690 = arith.constant 2 : i32
      %dma_wait3A_691 = arith.constant 1 : i32
      %dma_wait3A_692 = arith.constant 2 : i32
      %dma_wait3A_693 = arith.constant 0 : i32
      %dma_wait3A_694 = arith.constant 0 : i32
      %dma_wait3A_695 = tpu.memref_slice %arg4[%dma_wait3A_690, %dma_wait3A_693, %dma_wait3A_694] : memref<3x32x1024xf32, #tpu.memory_space<vmem>> -> memref<1x32x1024xf32, #tpu.memory_space<vmem>>
      %dma_wait3A_696 = tpu.memref_squeeze %dma_wait3A_695 : memref<1x32x1024xf32, #tpu.memory_space<vmem>> -> memref<32x1024xf32, #tpu.memory_space<vmem>>
      %dma_wait3A_697 = arith.constant 0 : i32
      %dma_wait3A_698 = tpu.memref_slice %arg3[%dma_wait3A_691, %mul3A_670, %dma_wait3A_697] : memref<4x8191x1024xf32, #tpu.memory_space<hbm>> -> memref<1x32x1024xf32, #tpu.memory_space<hbm>>
      %dma_wait3A_699 = tpu.memref_squeeze %dma_wait3A_698 : memref<1x32x1024xf32, #tpu.memory_space<hbm>> -> memref<32x1024xf32, #tpu.memory_space<hbm>>
      %dma_wait3A_700 = tpu.memref_slice %arg6[%dma_wait3A_692] : memref<3x!tpu.dma_semaphore, #tpu.memory_space<semaphore_mem>> -> memref<1x!tpu.dma_semaphore, #tpu.memory_space<semaphore_mem>>
      %dma_wait3A_701 = tpu.memref_squeeze %dma_wait3A_700 : memref<1x!tpu.dma_semaphore, #tpu.memory_space<semaphore_mem>> -> memref<!tpu.dma_semaphore, #tpu.memory_space<semaphore_mem>>
      %dma_wait3A_702 = arith.constant 0 : i32
      %dma_wait3A_703 = tpu.memref_slice %arg3[%dma_wait3A_691, %mul3A_670, %dma_wait3A_702] : memref<4x8191x1024xf32, #tpu.memory_space<hbm>> -> memref<1x32x1024xf32, #tpu.memory_space<hbm>>
      %dma_wait3A_704 = tpu.memref_squeeze %dma_wait3A_703 : memref<1x32x1024xf32, #tpu.memory_space<hbm>> -> memref<32x1024xf32, #tpu.memory_space<hbm>>
      %dma_wait3A_705 = arith.constant 0 : i32
      %dma_wait3A_706 = arith.constant 0 : i32
      %dma_wait3A_707 = tpu.memref_slice %arg4[%dma_wait3A_690, %dma_wait3A_705, %dma_wait3A_706] : memref<3x32x1024xf32, #tpu.memory_space<vmem>> -> memref<1x32x1024xf32, #tpu.memory_space<vmem>>
      %dma_wait3A_708 = tpu.memref_squeeze %dma_wait3A_707 : memref<1x32x1024xf32, #tpu.memory_space<vmem>> -> memref<32x1024xf32, #tpu.memory_space<vmem>>
      tpu.wait_dma2 semaphore(%dma_wait3A_701 : memref<!tpu.dma_semaphore, #tpu.memory_space<semaphore_mem>>) src(%dma_wait3A_708 : memref<32x1024xf32, #tpu.memory_space<vmem>>) dst(%dma_wait3A_704 : memref<32x1024xf32, #tpu.memory_space<hbm>>)
      %dma_wait3A_709 = arith.constant 2 : i32
      %dma_wait3A_710 = arith.constant 2 : i32
      %dma_wait3A_711 = arith.constant 2 : i32
      %dma_wait3A_712 = arith.constant 0 : i32
      %dma_wait3A_713 = arith.constant 0 : i32
      %dma_wait3A_714 = tpu.memref_slice %arg4[%dma_wait3A_709, %dma_wait3A_712, %dma_wait3A_713] : memref<3x32x1024xf32, #tpu.memory_space<vmem>> -> memref<1x32x1024xf32, #tpu.memory_space<vmem>>
      %dma_wait3A_715 = tpu.memref_squeeze %dma_wait3A_714 : memref<1x32x1024xf32, #tpu.memory_space<vmem>> -> memref<32x1024xf32, #tpu.memory_space<vmem>>
      %dma_wait3A_716 = arith.constant 0 : i32
      %dma_wait3A_717 = tpu.memref_slice %arg3[%dma_wait3A_710, %mul3A_670, %dma_wait3A_716] : memref<4x8191x1024xf32, #tpu.memory_space<hbm>> -> memref<1x32x1024xf32, #tpu.memory_space<hbm>>
      %dma_wait3A_718 = tpu.memref_squeeze %dma_wait3A_717 : memref<1x32x1024xf32, #tpu.memory_space<hbm>> -> memref<32x1024xf32, #tpu.memory_space<hbm>>
      %dma_wait3A_719 = tpu.memref_slice %arg6[%dma_wait3A_711] : memref<3x!tpu.dma_semaphore, #tpu.memory_space<semaphore_mem>> -> memref<1x!tpu.dma_semaphore, #tpu.memory_space<semaphore_mem>>
      %dma_wait3A_720 = tpu.memref_squeeze %dma_wait3A_719 : memref<1x!tpu.dma_semaphore, #tpu.memory_space<semaphore_mem>> -> memref<!tpu.dma_semaphore, #tpu.memory_space<semaphore_mem>>
      %dma_wait3A_721 = arith.constant 0 : i32
      %dma_wait3A_722 = tpu.memref_slice %arg3[%dma_wait3A_710, %mul3A_670, %dma_wait3A_721] : memref<4x8191x1024xf32, #tpu.memory_space<hbm>> -> memref<1x32x1024xf32, #tpu.memory_space<hbm>>
      %dma_wait3A_723 = tpu.memref_squeeze %dma_wait3A_722 : memref<1x32x1024xf32, #tpu.memory_space<hbm>> -> memref<32x1024xf32, #tpu.memory_space<hbm>>
      %dma_wait3A_724 = arith.constant 0 : i32
      %dma_wait3A_725 = arith.constant 0 : i32
      %dma_wait3A_726 = tpu.memref_slice %arg4[%dma_wait3A_709, %dma_wait3A_724, %dma_wait3A_725] : memref<3x32x1024xf32, #tpu.memory_space<vmem>> -> memref<1x32x1024xf32, #tpu.memory_space<vmem>>
      %dma_wait3A_727 = tpu.memref_squeeze %dma_wait3A_726 : memref<1x32x1024xf32, #tpu.memory_space<vmem>> -> memref<32x1024xf32, #tpu.memory_space<vmem>>
      tpu.wait_dma2 semaphore(%dma_wait3A_720 : memref<!tpu.dma_semaphore, #tpu.memory_space<semaphore_mem>>) src(%dma_wait3A_727 : memref<32x1024xf32, #tpu.memory_space<vmem>>) dst(%dma_wait3A_723 : memref<32x1024xf32, #tpu.memory_space<hbm>>)
      %dma_wait3A_728 = arith.constant 2 : i32
      %dma_wait3A_729 = arith.constant 3 : i32
      %dma_wait3A_730 = arith.constant 2 : i32
      %dma_wait3A_731 = arith.constant 0 : i32
      %dma_wait3A_732 = arith.constant 0 : i32
      %dma_wait3A_733 = tpu.memref_slice %arg4[%dma_wait3A_728, %dma_wait3A_731, %dma_wait3A_732] : memref<3x32x1024xf32, #tpu.memory_space<vmem>> -> memref<1x32x1024xf32, #tpu.memory_space<vmem>>
      %dma_wait3A_734 = tpu.memref_squeeze %dma_wait3A_733 : memref<1x32x1024xf32, #tpu.memory_space<vmem>> -> memref<32x1024xf32, #tpu.memory_space<vmem>>
      %dma_wait3A_735 = arith.constant 0 : i32
      %dma_wait3A_736 = tpu.memref_slice %arg3[%dma_wait3A_729, %mul3A_670, %dma_wait3A_735] : memref<4x8191x1024xf32, #tpu.memory_space<hbm>> -> memref<1x32x1024xf32, #tpu.memory_space<hbm>>
      %dma_wait3A_737 = tpu.memref_squeeze %dma_wait3A_736 : memref<1x32x1024xf32, #tpu.memory_space<hbm>> -> memref<32x1024xf32, #tpu.memory_space<hbm>>
      %dma_wait3A_738 = tpu.memref_slice %arg6[%dma_wait3A_730] : memref<3x!tpu.dma_semaphore, #tpu.memory_space<semaphore_mem>> -> memref<1x!tpu.dma_semaphore, #tpu.memory_space<semaphore_mem>>
      %dma_wait3A_739 = tpu.memref_squeeze %dma_wait3A_738 : memref<1x!tpu.dma_semaphore, #tpu.memory_space<semaphore_mem>> -> memref<!tpu.dma_semaphore, #tpu.memory_space<semaphore_mem>>
      %dma_wait3A_740 = arith.constant 0 : i32
      %dma_wait3A_741 = tpu.memref_slice %arg3[%dma_wait3A_729, %mul3A_670, %dma_wait3A_740] : memref<4x8191x1024xf32, #tpu.memory_space<hbm>> -> memref<1x32x1024xf32, #tpu.memory_space<hbm>>
      %dma_wait3A_742 = tpu.memref_squeeze %dma_wait3A_741 : memref<1x32x1024xf32, #tpu.memory_space<hbm>> -> memref<32x1024xf32, #tpu.memory_space<hbm>>
      %dma_wait3A_743 = arith.constant 0 : i32
      %dma_wait3A_744 = arith.constant 0 : i32
      %dma_wait3A_745 = tpu.memref_slice %arg4[%dma_wait3A_728, %dma_wait3A_743, %dma_wait3A_744] : memref<3x32x1024xf32, #tpu.memory_space<vmem>> -> memref<1x32x1024xf32, #tpu.memory_space<vmem>>
      %dma_wait3A_746 = tpu.memref_squeeze %dma_wait3A_745 : memref<1x32x1024xf32, #tpu.memory_space<vmem>> -> memref<32x1024xf32, #tpu.memory_space<vmem>>
      tpu.wait_dma2 semaphore(%dma_wait3A_739 : memref<!tpu.dma_semaphore, #tpu.memory_space<semaphore_mem>>) src(%dma_wait3A_746 : memref<32x1024xf32, #tpu.memory_space<vmem>>) dst(%dma_wait3A_742 : memref<32x1024xf32, #tpu.memory_space<hbm>>)
      %add3A_747 = arith.constant 5 : i32
      %add3A_748 = arith.addi %mul3A_2, %add3A_747 : i32
      %mul3A_749 = arith.constant 32 : i32
      %mul3A_750 = arith.muli %add3A_748, %mul3A_749 : i32
      %dma_start3A_751 = arith.constant 2 : i32
      %dma_start3A_752 = arith.constant 2 : i32
      %dma_start3A_753 = arith.constant 0 : i32
      %dma_start3A_754 = arith.constant 0 : i32
      %dma_start3A_755 = tpu.memref_slice %arg4[%dma_start3A_751, %dma_start3A_753, %dma_start3A_754] : memref<3x32x1024xf32, #tpu.memory_space<vmem>> -> memref<1x32x1024xf32, #tpu.memory_space<vmem>>
      %dma_start3A_756 = tpu.memref_squeeze %dma_start3A_755 : memref<1x32x1024xf32, #tpu.memory_space<vmem>> -> memref<32x1024xf32, #tpu.memory_space<vmem>>
      %dma_start3A_757 = arith.constant 0 : i32
      %dma_start3A_758 = tpu.memref_slice %arg2[%mul3A_750, %dma_start3A_757] : memref<10000x1024xf32, #tpu.memory_space<hbm>> -> memref<32x1024xf32, #tpu.memory_space<hbm>>
      %dma_start3A_759 = tpu.memref_slice %arg5[%dma_start3A_752] : memref<3x!tpu.dma_semaphore, #tpu.memory_space<semaphore_mem>> -> memref<1x!tpu.dma_semaphore, #tpu.memory_space<semaphore_mem>>
      %dma_start3A_760 = tpu.memref_squeeze %dma_start3A_759 : memref<1x!tpu.dma_semaphore, #tpu.memory_space<semaphore_mem>> -> memref<!tpu.dma_semaphore, #tpu.memory_space<semaphore_mem>>
      %dma_start3A_761 = arith.constant 0 : i32
      %dma_start3A_762 = arith.constant 0 : i32
      %dma_start3A_763 = tpu.memref_slice %arg4[%dma_start3A_751, %dma_start3A_761, %dma_start3A_762] : memref<3x32x1024xf32, #tpu.memory_space<vmem>> -> memref<1x32x1024xf32, #tpu.memory_space<vmem>>
      %dma_start3A_764 = tpu.memref_squeeze %dma_start3A_763 : memref<1x32x1024xf32, #tpu.memory_space<vmem>> -> memref<32x1024xf32, #tpu.memory_space<vmem>>
      %dma_start3A_765 = arith.constant 0 : i32
      %dma_start3A_766 = tpu.memref_slice %arg2[%mul3A_750, %dma_start3A_765] : memref<10000x1024xf32, #tpu.memory_space<hbm>> -> memref<32x1024xf32, #tpu.memory_space<hbm>>
      tpu.enqueue_dma source(%dma_start3A_766 : memref<32x1024xf32, #tpu.memory_space<hbm>>) target(%dma_start3A_764 : memref<32x1024xf32, #tpu.memory_space<vmem>>) target_semaphore(%dma_start3A_760 : memref<!tpu.dma_semaphore, #tpu.memory_space<semaphore_mem>>)
      %add3A_767 = arith.constant 4 : i32
      %add3A_768 = arith.addi %mul3A_2, %add3A_767 : i32
      %mul3A_769 = arith.constant 32 : i32
      %mul3A_770 = arith.muli %add3A_768, %mul3A_769 : i32
      %dma_wait3A_771 = arith.constant 1 : i32
      %dma_wait3A_772 = arith.constant 1 : i32
      %dma_wait3A_773 = arith.constant 0 : i32
      %dma_wait3A_774 = arith.constant 0 : i32
      %dma_wait3A_775 = tpu.memref_slice %arg4[%dma_wait3A_771, %dma_wait3A_773, %dma_wait3A_774] : memref<3x32x1024xf32, #tpu.memory_space<vmem>> -> memref<1x32x1024xf32, #tpu.memory_space<vmem>>
      %dma_wait3A_776 = tpu.memref_squeeze %dma_wait3A_775 : memref<1x32x1024xf32, #tpu.memory_space<vmem>> -> memref<32x1024xf32, #tpu.memory_space<vmem>>
      %dma_wait3A_777 = arith.constant 0 : i32
      %dma_wait3A_778 = tpu.memref_slice %arg2[%mul3A_770, %dma_wait3A_777] : memref<10000x1024xf32, #tpu.memory_space<hbm>> -> memref<32x1024xf32, #tpu.memory_space<hbm>>
      %dma_wait3A_779 = tpu.memref_slice %arg5[%dma_wait3A_772] : memref<3x!tpu.dma_semaphore, #tpu.memory_space<semaphore_mem>> -> memref<1x!tpu.dma_semaphore, #tpu.memory_space<semaphore_mem>>
      %dma_wait3A_780 = tpu.memref_squeeze %dma_wait3A_779 : memref<1x!tpu.dma_semaphore, #tpu.memory_space<semaphore_mem>> -> memref<!tpu.dma_semaphore, #tpu.memory_space<semaphore_mem>>
      %dma_wait3A_781 = arith.constant 0 : i32
      %dma_wait3A_782 = arith.constant 0 : i32
      %dma_wait3A_783 = tpu.memref_slice %arg4[%dma_wait3A_771, %dma_wait3A_781, %dma_wait3A_782] : memref<3x32x1024xf32, #tpu.memory_space<vmem>> -> memref<1x32x1024xf32, #tpu.memory_space<vmem>>
      %dma_wait3A_784 = tpu.memref_squeeze %dma_wait3A_783 : memref<1x32x1024xf32, #tpu.memory_space<vmem>> -> memref<32x1024xf32, #tpu.memory_space<vmem>>
      %dma_wait3A_785 = arith.constant 0 : i32
      %dma_wait3A_786 = tpu.memref_slice %arg2[%mul3A_770, %dma_wait3A_785] : memref<10000x1024xf32, #tpu.memory_space<hbm>> -> memref<32x1024xf32, #tpu.memory_space<hbm>>
      tpu.wait_dma2 semaphore(%dma_wait3A_780 : memref<!tpu.dma_semaphore, #tpu.memory_space<semaphore_mem>>) src(%dma_wait3A_786 : memref<32x1024xf32, #tpu.memory_space<hbm>>) dst(%dma_wait3A_784 : memref<32x1024xf32, #tpu.memory_space<vmem>>)
      %add3A_787 = arith.constant 4 : i32
      %add3A_788 = arith.addi %mul3A_2, %add3A_787 : i32
      %mul3A_789 = arith.constant 32 : i32
      %mul3A_790 = arith.muli %add3A_788, %mul3A_789 : i32
      %dma_start3A_791 = arith.constant 1 : i32
      %dma_start3A_792 = arith.constant 0 : i32
      %dma_start3A_793 = arith.constant 1 : i32
      %dma_start3A_794 = arith.constant 0 : i32
      %dma_start3A_795 = arith.constant 0 : i32
      %dma_start3A_796 = tpu.memref_slice %arg4[%dma_start3A_791, %dma_start3A_794, %dma_start3A_795] : memref<3x32x1024xf32, #tpu.memory_space<vmem>> -> memref<1x32x1024xf32, #tpu.memory_space<vmem>>
      %dma_start3A_797 = tpu.memref_squeeze %dma_start3A_796 : memref<1x32x1024xf32, #tpu.memory_space<vmem>> -> memref<32x1024xf32, #tpu.memory_space<vmem>>
      %dma_start3A_798 = arith.constant 0 : i32
      %dma_start3A_799 = tpu.memref_slice %arg3[%dma_start3A_792, %mul3A_790, %dma_start3A_798] : memref<4x8191x1024xf32, #tpu.memory_space<hbm>> -> memref<1x32x1024xf32, #tpu.memory_space<hbm>>
      %dma_start3A_800 = tpu.memref_squeeze %dma_start3A_799 : memref<1x32x1024xf32, #tpu.memory_space<hbm>> -> memref<32x1024xf32, #tpu.memory_space<hbm>>
      %dma_start3A_801 = tpu.memref_slice %arg6[%dma_start3A_793] : memref<3x!tpu.dma_semaphore, #tpu.memory_space<semaphore_mem>> -> memref<1x!tpu.dma_semaphore, #tpu.memory_space<semaphore_mem>>
      %dma_start3A_802 = tpu.memref_squeeze %dma_start3A_801 : memref<1x!tpu.dma_semaphore, #tpu.memory_space<semaphore_mem>> -> memref<!tpu.dma_semaphore, #tpu.memory_space<semaphore_mem>>
      %dma_start3A_803 = arith.constant 0 : i32
      %dma_start3A_804 = tpu.memref_slice %arg3[%dma_start3A_792, %mul3A_790, %dma_start3A_803] : memref<4x8191x1024xf32, #tpu.memory_space<hbm>> -> memref<1x32x1024xf32, #tpu.memory_space<hbm>>
      %dma_start3A_805 = tpu.memref_squeeze %dma_start3A_804 : memref<1x32x1024xf32, #tpu.memory_space<hbm>> -> memref<32x1024xf32, #tpu.memory_space<hbm>>
      %dma_start3A_806 = arith.constant 0 : i32
      %dma_start3A_807 = arith.constant 0 : i32
      %dma_start3A_808 = tpu.memref_slice %arg4[%dma_start3A_791, %dma_start3A_806, %dma_start3A_807] : memref<3x32x1024xf32, #tpu.memory_space<vmem>> -> memref<1x32x1024xf32, #tpu.memory_space<vmem>>
      %dma_start3A_809 = tpu.memref_squeeze %dma_start3A_808 : memref<1x32x1024xf32, #tpu.memory_space<vmem>> -> memref<32x1024xf32, #tpu.memory_space<vmem>>
      tpu.enqueue_dma source(%dma_start3A_809 : memref<32x1024xf32, #tpu.memory_space<vmem>>) target(%dma_start3A_805 : memref<32x1024xf32, #tpu.memory_space<hbm>>) target_semaphore(%dma_start3A_802 : memref<!tpu.dma_semaphore, #tpu.memory_space<semaphore_mem>>)
      %dma_start3A_810 = arith.constant 1 : i32
      %dma_start3A_811 = arith.constant 1 : i32
      %dma_start3A_812 = arith.constant 1 : i32
      %dma_start3A_813 = arith.constant 0 : i32
      %dma_start3A_814 = arith.constant 0 : i32
      %dma_start3A_815 = tpu.memref_slice %arg4[%dma_start3A_810, %dma_start3A_813, %dma_start3A_814] : memref<3x32x1024xf32, #tpu.memory_space<vmem>> -> memref<1x32x1024xf32, #tpu.memory_space<vmem>>
      %dma_start3A_816 = tpu.memref_squeeze %dma_start3A_815 : memref<1x32x1024xf32, #tpu.memory_space<vmem>> -> memref<32x1024xf32, #tpu.memory_space<vmem>>
      %dma_start3A_817 = arith.constant 0 : i32
      %dma_start3A_818 = tpu.memref_slice %arg3[%dma_start3A_811, %mul3A_790, %dma_start3A_817] : memref<4x8191x1024xf32, #tpu.memory_space<hbm>> -> memref<1x32x1024xf32, #tpu.memory_space<hbm>>
      %dma_start3A_819 = tpu.memref_squeeze %dma_start3A_818 : memref<1x32x1024xf32, #tpu.memory_space<hbm>> -> memref<32x1024xf32, #tpu.memory_space<hbm>>
      %dma_start3A_820 = tpu.memref_slice %arg6[%dma_start3A_812] : memref<3x!tpu.dma_semaphore, #tpu.memory_space<semaphore_mem>> -> memref<1x!tpu.dma_semaphore, #tpu.memory_space<semaphore_mem>>
      %dma_start3A_821 = tpu.memref_squeeze %dma_start3A_820 : memref<1x!tpu.dma_semaphore, #tpu.memory_space<semaphore_mem>> -> memref<!tpu.dma_semaphore, #tpu.memory_space<semaphore_mem>>
      %dma_start3A_822 = arith.constant 0 : i32
      %dma_start3A_823 = tpu.memref_slice %arg3[%dma_start3A_811, %mul3A_790, %dma_start3A_822] : memref<4x8191x1024xf32, #tpu.memory_space<hbm>> -> memref<1x32x1024xf32, #tpu.memory_space<hbm>>
      %dma_start3A_824 = tpu.memref_squeeze %dma_start3A_823 : memref<1x32x1024xf32, #tpu.memory_space<hbm>> -> memref<32x1024xf32, #tpu.memory_space<hbm>>
      %dma_start3A_825 = arith.constant 0 : i32
      %dma_start3A_826 = arith.constant 0 : i32
      %dma_start3A_827 = tpu.memref_slice %arg4[%dma_start3A_810, %dma_start3A_825, %dma_start3A_826] : memref<3x32x1024xf32, #tpu.memory_space<vmem>> -> memref<1x32x1024xf32, #tpu.memory_space<vmem>>
      %dma_start3A_828 = tpu.memref_squeeze %dma_start3A_827 : memref<1x32x1024xf32, #tpu.memory_space<vmem>> -> memref<32x1024xf32, #tpu.memory_space<vmem>>
      tpu.enqueue_dma source(%dma_start3A_828 : memref<32x1024xf32, #tpu.memory_space<vmem>>) target(%dma_start3A_824 : memref<32x1024xf32, #tpu.memory_space<hbm>>) target_semaphore(%dma_start3A_821 : memref<!tpu.dma_semaphore, #tpu.memory_space<semaphore_mem>>)
      %dma_start3A_829 = arith.constant 1 : i32
      %dma_start3A_830 = arith.constant 2 : i32
      %dma_start3A_831 = arith.constant 1 : i32
      %dma_start3A_832 = arith.constant 0 : i32
      %dma_start3A_833 = arith.constant 0 : i32
      %dma_start3A_834 = tpu.memref_slice %arg4[%dma_start3A_829, %dma_start3A_832, %dma_start3A_833] : memref<3x32x1024xf32, #tpu.memory_space<vmem>> -> memref<1x32x1024xf32, #tpu.memory_space<vmem>>
      %dma_start3A_835 = tpu.memref_squeeze %dma_start3A_834 : memref<1x32x1024xf32, #tpu.memory_space<vmem>> -> memref<32x1024xf32, #tpu.memory_space<vmem>>
      %dma_start3A_836 = arith.constant 0 : i32
      %dma_start3A_837 = tpu.memref_slice %arg3[%dma_start3A_830, %mul3A_790, %dma_start3A_836] : memref<4x8191x1024xf32, #tpu.memory_space<hbm>> -> memref<1x32x1024xf32, #tpu.memory_space<hbm>>
      %dma_start3A_838 = tpu.memref_squeeze %dma_start3A_837 : memref<1x32x1024xf32, #tpu.memory_space<hbm>> -> memref<32x1024xf32, #tpu.memory_space<hbm>>
      %dma_start3A_839 = tpu.memref_slice %arg6[%dma_start3A_831] : memref<3x!tpu.dma_semaphore, #tpu.memory_space<semaphore_mem>> -> memref<1x!tpu.dma_semaphore, #tpu.memory_space<semaphore_mem>>
      %dma_start3A_840 = tpu.memref_squeeze %dma_start3A_839 : memref<1x!tpu.dma_semaphore, #tpu.memory_space<semaphore_mem>> -> memref<!tpu.dma_semaphore, #tpu.memory_space<semaphore_mem>>
      %dma_start3A_841 = arith.constant 0 : i32
      %dma_start3A_842 = tpu.memref_slice %arg3[%dma_start3A_830, %mul3A_790, %dma_start3A_841] : memref<4x8191x1024xf32, #tpu.memory_space<hbm>> -> memref<1x32x1024xf32, #tpu.memory_space<hbm>>
      %dma_start3A_843 = tpu.memref_squeeze %dma_start3A_842 : memref<1x32x1024xf32, #tpu.memory_space<hbm>> -> memref<32x1024xf32, #tpu.memory_space<hbm>>
      %dma_start3A_844 = arith.constant 0 : i32
      %dma_start3A_845 = arith.constant 0 : i32
      %dma_start3A_846 = tpu.memref_slice %arg4[%dma_start3A_829, %dma_start3A_844, %dma_start3A_845] : memref<3x32x1024xf32, #tpu.memory_space<vmem>> -> memref<1x32x1024xf32, #tpu.memory_space<vmem>>
      %dma_start3A_847 = tpu.memref_squeeze %dma_start3A_846 : memref<1x32x1024xf32, #tpu.memory_space<vmem>> -> memref<32x1024xf32, #tpu.memory_space<vmem>>
      tpu.enqueue_dma source(%dma_start3A_847 : memref<32x1024xf32, #tpu.memory_space<vmem>>) target(%dma_start3A_843 : memref<32x1024xf32, #tpu.memory_space<hbm>>) target_semaphore(%dma_start3A_840 : memref<!tpu.dma_semaphore, #tpu.memory_space<semaphore_mem>>)
      %dma_start3A_848 = arith.constant 1 : i32
      %dma_start3A_849 = arith.constant 3 : i32
      %dma_start3A_850 = arith.constant 1 : i32
      %dma_start3A_851 = arith.constant 0 : i32
      %dma_start3A_852 = arith.constant 0 : i32
      %dma_start3A_853 = tpu.memref_slice %arg4[%dma_start3A_848, %dma_start3A_851, %dma_start3A_852] : memref<3x32x1024xf32, #tpu.memory_space<vmem>> -> memref<1x32x1024xf32, #tpu.memory_space<vmem>>
      %dma_start3A_854 = tpu.memref_squeeze %dma_start3A_853 : memref<1x32x1024xf32, #tpu.memory_space<vmem>> -> memref<32x1024xf32, #tpu.memory_space<vmem>>
      %dma_start3A_855 = arith.constant 0 : i32
      %dma_start3A_856 = tpu.memref_slice %arg3[%dma_start3A_849, %mul3A_790, %dma_start3A_855] : memref<4x8191x1024xf32, #tpu.memory_space<hbm>> -> memref<1x32x1024xf32, #tpu.memory_space<hbm>>
      %dma_start3A_857 = tpu.memref_squeeze %dma_start3A_856 : memref<1x32x1024xf32, #tpu.memory_space<hbm>> -> memref<32x1024xf32, #tpu.memory_space<hbm>>
      %dma_start3A_858 = tpu.memref_slice %arg6[%dma_start3A_850] : memref<3x!tpu.dma_semaphore, #tpu.memory_space<semaphore_mem>> -> memref<1x!tpu.dma_semaphore, #tpu.memory_space<semaphore_mem>>
      %dma_start3A_859 = tpu.memref_squeeze %dma_start3A_858 : memref<1x!tpu.dma_semaphore, #tpu.memory_space<semaphore_mem>> -> memref<!tpu.dma_semaphore, #tpu.memory_space<semaphore_mem>>
      %dma_start3A_860 = arith.constant 0 : i32
      %dma_start3A_861 = tpu.memref_slice %arg3[%dma_start3A_849, %mul3A_790, %dma_start3A_860] : memref<4x8191x1024xf32, #tpu.memory_space<hbm>> -> memref<1x32x1024xf32, #tpu.memory_space<hbm>>
      %dma_start3A_862 = tpu.memref_squeeze %dma_start3A_861 : memref<1x32x1024xf32, #tpu.memory_space<hbm>> -> memref<32x1024xf32, #tpu.memory_space<hbm>>
      %dma_start3A_863 = arith.constant 0 : i32
      %dma_start3A_864 = arith.constant 0 : i32
      %dma_start3A_865 = tpu.memref_slice %arg4[%dma_start3A_848, %dma_start3A_863, %dma_start3A_864] : memref<3x32x1024xf32, #tpu.memory_space<vmem>> -> memref<1x32x1024xf32, #tpu.memory_space<vmem>>
      %dma_start3A_866 = tpu.memref_squeeze %dma_start3A_865 : memref<1x32x1024xf32, #tpu.memory_space<vmem>> -> memref<32x1024xf32, #tpu.memory_space<vmem>>
      tpu.enqueue_dma source(%dma_start3A_866 : memref<32x1024xf32, #tpu.memory_space<vmem>>) target(%dma_start3A_862 : memref<32x1024xf32, #tpu.memory_space<hbm>>) target_semaphore(%dma_start3A_859 : memref<!tpu.dma_semaphore, #tpu.memory_space<semaphore_mem>>)
      %add3A_867 = arith.constant 3 : i32
      %add3A_868 = arith.addi %mul3A_2, %add3A_867 : i32
      %mul3A_869 = arith.constant 32 : i32
      %mul3A_870 = arith.muli %add3A_868, %mul3A_869 : i32
      %dma_wait3A_871 = arith.constant 0 : i32
      %dma_wait3A_872 = arith.constant 0 : i32
      %dma_wait3A_873 = arith.constant 0 : i32
      %dma_wait3A_874 = arith.constant 0 : i32
      %dma_wait3A_875 = arith.constant 0 : i32
      %dma_wait3A_876 = tpu.memref_slice %arg4[%dma_wait3A_871, %dma_wait3A_874, %dma_wait3A_875] : memref<3x32x1024xf32, #tpu.memory_space<vmem>> -> memref<1x32x1024xf32, #tpu.memory_space<vmem>>
      %dma_wait3A_877 = tpu.memref_squeeze %dma_wait3A_876 : memref<1x32x1024xf32, #tpu.memory_space<vmem>> -> memref<32x1024xf32, #tpu.memory_space<vmem>>
      %dma_wait3A_878 = arith.constant 0 : i32
      %dma_wait3A_879 = tpu.memref_slice %arg3[%dma_wait3A_872, %mul3A_870, %dma_wait3A_878] : memref<4x8191x1024xf32, #tpu.memory_space<hbm>> -> memref<1x32x1024xf32, #tpu.memory_space<hbm>>
      %dma_wait3A_880 = tpu.memref_squeeze %dma_wait3A_879 : memref<1x32x1024xf32, #tpu.memory_space<hbm>> -> memref<32x1024xf32, #tpu.memory_space<hbm>>
      %dma_wait3A_881 = tpu.memref_slice %arg6[%dma_wait3A_873] : memref<3x!tpu.dma_semaphore, #tpu.memory_space<semaphore_mem>> -> memref<1x!tpu.dma_semaphore, #tpu.memory_space<semaphore_mem>>
      %dma_wait3A_882 = tpu.memref_squeeze %dma_wait3A_881 : memref<1x!tpu.dma_semaphore, #tpu.memory_space<semaphore_mem>> -> memref<!tpu.dma_semaphore, #tpu.memory_space<semaphore_mem>>
      %dma_wait3A_883 = arith.constant 0 : i32
      %dma_wait3A_884 = tpu.memref_slice %arg3[%dma_wait3A_872, %mul3A_870, %dma_wait3A_883] : memref<4x8191x1024xf32, #tpu.memory_space<hbm>> -> memref<1x32x1024xf32, #tpu.memory_space<hbm>>
      %dma_wait3A_885 = tpu.memref_squeeze %dma_wait3A_884 : memref<1x32x1024xf32, #tpu.memory_space<hbm>> -> memref<32x1024xf32, #tpu.memory_space<hbm>>
      %dma_wait3A_886 = arith.constant 0 : i32
      %dma_wait3A_887 = arith.constant 0 : i32
      %dma_wait3A_888 = tpu.memref_slice %arg4[%dma_wait3A_871, %dma_wait3A_886, %dma_wait3A_887] : memref<3x32x1024xf32, #tpu.memory_space<vmem>> -> memref<1x32x1024xf32, #tpu.memory_space<vmem>>
      %dma_wait3A_889 = tpu.memref_squeeze %dma_wait3A_888 : memref<1x32x1024xf32, #tpu.memory_space<vmem>> -> memref<32x1024xf32, #tpu.memory_space<vmem>>
      tpu.wait_dma2 semaphore(%dma_wait3A_882 : memref<!tpu.dma_semaphore, #tpu.memory_space<semaphore_mem>>) src(%dma_wait3A_889 : memref<32x1024xf32, #tpu.memory_space<vmem>>) dst(%dma_wait3A_885 : memref<32x1024xf32, #tpu.memory_space<hbm>>)
      %dma_wait3A_890 = arith.constant 0 : i32
      %dma_wait3A_891 = arith.constant 1 : i32
      %dma_wait3A_892 = arith.constant 0 : i32
      %dma_wait3A_893 = arith.constant 0 : i32
      %dma_wait3A_894 = arith.constant 0 : i32
      %dma_wait3A_895 = tpu.memref_slice %arg4[%dma_wait3A_890, %dma_wait3A_893, %dma_wait3A_894] : memref<3x32x1024xf32, #tpu.memory_space<vmem>> -> memref<1x32x1024xf32, #tpu.memory_space<vmem>>
      %dma_wait3A_896 = tpu.memref_squeeze %dma_wait3A_895 : memref<1x32x1024xf32, #tpu.memory_space<vmem>> -> memref<32x1024xf32, #tpu.memory_space<vmem>>
      %dma_wait3A_897 = arith.constant 0 : i32
      %dma_wait3A_898 = tpu.memref_slice %arg3[%dma_wait3A_891, %mul3A_870, %dma_wait3A_897] : memref<4x8191x1024xf32, #tpu.memory_space<hbm>> -> memref<1x32x1024xf32, #tpu.memory_space<hbm>>
      %dma_wait3A_899 = tpu.memref_squeeze %dma_wait3A_898 : memref<1x32x1024xf32, #tpu.memory_space<hbm>> -> memref<32x1024xf32, #tpu.memory_space<hbm>>
      %dma_wait3A_900 = tpu.memref_slice %arg6[%dma_wait3A_892] : memref<3x!tpu.dma_semaphore, #tpu.memory_space<semaphore_mem>> -> memref<1x!tpu.dma_semaphore, #tpu.memory_space<semaphore_mem>>
      %dma_wait3A_901 = tpu.memref_squeeze %dma_wait3A_900 : memref<1x!tpu.dma_semaphore, #tpu.memory_space<semaphore_mem>> -> memref<!tpu.dma_semaphore, #tpu.memory_space<semaphore_mem>>
      %dma_wait3A_902 = arith.constant 0 : i32
      %dma_wait3A_903 = tpu.memref_slice %arg3[%dma_wait3A_891, %mul3A_870, %dma_wait3A_902] : memref<4x8191x1024xf32, #tpu.memory_space<hbm>> -> memref<1x32x1024xf32, #tpu.memory_space<hbm>>
      %dma_wait3A_904 = tpu.memref_squeeze %dma_wait3A_903 : memref<1x32x1024xf32, #tpu.memory_space<hbm>> -> memref<32x1024xf32, #tpu.memory_space<hbm>>
      %dma_wait3A_905 = arith.constant 0 : i32
      %dma_wait3A_906 = arith.constant 0 : i32
      %dma_wait3A_907 = tpu.memref_slice %arg4[%dma_wait3A_890, %dma_wait3A_905, %dma_wait3A_906] : memref<3x32x1024xf32, #tpu.memory_space<vmem>> -> memref<1x32x1024xf32, #tpu.memory_space<vmem>>
      %dma_wait3A_908 = tpu.memref_squeeze %dma_wait3A_907 : memref<1x32x1024xf32, #tpu.memory_space<vmem>> -> memref<32x1024xf32, #tpu.memory_space<vmem>>
      tpu.wait_dma2 semaphore(%dma_wait3A_901 : memref<!tpu.dma_semaphore, #tpu.memory_space<semaphore_mem>>) src(%dma_wait3A_908 : memref<32x1024xf32, #tpu.memory_space<vmem>>) dst(%dma_wait3A_904 : memref<32x1024xf32, #tpu.memory_space<hbm>>)
      %dma_wait3A_909 = arith.constant 0 : i32
      %dma_wait3A_910 = arith.constant 2 : i32
      %dma_wait3A_911 = arith.constant 0 : i32
      %dma_wait3A_912 = arith.constant 0 : i32
      %dma_wait3A_913 = arith.constant 0 : i32
      %dma_wait3A_914 = tpu.memref_slice %arg4[%dma_wait3A_909, %dma_wait3A_912, %dma_wait3A_913] : memref<3x32x1024xf32, #tpu.memory_space<vmem>> -> memref<1x32x1024xf32, #tpu.memory_space<vmem>>
      %dma_wait3A_915 = tpu.memref_squeeze %dma_wait3A_914 : memref<1x32x1024xf32, #tpu.memory_space<vmem>> -> memref<32x1024xf32, #tpu.memory_space<vmem>>
      %dma_wait3A_916 = arith.constant 0 : i32
      %dma_wait3A_917 = tpu.memref_slice %arg3[%dma_wait3A_910, %mul3A_870, %dma_wait3A_916] : memref<4x8191x1024xf32, #tpu.memory_space<hbm>> -> memref<1x32x1024xf32, #tpu.memory_space<hbm>>
      %dma_wait3A_918 = tpu.memref_squeeze %dma_wait3A_917 : memref<1x32x1024xf32, #tpu.memory_space<hbm>> -> memref<32x1024xf32, #tpu.memory_space<hbm>>
      %dma_wait3A_919 = tpu.memref_slice %arg6[%dma_wait3A_911] : memref<3x!tpu.dma_semaphore, #tpu.memory_space<semaphore_mem>> -> memref<1x!tpu.dma_semaphore, #tpu.memory_space<semaphore_mem>>
      %dma_wait3A_920 = tpu.memref_squeeze %dma_wait3A_919 : memref<1x!tpu.dma_semaphore, #tpu.memory_space<semaphore_mem>> -> memref<!tpu.dma_semaphore, #tpu.memory_space<semaphore_mem>>
      %dma_wait3A_921 = arith.constant 0 : i32
      %dma_wait3A_922 = tpu.memref_slice %arg3[%dma_wait3A_910, %mul3A_870, %dma_wait3A_921] : memref<4x8191x1024xf32, #tpu.memory_space<hbm>> -> memref<1x32x1024xf32, #tpu.memory_space<hbm>>
      %dma_wait3A_923 = tpu.memref_squeeze %dma_wait3A_922 : memref<1x32x1024xf32, #tpu.memory_space<hbm>> -> memref<32x1024xf32, #tpu.memory_space<hbm>>
      %dma_wait3A_924 = arith.constant 0 : i32
      %dma_wait3A_925 = arith.constant 0 : i32
      %dma_wait3A_926 = tpu.memref_slice %arg4[%dma_wait3A_909, %dma_wait3A_924, %dma_wait3A_925] : memref<3x32x1024xf32, #tpu.memory_space<vmem>> -> memref<1x32x1024xf32, #tpu.memory_space<vmem>>
      %dma_wait3A_927 = tpu.memref_squeeze %dma_wait3A_926 : memref<1x32x1024xf32, #tpu.memory_space<vmem>> -> memref<32x1024xf32, #tpu.memory_space<vmem>>
      tpu.wait_dma2 semaphore(%dma_wait3A_920 : memref<!tpu.dma_semaphore, #tpu.memory_space<semaphore_mem>>) src(%dma_wait3A_927 : memref<32x1024xf32, #tpu.memory_space<vmem>>) dst(%dma_wait3A_923 : memref<32x1024xf32, #tpu.memory_space<hbm>>)
      %dma_wait3A_928 = arith.constant 0 : i32
      %dma_wait3A_929 = arith.constant 3 : i32
      %dma_wait3A_930 = arith.constant 0 : i32
      %dma_wait3A_931 = arith.constant 0 : i32
      %dma_wait3A_932 = arith.constant 0 : i32
      %dma_wait3A_933 = tpu.memref_slice %arg4[%dma_wait3A_928, %dma_wait3A_931, %dma_wait3A_932] : memref<3x32x1024xf32, #tpu.memory_space<vmem>> -> memref<1x32x1024xf32, #tpu.memory_space<vmem>>
      %dma_wait3A_934 = tpu.memref_squeeze %dma_wait3A_933 : memref<1x32x1024xf32, #tpu.memory_space<vmem>> -> memref<32x1024xf32, #tpu.memory_space<vmem>>
      %dma_wait3A_935 = arith.constant 0 : i32
      %dma_wait3A_936 = tpu.memref_slice %arg3[%dma_wait3A_929, %mul3A_870, %dma_wait3A_935] : memref<4x8191x1024xf32, #tpu.memory_space<hbm>> -> memref<1x32x1024xf32, #tpu.memory_space<hbm>>
      %dma_wait3A_937 = tpu.memref_squeeze %dma_wait3A_936 : memref<1x32x1024xf32, #tpu.memory_space<hbm>> -> memref<32x1024xf32, #tpu.memory_space<hbm>>
      %dma_wait3A_938 = tpu.memref_slice %arg6[%dma_wait3A_930] : memref<3x!tpu.dma_semaphore, #tpu.memory_space<semaphore_mem>> -> memref<1x!tpu.dma_semaphore, #tpu.memory_space<semaphore_mem>>
      %dma_wait3A_939 = tpu.memref_squeeze %dma_wait3A_938 : memref<1x!tpu.dma_semaphore, #tpu.memory_space<semaphore_mem>> -> memref<!tpu.dma_semaphore, #tpu.memory_space<semaphore_mem>>
      %dma_wait3A_940 = arith.constant 0 : i32
      %dma_wait3A_941 = tpu.memref_slice %arg3[%dma_wait3A_929, %mul3A_870, %dma_wait3A_940] : memref<4x8191x1024xf32, #tpu.memory_space<hbm>> -> memref<1x32x1024xf32, #tpu.memory_space<hbm>>
      %dma_wait3A_942 = tpu.memref_squeeze %dma_wait3A_941 : memref<1x32x1024xf32, #tpu.memory_space<hbm>> -> memref<32x1024xf32, #tpu.memory_space<hbm>>
      %dma_wait3A_943 = arith.constant 0 : i32
      %dma_wait3A_944 = arith.constant 0 : i32
      %dma_wait3A_945 = tpu.memref_slice %arg4[%dma_wait3A_928, %dma_wait3A_943, %dma_wait3A_944] : memref<3x32x1024xf32, #tpu.memory_space<vmem>> -> memref<1x32x1024xf32, #tpu.memory_space<vmem>>
      %dma_wait3A_946 = tpu.memref_squeeze %dma_wait3A_945 : memref<1x32x1024xf32, #tpu.memory_space<vmem>> -> memref<32x1024xf32, #tpu.memory_space<vmem>>
      tpu.wait_dma2 semaphore(%dma_wait3A_939 : memref<!tpu.dma_semaphore, #tpu.memory_space<semaphore_mem>>) src(%dma_wait3A_946 : memref<32x1024xf32, #tpu.memory_space<vmem>>) dst(%dma_wait3A_942 : memref<32x1024xf32, #tpu.memory_space<hbm>>)
      %add3A_947 = arith.constant 6 : i32
      %add3A_948 = arith.addi %mul3A_2, %add3A_947 : i32
      %mul3A_949 = arith.constant 32 : i32
      %mul3A_950 = arith.muli %add3A_948, %mul3A_949 : i32
      %dma_start3A_951 = arith.constant 0 : i32
      %dma_start3A_952 = arith.constant 0 : i32
      %dma_start3A_953 = arith.constant 0 : i32
      %dma_start3A_954 = arith.constant 0 : i32
      %dma_start3A_955 = tpu.memref_slice %arg4[%dma_start3A_951, %dma_start3A_953, %dma_start3A_954] : memref<3x32x1024xf32, #tpu.memory_space<vmem>> -> memref<1x32x1024xf32, #tpu.memory_space<vmem>>
      %dma_start3A_956 = tpu.memref_squeeze %dma_start3A_955 : memref<1x32x1024xf32, #tpu.memory_space<vmem>> -> memref<32x1024xf32, #tpu.memory_space<vmem>>
      %dma_start3A_957 = arith.constant 0 : i32
      %dma_start3A_958 = tpu.memref_slice %arg2[%mul3A_950, %dma_start3A_957] : memref<10000x1024xf32, #tpu.memory_space<hbm>> -> memref<32x1024xf32, #tpu.memory_space<hbm>>
      %dma_start3A_959 = tpu.memref_slice %arg5[%dma_start3A_952] : memref<3x!tpu.dma_semaphore, #tpu.memory_space<semaphore_mem>> -> memref<1x!tpu.dma_semaphore, #tpu.memory_space<semaphore_mem>>
      %dma_start3A_960 = tpu.memref_squeeze %dma_start3A_959 : memref<1x!tpu.dma_semaphore, #tpu.memory_space<semaphore_mem>> -> memref<!tpu.dma_semaphore, #tpu.memory_space<semaphore_mem>>
      %dma_start3A_961 = arith.constant 0 : i32
      %dma_start3A_962 = arith.constant 0 : i32
      %dma_start3A_963 = tpu.memref_slice %arg4[%dma_start3A_951, %dma_start3A_961, %dma_start3A_962] : memref<3x32x1024xf32, #tpu.memory_space<vmem>> -> memref<1x32x1024xf32, #tpu.memory_space<vmem>>
      %dma_start3A_964 = tpu.memref_squeeze %dma_start3A_963 : memref<1x32x1024xf32, #tpu.memory_space<vmem>> -> memref<32x1024xf32, #tpu.memory_space<vmem>>
      %dma_start3A_965 = arith.constant 0 : i32
      %dma_start3A_966 = tpu.memref_slice %arg2[%mul3A_950, %dma_start3A_965] : memref<10000x1024xf32, #tpu.memory_space<hbm>> -> memref<32x1024xf32, #tpu.memory_space<hbm>>
      tpu.enqueue_dma source(%dma_start3A_966 : memref<32x1024xf32, #tpu.memory_space<hbm>>) target(%dma_start3A_964 : memref<32x1024xf32, #tpu.memory_space<vmem>>) target_semaphore(%dma_start3A_960 : memref<!tpu.dma_semaphore, #tpu.memory_space<semaphore_mem>>)
      %add3A_967 = arith.constant 5 : i32
      %add3A_968 = arith.addi %mul3A_2, %add3A_967 : i32
      %mul3A_969 = arith.constant 32 : i32
      %mul3A_970 = arith.muli %add3A_968, %mul3A_969 : i32
      %dma_wait3A_971 = arith.constant 2 : i32
      %dma_wait3A_972 = arith.constant 2 : i32
      %dma_wait3A_973 = arith.constant 0 : i32
      %dma_wait3A_974 = arith.constant 0 : i32
      %dma_wait3A_975 = tpu.memref_slice %arg4[%dma_wait3A_971, %dma_wait3A_973, %dma_wait3A_974] : memref<3x32x1024xf32, #tpu.memory_space<vmem>> -> memref<1x32x1024xf32, #tpu.memory_space<vmem>>
      %dma_wait3A_976 = tpu.memref_squeeze %dma_wait3A_975 : memref<1x32x1024xf32, #tpu.memory_space<vmem>> -> memref<32x1024xf32, #tpu.memory_space<vmem>>
      %dma_wait3A_977 = arith.constant 0 : i32
      %dma_wait3A_978 = tpu.memref_slice %arg2[%mul3A_970, %dma_wait3A_977] : memref<10000x1024xf32, #tpu.memory_space<hbm>> -> memref<32x1024xf32, #tpu.memory_space<hbm>>
      %dma_wait3A_979 = tpu.memref_slice %arg5[%dma_wait3A_972] : memref<3x!tpu.dma_semaphore, #tpu.memory_space<semaphore_mem>> -> memref<1x!tpu.dma_semaphore, #tpu.memory_space<semaphore_mem>>
      %dma_wait3A_980 = tpu.memref_squeeze %dma_wait3A_979 : memref<1x!tpu.dma_semaphore, #tpu.memory_space<semaphore_mem>> -> memref<!tpu.dma_semaphore, #tpu.memory_space<semaphore_mem>>
      %dma_wait3A_981 = arith.constant 0 : i32
      %dma_wait3A_982 = arith.constant 0 : i32
      %dma_wait3A_983 = tpu.memref_slice %arg4[%dma_wait3A_971, %dma_wait3A_981, %dma_wait3A_982] : memref<3x32x1024xf32, #tpu.memory_space<vmem>> -> memref<1x32x1024xf32, #tpu.memory_space<vmem>>
      %dma_wait3A_984 = tpu.memref_squeeze %dma_wait3A_983 : memref<1x32x1024xf32, #tpu.memory_space<vmem>> -> memref<32x1024xf32, #tpu.memory_space<vmem>>
      %dma_wait3A_985 = arith.constant 0 : i32
      %dma_wait3A_986 = tpu.memref_slice %arg2[%mul3A_970, %dma_wait3A_985] : memref<10000x1024xf32, #tpu.memory_space<hbm>> -> memref<32x1024xf32, #tpu.memory_space<hbm>>
      tpu.wait_dma2 semaphore(%dma_wait3A_980 : memref<!tpu.dma_semaphore, #tpu.memory_space<semaphore_mem>>) src(%dma_wait3A_986 : memref<32x1024xf32, #tpu.memory_space<hbm>>) dst(%dma_wait3A_984 : memref<32x1024xf32, #tpu.memory_space<vmem>>)
      %add3A_987 = arith.constant 5 : i32
      %add3A_988 = arith.addi %mul3A_2, %add3A_987 : i32
      %mul3A_989 = arith.constant 32 : i32
      %mul3A_990 = arith.muli %add3A_988, %mul3A_989 : i32
      %dma_start3A_991 = arith.constant 2 : i32
      %dma_start3A_992 = arith.constant 0 : i32
      %dma_start3A_993 = arith.constant 2 : i32
      %dma_start3A_994 = arith.constant 0 : i32
      %dma_start3A_995 = arith.constant 0 : i32
      %dma_start3A_996 = tpu.memref_slice %arg4[%dma_start3A_991, %dma_start3A_994, %dma_start3A_995] : memref<3x32x1024xf32, #tpu.memory_space<vmem>> -> memref<1x32x1024xf32, #tpu.memory_space<vmem>>
      %dma_start3A_997 = tpu.memref_squeeze %dma_start3A_996 : memref<1x32x1024xf32, #tpu.memory_space<vmem>> -> memref<32x1024xf32, #tpu.memory_space<vmem>>
      %dma_start3A_998 = arith.constant 0 : i32
      %dma_start3A_999 = tpu.memref_slice %arg3[%dma_start3A_992, %mul3A_990, %dma_start3A_998] : memref<4x8191x1024xf32, #tpu.memory_space<hbm>> -> memref<1x32x1024xf32, #tpu.memory_space<hbm>>
      %dma_start3A_1000 = tpu.memref_squeeze %dma_start3A_999 : memref<1x32x1024xf32, #tpu.memory_space<hbm>> -> memref<32x1024xf32, #tpu.memory_space<hbm>>
      %dma_start3A_1001 = tpu.memref_slice %arg6[%dma_start3A_993] : memref<3x!tpu.dma_semaphore, #tpu.memory_space<semaphore_mem>> -> memref<1x!tpu.dma_semaphore, #tpu.memory_space<semaphore_mem>>
      %dma_start3A_1002 = tpu.memref_squeeze %dma_start3A_1001 : memref<1x!tpu.dma_semaphore, #tpu.memory_space<semaphore_mem>> -> memref<!tpu.dma_semaphore, #tpu.memory_space<semaphore_mem>>
      %dma_start3A_1003 = arith.constant 0 : i32
      %dma_start3A_1004 = tpu.memref_slice %arg3[%dma_start3A_992, %mul3A_990, %dma_start3A_1003] : memref<4x8191x1024xf32, #tpu.memory_space<hbm>> -> memref<1x32x1024xf32, #tpu.memory_space<hbm>>
      %dma_start3A_1005 = tpu.memref_squeeze %dma_start3A_1004 : memref<1x32x1024xf32, #tpu.memory_space<hbm>> -> memref<32x1024xf32, #tpu.memory_space<hbm>>
      %dma_start3A_1006 = arith.constant 0 : i32
      %dma_start3A_1007 = arith.constant 0 : i32
      %dma_start3A_1008 = tpu.memref_slice %arg4[%dma_start3A_991, %dma_start3A_1006, %dma_start3A_1007] : memref<3x32x1024xf32, #tpu.memory_space<vmem>> -> memref<1x32x1024xf32, #tpu.memory_space<vmem>>
      %dma_start3A_1009 = tpu.memref_squeeze %dma_start3A_1008 : memref<1x32x1024xf32, #tpu.memory_space<vmem>> -> memref<32x1024xf32, #tpu.memory_space<vmem>>
      tpu.enqueue_dma source(%dma_start3A_1009 : memref<32x1024xf32, #tpu.memory_space<vmem>>) target(%dma_start3A_1005 : memref<32x1024xf32, #tpu.memory_space<hbm>>) target_semaphore(%dma_start3A_1002 : memref<!tpu.dma_semaphore, #tpu.memory_space<semaphore_mem>>)
      %dma_start3A_1010 = arith.constant 2 : i32
      %dma_start3A_1011 = arith.constant 1 : i32
      %dma_start3A_1012 = arith.constant 2 : i32
      %dma_start3A_1013 = arith.constant 0 : i32
      %dma_start3A_1014 = arith.constant 0 : i32
      %dma_start3A_1015 = tpu.memref_slice %arg4[%dma_start3A_1010, %dma_start3A_1013, %dma_start3A_1014] : memref<3x32x1024xf32, #tpu.memory_space<vmem>> -> memref<1x32x1024xf32, #tpu.memory_space<vmem>>
      %dma_start3A_1016 = tpu.memref_squeeze %dma_start3A_1015 : memref<1x32x1024xf32, #tpu.memory_space<vmem>> -> memref<32x1024xf32, #tpu.memory_space<vmem>>
      %dma_start3A_1017 = arith.constant 0 : i32
      %dma_start3A_1018 = tpu.memref_slice %arg3[%dma_start3A_1011, %mul3A_990, %dma_start3A_1017] : memref<4x8191x1024xf32, #tpu.memory_space<hbm>> -> memref<1x32x1024xf32, #tpu.memory_space<hbm>>
      %dma_start3A_1019 = tpu.memref_squeeze %dma_start3A_1018 : memref<1x32x1024xf32, #tpu.memory_space<hbm>> -> memref<32x1024xf32, #tpu.memory_space<hbm>>
      %dma_start3A_1020 = tpu.memref_slice %arg6[%dma_start3A_1012] : memref<3x!tpu.dma_semaphore, #tpu.memory_space<semaphore_mem>> -> memref<1x!tpu.dma_semaphore, #tpu.memory_space<semaphore_mem>>
      %dma_start3A_1021 = tpu.memref_squeeze %dma_start3A_1020 : memref<1x!tpu.dma_semaphore, #tpu.memory_space<semaphore_mem>> -> memref<!tpu.dma_semaphore, #tpu.memory_space<semaphore_mem>>
      %dma_start3A_1022 = arith.constant 0 : i32
      %dma_start3A_1023 = tpu.memref_slice %arg3[%dma_start3A_1011, %mul3A_990, %dma_start3A_1022] : memref<4x8191x1024xf32, #tpu.memory_space<hbm>> -> memref<1x32x1024xf32, #tpu.memory_space<hbm>>
      %dma_start3A_1024 = tpu.memref_squeeze %dma_start3A_1023 : memref<1x32x1024xf32, #tpu.memory_space<hbm>> -> memref<32x1024xf32, #tpu.memory_space<hbm>>
      %dma_start3A_1025 = arith.constant 0 : i32
      %dma_start3A_1026 = arith.constant 0 : i32
      %dma_start3A_1027 = tpu.memref_slice %arg4[%dma_start3A_1010, %dma_start3A_1025, %dma_start3A_1026] : memref<3x32x1024xf32, #tpu.memory_space<vmem>> -> memref<1x32x1024xf32, #tpu.memory_space<vmem>>
      %dma_start3A_1028 = tpu.memref_squeeze %dma_start3A_1027 : memref<1x32x1024xf32, #tpu.memory_space<vmem>> -> memref<32x1024xf32, #tpu.memory_space<vmem>>
      tpu.enqueue_dma source(%dma_start3A_1028 : memref<32x1024xf32, #tpu.memory_space<vmem>>) target(%dma_start3A_1024 : memref<32x1024xf32, #tpu.memory_space<hbm>>) target_semaphore(%dma_start3A_1021 : memref<!tpu.dma_semaphore, #tpu.memory_space<semaphore_mem>>)
      %dma_start3A_1029 = arith.constant 2 : i32
      %dma_start3A_1030 = arith.constant 2 : i32
      %dma_start3A_1031 = arith.constant 2 : i32
      %dma_start3A_1032 = arith.constant 0 : i32
      %dma_start3A_1033 = arith.constant 0 : i32
      %dma_start3A_1034 = tpu.memref_slice %arg4[%dma_start3A_1029, %dma_start3A_1032, %dma_start3A_1033] : memref<3x32x1024xf32, #tpu.memory_space<vmem>> -> memref<1x32x1024xf32, #tpu.memory_space<vmem>>
      %dma_start3A_1035 = tpu.memref_squeeze %dma_start3A_1034 : memref<1x32x1024xf32, #tpu.memory_space<vmem>> -> memref<32x1024xf32, #tpu.memory_space<vmem>>
      %dma_start3A_1036 = arith.constant 0 : i32
      %dma_start3A_1037 = tpu.memref_slice %arg3[%dma_start3A_1030, %mul3A_990, %dma_start3A_1036] : memref<4x8191x1024xf32, #tpu.memory_space<hbm>> -> memref<1x32x1024xf32, #tpu.memory_space<hbm>>
      %dma_start3A_1038 = tpu.memref_squeeze %dma_start3A_1037 : memref<1x32x1024xf32, #tpu.memory_space<hbm>> -> memref<32x1024xf32, #tpu.memory_space<hbm>>
      %dma_start3A_1039 = tpu.memref_slice %arg6[%dma_start3A_1031] : memref<3x!tpu.dma_semaphore, #tpu.memory_space<semaphore_mem>> -> memref<1x!tpu.dma_semaphore, #tpu.memory_space<semaphore_mem>>
      %dma_start3A_1040 = tpu.memref_squeeze %dma_start3A_1039 : memref<1x!tpu.dma_semaphore, #tpu.memory_space<semaphore_mem>> -> memref<!tpu.dma_semaphore, #tpu.memory_space<semaphore_mem>>
      %dma_start3A_1041 = arith.constant 0 : i32
      %dma_start3A_1042 = tpu.memref_slice %arg3[%dma_start3A_1030, %mul3A_990, %dma_start3A_1041] : memref<4x8191x1024xf32, #tpu.memory_space<hbm>> -> memref<1x32x1024xf32, #tpu.memory_space<hbm>>
      %dma_start3A_1043 = tpu.memref_squeeze %dma_start3A_1042 : memref<1x32x1024xf32, #tpu.memory_space<hbm>> -> memref<32x1024xf32, #tpu.memory_space<hbm>>
      %dma_start3A_1044 = arith.constant 0 : i32
      %dma_start3A_1045 = arith.constant 0 : i32
      %dma_start3A_1046 = tpu.memref_slice %arg4[%dma_start3A_1029, %dma_start3A_1044, %dma_start3A_1045] : memref<3x32x1024xf32, #tpu.memory_space<vmem>> -> memref<1x32x1024xf32, #tpu.memory_space<vmem>>
      %dma_start3A_1047 = tpu.memref_squeeze %dma_start3A_1046 : memref<1x32x1024xf32, #tpu.memory_space<vmem>> -> memref<32x1024xf32, #tpu.memory_space<vmem>>
      tpu.enqueue_dma source(%dma_start3A_1047 : memref<32x1024xf32, #tpu.memory_space<vmem>>) target(%dma_start3A_1043 : memref<32x1024xf32, #tpu.memory_space<hbm>>) target_semaphore(%dma_start3A_1040 : memref<!tpu.dma_semaphore, #tpu.memory_space<semaphore_mem>>)
      %dma_start3A_1048 = arith.constant 2 : i32
      %dma_start3A_1049 = arith.constant 3 : i32
      %dma_start3A_1050 = arith.constant 2 : i32
      %dma_start3A_1051 = arith.constant 0 : i32
      %dma_start3A_1052 = arith.constant 0 : i32
      %dma_start3A_1053 = tpu.memref_slice %arg4[%dma_start3A_1048, %dma_start3A_1051, %dma_start3A_1052] : memref<3x32x1024xf32, #tpu.memory_space<vmem>> -> memref<1x32x1024xf32, #tpu.memory_space<vmem>>
      %dma_start3A_1054 = tpu.memref_squeeze %dma_start3A_1053 : memref<1x32x1024xf32, #tpu.memory_space<vmem>> -> memref<32x1024xf32, #tpu.memory_space<vmem>>
      %dma_start3A_1055 = arith.constant 0 : i32
      %dma_start3A_1056 = tpu.memref_slice %arg3[%dma_start3A_1049, %mul3A_990, %dma_start3A_1055] : memref<4x8191x1024xf32, #tpu.memory_space<hbm>> -> memref<1x32x1024xf32, #tpu.memory_space<hbm>>
      %dma_start3A_1057 = tpu.memref_squeeze %dma_start3A_1056 : memref<1x32x1024xf32, #tpu.memory_space<hbm>> -> memref<32x1024xf32, #tpu.memory_space<hbm>>
      %dma_start3A_1058 = tpu.memref_slice %arg6[%dma_start3A_1050] : memref<3x!tpu.dma_semaphore, #tpu.memory_space<semaphore_mem>> -> memref<1x!tpu.dma_semaphore, #tpu.memory_space<semaphore_mem>>
      %dma_start3A_1059 = tpu.memref_squeeze %dma_start3A_1058 : memref<1x!tpu.dma_semaphore, #tpu.memory_space<semaphore_mem>> -> memref<!tpu.dma_semaphore, #tpu.memory_space<semaphore_mem>>
      %dma_start3A_1060 = arith.constant 0 : i32
      %dma_start3A_1061 = tpu.memref_slice %arg3[%dma_start3A_1049, %mul3A_990, %dma_start3A_1060] : memref<4x8191x1024xf32, #tpu.memory_space<hbm>> -> memref<1x32x1024xf32, #tpu.memory_space<hbm>>
      %dma_start3A_1062 = tpu.memref_squeeze %dma_start3A_1061 : memref<1x32x1024xf32, #tpu.memory_space<hbm>> -> memref<32x1024xf32, #tpu.memory_space<hbm>>
      %dma_start3A_1063 = arith.constant 0 : i32
      %dma_start3A_1064 = arith.constant 0 : i32
      %dma_start3A_1065 = tpu.memref_slice %arg4[%dma_start3A_1048, %dma_start3A_1063, %dma_start3A_1064] : memref<3x32x1024xf32, #tpu.memory_space<vmem>> -> memref<1x32x1024xf32, #tpu.memory_space<vmem>>
      %dma_start3A_1066 = tpu.memref_squeeze %dma_start3A_1065 : memref<1x32x1024xf32, #tpu.memory_space<vmem>> -> memref<32x1024xf32, #tpu.memory_space<vmem>>
      tpu.enqueue_dma source(%dma_start3A_1066 : memref<32x1024xf32, #tpu.memory_space<vmem>>) target(%dma_start3A_1062 : memref<32x1024xf32, #tpu.memory_space<hbm>>) target_semaphore(%dma_start3A_1059 : memref<!tpu.dma_semaphore, #tpu.memory_space<semaphore_mem>>)
      %add3A_1067 = arith.constant 6 : i32
      %add3A_1068 = arith.addi %mul3A_2, %add3A_1067 : i32
      %mul3A_1069 = arith.constant 32 : i32
      %mul3A_1070 = arith.muli %add3A_1068, %mul3A_1069 : i32
      %dma_wait3A_1071 = arith.constant 0 : i32
      %dma_wait3A_1072 = arith.constant 0 : i32
      %dma_wait3A_1073 = arith.constant 0 : i32
      %dma_wait3A_1074 = arith.constant 0 : i32
      %dma_wait3A_1075 = tpu.memref_slice %arg4[%dma_wait3A_1071, %dma_wait3A_1073, %dma_wait3A_1074] : memref<3x32x1024xf32, #tpu.memory_space<vmem>> -> memref<1x32x1024xf32, #tpu.memory_space<vmem>>
      %dma_wait3A_1076 = tpu.memref_squeeze %dma_wait3A_1075 : memref<1x32x1024xf32, #tpu.memory_space<vmem>> -> memref<32x1024xf32, #tpu.memory_space<vmem>>
      %dma_wait3A_1077 = arith.constant 0 : i32
      %dma_wait3A_1078 = tpu.memref_slice %arg2[%mul3A_1070, %dma_wait3A_1077] : memref<10000x1024xf32, #tpu.memory_space<hbm>> -> memref<32x1024xf32, #tpu.memory_space<hbm>>
      %dma_wait3A_1079 = tpu.memref_slice %arg5[%dma_wait3A_1072] : memref<3x!tpu.dma_semaphore, #tpu.memory_space<semaphore_mem>> -> memref<1x!tpu.dma_semaphore, #tpu.memory_space<semaphore_mem>>
      %dma_wait3A_1080 = tpu.memref_squeeze %dma_wait3A_1079 : memref<1x!tpu.dma_semaphore, #tpu.memory_space<semaphore_mem>> -> memref<!tpu.dma_semaphore, #tpu.memory_space<semaphore_mem>>
      %dma_wait3A_1081 = arith.constant 0 : i32
      %dma_wait3A_1082 = arith.constant 0 : i32
      %dma_wait3A_1083 = tpu.memref_slice %arg4[%dma_wait3A_1071, %dma_wait3A_1081, %dma_wait3A_1082] : memref<3x32x1024xf32, #tpu.memory_space<vmem>> -> memref<1x32x1024xf32, #tpu.memory_space<vmem>>
      %dma_wait3A_1084 = tpu.memref_squeeze %dma_wait3A_1083 : memref<1x32x1024xf32, #tpu.memory_space<vmem>> -> memref<32x1024xf32, #tpu.memory_space<vmem>>
      %dma_wait3A_1085 = arith.constant 0 : i32
      %dma_wait3A_1086 = tpu.memref_slice %arg2[%mul3A_1070, %dma_wait3A_1085] : memref<10000x1024xf32, #tpu.memory_space<hbm>> -> memref<32x1024xf32, #tpu.memory_space<hbm>>
      tpu.wait_dma2 semaphore(%dma_wait3A_1080 : memref<!tpu.dma_semaphore, #tpu.memory_space<semaphore_mem>>) src(%dma_wait3A_1086 : memref<32x1024xf32, #tpu.memory_space<hbm>>) dst(%dma_wait3A_1084 : memref<32x1024xf32, #tpu.memory_space<vmem>>)
      %add3A_1087 = arith.constant 6 : i32
      %add3A_1088 = arith.addi %mul3A_2, %add3A_1087 : i32
      %mul3A_1089 = arith.constant 32 : i32
      %mul3A_1090 = arith.muli %add3A_1088, %mul3A_1089 : i32
      %dma_start3A_1091 = arith.constant 0 : i32
      %dma_start3A_1092 = arith.constant 0 : i32
      %dma_start3A_1093 = arith.constant 0 : i32
      %dma_start3A_1094 = arith.constant 0 : i32
      %dma_start3A_1095 = arith.constant 0 : i32
      %dma_start3A_1096 = tpu.memref_slice %arg4[%dma_start3A_1091, %dma_start3A_1094, %dma_start3A_1095] : memref<3x32x1024xf32, #tpu.memory_space<vmem>> -> memref<1x32x1024xf32, #tpu.memory_space<vmem>>
      %dma_start3A_1097 = tpu.memref_squeeze %dma_start3A_1096 : memref<1x32x1024xf32, #tpu.memory_space<vmem>> -> memref<32x1024xf32, #tpu.memory_space<vmem>>
      %dma_start3A_1098 = arith.constant 0 : i32
      %dma_start3A_1099 = tpu.memref_slice %arg3[%dma_start3A_1092, %mul3A_1090, %dma_start3A_1098] : memref<4x8191x1024xf32, #tpu.memory_space<hbm>> -> memref<1x32x1024xf32, #tpu.memory_space<hbm>>
      %dma_start3A_1100 = tpu.memref_squeeze %dma_start3A_1099 : memref<1x32x1024xf32, #tpu.memory_space<hbm>> -> memref<32x1024xf32, #tpu.memory_space<hbm>>
      %dma_start3A_1101 = tpu.memref_slice %arg6[%dma_start3A_1093] : memref<3x!tpu.dma_semaphore, #tpu.memory_space<semaphore_mem>> -> memref<1x!tpu.dma_semaphore, #tpu.memory_space<semaphore_mem>>
      %dma_start3A_1102 = tpu.memref_squeeze %dma_start3A_1101 : memref<1x!tpu.dma_semaphore, #tpu.memory_space<semaphore_mem>> -> memref<!tpu.dma_semaphore, #tpu.memory_space<semaphore_mem>>
      %dma_start3A_1103 = arith.constant 0 : i32
      %dma_start3A_1104 = tpu.memref_slice %arg3[%dma_start3A_1092, %mul3A_1090, %dma_start3A_1103] : memref<4x8191x1024xf32, #tpu.memory_space<hbm>> -> memref<1x32x1024xf32, #tpu.memory_space<hbm>>
      %dma_start3A_1105 = tpu.memref_squeeze %dma_start3A_1104 : memref<1x32x1024xf32, #tpu.memory_space<hbm>> -> memref<32x1024xf32, #tpu.memory_space<hbm>>
      %dma_start3A_1106 = arith.constant 0 : i32
      %dma_start3A_1107 = arith.constant 0 : i32
      %dma_start3A_1108 = tpu.memref_slice %arg4[%dma_start3A_1091, %dma_start3A_1106, %dma_start3A_1107] : memref<3x32x1024xf32, #tpu.memory_space<vmem>> -> memref<1x32x1024xf32, #tpu.memory_space<vmem>>
      %dma_start3A_1109 = tpu.memref_squeeze %dma_start3A_1108 : memref<1x32x1024xf32, #tpu.memory_space<vmem>> -> memref<32x1024xf32, #tpu.memory_space<vmem>>
      tpu.enqueue_dma source(%dma_start3A_1109 : memref<32x1024xf32, #tpu.memory_space<vmem>>) target(%dma_start3A_1105 : memref<32x1024xf32, #tpu.memory_space<hbm>>) target_semaphore(%dma_start3A_1102 : memref<!tpu.dma_semaphore, #tpu.memory_space<semaphore_mem>>)
      %dma_start3A_1110 = arith.constant 0 : i32
      %dma_start3A_1111 = arith.constant 1 : i32
      %dma_start3A_1112 = arith.constant 0 : i32
      %dma_start3A_1113 = arith.constant 0 : i32
      %dma_start3A_1114 = arith.constant 0 : i32
      %dma_start3A_1115 = tpu.memref_slice %arg4[%dma_start3A_1110, %dma_start3A_1113, %dma_start3A_1114] : memref<3x32x1024xf32, #tpu.memory_space<vmem>> -> memref<1x32x1024xf32, #tpu.memory_space<vmem>>
      %dma_start3A_1116 = tpu.memref_squeeze %dma_start3A_1115 : memref<1x32x1024xf32, #tpu.memory_space<vmem>> -> memref<32x1024xf32, #tpu.memory_space<vmem>>
      %dma_start3A_1117 = arith.constant 0 : i32
      %dma_start3A_1118 = tpu.memref_slice %arg3[%dma_start3A_1111, %mul3A_1090, %dma_start3A_1117] : memref<4x8191x1024xf32, #tpu.memory_space<hbm>> -> memref<1x32x1024xf32, #tpu.memory_space<hbm>>
      %dma_start3A_1119 = tpu.memref_squeeze %dma_start3A_1118 : memref<1x32x1024xf32, #tpu.memory_space<hbm>> -> memref<32x1024xf32, #tpu.memory_space<hbm>>
      %dma_start3A_1120 = tpu.memref_slice %arg6[%dma_start3A_1112] : memref<3x!tpu.dma_semaphore, #tpu.memory_space<semaphore_mem>> -> memref<1x!tpu.dma_semaphore, #tpu.memory_space<semaphore_mem>>
      %dma_start3A_1121 = tpu.memref_squeeze %dma_start3A_1120 : memref<1x!tpu.dma_semaphore, #tpu.memory_space<semaphore_mem>> -> memref<!tpu.dma_semaphore, #tpu.memory_space<semaphore_mem>>
      %dma_start3A_1122 = arith.constant 0 : i32
      %dma_start3A_1123 = tpu.memref_slice %arg3[%dma_start3A_1111, %mul3A_1090, %dma_start3A_1122] : memref<4x8191x1024xf32, #tpu.memory_space<hbm>> -> memref<1x32x1024xf32, #tpu.memory_space<hbm>>
      %dma_start3A_1124 = tpu.memref_squeeze %dma_start3A_1123 : memref<1x32x1024xf32, #tpu.memory_space<hbm>> -> memref<32x1024xf32, #tpu.memory_space<hbm>>
      %dma_start3A_1125 = arith.constant 0 : i32
      %dma_start3A_1126 = arith.constant 0 : i32
      %dma_start3A_1127 = tpu.memref_slice %arg4[%dma_start3A_1110, %dma_start3A_1125, %dma_start3A_1126] : memref<3x32x1024xf32, #tpu.memory_space<vmem>> -> memref<1x32x1024xf32, #tpu.memory_space<vmem>>
      %dma_start3A_1128 = tpu.memref_squeeze %dma_start3A_1127 : memref<1x32x1024xf32, #tpu.memory_space<vmem>> -> memref<32x1024xf32, #tpu.memory_space<vmem>>
      tpu.enqueue_dma source(%dma_start3A_1128 : memref<32x1024xf32, #tpu.memory_space<vmem>>) target(%dma_start3A_1124 : memref<32x1024xf32, #tpu.memory_space<hbm>>) target_semaphore(%dma_start3A_1121 : memref<!tpu.dma_semaphore, #tpu.memory_space<semaphore_mem>>)
      %dma_start3A_1129 = arith.constant 0 : i32
      %dma_start3A_1130 = arith.constant 2 : i32
      %dma_start3A_1131 = arith.constant 0 : i32
      %dma_start3A_1132 = arith.constant 0 : i32
      %dma_start3A_1133 = arith.constant 0 : i32
      %dma_start3A_1134 = tpu.memref_slice %arg4[%dma_start3A_1129, %dma_start3A_1132, %dma_start3A_1133] : memref<3x32x1024xf32, #tpu.memory_space<vmem>> -> memref<1x32x1024xf32, #tpu.memory_space<vmem>>
      %dma_start3A_1135 = tpu.memref_squeeze %dma_start3A_1134 : memref<1x32x1024xf32, #tpu.memory_space<vmem>> -> memref<32x1024xf32, #tpu.memory_space<vmem>>
      %dma_start3A_1136 = arith.constant 0 : i32
      %dma_start3A_1137 = tpu.memref_slice %arg3[%dma_start3A_1130, %mul3A_1090, %dma_start3A_1136] : memref<4x8191x1024xf32, #tpu.memory_space<hbm>> -> memref<1x32x1024xf32, #tpu.memory_space<hbm>>
      %dma_start3A_1138 = tpu.memref_squeeze %dma_start3A_1137 : memref<1x32x1024xf32, #tpu.memory_space<hbm>> -> memref<32x1024xf32, #tpu.memory_space<hbm>>
      %dma_start3A_1139 = tpu.memref_slice %arg6[%dma_start3A_1131] : memref<3x!tpu.dma_semaphore, #tpu.memory_space<semaphore_mem>> -> memref<1x!tpu.dma_semaphore, #tpu.memory_space<semaphore_mem>>
      %dma_start3A_1140 = tpu.memref_squeeze %dma_start3A_1139 : memref<1x!tpu.dma_semaphore, #tpu.memory_space<semaphore_mem>> -> memref<!tpu.dma_semaphore, #tpu.memory_space<semaphore_mem>>
      %dma_start3A_1141 = arith.constant 0 : i32
      %dma_start3A_1142 = tpu.memref_slice %arg3[%dma_start3A_1130, %mul3A_1090, %dma_start3A_1141] : memref<4x8191x1024xf32, #tpu.memory_space<hbm>> -> memref<1x32x1024xf32, #tpu.memory_space<hbm>>
      %dma_start3A_1143 = tpu.memref_squeeze %dma_start3A_1142 : memref<1x32x1024xf32, #tpu.memory_space<hbm>> -> memref<32x1024xf32, #tpu.memory_space<hbm>>
      %dma_start3A_1144 = arith.constant 0 : i32
      %dma_start3A_1145 = arith.constant 0 : i32
      %dma_start3A_1146 = tpu.memref_slice %arg4[%dma_start3A_1129, %dma_start3A_1144, %dma_start3A_1145] : memref<3x32x1024xf32, #tpu.memory_space<vmem>> -> memref<1x32x1024xf32, #tpu.memory_space<vmem>>
      %dma_start3A_1147 = tpu.memref_squeeze %dma_start3A_1146 : memref<1x32x1024xf32, #tpu.memory_space<vmem>> -> memref<32x1024xf32, #tpu.memory_space<vmem>>
      tpu.enqueue_dma source(%dma_start3A_1147 : memref<32x1024xf32, #tpu.memory_space<vmem>>) target(%dma_start3A_1143 : memref<32x1024xf32, #tpu.memory_space<hbm>>) target_semaphore(%dma_start3A_1140 : memref<!tpu.dma_semaphore, #tpu.memory_space<semaphore_mem>>)
      %dma_start3A_1148 = arith.constant 0 : i32
      %dma_start3A_1149 = arith.constant 3 : i32
      %dma_start3A_1150 = arith.constant 0 : i32
      %dma_start3A_1151 = arith.constant 0 : i32
      %dma_start3A_1152 = arith.constant 0 : i32
      %dma_start3A_1153 = tpu.memref_slice %arg4[%dma_start3A_1148, %dma_start3A_1151, %dma_start3A_1152] : memref<3x32x1024xf32, #tpu.memory_space<vmem>> -> memref<1x32x1024xf32, #tpu.memory_space<vmem>>
      %dma_start3A_1154 = tpu.memref_squeeze %dma_start3A_1153 : memref<1x32x1024xf32, #tpu.memory_space<vmem>> -> memref<32x1024xf32, #tpu.memory_space<vmem>>
      %dma_start3A_1155 = arith.constant 0 : i32
      %dma_start3A_1156 = tpu.memref_slice %arg3[%dma_start3A_1149, %mul3A_1090, %dma_start3A_1155] : memref<4x8191x1024xf32, #tpu.memory_space<hbm>> -> memref<1x32x1024xf32, #tpu.memory_space<hbm>>
      %dma_start3A_1157 = tpu.memref_squeeze %dma_start3A_1156 : memref<1x32x1024xf32, #tpu.memory_space<hbm>> -> memref<32x1024xf32, #tpu.memory_space<hbm>>
      %dma_start3A_1158 = tpu.memref_slice %arg6[%dma_start3A_1150] : memref<3x!tpu.dma_semaphore, #tpu.memory_space<semaphore_mem>> -> memref<1x!tpu.dma_semaphore, #tpu.memory_space<semaphore_mem>>
      %dma_start3A_1159 = tpu.memref_squeeze %dma_start3A_1158 : memref<1x!tpu.dma_semaphore, #tpu.memory_space<semaphore_mem>> -> memref<!tpu.dma_semaphore, #tpu.memory_space<semaphore_mem>>
      %dma_start3A_1160 = arith.constant 0 : i32
      %dma_start3A_1161 = tpu.memref_slice %arg3[%dma_start3A_1149, %mul3A_1090, %dma_start3A_1160] : memref<4x8191x1024xf32, #tpu.memory_space<hbm>> -> memref<1x32x1024xf32, #tpu.memory_space<hbm>>
      %dma_start3A_1162 = tpu.memref_squeeze %dma_start3A_1161 : memref<1x32x1024xf32, #tpu.memory_space<hbm>> -> memref<32x1024xf32, #tpu.memory_space<hbm>>
      %dma_start3A_1163 = arith.constant 0 : i32
      %dma_start3A_1164 = arith.constant 0 : i32
      %dma_start3A_1165 = tpu.memref_slice %arg4[%dma_start3A_1148, %dma_start3A_1163, %dma_start3A_1164] : memref<3x32x1024xf32, #tpu.memory_space<vmem>> -> memref<1x32x1024xf32, #tpu.memory_space<vmem>>
      %dma_start3A_1166 = tpu.memref_squeeze %dma_start3A_1165 : memref<1x32x1024xf32, #tpu.memory_space<vmem>> -> memref<32x1024xf32, #tpu.memory_space<vmem>>
      tpu.enqueue_dma source(%dma_start3A_1166 : memref<32x1024xf32, #tpu.memory_space<vmem>>) target(%dma_start3A_1162 : memref<32x1024xf32, #tpu.memory_space<hbm>>) target_semaphore(%dma_start3A_1159 : memref<!tpu.dma_semaphore, #tpu.memory_space<semaphore_mem>>)
      %add3A_1167 = arith.constant 4 : i32
      %add3A_1168 = arith.addi %mul3A_2, %add3A_1167 : i32
      %mul3A_1169 = arith.constant 32 : i32
      %mul3A_1170 = arith.muli %add3A_1168, %mul3A_1169 : i32
      %dma_wait3A_1171 = arith.constant 1 : i32
      %dma_wait3A_1172 = arith.constant 0 : i32
      %dma_wait3A_1173 = arith.constant 1 : i32
      %dma_wait3A_1174 = arith.constant 0 : i32
      %dma_wait3A_1175 = arith.constant 0 : i32
      %dma_wait3A_1176 = tpu.memref_slice %arg4[%dma_wait3A_1171, %dma_wait3A_1174, %dma_wait3A_1175] : memref<3x32x1024xf32, #tpu.memory_space<vmem>> -> memref<1x32x1024xf32, #tpu.memory_space<vmem>>
      %dma_wait3A_1177 = tpu.memref_squeeze %dma_wait3A_1176 : memref<1x32x1024xf32, #tpu.memory_space<vmem>> -> memref<32x1024xf32, #tpu.memory_space<vmem>>
      %dma_wait3A_1178 = arith.constant 0 : i32
      %dma_wait3A_1179 = tpu.memref_slice %arg3[%dma_wait3A_1172, %mul3A_1170, %dma_wait3A_1178] : memref<4x8191x1024xf32, #tpu.memory_space<hbm>> -> memref<1x32x1024xf32, #tpu.memory_space<hbm>>
      %dma_wait3A_1180 = tpu.memref_squeeze %dma_wait3A_1179 : memref<1x32x1024xf32, #tpu.memory_space<hbm>> -> memref<32x1024xf32, #tpu.memory_space<hbm>>
      %dma_wait3A_1181 = tpu.memref_slice %arg6[%dma_wait3A_1173] : memref<3x!tpu.dma_semaphore, #tpu.memory_space<semaphore_mem>> -> memref<1x!tpu.dma_semaphore, #tpu.memory_space<semaphore_mem>>
      %dma_wait3A_1182 = tpu.memref_squeeze %dma_wait3A_1181 : memref<1x!tpu.dma_semaphore, #tpu.memory_space<semaphore_mem>> -> memref<!tpu.dma_semaphore, #tpu.memory_space<semaphore_mem>>
      %dma_wait3A_1183 = arith.constant 0 : i32
      %dma_wait3A_1184 = tpu.memref_slice %arg3[%dma_wait3A_1172, %mul3A_1170, %dma_wait3A_1183] : memref<4x8191x1024xf32, #tpu.memory_space<hbm>> -> memref<1x32x1024xf32, #tpu.memory_space<hbm>>
      %dma_wait3A_1185 = tpu.memref_squeeze %dma_wait3A_1184 : memref<1x32x1024xf32, #tpu.memory_space<hbm>> -> memref<32x1024xf32, #tpu.memory_space<hbm>>
      %dma_wait3A_1186 = arith.constant 0 : i32
      %dma_wait3A_1187 = arith.constant 0 : i32
      %dma_wait3A_1188 = tpu.memref_slice %arg4[%dma_wait3A_1171, %dma_wait3A_1186, %dma_wait3A_1187] : memref<3x32x1024xf32, #tpu.memory_space<vmem>> -> memref<1x32x1024xf32, #tpu.memory_space<vmem>>
      %dma_wait3A_1189 = tpu.memref_squeeze %dma_wait3A_1188 : memref<1x32x1024xf32, #tpu.memory_space<vmem>> -> memref<32x1024xf32, #tpu.memory_space<vmem>>
      tpu.wait_dma2 semaphore(%dma_wait3A_1182 : memref<!tpu.dma_semaphore, #tpu.memory_space<semaphore_mem>>) src(%dma_wait3A_1189 : memref<32x1024xf32, #tpu.memory_space<vmem>>) dst(%dma_wait3A_1185 : memref<32x1024xf32, #tpu.memory_space<hbm>>)
      %dma_wait3A_1190 = arith.constant 1 : i32
      %dma_wait3A_1191 = arith.constant 1 : i32
      %dma_wait3A_1192 = arith.constant 1 : i32
      %dma_wait3A_1193 = arith.constant 0 : i32
      %dma_wait3A_1194 = arith.constant 0 : i32
      %dma_wait3A_1195 = tpu.memref_slice %arg4[%dma_wait3A_1190, %dma_wait3A_1193, %dma_wait3A_1194] : memref<3x32x1024xf32, #tpu.memory_space<vmem>> -> memref<1x32x1024xf32, #tpu.memory_space<vmem>>
      %dma_wait3A_1196 = tpu.memref_squeeze %dma_wait3A_1195 : memref<1x32x1024xf32, #tpu.memory_space<vmem>> -> memref<32x1024xf32, #tpu.memory_space<vmem>>
      %dma_wait3A_1197 = arith.constant 0 : i32
      %dma_wait3A_1198 = tpu.memref_slice %arg3[%dma_wait3A_1191, %mul3A_1170, %dma_wait3A_1197] : memref<4x8191x1024xf32, #tpu.memory_space<hbm>> -> memref<1x32x1024xf32, #tpu.memory_space<hbm>>
      %dma_wait3A_1199 = tpu.memref_squeeze %dma_wait3A_1198 : memref<1x32x1024xf32, #tpu.memory_space<hbm>> -> memref<32x1024xf32, #tpu.memory_space<hbm>>
      %dma_wait3A_1200 = tpu.memref_slice %arg6[%dma_wait3A_1192] : memref<3x!tpu.dma_semaphore, #tpu.memory_space<semaphore_mem>> -> memref<1x!tpu.dma_semaphore, #tpu.memory_space<semaphore_mem>>
      %dma_wait3A_1201 = tpu.memref_squeeze %dma_wait3A_1200 : memref<1x!tpu.dma_semaphore, #tpu.memory_space<semaphore_mem>> -> memref<!tpu.dma_semaphore, #tpu.memory_space<semaphore_mem>>
      %dma_wait3A_1202 = arith.constant 0 : i32
      %dma_wait3A_1203 = tpu.memref_slice %arg3[%dma_wait3A_1191, %mul3A_1170, %dma_wait3A_1202] : memref<4x8191x1024xf32, #tpu.memory_space<hbm>> -> memref<1x32x1024xf32, #tpu.memory_space<hbm>>
      %dma_wait3A_1204 = tpu.memref_squeeze %dma_wait3A_1203 : memref<1x32x1024xf32, #tpu.memory_space<hbm>> -> memref<32x1024xf32, #tpu.memory_space<hbm>>
      %dma_wait3A_1205 = arith.constant 0 : i32
      %dma_wait3A_1206 = arith.constant 0 : i32
      %dma_wait3A_1207 = tpu.memref_slice %arg4[%dma_wait3A_1190, %dma_wait3A_1205, %dma_wait3A_1206] : memref<3x32x1024xf32, #tpu.memory_space<vmem>> -> memref<1x32x1024xf32, #tpu.memory_space<vmem>>
      %dma_wait3A_1208 = tpu.memref_squeeze %dma_wait3A_1207 : memref<1x32x1024xf32, #tpu.memory_space<vmem>> -> memref<32x1024xf32, #tpu.memory_space<vmem>>
      tpu.wait_dma2 semaphore(%dma_wait3A_1201 : memref<!tpu.dma_semaphore, #tpu.memory_space<semaphore_mem>>) src(%dma_wait3A_1208 : memref<32x1024xf32, #tpu.memory_space<vmem>>) dst(%dma_wait3A_1204 : memref<32x1024xf32, #tpu.memory_space<hbm>>)
      %dma_wait3A_1209 = arith.constant 1 : i32
      %dma_wait3A_1210 = arith.constant 2 : i32
      %dma_wait3A_1211 = arith.constant 1 : i32
      %dma_wait3A_1212 = arith.constant 0 : i32
      %dma_wait3A_1213 = arith.constant 0 : i32
      %dma_wait3A_1214 = tpu.memref_slice %arg4[%dma_wait3A_1209, %dma_wait3A_1212, %dma_wait3A_1213] : memref<3x32x1024xf32, #tpu.memory_space<vmem>> -> memref<1x32x1024xf32, #tpu.memory_space<vmem>>
      %dma_wait3A_1215 = tpu.memref_squeeze %dma_wait3A_1214 : memref<1x32x1024xf32, #tpu.memory_space<vmem>> -> memref<32x1024xf32, #tpu.memory_space<vmem>>
      %dma_wait3A_1216 = arith.constant 0 : i32
      %dma_wait3A_1217 = tpu.memref_slice %arg3[%dma_wait3A_1210, %mul3A_1170, %dma_wait3A_1216] : memref<4x8191x1024xf32, #tpu.memory_space<hbm>> -> memref<1x32x1024xf32, #tpu.memory_space<hbm>>
      %dma_wait3A_1218 = tpu.memref_squeeze %dma_wait3A_1217 : memref<1x32x1024xf32, #tpu.memory_space<hbm>> -> memref<32x1024xf32, #tpu.memory_space<hbm>>
      %dma_wait3A_1219 = tpu.memref_slice %arg6[%dma_wait3A_1211] : memref<3x!tpu.dma_semaphore, #tpu.memory_space<semaphore_mem>> -> memref<1x!tpu.dma_semaphore, #tpu.memory_space<semaphore_mem>>
      %dma_wait3A_1220 = tpu.memref_squeeze %dma_wait3A_1219 : memref<1x!tpu.dma_semaphore, #tpu.memory_space<semaphore_mem>> -> memref<!tpu.dma_semaphore, #tpu.memory_space<semaphore_mem>>
      %dma_wait3A_1221 = arith.constant 0 : i32
      %dma_wait3A_1222 = tpu.memref_slice %arg3[%dma_wait3A_1210, %mul3A_1170, %dma_wait3A_1221] : memref<4x8191x1024xf32, #tpu.memory_space<hbm>> -> memref<1x32x1024xf32, #tpu.memory_space<hbm>>
      %dma_wait3A_1223 = tpu.memref_squeeze %dma_wait3A_1222 : memref<1x32x1024xf32, #tpu.memory_space<hbm>> -> memref<32x1024xf32, #tpu.memory_space<hbm>>
      %dma_wait3A_1224 = arith.constant 0 : i32
      %dma_wait3A_1225 = arith.constant 0 : i32
      %dma_wait3A_1226 = tpu.memref_slice %arg4[%dma_wait3A_1209, %dma_wait3A_1224, %dma_wait3A_1225] : memref<3x32x1024xf32, #tpu.memory_space<vmem>> -> memref<1x32x1024xf32, #tpu.memory_space<vmem>>
      %dma_wait3A_1227 = tpu.memref_squeeze %dma_wait3A_1226 : memref<1x32x1024xf32, #tpu.memory_space<vmem>> -> memref<32x1024xf32, #tpu.memory_space<vmem>>
      tpu.wait_dma2 semaphore(%dma_wait3A_1220 : memref<!tpu.dma_semaphore, #tpu.memory_space<semaphore_mem>>) src(%dma_wait3A_1227 : memref<32x1024xf32, #tpu.memory_space<vmem>>) dst(%dma_wait3A_1223 : memref<32x1024xf32, #tpu.memory_space<hbm>>)
      %dma_wait3A_1228 = arith.constant 1 : i32
      %dma_wait3A_1229 = arith.constant 3 : i32
      %dma_wait3A_1230 = arith.constant 1 : i32
      %dma_wait3A_1231 = arith.constant 0 : i32
      %dma_wait3A_1232 = arith.constant 0 : i32
      %dma_wait3A_1233 = tpu.memref_slice %arg4[%dma_wait3A_1228, %dma_wait3A_1231, %dma_wait3A_1232] : memref<3x32x1024xf32, #tpu.memory_space<vmem>> -> memref<1x32x1024xf32, #tpu.memory_space<vmem>>
      %dma_wait3A_1234 = tpu.memref_squeeze %dma_wait3A_1233 : memref<1x32x1024xf32, #tpu.memory_space<vmem>> -> memref<32x1024xf32, #tpu.memory_space<vmem>>
      %dma_wait3A_1235 = arith.constant 0 : i32
      %dma_wait3A_1236 = tpu.memref_slice %arg3[%dma_wait3A_1229, %mul3A_1170, %dma_wait3A_1235] : memref<4x8191x1024xf32, #tpu.memory_space<hbm>> -> memref<1x32x1024xf32, #tpu.memory_space<hbm>>
      %dma_wait3A_1237 = tpu.memref_squeeze %dma_wait3A_1236 : memref<1x32x1024xf32, #tpu.memory_space<hbm>> -> memref<32x1024xf32, #tpu.memory_space<hbm>>
      %dma_wait3A_1238 = tpu.memref_slice %arg6[%dma_wait3A_1230] : memref<3x!tpu.dma_semaphore, #tpu.memory_space<semaphore_mem>> -> memref<1x!tpu.dma_semaphore, #tpu.memory_space<semaphore_mem>>
      %dma_wait3A_1239 = tpu.memref_squeeze %dma_wait3A_1238 : memref<1x!tpu.dma_semaphore, #tpu.memory_space<semaphore_mem>> -> memref<!tpu.dma_semaphore, #tpu.memory_space<semaphore_mem>>
      %dma_wait3A_1240 = arith.constant 0 : i32
      %dma_wait3A_1241 = tpu.memref_slice %arg3[%dma_wait3A_1229, %mul3A_1170, %dma_wait3A_1240] : memref<4x8191x1024xf32, #tpu.memory_space<hbm>> -> memref<1x32x1024xf32, #tpu.memory_space<hbm>>
      %dma_wait3A_1242 = tpu.memref_squeeze %dma_wait3A_1241 : memref<1x32x1024xf32, #tpu.memory_space<hbm>> -> memref<32x1024xf32, #tpu.memory_space<hbm>>
      %dma_wait3A_1243 = arith.constant 0 : i32
      %dma_wait3A_1244 = arith.constant 0 : i32
      %dma_wait3A_1245 = tpu.memref_slice %arg4[%dma_wait3A_1228, %dma_wait3A_1243, %dma_wait3A_1244] : memref<3x32x1024xf32, #tpu.memory_space<vmem>> -> memref<1x32x1024xf32, #tpu.memory_space<vmem>>
      %dma_wait3A_1246 = tpu.memref_squeeze %dma_wait3A_1245 : memref<1x32x1024xf32, #tpu.memory_space<vmem>> -> memref<32x1024xf32, #tpu.memory_space<vmem>>
      tpu.wait_dma2 semaphore(%dma_wait3A_1239 : memref<!tpu.dma_semaphore, #tpu.memory_space<semaphore_mem>>) src(%dma_wait3A_1246 : memref<32x1024xf32, #tpu.memory_space<vmem>>) dst(%dma_wait3A_1242 : memref<32x1024xf32, #tpu.memory_space<hbm>>)
      %add3A_1247 = arith.constant 5 : i32
      %add3A_1248 = arith.addi %mul3A_2, %add3A_1247 : i32
      %mul3A_1249 = arith.constant 32 : i32
      %mul3A_1250 = arith.muli %add3A_1248, %mul3A_1249 : i32
      %dma_wait3A_1251 = arith.constant 2 : i32
      %dma_wait3A_1252 = arith.constant 0 : i32
      %dma_wait3A_1253 = arith.constant 2 : i32
      %dma_wait3A_1254 = arith.constant 0 : i32
      %dma_wait3A_1255 = arith.constant 0 : i32
      %dma_wait3A_1256 = tpu.memref_slice %arg4[%dma_wait3A_1251, %dma_wait3A_1254, %dma_wait3A_1255] : memref<3x32x1024xf32, #tpu.memory_space<vmem>> -> memref<1x32x1024xf32, #tpu.memory_space<vmem>>
      %dma_wait3A_1257 = tpu.memref_squeeze %dma_wait3A_1256 : memref<1x32x1024xf32, #tpu.memory_space<vmem>> -> memref<32x1024xf32, #tpu.memory_space<vmem>>
      %dma_wait3A_1258 = arith.constant 0 : i32
      %dma_wait3A_1259 = tpu.memref_slice %arg3[%dma_wait3A_1252, %mul3A_1250, %dma_wait3A_1258] : memref<4x8191x1024xf32, #tpu.memory_space<hbm>> -> memref<1x32x1024xf32, #tpu.memory_space<hbm>>
      %dma_wait3A_1260 = tpu.memref_squeeze %dma_wait3A_1259 : memref<1x32x1024xf32, #tpu.memory_space<hbm>> -> memref<32x1024xf32, #tpu.memory_space<hbm>>
      %dma_wait3A_1261 = tpu.memref_slice %arg6[%dma_wait3A_1253] : memref<3x!tpu.dma_semaphore, #tpu.memory_space<semaphore_mem>> -> memref<1x!tpu.dma_semaphore, #tpu.memory_space<semaphore_mem>>
      %dma_wait3A_1262 = tpu.memref_squeeze %dma_wait3A_1261 : memref<1x!tpu.dma_semaphore, #tpu.memory_space<semaphore_mem>> -> memref<!tpu.dma_semaphore, #tpu.memory_space<semaphore_mem>>
      %dma_wait3A_1263 = arith.constant 0 : i32
      %dma_wait3A_1264 = tpu.memref_slice %arg3[%dma_wait3A_1252, %mul3A_1250, %dma_wait3A_1263] : memref<4x8191x1024xf32, #tpu.memory_space<hbm>> -> memref<1x32x1024xf32, #tpu.memory_space<hbm>>
      %dma_wait3A_1265 = tpu.memref_squeeze %dma_wait3A_1264 : memref<1x32x1024xf32, #tpu.memory_space<hbm>> -> memref<32x1024xf32, #tpu.memory_space<hbm>>
      %dma_wait3A_1266 = arith.constant 0 : i32
      %dma_wait3A_1267 = arith.constant 0 : i32
      %dma_wait3A_1268 = tpu.memref_slice %arg4[%dma_wait3A_1251, %dma_wait3A_1266, %dma_wait3A_1267] : memref<3x32x1024xf32, #tpu.memory_space<vmem>> -> memref<1x32x1024xf32, #tpu.memory_space<vmem>>
      %dma_wait3A_1269 = tpu.memref_squeeze %dma_wait3A_1268 : memref<1x32x1024xf32, #tpu.memory_space<vmem>> -> memref<32x1024xf32, #tpu.memory_space<vmem>>
      tpu.wait_dma2 semaphore(%dma_wait3A_1262 : memref<!tpu.dma_semaphore, #tpu.memory_space<semaphore_mem>>) src(%dma_wait3A_1269 : memref<32x1024xf32, #tpu.memory_space<vmem>>) dst(%dma_wait3A_1265 : memref<32x1024xf32, #tpu.memory_space<hbm>>)
      %dma_wait3A_1270 = arith.constant 2 : i32
      %dma_wait3A_1271 = arith.constant 1 : i32
      %dma_wait3A_1272 = arith.constant 2 : i32
      %dma_wait3A_1273 = arith.constant 0 : i32
      %dma_wait3A_1274 = arith.constant 0 : i32
      %dma_wait3A_1275 = tpu.memref_slice %arg4[%dma_wait3A_1270, %dma_wait3A_1273, %dma_wait3A_1274] : memref<3x32x1024xf32, #tpu.memory_space<vmem>> -> memref<1x32x1024xf32, #tpu.memory_space<vmem>>
      %dma_wait3A_1276 = tpu.memref_squeeze %dma_wait3A_1275 : memref<1x32x1024xf32, #tpu.memory_space<vmem>> -> memref<32x1024xf32, #tpu.memory_space<vmem>>
      %dma_wait3A_1277 = arith.constant 0 : i32
      %dma_wait3A_1278 = tpu.memref_slice %arg3[%dma_wait3A_1271, %mul3A_1250, %dma_wait3A_1277] : memref<4x8191x1024xf32, #tpu.memory_space<hbm>> -> memref<1x32x1024xf32, #tpu.memory_space<hbm>>
      %dma_wait3A_1279 = tpu.memref_squeeze %dma_wait3A_1278 : memref<1x32x1024xf32, #tpu.memory_space<hbm>> -> memref<32x1024xf32, #tpu.memory_space<hbm>>
      %dma_wait3A_1280 = tpu.memref_slice %arg6[%dma_wait3A_1272] : memref<3x!tpu.dma_semaphore, #tpu.memory_space<semaphore_mem>> -> memref<1x!tpu.dma_semaphore, #tpu.memory_space<semaphore_mem>>
      %dma_wait3A_1281 = tpu.memref_squeeze %dma_wait3A_1280 : memref<1x!tpu.dma_semaphore, #tpu.memory_space<semaphore_mem>> -> memref<!tpu.dma_semaphore, #tpu.memory_space<semaphore_mem>>
      %dma_wait3A_1282 = arith.constant 0 : i32
      %dma_wait3A_1283 = tpu.memref_slice %arg3[%dma_wait3A_1271, %mul3A_1250, %dma_wait3A_1282] : memref<4x8191x1024xf32, #tpu.memory_space<hbm>> -> memref<1x32x1024xf32, #tpu.memory_space<hbm>>
      %dma_wait3A_1284 = tpu.memref_squeeze %dma_wait3A_1283 : memref<1x32x1024xf32, #tpu.memory_space<hbm>> -> memref<32x1024xf32, #tpu.memory_space<hbm>>
      %dma_wait3A_1285 = arith.constant 0 : i32
      %dma_wait3A_1286 = arith.constant 0 : i32
      %dma_wait3A_1287 = tpu.memref_slice %arg4[%dma_wait3A_1270, %dma_wait3A_1285, %dma_wait3A_1286] : memref<3x32x1024xf32, #tpu.memory_space<vmem>> -> memref<1x32x1024xf32, #tpu.memory_space<vmem>>
      %dma_wait3A_1288 = tpu.memref_squeeze %dma_wait3A_1287 : memref<1x32x1024xf32, #tpu.memory_space<vmem>> -> memref<32x1024xf32, #tpu.memory_space<vmem>>
      tpu.wait_dma2 semaphore(%dma_wait3A_1281 : memref<!tpu.dma_semaphore, #tpu.memory_space<semaphore_mem>>) src(%dma_wait3A_1288 : memref<32x1024xf32, #tpu.memory_space<vmem>>) dst(%dma_wait3A_1284 : memref<32x1024xf32, #tpu.memory_space<hbm>>)
      %dma_wait3A_1289 = arith.constant 2 : i32
      %dma_wait3A_1290 = arith.constant 2 : i32
      %dma_wait3A_1291 = arith.constant 2 : i32
      %dma_wait3A_1292 = arith.constant 0 : i32
      %dma_wait3A_1293 = arith.constant 0 : i32
      %dma_wait3A_1294 = tpu.memref_slice %arg4[%dma_wait3A_1289, %dma_wait3A_1292, %dma_wait3A_1293] : memref<3x32x1024xf32, #tpu.memory_space<vmem>> -> memref<1x32x1024xf32, #tpu.memory_space<vmem>>
      %dma_wait3A_1295 = tpu.memref_squeeze %dma_wait3A_1294 : memref<1x32x1024xf32, #tpu.memory_space<vmem>> -> memref<32x1024xf32, #tpu.memory_space<vmem>>
      %dma_wait3A_1296 = arith.constant 0 : i32
      %dma_wait3A_1297 = tpu.memref_slice %arg3[%dma_wait3A_1290, %mul3A_1250, %dma_wait3A_1296] : memref<4x8191x1024xf32, #tpu.memory_space<hbm>> -> memref<1x32x1024xf32, #tpu.memory_space<hbm>>
      %dma_wait3A_1298 = tpu.memref_squeeze %dma_wait3A_1297 : memref<1x32x1024xf32, #tpu.memory_space<hbm>> -> memref<32x1024xf32, #tpu.memory_space<hbm>>
      %dma_wait3A_1299 = tpu.memref_slice %arg6[%dma_wait3A_1291] : memref<3x!tpu.dma_semaphore, #tpu.memory_space<semaphore_mem>> -> memref<1x!tpu.dma_semaphore, #tpu.memory_space<semaphore_mem>>
      %dma_wait3A_1300 = tpu.memref_squeeze %dma_wait3A_1299 : memref<1x!tpu.dma_semaphore, #tpu.memory_space<semaphore_mem>> -> memref<!tpu.dma_semaphore, #tpu.memory_space<semaphore_mem>>
      %dma_wait3A_1301 = arith.constant 0 : i32
      %dma_wait3A_1302 = tpu.memref_slice %arg3[%dma_wait3A_1290, %mul3A_1250, %dma_wait3A_1301] : memref<4x8191x1024xf32, #tpu.memory_space<hbm>> -> memref<1x32x1024xf32, #tpu.memory_space<hbm>>
      %dma_wait3A_1303 = tpu.memref_squeeze %dma_wait3A_1302 : memref<1x32x1024xf32, #tpu.memory_space<hbm>> -> memref<32x1024xf32, #tpu.memory_space<hbm>>
      %dma_wait3A_1304 = arith.constant 0 : i32
      %dma_wait3A_1305 = arith.constant 0 : i32
      %dma_wait3A_1306 = tpu.memref_slice %arg4[%dma_wait3A_1289, %dma_wait3A_1304, %dma_wait3A_1305] : memref<3x32x1024xf32, #tpu.memory_space<vmem>> -> memref<1x32x1024xf32, #tpu.memory_space<vmem>>
      %dma_wait3A_1307 = tpu.memref_squeeze %dma_wait3A_1306 : memref<1x32x1024xf32, #tpu.memory_space<vmem>> -> memref<32x1024xf32, #tpu.memory_space<vmem>>
      tpu.wait_dma2 semaphore(%dma_wait3A_1300 : memref<!tpu.dma_semaphore, #tpu.memory_space<semaphore_mem>>) src(%dma_wait3A_1307 : memref<32x1024xf32, #tpu.memory_space<vmem>>) dst(%dma_wait3A_1303 : memref<32x1024xf32, #tpu.memory_space<hbm>>)
      %dma_wait3A_1308 = arith.constant 2 : i32
      %dma_wait3A_1309 = arith.constant 3 : i32
      %dma_wait3A_1310 = arith.constant 2 : i32
      %dma_wait3A_1311 = arith.constant 0 : i32
      %dma_wait3A_1312 = arith.constant 0 : i32
      %dma_wait3A_1313 = tpu.memref_slice %arg4[%dma_wait3A_1308, %dma_wait3A_1311, %dma_wait3A_1312] : memref<3x32x1024xf32, #tpu.memory_space<vmem>> -> memref<1x32x1024xf32, #tpu.memory_space<vmem>>
      %dma_wait3A_1314 = tpu.memref_squeeze %dma_wait3A_1313 : memref<1x32x1024xf32, #tpu.memory_space<vmem>> -> memref<32x1024xf32, #tpu.memory_space<vmem>>
      %dma_wait3A_1315 = arith.constant 0 : i32
      %dma_wait3A_1316 = tpu.memref_slice %arg3[%dma_wait3A_1309, %mul3A_1250, %dma_wait3A_1315] : memref<4x8191x1024xf32, #tpu.memory_space<hbm>> -> memref<1x32x1024xf32, #tpu.memory_space<hbm>>
      %dma_wait3A_1317 = tpu.memref_squeeze %dma_wait3A_1316 : memref<1x32x1024xf32, #tpu.memory_space<hbm>> -> memref<32x1024xf32, #tpu.memory_space<hbm>>
      %dma_wait3A_1318 = tpu.memref_slice %arg6[%dma_wait3A_1310] : memref<3x!tpu.dma_semaphore, #tpu.memory_space<semaphore_mem>> -> memref<1x!tpu.dma_semaphore, #tpu.memory_space<semaphore_mem>>
      %dma_wait3A_1319 = tpu.memref_squeeze %dma_wait3A_1318 : memref<1x!tpu.dma_semaphore, #tpu.memory_space<semaphore_mem>> -> memref<!tpu.dma_semaphore, #tpu.memory_space<semaphore_mem>>
      %dma_wait3A_1320 = arith.constant 0 : i32
      %dma_wait3A_1321 = tpu.memref_slice %arg3[%dma_wait3A_1309, %mul3A_1250, %dma_wait3A_1320] : memref<4x8191x1024xf32, #tpu.memory_space<hbm>> -> memref<1x32x1024xf32, #tpu.memory_space<hbm>>
      %dma_wait3A_1322 = tpu.memref_squeeze %dma_wait3A_1321 : memref<1x32x1024xf32, #tpu.memory_space<hbm>> -> memref<32x1024xf32, #tpu.memory_space<hbm>>
      %dma_wait3A_1323 = arith.constant 0 : i32
      %dma_wait3A_1324 = arith.constant 0 : i32
      %dma_wait3A_1325 = tpu.memref_slice %arg4[%dma_wait3A_1308, %dma_wait3A_1323, %dma_wait3A_1324] : memref<3x32x1024xf32, #tpu.memory_space<vmem>> -> memref<1x32x1024xf32, #tpu.memory_space<vmem>>
      %dma_wait3A_1326 = tpu.memref_squeeze %dma_wait3A_1325 : memref<1x32x1024xf32, #tpu.memory_space<vmem>> -> memref<32x1024xf32, #tpu.memory_space<vmem>>
      tpu.wait_dma2 semaphore(%dma_wait3A_1319 : memref<!tpu.dma_semaphore, #tpu.memory_space<semaphore_mem>>) src(%dma_wait3A_1326 : memref<32x1024xf32, #tpu.memory_space<vmem>>) dst(%dma_wait3A_1322 : memref<32x1024xf32, #tpu.memory_space<hbm>>)
      %add3A_1327 = arith.constant 6 : i32
      %add3A_1328 = arith.addi %mul3A_2, %add3A_1327 : i32
      %mul3A_1329 = arith.constant 32 : i32
      %mul3A_1330 = arith.muli %add3A_1328, %mul3A_1329 : i32
      %dma_wait3A_1331 = arith.constant 0 : i32
      %dma_wait3A_1332 = arith.constant 0 : i32
      %dma_wait3A_1333 = arith.constant 0 : i32
      %dma_wait3A_1334 = arith.constant 0 : i32
      %dma_wait3A_1335 = arith.constant 0 : i32
      %dma_wait3A_1336 = tpu.memref_slice %arg4[%dma_wait3A_1331, %dma_wait3A_1334, %dma_wait3A_1335] : memref<3x32x1024xf32, #tpu.memory_space<vmem>> -> memref<1x32x1024xf32, #tpu.memory_space<vmem>>
      %dma_wait3A_1337 = tpu.memref_squeeze %dma_wait3A_1336 : memref<1x32x1024xf32, #tpu.memory_space<vmem>> -> memref<32x1024xf32, #tpu.memory_space<vmem>>
      %dma_wait3A_1338 = arith.constant 0 : i32
      %dma_wait3A_1339 = tpu.memref_slice %arg3[%dma_wait3A_1332, %mul3A_1330, %dma_wait3A_1338] : memref<4x8191x1024xf32, #tpu.memory_space<hbm>> -> memref<1x32x1024xf32, #tpu.memory_space<hbm>>
      %dma_wait3A_1340 = tpu.memref_squeeze %dma_wait3A_1339 : memref<1x32x1024xf32, #tpu.memory_space<hbm>> -> memref<32x1024xf32, #tpu.memory_space<hbm>>
      %dma_wait3A_1341 = tpu.memref_slice %arg6[%dma_wait3A_1333] : memref<3x!tpu.dma_semaphore, #tpu.memory_space<semaphore_mem>> -> memref<1x!tpu.dma_semaphore, #tpu.memory_space<semaphore_mem>>
      %dma_wait3A_1342 = tpu.memref_squeeze %dma_wait3A_1341 : memref<1x!tpu.dma_semaphore, #tpu.memory_space<semaphore_mem>> -> memref<!tpu.dma_semaphore, #tpu.memory_space<semaphore_mem>>
      %dma_wait3A_1343 = arith.constant 0 : i32
      %dma_wait3A_1344 = tpu.memref_slice %arg3[%dma_wait3A_1332, %mul3A_1330, %dma_wait3A_1343] : memref<4x8191x1024xf32, #tpu.memory_space<hbm>> -> memref<1x32x1024xf32, #tpu.memory_space<hbm>>
      %dma_wait3A_1345 = tpu.memref_squeeze %dma_wait3A_1344 : memref<1x32x1024xf32, #tpu.memory_space<hbm>> -> memref<32x1024xf32, #tpu.memory_space<hbm>>
      %dma_wait3A_1346 = arith.constant 0 : i32
      %dma_wait3A_1347 = arith.constant 0 : i32
      %dma_wait3A_1348 = tpu.memref_slice %arg4[%dma_wait3A_1331, %dma_wait3A_1346, %dma_wait3A_1347] : memref<3x32x1024xf32, #tpu.memory_space<vmem>> -> memref<1x32x1024xf32, #tpu.memory_space<vmem>>
      %dma_wait3A_1349 = tpu.memref_squeeze %dma_wait3A_1348 : memref<1x32x1024xf32, #tpu.memory_space<vmem>> -> memref<32x1024xf32, #tpu.memory_space<vmem>>
      tpu.wait_dma2 semaphore(%dma_wait3A_1342 : memref<!tpu.dma_semaphore, #tpu.memory_space<semaphore_mem>>) src(%dma_wait3A_1349 : memref<32x1024xf32, #tpu.memory_space<vmem>>) dst(%dma_wait3A_1345 : memref<32x1024xf32, #tpu.memory_space<hbm>>)
      %dma_wait3A_1350 = arith.constant 0 : i32
      %dma_wait3A_1351 = arith.constant 1 : i32
      %dma_wait3A_1352 = arith.constant 0 : i32
      %dma_wait3A_1353 = arith.constant 0 : i32
      %dma_wait3A_1354 = arith.constant 0 : i32
      %dma_wait3A_1355 = tpu.memref_slice %arg4[%dma_wait3A_1350, %dma_wait3A_1353, %dma_wait3A_1354] : memref<3x32x1024xf32, #tpu.memory_space<vmem>> -> memref<1x32x1024xf32, #tpu.memory_space<vmem>>
      %dma_wait3A_1356 = tpu.memref_squeeze %dma_wait3A_1355 : memref<1x32x1024xf32, #tpu.memory_space<vmem>> -> memref<32x1024xf32, #tpu.memory_space<vmem>>
      %dma_wait3A_1357 = arith.constant 0 : i32
      %dma_wait3A_1358 = tpu.memref_slice %arg3[%dma_wait3A_1351, %mul3A_1330, %dma_wait3A_1357] : memref<4x8191x1024xf32, #tpu.memory_space<hbm>> -> memref<1x32x1024xf32, #tpu.memory_space<hbm>>
      %dma_wait3A_1359 = tpu.memref_squeeze %dma_wait3A_1358 : memref<1x32x1024xf32, #tpu.memory_space<hbm>> -> memref<32x1024xf32, #tpu.memory_space<hbm>>
      %dma_wait3A_1360 = tpu.memref_slice %arg6[%dma_wait3A_1352] : memref<3x!tpu.dma_semaphore, #tpu.memory_space<semaphore_mem>> -> memref<1x!tpu.dma_semaphore, #tpu.memory_space<semaphore_mem>>
      %dma_wait3A_1361 = tpu.memref_squeeze %dma_wait3A_1360 : memref<1x!tpu.dma_semaphore, #tpu.memory_space<semaphore_mem>> -> memref<!tpu.dma_semaphore, #tpu.memory_space<semaphore_mem>>
      %dma_wait3A_1362 = arith.constant 0 : i32
      %dma_wait3A_1363 = tpu.memref_slice %arg3[%dma_wait3A_1351, %mul3A_1330, %dma_wait3A_1362] : memref<4x8191x1024xf32, #tpu.memory_space<hbm>> -> memref<1x32x1024xf32, #tpu.memory_space<hbm>>
      %dma_wait3A_1364 = tpu.memref_squeeze %dma_wait3A_1363 : memref<1x32x1024xf32, #tpu.memory_space<hbm>> -> memref<32x1024xf32, #tpu.memory_space<hbm>>
      %dma_wait3A_1365 = arith.constant 0 : i32
      %dma_wait3A_1366 = arith.constant 0 : i32
      %dma_wait3A_1367 = tpu.memref_slice %arg4[%dma_wait3A_1350, %dma_wait3A_1365, %dma_wait3A_1366] : memref<3x32x1024xf32, #tpu.memory_space<vmem>> -> memref<1x32x1024xf32, #tpu.memory_space<vmem>>
      %dma_wait3A_1368 = tpu.memref_squeeze %dma_wait3A_1367 : memref<1x32x1024xf32, #tpu.memory_space<vmem>> -> memref<32x1024xf32, #tpu.memory_space<vmem>>
      tpu.wait_dma2 semaphore(%dma_wait3A_1361 : memref<!tpu.dma_semaphore, #tpu.memory_space<semaphore_mem>>) src(%dma_wait3A_1368 : memref<32x1024xf32, #tpu.memory_space<vmem>>) dst(%dma_wait3A_1364 : memref<32x1024xf32, #tpu.memory_space<hbm>>)
      %dma_wait3A_1369 = arith.constant 0 : i32
      %dma_wait3A_1370 = arith.constant 2 : i32
      %dma_wait3A_1371 = arith.constant 0 : i32
      %dma_wait3A_1372 = arith.constant 0 : i32
      %dma_wait3A_1373 = arith.constant 0 : i32
      %dma_wait3A_1374 = tpu.memref_slice %arg4[%dma_wait3A_1369, %dma_wait3A_1372, %dma_wait3A_1373] : memref<3x32x1024xf32, #tpu.memory_space<vmem>> -> memref<1x32x1024xf32, #tpu.memory_space<vmem>>
      %dma_wait3A_1375 = tpu.memref_squeeze %dma_wait3A_1374 : memref<1x32x1024xf32, #tpu.memory_space<vmem>> -> memref<32x1024xf32, #tpu.memory_space<vmem>>
      %dma_wait3A_1376 = arith.constant 0 : i32
      %dma_wait3A_1377 = tpu.memref_slice %arg3[%dma_wait3A_1370, %mul3A_1330, %dma_wait3A_1376] : memref<4x8191x1024xf32, #tpu.memory_space<hbm>> -> memref<1x32x1024xf32, #tpu.memory_space<hbm>>
      %dma_wait3A_1378 = tpu.memref_squeeze %dma_wait3A_1377 : memref<1x32x1024xf32, #tpu.memory_space<hbm>> -> memref<32x1024xf32, #tpu.memory_space<hbm>>
      %dma_wait3A_1379 = tpu.memref_slice %arg6[%dma_wait3A_1371] : memref<3x!tpu.dma_semaphore, #tpu.memory_space<semaphore_mem>> -> memref<1x!tpu.dma_semaphore, #tpu.memory_space<semaphore_mem>>
      %dma_wait3A_1380 = tpu.memref_squeeze %dma_wait3A_1379 : memref<1x!tpu.dma_semaphore, #tpu.memory_space<semaphore_mem>> -> memref<!tpu.dma_semaphore, #tpu.memory_space<semaphore_mem>>
      %dma_wait3A_1381 = arith.constant 0 : i32
      %dma_wait3A_1382 = tpu.memref_slice %arg3[%dma_wait3A_1370, %mul3A_1330, %dma_wait3A_1381] : memref<4x8191x1024xf32, #tpu.memory_space<hbm>> -> memref<1x32x1024xf32, #tpu.memory_space<hbm>>
      %dma_wait3A_1383 = tpu.memref_squeeze %dma_wait3A_1382 : memref<1x32x1024xf32, #tpu.memory_space<hbm>> -> memref<32x1024xf32, #tpu.memory_space<hbm>>
      %dma_wait3A_1384 = arith.constant 0 : i32
      %dma_wait3A_1385 = arith.constant 0 : i32
      %dma_wait3A_1386 = tpu.memref_slice %arg4[%dma_wait3A_1369, %dma_wait3A_1384, %dma_wait3A_1385] : memref<3x32x1024xf32, #tpu.memory_space<vmem>> -> memref<1x32x1024xf32, #tpu.memory_space<vmem>>
      %dma_wait3A_1387 = tpu.memref_squeeze %dma_wait3A_1386 : memref<1x32x1024xf32, #tpu.memory_space<vmem>> -> memref<32x1024xf32, #tpu.memory_space<vmem>>
      tpu.wait_dma2 semaphore(%dma_wait3A_1380 : memref<!tpu.dma_semaphore, #tpu.memory_space<semaphore_mem>>) src(%dma_wait3A_1387 : memref<32x1024xf32, #tpu.memory_space<vmem>>) dst(%dma_wait3A_1383 : memref<32x1024xf32, #tpu.memory_space<hbm>>)
      %dma_wait3A_1388 = arith.constant 0 : i32
      %dma_wait3A_1389 = arith.constant 3 : i32
      %dma_wait3A_1390 = arith.constant 0 : i32
      %dma_wait3A_1391 = arith.constant 0 : i32
      %dma_wait3A_1392 = arith.constant 0 : i32
      %dma_wait3A_1393 = tpu.memref_slice %arg4[%dma_wait3A_1388, %dma_wait3A_1391, %dma_wait3A_1392] : memref<3x32x1024xf32, #tpu.memory_space<vmem>> -> memref<1x32x1024xf32, #tpu.memory_space<vmem>>
      %dma_wait3A_1394 = tpu.memref_squeeze %dma_wait3A_1393 : memref<1x32x1024xf32, #tpu.memory_space<vmem>> -> memref<32x1024xf32, #tpu.memory_space<vmem>>
      %dma_wait3A_1395 = arith.constant 0 : i32
      %dma_wait3A_1396 = tpu.memref_slice %arg3[%dma_wait3A_1389, %mul3A_1330, %dma_wait3A_1395] : memref<4x8191x1024xf32, #tpu.memory_space<hbm>> -> memref<1x32x1024xf32, #tpu.memory_space<hbm>>
      %dma_wait3A_1397 = tpu.memref_squeeze %dma_wait3A_1396 : memref<1x32x1024xf32, #tpu.memory_space<hbm>> -> memref<32x1024xf32, #tpu.memory_space<hbm>>
      %dma_wait3A_1398 = tpu.memref_slice %arg6[%dma_wait3A_1390] : memref<3x!tpu.dma_semaphore, #tpu.memory_space<semaphore_mem>> -> memref<1x!tpu.dma_semaphore, #tpu.memory_space<semaphore_mem>>
      %dma_wait3A_1399 = tpu.memref_squeeze %dma_wait3A_1398 : memref<1x!tpu.dma_semaphore, #tpu.memory_space<semaphore_mem>> -> memref<!tpu.dma_semaphore, #tpu.memory_space<semaphore_mem>>
      %dma_wait3A_1400 = arith.constant 0 : i32
      %dma_wait3A_1401 = tpu.memref_slice %arg3[%dma_wait3A_1389, %mul3A_1330, %dma_wait3A_1400] : memref<4x8191x1024xf32, #tpu.memory_space<hbm>> -> memref<1x32x1024xf32, #tpu.memory_space<hbm>>
      %dma_wait3A_1402 = tpu.memref_squeeze %dma_wait3A_1401 : memref<1x32x1024xf32, #tpu.memory_space<hbm>> -> memref<32x1024xf32, #tpu.memory_space<hbm>>
      %dma_wait3A_1403 = arith.constant 0 : i32
      %dma_wait3A_1404 = arith.constant 0 : i32
      %dma_wait3A_1405 = tpu.memref_slice %arg4[%dma_wait3A_1388, %dma_wait3A_1403, %dma_wait3A_1404] : memref<3x32x1024xf32, #tpu.memory_space<vmem>> -> memref<1x32x1024xf32, #tpu.memory_space<vmem>>
      %dma_wait3A_1406 = tpu.memref_squeeze %dma_wait3A_1405 : memref<1x32x1024xf32, #tpu.memory_space<vmem>> -> memref<32x1024xf32, #tpu.memory_space<vmem>>
      tpu.wait_dma2 semaphore(%dma_wait3A_1399 : memref<!tpu.dma_semaphore, #tpu.memory_space<semaphore_mem>>) src(%dma_wait3A_1406 : memref<32x1024xf32, #tpu.memory_space<vmem>>) dst(%dma_wait3A_1402 : memref<32x1024xf32, #tpu.memory_space<hbm>>)
    } else {
    }
    return
  }
}

module attributes {stable_mosaic.version = 14 : i64} {
  func.func @body(%arg0: i32, %arg1: memref<4x8191x1024xf32, #tpu.memory_space<hbm>>, %arg2: memref<1x32x1024xf32, #tpu.memory_space<vmem>>, %arg3: memref<4x32x1024xf32, #tpu.memory_space<vmem>>) attributes {dimension_semantics = [#tpu.dimension_semantics<arbitrary>], iteration_bounds = array<i64: 1>, scalar_prefetch = 0 : i64, scratch_operands = 0 : i64, tpu.core_type = #tpu.core_type<tc>, window_params = [{}, {transform_indices = @transform_1, window_bounds = array<i64: 1, 32, 1024>}, {transform_indices = @transform_2, window_bounds = array<i64: 4, 32, 1024>}]} {
    %get3A = arith.constant 0 : index
    %get3A_0 = arith.constant 0 : index
    %get3A_1 = arith.constant 0 : index
    %get3A_2 = vector.load %arg2[%get3A, %get3A_0, %get3A_1] : memref<1x32x1024xf32, #tpu.memory_space<vmem>>, vector<1x32x1024xf32>
    %broadcast_in_dim3A = vector.shape_cast %get3A_2 : vector<1x32x1024xf32> to vector<1x32x1024xf32>
    %broadcast_in_dim3A_3 = vector.broadcast %broadcast_in_dim3A : vector<1x32x1024xf32> to vector<4x32x1024xf32>
    %swap3A = arith.constant 0 : index
    %swap3A_4 = arith.constant 0 : index
    %swap3A_5 = arith.constant 0 : index
    %swap3A_6 = vector.load %arg3[%swap3A, %swap3A_4, %swap3A_5] : memref<4x32x1024xf32, #tpu.memory_space<vmem>>, vector<4x32x1024xf32>
    tpu.vector_store %arg3[%swap3A, %swap3A_4, %swap3A_5], %broadcast_in_dim3A_3 {strides = array<i32>} : memref<4x32x1024xf32, #tpu.memory_space<vmem>>, vector<4x32x1024xf32>,
    return
  }
  func.func @transform_1(%arg0: i32) -> (i32, i32, i32) {
    %c0_i32 = arith.constant 0 : i32
    %c255_i32 = arith.constant 255 : i32
    %c0_i32_0 = arith.constant 0 : i32
    %c0_i32_1 = arith.constant 0 : i32
    return %c0_i32, %c255_i32, %c0_i32_0 : i32, i32, i32
  }
  func.func @transform_2(%arg0: i32) -> (i32, i32, i32) {
    %c0_i32 = arith.constant 0 : i32
    %c255_i32 = arith.constant 255 : i32
    %c0_i32_0 = arith.constant 0 : i32
    %c0_i32_1 = arith.constant 0 : i32
    return %c0_i32, %c255_i32, %c0_i32_0 : i32, i32, i32
  }
}

</mosaic_0001>

<sc_bundles>
// kernel: kernel.4.cloned.1.call-start
scs
__scs_entry_jumppad:
0x0: {  	(pc) =	sbr.rel $0x88, $3  }
0x1: {  	(tag) =	ssettag $0x0;
	lr =	simm.s32 $0x1  }
0x2: {  	[smem:$0x3FA0] =	sst lr;
	_ =	strace $0xD0000000  }
0x3: {  	_ = 	snop  }
0x4: {  	_ = 	snop  }
0x5: {  	_ = 	snop  }
0x6: {  	_ = 	snop  }
0x7: {  	_ = 	snop  }
__scs_overlays_trampoline_lowered:
0x8: {  	[smem:$0x3FAF] =	sst s0  }
0x9: {  	[smem:$0x3FB0] =	sst s1  }
0xa: {  	[smem:$0x3FB1] =	sst s2  }
0xb: {  	[smem:$0x3FB2] =	sst s3  }
0xc: {  	[smem:$0x3FB3] =	sst s4  }
0xd: {  	[smem:$0x3FB4] =	sst s5  }
0xe: {  	[smem:$0x3FB5] =	sst s6  }
0xf: {  	[smem:$0x3FB6] =	sst s7  }
0x10: {  	[smem:$0x3FB7] =	sst s8  }
0x11: {  	[smem:$0x3FB8] =	sst s9;
	s0 =	simm.s32 @!p0 $0x0  }
0x12: {  	s1 =	sld [smem:$0x3F9E];
	s0 =	simm.s32 @p0 $0x1  }
0x13: {  	[smem:$0x3FB9] =	sst s0;
	s0 =	simm.s32 @!p1 $0x0  }
0x14: {  	s2 =	sld [smem:$0x3F9D];
	s0 =	simm.s32 @p1 $0x1  }
0x15: {  	[smem:$0x3FBA] =	sst s0;
	s0 =	simm.s32 @!p2 $0x0  }
0x16: {  	s3 =	sld [smem:$0x3FDB];
	s0 =	simm.s32 @p2 $0x1  }
0x17: {  	s4 =	simm.s32 $0x1BF5;
	[smem:$0x3FBC] =	sst s0  }
0x18: {  	s0 =	sld [smem:$0x3F9F];
	_ =	swait.ge [sflag:s4], $0x0  }
0x19: {  	s7 =	sld [smem:$0x3FA0]  }
0x1a: {  	s8 =	sadd.s32 $0xFFFFE003, lr  }
0x1b: {  	s9 =	sadd.s32 $0xFFFFFEF7, lr;
	s5 =	simm.s32 $0xFFFFFFFF;
	p2 =	slt.u32 s8, $0xFFFFF086  }
0x1c: {  	p1 =	slt.u32 s9, $0xF7A;
	s5 =	simm.s32 @!p2 $0x0  }
0x1d: {  	s5 =	simm.s32 @p1 $0x1;
	p0 =	seq.s32 s7, s2  }
0x1e: {  	s7 =	smul.u32 @!p0 $0xF7A, s2;
	p2 =	seq.s32 @!p0 s5, $0x0  }
0x1f: {  	s9 =	smul.u32 $0xF7A, s1;
	s8 =	simm.s32 @!p0 $0x1BF5;
	p2 =	por !p2, p0  }
0x20: {  	[sflag:s8] =	ssyncset.s32 @!p0 $0xFFFFF086;
	s6 =	sadd.s32 @!p0 s3, s7;
	s7 =	simm.s32 @!p0 $0x108  }
0x21: {  	s3 =	sadd.s32 s3, s9;
	s6 =	sadd.s32 @!p0 $0x88, s6;
	s7 =	simm.s32 @p2 $0x1082  }
0x22: {  	[simem:s7], [sflag:s8] =	dma.local @!p0 [hbm:s6], $0xF7A  }
0x23: {  	s9 =	sor.u32 $0xD0000000, s2;
	s6 =	simm.s32 $0x108;
	_ =	swait.ge @!p0 [sflag:s8], $0x0  }
0x24: {  	s3 =	sadd.s32 $0x88, s3;
	s6 =	simm.s32 @!p1 $0x1082;
	[sflag:s4] =	ssyncset.s32 $0xFFFFF086  }
0x25: {  	[simem:s6], [sflag:s4] =	dma.local [hbm:s3], $0xF7A  }
0x26: {  	[smem:$0x3FA0] =	sst s1;
	(tag) =	ssettag s2;
	_ =	strace s9  }
0x27: {  	s1 =	sld [smem:$0x3FB0]  }
0x28: {  	s2 =	sld [smem:$0x3FB1]  }
0x29: {  	s4 =	sld [smem:$0x3FB3]  }
0x2a: {  	p0 =	seq.s32 s5, $0x0;
	s5 =	sld [smem:$0x3FB4]  }
0x2b: {  	s6 =	sld [smem:$0x3FB5]  }
0x2c: {  	s7 =	sld [smem:$0x3FB6]  }
0x2d: {  	s3 =	simm.s32 $0x108;
	s8 =	sld [smem:$0x3FB7]  }
0x2e: {  	s3 =	simm.s32 @!p0 $0x1082;
	s9 =	sld [smem:$0x3FB8]  }
0x2f: {  	lr =	sadd.s32 s0, s3;
	s0 =	sld [smem:$0x3FAF]  }
0x30: {  	s3 =	sld [smem:$0x3FB2]  }
0x31: {  	[smem:$0x3FBB] =	sst s10  }
0x32: {  	s10 =	sld [smem:$0x3FB9];
	_ =	sdelay $0x3  }
0x33: {  	p0 =	seq.s32 s10, $0x1;
	s10 =	sld [smem:$0x3FBB];
	_ =	sdelay $0x3  }
0x34: {  	[smem:$0x3FBB] =	sst s10  }
0x35: {  	s10 =	sld [smem:$0x3FBA];
	_ =	sdelay $0x3  }
0x36: {  	p1 =	seq.s32 s10, $0x1;
	s10 =	sld [smem:$0x3FBB];
	_ =	sdelay $0x3  }
0x37: {  	[smem:$0x3FBB] =	sst s10  }
0x38: {  	s10 =	sld [smem:$0x3FBC]  }
0x39: {  	_ = 	snop;
	(pc) =	sbr.ind lr, $3  }
0x3a: {  	_ = 	snop  }
0x3b: {  	_ = 	snop  }
0x3c: {  	p2 =	seq.s32 s10, $0x1;
	s10 =	sld [smem:$0x3FBB]  }
0x3d: {  	_ =	shalt  }
0x3e: {  	_ =	shalt  }
0x3f: {  	_ =	shalt  }
0x40: {  	_ =	shalt  }
0x41: {  	_ =	shalt  }
0x42: {  	_ =	shalt  }
0x43: {  	_ =	shalt  }
0x44: {  	_ =	shalt  }
0x45: {  	_ =	shalt  }
0x46: {  	_ =	shalt  }
0x47: {  	_ =	shalt  }
0x48: {  	_ =	shalt  }
0x49: {  	_ =	shalt  }
0x4a: {  	_ =	shalt  }
0x4b: {  	_ =	shalt  }
0x4c: {  	_ =	shalt  }
0x4d: {  	_ =	shalt  }
0x4e: {  	_ =	shalt  }
0x4f: {  	_ =	shalt  }
0x50: {  	_ =	shalt  }
0x51: {  	_ =	shalt  }
0x52: {  	_ =	shalt  }
0x53: {  	_ =	shalt  }
0x54: {  	_ =	shalt  }
0x55: {  	_ =	shalt  }
0x56: {  	_ =	shalt  }
0x57: {  	_ =	shalt  }
0x58: {  	_ =	shalt  }
0x59: {  	_ =	shalt  }
0x5a: {  	_ =	shalt  }
0x5b: {  	_ =	shalt  }
0x5c: {  	_ =	shalt  }
0x5d: {  	_ =	shalt  }
0x5e: {  	_ =	shalt  }
0x5f: {  	_ =	shalt  }
0x60: {  	_ =	shalt  }
0x61: {  	_ =	shalt  }
0x62: {  	_ =	shalt  }
0x63: {  	_ =	shalt  }
0x64: {  	_ =	shalt  }
0x65: {  	_ =	shalt  }
0x66: {  	_ =	shalt  }
0x67: {  	_ =	shalt  }
0x68: {  	_ =	shalt  }
0x69: {  	_ =	shalt  }
0x6a: {  	_ =	shalt  }
0x6b: {  	_ =	shalt  }
0x6c: {  	_ =	shalt  }
0x6d: {  	_ =	shalt  }
0x6e: {  	_ =	shalt  }
0x6f: {  	_ =	shalt  }
0x70: {  	_ =	shalt  }
0x71: {  	_ =	shalt  }
0x72: {  	_ =	shalt  }
0x73: {  	_ =	shalt  }
0x74: {  	_ =	shalt  }
0x75: {  	_ =	shalt  }
0x76: {  	_ =	shalt  }
0x77: {  	_ =	shalt  }
0x78: {  	_ =	shalt  }
0x79: {  	_ =	shalt  }
0x7a: {  	_ =	shalt  }
0x7b: {  	_ =	shalt  }
0x7c: {  	_ =	shalt  }
0x7d: {  	_ =	shalt  }
0x7e: {  	_ =	shalt  }
0x7f: {  	_ =	shalt  }
0x80: {  	_ =	shalt  }
0x81: {  	_ =	shalt  }
0x82: {  	_ =	shalt  }
0x83: {  	_ =	shalt  }
0x84: {  	_ =	shalt  }
0x85: {  	_ =	shalt  }
0x86: {  	_ =	shalt  }
0x87: {  	_ =	shalt  }
.Lfunc_end0:
.L_simem_size_0:
called_computation_lowered:
.L_overlay_start_0:
0x88: {  	s2 =	sld [smem:$0x3FD9]  }
0x89: {  	s3 =	sld [smem:$0x3FFE];
	_ =	sdelay $0x1  }
0x8a: {  	s1 =	srdreg.scid  }
0x8b: {  	s0 =	sand.u32 $0x1, s1  }
0x8c: {  	s17 =	sshll.u32 s0, $0xA;
	s2 =	sadd.s32 s3, s2  }
0x8d: {  	s2 =	sadd.s32 s2, s17  }
0x8e: {  	[smem:$0x3FC7] =	sst s2  }
0x8f: {  	_ = 	snop  }
0x90: {  	s2 =	sld [smem:$0x3FC9];
	(tm) =	ssettm $0x1  }
0x91: {  	s18 =	sld [smem:$0x3FFB];
	_ =	sdelay $0x3  }
0x92: {  	_ =	strace s18  }
0x93: {  	s3 =	sld [smem:$0x3FFC];
	_ =	sdelay $0x3  }
0x94: {  	_ =	strace s3  }
0x95: {  	s3 =	sld [smem:$0x3FFD];
	_ =	sdelay $0x3  }
0x96: {  	_ =	strace s3  }
0x97: {  	_ =	strace $0x8FFFFFFF  }
0x98: {  	s19 =	sld [smem:$0x3FDB];
	_ =	sdelay $0x1  }
0x99: {  	s4 =	simm.s32 $_scs_section_size  }
0x9a: {  	s5 =	simm.s32 $_size__tile_overlayer_lowered;
	s6 =	simm.s32 $_tile_overlayer_lowered  }
0x9b: {  	s22 =	simm.s32 $0x1BFF;
	s21 =	sshll.u32 s6, $0x1;
	s3 =	sadd.s32 s4, s19  }
0x9c: {  	s7 =	simm.s32 $0x0;
	s20 =	sshll.u32 s5, $0x1;
	s5 =	sadd.s32 s21, s3  }
0x9d: {  	[timem:s7], [sflag:s22] =	dma.local [hbm:s5], s20  }
0x9e: {  	_ =	swait.ge [sflag:s22], s20  }
0x9f: {  	s4 =	ssub.s32 $0x0, s20;
	[sflag:s22] =	ssyncset.done $0x0  }
0xa0: {  	[sflag:s22] =	ssyncadd.s32 s4;
	_ =	sdelay $0x1  }
0xa1: {  	s23 =	simm.s32 $0x1B8B  }
0xa2: {  	_ =	swait.ge [sflag:s23], $0x1  }
0xa3: {  	[sflag:s23] =	ssyncset.done $0x0  }
0xa4: {  	s25 =	simm.s32 $0x1B8E;
	s24 =	sld [smem:$0x3FFE];
	[sflag:s23] =	ssyncadd.s32 $0xFFFFFFFF  }
0xa5: {  	s26 =	simm.s32 $execute0_lowered;
	[smem:$0x3FD2] =	sst s25  }
0xa6: {  	s5 =	sshll.u32 s26, $0x1;
	_ =	strace $0x80000046;
	[dreg:$0x1] =	wrdreg $0xFFFFFFFF  }
0xa7: {  	s28 =	simm.s32 $_size_execute0_lowered;
	s3 =	sadd.s32 s3, s5;
	[dreg:$0x0] =	wrdreg $0x0  }
0xa8: {  	s5 =	sshll.u32 s28, $0x1;
	[dreg:$0x2] =	wrdreg s3  }
0xa9: {  	[dreg:$0x3] =	wrdreg s5  }
0xaa: {  	[dreg:$0x4] =	wrdreg $0xC0  }
0xab: {  	_ =	task [dreg:s7], $0x5FFFF  }
0xac: {  	[dreg:$0x1] =	wrdreg $0xFFFFFFFF  }
0xad: {  	[dreg:$0x0] =	wrdreg $0x60  }
0xae: {  	[dreg:$0x2] =	wrdreg s2  }
0xaf: {  	[dreg:$0x3] =	wrdreg s24  }
0xb0: {  	[dreg:$0x4] =	wrdreg $0x9  }
0xb1: {  	_ =	task.clear_ibuf [dreg:s7], $0x5FFFF;
	_ =	strace $0x90000046  }
0xb2: {  	s29 =	simm.s32 $0x9;
	_ =	strace $0x80000048  }
0xb3: {  	_ =	swait.ge [sflag:s29], $0x1  }
0xb4: {  	[sflag:s29] =	ssyncadd.s32 $0xFFFFFFFF  }
0xb5: {  	_ =	strace $0x90000048  }
0xb6: {  	_ =	sfence  }
0xb7: {  	s30 =	sld [smem:$0x0];
	_ =	sdelay $0x2  }
0xb8: {  	s31 =	sshll.u32 s1, $0xD;
	s1 =	sshrl.u32 s1, $0x2  }
0xb9: {  	s3 =	sand.u32 $0x4000, s31;
	s1 =	sadd.s32 s1, s30  }
0xba: {  	s0 =	sor.u32 s3, s0;
	s1 =	sshll.u32 s1, $0x11  }
0xbb: {  	s0 =	sor.u32 s1, s0  }
0xbc: {  	s0 =	sadd.s32 $0x8F2B, s0  }
0xbd: {  	[sflag:s0] =	ssyncadd.remote.s32 $0x1  }
0xbe: {  	_ =	sfence.sel $0xFFFF  }
0xbf: {  	[dreg:$0x0] =	wrdreg $0xFFFFFFFF;
	(pc) =	sbr.abs _section_cstart, $3  }
0xc0: {  	[dreg:$0x1] =	wrdreg $0xFFFFFFFF  }
0xc1: {  	_ =	task.clear_ibuf [dreg:s7], $0x2FFFF;
	_ =	strace $0x9FFFFFFF  }
0xc2: {  	(tm) =	ssettm $0x7FFFFFFF  }
0xc3: {  	_ =	shalt  }
tec
execute0_lowered:
.L_overlay_start_1:
0x0: {  	(tag) =	ssettag $0x1  }
0x1: {  	s1 =	rddreg [dreg:$0x0]  }
0x2: {  	s0 =	rddreg [dreg:$0x1];
	s2 =	simm.s32 $0x0  }
0x3: {  	[smem:$0x7FF] =	sst s2;
	s11 =	sadd.s32 $0xF8000, s1  }
0x4: {  	s29 =	sadd.s32 $0xF9000, s1;
	_ =	strace $0x80000047;
	[dreg:$0xb] =	wrdreg s11  }
0x5: {  	s30 =	sadd.s32 $0xFA000, s1;
	[dreg:$0xc] =	wrdreg s29  }
0x6: {  	s31 =	sadd.s32 $0x1F8400, s0;
	[dreg:$0xd] =	wrdreg s30  }
0x7: {  	s12 =	sadd.s32 $0xF8400, s0;
	[dreg:$0xe] =	wrdreg s31  }
0x8: {  	s13 =	sadd.s32 $0x2F8400, s0;
	[dreg:$0xf] =	wrdreg s12  }
0x9: {  	s15 =	sadd.s32 $0x3F8400, s0;
	[dreg:$0x10] =	wrdreg s13  }
0xa: {  	s16 =	sadd.s32 $0x1F9400, s0;
	[dreg:$0x12] =	wrdreg s15  }
0xb: {  	s18 =	sadd.s32 $0x2F9400, s0;
	[dreg:$0x13] =	wrdreg s16  }
0xc: {  	s19 =	sadd.s32 $0x3F9400, s0;
	[dreg:$0x15] =	wrdreg s18  }
0xd: {  	s20 =	sadd.s32 $0xF9400, s0;
	[dreg:$0x16] =	wrdreg s19  }
0xe: {  	[dreg:$0x17] =	wrdreg s20;
	s29 =	sadd.s32 $0x1FB400, s0  }
0xf: {  	s31 =	sadd.s32 $0x2FB400, s0;
	[dreg:$0x1f] =	wrdreg s29  }
0x10: {  	s11 =	sadd.s32 $0xFD000, s1;
	[smem:$0x7E5] =	sst s31  }
0x11: {  	s3 =	srdreg.scid;
	s12 =	sadd.s32 $0x1FC400, s0;
	[smem:$0x7E8] =	sst s11  }
0x12: {  	s5 =	stileid.u32;
	s13 =	sadd.s32 $0xFC400, s0;
	[smem:$0x7E9] =	sst s12  }
0x13: {  	s3 =	sand.u32 $0x1, s3;
	s15 =	sadd.s32 $0xFE000, s1;
	[smem:$0x7EA] =	sst s13  }
0x14: {  	s4 =	sshll.u32 s3, $0x4;
	s16 =	sadd.s32 $0x3FC400, s0;
	[smem:$0x7EC] =	sst s15  }
0x15: {  	s19 =	sadd.s32 $0x2FD400, s0;
	s4 =	sor.u32 s5, s4;
	[smem:$0x7EE] =	sst s16  }
0x16: {  	s20 =	sadd.s32 $0x3FD400, s0;
	[smem:$0x7F1] =	sst s19;
	s7 =	sshll.u32 s4, $0xF  }
0x17: {  	[smem:$0x7F2] =	sst s20;
	s8 =	sor.u32 $0x1000, s7;
	s21 =	sadd.s32 s1, s7  }
0x18: {  	s9 =	sor.u32 $0x2000, s7;
	[dreg:$0x3] =	wrdreg s21;
	s22 =	sadd.s32 s1, s8  }
0x19: {  	s5 =	sadd.s32 $0x400, s0;
	s23 =	sadd.s32 s1, s9;
	[dreg:$0x4] =	wrdreg s22  }
0x1a: {  	s24 =	sor.u32 $0x3000, s7;
	s8 =	sadd.s32 s5, s8;
	[dreg:$0x5] =	wrdreg s23  }
0x1b: {  	s10 =	sadd.s32 s1, s24;
	[dreg:$0x6] =	wrdreg s8  }
0x1c: {  	s25 =	sor.u32 $0x4000, s7;
	s9 =	sadd.s32 s5, s9;
	[dreg:$0x7] =	wrdreg s10  }
0x1d: {  	s3 =	ssub.s32 $0x2, s3;
	s26 =	sadd.s32 s1, s25;
	[dreg:$0x8] =	wrdreg s9  }
0x1e: {  	s28 =	sor.u32 $0x5000, s7;
	s14 =	sadd.s32 s5, s25;
	[dreg:$0x9] =	wrdreg s26  }
0x1f: {  	s6 =	sshrl.u32 s3, $0x1;
	s17 =	sadd.s32 s1, s28;
	[dreg:$0x11] =	wrdreg s14  }
0x20: {  	s3 =	ssub.s32 s3, s6;
	s21 =	sadd.s32 $0xFB000, s1;
	[dreg:$0x14] =	wrdreg s17  }
0x21: {  	s6 =	sadd.s32 s5, s7;
	s25 =	sadd.s32 $0x3FA400, s0;
	[dreg:$0x18] =	wrdreg s21  }
0x22: {  	s29 =	sadd.s32 $0x300000, s6;
	[dreg:$0x1c] =	wrdreg s25  }
0x23: {  	s31 =	sadd.s32 $0x201000, s6;
	[smem:$0x7FB] =	sst s29  }
0x24: {  	s8 =	sadd.s32 s5, s24;
	[smem:$0x7FD] =	sst s31  }
0x25: {  	p0 =	seq.s32 s4, $0x1F;
	s22 =	sadd.s32 $0x1FA400, s0;
	[dreg:$0xa] =	wrdreg s8  }
0x26: {  	s4 =	sadd.s32 $0x302000, s6;
	s23 =	sadd.s32 s5, s28;
	[dreg:$0x19] =	wrdreg s22  }
0x27: {  	s11 =	sadd.s32 $0x304000, s6;
	s24 =	sadd.s32 $0x2FA400, s0;
	[dreg:$0x1a] =	wrdreg s23  }
0x28: {  	s12 =	sadd.s32 $0x105000, s6;
	s26 =	sadd.s32 $0xFA400, s0;
	[dreg:$0x1b] =	wrdreg s24  }
0x29: {  	s13 =	sadd.s32 $0x205000, s6;
	s28 =	sadd.s32 $0xFC000, s1;
	[dreg:$0x1d] =	wrdreg s26  }
0x2a: {  	s15 =	sadd.s32 $0x106000, s6;
	s9 =	sadd.s32 $0xFB400, s0;
	[dreg:$0x1e] =	wrdreg s28  }
0x2b: {  	s16 =	sadd.s32 $0x206000, s6;
	s14 =	sadd.s32 $0x2FC400, s0;
	[smem:$0x7E7] =	sst s9  }
0x2c: {  	s19 =	sadd.s32 $0x207000, s6;
	s17 =	sadd.s32 $0x1FD400, s0;
	[smem:$0x7EB] =	sst s14  }
0x2d: {  	s20 =	sadd.s32 $0x307000, s6;
	s21 =	sadd.s32 $0xFD400, s0;
	[smem:$0x7EF] =	sst s17  }
0x2e: {  	s10 =	sor.u32 $0x6000, s7;
	s25 =	sadd.s32 $0x2FE400, s0;
	[smem:$0x7F3] =	sst s21  }
0x2f: {  	s7 =	sor.u32 $0x7000, s7;
	s30 =	sadd.s32 s1, s10;
	[smem:$0x7F7] =	sst s25  }
0x30: {  	s8 =	sadd.s32 $0x3FB400, s0;
	s1 =	sadd.s32 s1, s7;
	[smem:$0x7E4] =	sst s30  }
0x31: {  	s18 =	sadd.s32 s5, s10;
	s22 =	sadd.s32 $0xFE400, s0;
	[smem:$0x7E6] =	sst s8  }
0x32: {  	s23 =	sadd.s32 $0x1FE400, s0;
	s24 =	sadd.s32 s5, s7;
	[smem:$0x7ED] =	sst s1  }
0x33: {  	s0 =	sadd.s32 $0x3FE400, s0;
	s25 =	smax.u32 s3, $0x1;
	[smem:$0x7F0] =	sst s18  }
0x34: {  	s26 =	sadd.s32 $0x100000, s6;
	s28 =	sadd.s32 $0x200000, s6;
	[smem:$0x7F4] =	sst s22  }
0x35: {  	s3 =	sadd.s32 $0x202000, s6;
	s5 =	sadd.s32 $0x103000, s6;
	[smem:$0x7F5] =	sst s23  }
0x36: {  	s7 =	sadd.s32 $0x203000, s6;
	s9 =	sadd.s32 $0x104000, s6;
	[smem:$0x7F6] =	sst s24  }
0x37: {  	s10 =	sadd.s32 $0x204000, s6;
	s14 =	sadd.s32 $0x305000, s6;
	[smem:$0x7F8] =	sst s0  }
.Ltmp0:
0x38: {  	s17 =	sadd.s32 $0x306000, s6;
	[smem:$0x7F9] =	sst s26;
	(pc) =	sbr.rel .LBB2_1-.Ltmp0, $4  }
0x39: {  	s21 =	simm.s32 $0x8000;
	[smem:$0x7FA] =	sst s28;
	s30 =	sadd.s32 $0x101000, s6  }
0x3a: {  	s0 =	sadd.s32 $0x301000, s6;
	s1 =	sadd.s32 $0x102000, s6;
	s8 =	sadd.s32 $0x303000, s6  }
0x3b: {  	s18 =	sadd.s32 $0x107000, s6;
	s22 =	simm.s32 $0x10000;
	s23 =	simm.s32 $0x1  }
0x3c: {  	s24 =	simm.s32 $0x2;
	s26 =	simm.s32 $0x3;
	[smem:$0x7FC] =	sst s30  }
.LBB2_3:
0x3d: {  	s28 =	rddreg [dreg:$0xb]  }
0x3e: {  	[tilespmem:s2], [sflag:$0x1] =	stream.linear.gather [hbm4b:s28+s2], $0x8000, $0x38;
	[tilespmem:$0x18000] =	vst v63  }
0x3f: {  	s28 =	rddreg [dreg:$0xc]  }
0x40: {  	[tilespmem:s21], [sflag:$0x2] =	stream.linear.gather [hbm4b:s28+s2], $0x8000, $0x38;
	[tilespmem:$0x18000] =	vst v63  }
0x41: {  	s28 =	rddreg [dreg:$0xd]  }
0x42: {  	[tilespmem:s22], [sflag:$0x3] =	stream.linear.gather [hbm4b:s28+s2], $0x8000, $0x38;
	[tilespmem:$0x18000] =	vst v63  }
0x43: {  	_ =	swait.ge [sflag:s23], $0x8000  }
0x44: {  	[sflag:s23] =	ssyncset.done $0x0  }
0x45: {  	s28 =	rddreg [dreg:$0xf];
	[sflag:s23] =	ssyncadd.s32 $0xFFFF8000  }
0x46: {  	[hbm4b:s28+s2] =	stream.linear.scatter [tilespmem:s2], [sflag:$0x4], $0x8000, $0x38;
	[tilespmem:$0x18000] =	vst v63  }
0x47: {  	s28 =	rddreg [dreg:$0xe]  }
0x48: {  	[hbm4b:s28+s2] =	stream.linear.scatter [tilespmem:s2], [sflag:$0x4], $0x8000, $0x38;
	[tilespmem:$0x18000] =	vst v63  }
0x49: {  	s28 =	rddreg [dreg:$0x10]  }
0x4a: {  	[hbm4b:s28+s2] =	stream.linear.scatter [tilespmem:s2], [sflag:$0x4], $0x8000, $0x38;
	[tilespmem:$0x18000] =	vst v63  }
0x4b: {  	s28 =	rddreg [dreg:$0x12]  }
0x4c: {  	[hbm4b:s28+s2] =	stream.linear.scatter [tilespmem:s2], [sflag:$0x4], $0x8000, $0x38;
	[tilespmem:$0x18000] =	vst v63  }
0x4d: {  	_ =	swait.ge [sflag:s24], $0x8000  }
0x4e: {  	[sflag:s24] =	ssyncset.done $0x0  }
0x4f: {  	s28 =	rddreg [dreg:$0x17];
	[sflag:s24] =	ssyncadd.s32 $0xFFFF8000  }
0x50: {  	[hbm4b:s28+s2] =	stream.linear.scatter [tilespmem:s21], [sflag:$0x5], $0x8000, $0x38;
	[tilespmem:$0x18000] =	vst v63  }
0x51: {  	s28 =	rddreg [dreg:$0x13]  }
0x52: {  	[hbm4b:s28+s2] =	stream.linear.scatter [tilespmem:s21], [sflag:$0x5], $0x8000, $0x38;
	[tilespmem:$0x18000] =	vst v63  }
0x53: {  	s28 =	rddreg [dreg:$0x15]  }
0x54: {  	[hbm4b:s28+s2] =	stream.linear.scatter [tilespmem:s21], [sflag:$0x5], $0x8000, $0x38;
	[tilespmem:$0x18000] =	vst v63  }
0x55: {  	s28 =	rddreg [dreg:$0x16]  }
0x56: {  	[hbm4b:s28+s2] =	stream.linear.scatter [tilespmem:s21], [sflag:$0x5], $0x8000, $0x38;
	[tilespmem:$0x18000] =	vst v63  }
0x57: {  	s28 =	simm.s32 $0x4  }
0x58: {  	_ =	swait.ge [sflag:s28], $0x8000  }
0x59: {  	[sflag:s28] =	ssyncset.done $0x0  }
0x5a: {  	[sflag:s28] =	ssyncadd.s32 $0xFFFF8000  }
0x5b: {  	_ =	swait.ge [sflag:s28], $0x8000  }
0x5c: {  	[sflag:s28] =	ssyncset.done $0x0  }
0x5d: {  	[sflag:s28] =	ssyncadd.s32 $0xFFFF8000  }
0x5e: {  	_ =	swait.ge [sflag:s28], $0x8000  }
0x5f: {  	[sflag:s28] =	ssyncset.done $0x0  }
0x60: {  	[sflag:s28] =	ssyncadd.s32 $0xFFFF8000  }
0x61: {  	_ =	swait.ge [sflag:s28], $0x8000  }
0x62: {  	[sflag:s28] =	ssyncset.done $0x0  }
0x63: {  	s29 =	rddreg [dreg:$0x18];
	[sflag:s28] =	ssyncadd.s32 $0xFFFF8000  }
0x64: {  	[tilespmem:s2], [sflag:$0x1] =	stream.linear.gather [hbm4b:s29+s2], $0x8000, $0x38;
	[tilespmem:$0x18000] =	vst v63  }
0x65: {  	_ =	swait.ge [sflag:s26], $0x8000  }
0x66: {  	[sflag:s26] =	ssyncset.done $0x0  }
0x67: {  	s29 =	rddreg [dreg:$0x1d];
	[sflag:s26] =	ssyncadd.s32 $0xFFFF8000  }
0x68: {  	[hbm4b:s29+s2] =	stream.linear.scatter [tilespmem:s22], [sflag:$0x6], $0x8000, $0x38;
	[tilespmem:$0x18000] =	vst v63  }
0x69: {  	s29 =	rddreg [dreg:$0x19]  }
0x6a: {  	[hbm4b:s29+s2] =	stream.linear.scatter [tilespmem:s22], [sflag:$0x6], $0x8000, $0x38;
	[tilespmem:$0x18000] =	vst v63  }
0x6b: {  	s29 =	rddreg [dreg:$0x1b]  }
0x6c: {  	[hbm4b:s29+s2] =	stream.linear.scatter [tilespmem:s22], [sflag:$0x6], $0x8000, $0x38;
	[tilespmem:$0x18000] =	vst v63  }
0x6d: {  	s30 =	simm.s32 $0x5;
	s29 =	rddreg [dreg:$0x1c]  }
0x6e: {  	[hbm4b:s29+s2] =	stream.linear.scatter [tilespmem:s22], [sflag:$0x6], $0x8000, $0x38;
	[tilespmem:$0x18000] =	vst v63  }
0x6f: {  	_ =	swait.ge [sflag:s30], $0x8000  }
0x70: {  	[sflag:s30] =	ssyncset.done $0x0  }
0x71: {  	[sflag:s30] =	ssyncadd.s32 $0xFFFF8000  }
0x72: {  	_ =	swait.ge [sflag:s30], $0x8000  }
0x73: {  	[sflag:s30] =	ssyncset.done $0x0  }
0x74: {  	[sflag:s30] =	ssyncadd.s32 $0xFFFF8000  }
0x75: {  	_ =	swait.ge [sflag:s30], $0x8000  }
0x76: {  	[sflag:s30] =	ssyncset.done $0x0  }
0x77: {  	[sflag:s30] =	ssyncadd.s32 $0xFFFF8000  }
0x78: {  	_ =	swait.ge [sflag:s30], $0x8000  }
0x79: {  	[sflag:s30] =	ssyncset.done $0x0  }
0x7a: {  	s29 =	rddreg [dreg:$0x1e];
	[sflag:s30] =	ssyncadd.s32 $0xFFFF8000  }
0x7b: {  	[tilespmem:s21], [sflag:$0x2] =	stream.linear.gather [hbm4b:s29+s2], $0x8000, $0x38;
	[tilespmem:$0x18000] =	vst v63  }
0x7c: {  	_ =	swait.ge [sflag:s23], $0x8000  }
0x7d: {  	s29 =	sld [smem:$0x7E7]  }
0x7e: {  	[sflag:s23] =	ssyncset.done $0x0  }
0x7f: {  	[sflag:s23] =	ssyncadd.s32 $0xFFFF8000  }
0x80: {  	[hbm4b:s29+s2] =	stream.linear.scatter [tilespmem:s2], [sflag:$0x4], $0x8000, $0x38;
	[tilespmem:$0x18000] =	vst v63  }
0x81: {  	s29 =	rddreg [dreg:$0x1f]  }
0x82: {  	[hbm4b:s29+s2] =	stream.linear.scatter [tilespmem:s2], [sflag:$0x4], $0x8000, $0x38;
	[tilespmem:$0x18000] =	vst v63  }
0x83: {  	s29 =	sld [smem:$0x7E5];
	_ =	sdelay $0x2  }
0x84: {  	[hbm4b:s29+s2] =	stream.linear.scatter [tilespmem:s2], [sflag:$0x4], $0x8000, $0x38;
	[tilespmem:$0x18000] =	vst v63  }
0x85: {  	s29 =	sld [smem:$0x7E6];
	_ =	sdelay $0x2  }
0x86: {  	[hbm4b:s29+s2] =	stream.linear.scatter [tilespmem:s2], [sflag:$0x4], $0x8000, $0x38;
	[tilespmem:$0x18000] =	vst v63  }
0x87: {  	s29 =	simm.s32 $0x6  }
0x88: {  	_ =	swait.ge [sflag:s29], $0x8000  }
0x89: {  	[sflag:s29] =	ssyncset.done $0x0  }
0x8a: {  	[sflag:s29] =	ssyncadd.s32 $0xFFFF8000  }
0x8b: {  	_ =	swait.ge [sflag:s29], $0x8000  }
0x8c: {  	[sflag:s29] =	ssyncset.done $0x0  }
0x8d: {  	[sflag:s29] =	ssyncadd.s32 $0xFFFF8000  }
0x8e: {  	_ =	swait.ge [sflag:s29], $0x8000  }
0x8f: {  	[sflag:s29] =	ssyncset.done $0x0  }
0x90: {  	[sflag:s29] =	ssyncadd.s32 $0xFFFF8000  }
0x91: {  	_ =	swait.ge [sflag:s29], $0x8000  }
0x92: {  	s31 =	sld [smem:$0x7E8]  }
0x93: {  	[sflag:s29] =	ssyncset.done $0x0  }
0x94: {  	[sflag:s29] =	ssyncadd.s32 $0xFFFF8000  }
0x95: {  	[tilespmem:s22], [sflag:$0x3] =	stream.linear.gather [hbm4b:s31+s2], $0x8000, $0x38;
	[tilespmem:$0x18000] =	vst v63  }
0x96: {  	_ =	swait.ge [sflag:s24], $0x8000  }
0x97: {  	s31 =	sld [smem:$0x7EA]  }
0x98: {  	[sflag:s24] =	ssyncset.done $0x0  }
0x99: {  	[sflag:s24] =	ssyncadd.s32 $0xFFFF8000  }
0x9a: {  	[hbm4b:s31+s2] =	stream.linear.scatter [tilespmem:s21], [sflag:$0x5], $0x8000, $0x38;
	[tilespmem:$0x18000] =	vst v63  }
0x9b: {  	s31 =	sld [smem:$0x7E9];
	_ =	sdelay $0x2  }
0x9c: {  	[hbm4b:s31+s2] =	stream.linear.scatter [tilespmem:s21], [sflag:$0x5], $0x8000, $0x38;
	[tilespmem:$0x18000] =	vst v63  }
0x9d: {  	s31 =	sld [smem:$0x7EB];
	_ =	sdelay $0x2  }
0x9e: {  	[hbm4b:s31+s2] =	stream.linear.scatter [tilespmem:s21], [sflag:$0x5], $0x8000, $0x38;
	[tilespmem:$0x18000] =	vst v63  }
0x9f: {  	s31 =	sld [smem:$0x7EE];
	_ =	sdelay $0x2  }
0xa0: {  	[hbm4b:s31+s2] =	stream.linear.scatter [tilespmem:s21], [sflag:$0x5], $0x8000, $0x38;
	[tilespmem:$0x18000] =	vst v63  }
0xa1: {  	_ =	swait.ge [sflag:s28], $0x8000  }
0xa2: {  	[sflag:s28] =	ssyncset.done $0x0  }
0xa3: {  	[sflag:s28] =	ssyncadd.s32 $0xFFFF8000  }
0xa4: {  	_ =	swait.ge [sflag:s28], $0x8000  }
0xa5: {  	[sflag:s28] =	ssyncset.done $0x0  }
0xa6: {  	[sflag:s28] =	ssyncadd.s32 $0xFFFF8000  }
0xa7: {  	_ =	swait.ge [sflag:s28], $0x8000  }
0xa8: {  	[sflag:s28] =	ssyncset.done $0x0  }
0xa9: {  	[sflag:s28] =	ssyncadd.s32 $0xFFFF8000  }
0xaa: {  	_ =	swait.ge [sflag:s28], $0x8000  }
0xab: {  	s31 =	sld [smem:$0x7EC]  }
0xac: {  	[sflag:s28] =	ssyncset.done $0x0  }
0xad: {  	[sflag:s28] =	ssyncadd.s32 $0xFFFF8000  }
0xae: {  	[tilespmem:s2], [sflag:$0x1] =	stream.linear.gather [hbm4b:s31+s2], $0x8000, $0x38;
	[tilespmem:$0x18000] =	vst v63  }
0xaf: {  	_ =	swait.ge [sflag:s26], $0x8000  }
0xb0: {  	s31 =	sld [smem:$0x7F3]  }
0xb1: {  	[sflag:s26] =	ssyncset.done $0x0  }
0xb2: {  	[sflag:s26] =	ssyncadd.s32 $0xFFFF8000  }
0xb3: {  	[hbm4b:s31+s2] =	stream.linear.scatter [tilespmem:s22], [sflag:$0x6], $0x8000, $0x38;
	[tilespmem:$0x18000] =	vst v63  }
0xb4: {  	s31 =	sld [smem:$0x7EF];
	_ =	sdelay $0x2  }
0xb5: {  	[hbm4b:s31+s2] =	stream.linear.scatter [tilespmem:s22], [sflag:$0x6], $0x8000, $0x38;
	[tilespmem:$0x18000] =	vst v63  }
0xb6: {  	s31 =	sld [smem:$0x7F1];
	_ =	sdelay $0x2  }
0xb7: {  	[hbm4b:s31+s2] =	stream.linear.scatter [tilespmem:s22], [sflag:$0x6], $0x8000, $0x38;
	[tilespmem:$0x18000] =	vst v63  }
0xb8: {  	s31 =	sld [smem:$0x7F2];
	_ =	sdelay $0x2  }
0xb9: {  	[hbm4b:s31+s2] =	stream.linear.scatter [tilespmem:s22], [sflag:$0x6], $0x8000, $0x38;
	[tilespmem:$0x18000] =	vst v63  }
0xba: {  	_ =	swait.ge [sflag:s23], $0x8000  }
0xbb: {  	s31 =	sld [smem:$0x7F4]  }
0xbc: {  	[sflag:s23] =	ssyncset.done $0x0  }
0xbd: {  	[sflag:s23] =	ssyncadd.s32 $0xFFFF8000  }
0xbe: {  	[hbm4b:s31+s2] =	stream.linear.scatter [tilespmem:s2], [sflag:$0x4], $0x8000, $0x38;
	[tilespmem:$0x18000] =	vst v63  }
0xbf: {  	s31 =	sld [smem:$0x7F5];
	_ =	sdelay $0x2  }
0xc0: {  	[hbm4b:s31+s2] =	stream.linear.scatter [tilespmem:s2], [sflag:$0x4], $0x8000, $0x38;
	[tilespmem:$0x18000] =	vst v63  }
0xc1: {  	s31 =	sld [smem:$0x7F7];
	_ =	sdelay $0x2  }
0xc2: {  	[hbm4b:s31+s2] =	stream.linear.scatter [tilespmem:s2], [sflag:$0x4], $0x8000, $0x38;
	[tilespmem:$0x18000] =	vst v63  }
0xc3: {  	s31 =	sld [smem:$0x7F8];
	_ =	sdelay $0x2  }
0xc4: {  	[hbm4b:s31+s2] =	stream.linear.scatter [tilespmem:s2], [sflag:$0x4], $0x8000, $0x38;
	[tilespmem:$0x18000] =	vst v63  }
.LBB2_4:
0xc5: {  	_ =	swait.ge [sflag:s30], $0x8000  }
0xc6: {  	[sflag:s30] =	ssyncset.done $0x0  }
0xc7: {  	[sflag:s30] =	ssyncadd.s32 $0xFFFF8000  }
0xc8: {  	_ =	swait.ge [sflag:s30], $0x8000  }
0xc9: {  	[sflag:s30] =	ssyncset.done $0x0  }
0xca: {  	[sflag:s30] =	ssyncadd.s32 $0xFFFF8000  }
0xcb: {  	_ =	swait.ge [sflag:s30], $0x8000  }
0xcc: {  	[sflag:s30] =	ssyncset.done $0x0  }
0xcd: {  	[sflag:s30] =	ssyncadd.s32 $0xFFFF8000  }
0xce: {  	_ =	swait.ge [sflag:s30], $0x8000  }
0xcf: {  	[sflag:s30] =	ssyncset.done $0x0  }
0xd0: {  	[sflag:s30] =	ssyncadd.s32 $0xFFFF8000  }
0xd1: {  	_ =	swait.ge [sflag:s29], $0x8000  }
0xd2: {  	[sflag:s29] =	ssyncset.done $0x0  }
0xd3: {  	[sflag:s29] =	ssyncadd.s32 $0xFFFF8000  }
0xd4: {  	_ =	swait.ge [sflag:s29], $0x8000  }
0xd5: {  	[sflag:s29] =	ssyncset.done $0x0  }
0xd6: {  	[sflag:s29] =	ssyncadd.s32 $0xFFFF8000  }
0xd7: {  	_ =	swait.ge [sflag:s29], $0x8000  }
0xd8: {  	[sflag:s29] =	ssyncset.done $0x0  }
0xd9: {  	[sflag:s29] =	ssyncadd.s32 $0xFFFF8000  }
0xda: {  	_ =	swait.ge [sflag:s29], $0x8000  }
0xdb: {  	[sflag:s29] =	ssyncset.done $0x0  }
0xdc: {  	[sflag:s29] =	ssyncadd.s32 $0xFFFF8000  }
0xdd: {  	_ =	swait.ge [sflag:s28], $0x8000  }
0xde: {  	[sflag:s28] =	ssyncset.done $0x0  }
0xdf: {  	[sflag:s28] =	ssyncadd.s32 $0xFFFF8000  }
0xe0: {  	_ =	swait.ge [sflag:s28], $0x8000  }
0xe1: {  	[sflag:s28] =	ssyncset.done $0x0  }
0xe2: {  	s25 =	sadd.s32 $0xFFFFFFFF, s25;
	[sflag:s28] =	ssyncadd.s32 $0xFFFF8000  }
0xe3: {  	p1 =	sne.s32 s25, $0x0;
	_ =	swait.ge [sflag:s28], $0x8000  }
.Ltmp1:
0xe4: {  	[sflag:s28] =	ssyncset.done $0x0;
	(pc) =	sbr.rel @!p1 .LBB2_5-.Ltmp1, $4  }
0xe5: {  	[sflag:s28] =	ssyncadd.s32 $0xFFFF8000  }
0xe6: {  	_ =	swait.ge [sflag:s28], $0x8000  }
0xe7: {  	[sflag:s28] =	ssyncset.done $0x0  }
0xe8: {  	[sflag:s28] =	ssyncadd.s32 $0xFFFF8000  }
.LBB2_1:
.Ltmp2:
0xe9: {  	(pc) =	sbr.rel @p0 .LBB2_3-.Ltmp2, $1  }
0xea: {  	_ =	sdelay $0x3  }
0xeb: {  	s28 =	rddreg [dreg:$0x3]  }
0xec: {  	[tilespmem:s2], [sflag:$0x1] =	stream.linear.gather [hbm4b:s28+s2], $0x8000, $0x38;
	[tilespmem:$0x18000] =	vst v63  }
0xed: {  	s28 =	rddreg [dreg:$0x4]  }
0xee: {  	[tilespmem:s21], [sflag:$0x2] =	stream.linear.gather [hbm4b:s28+s2], $0x8000, $0x38;
	[tilespmem:$0x18000] =	vst v63  }
0xef: {  	s28 =	rddreg [dreg:$0x5]  }
0xf0: {  	[tilespmem:s22], [sflag:$0x3] =	stream.linear.gather [hbm4b:s28+s2], $0x8000, $0x38;
	[tilespmem:$0x18000] =	vst v63  }
0xf1: {  	_ =	swait.ge [sflag:s23], $0x8000  }
0xf2: {  	[sflag:s23] =	ssyncset.done $0x0  }
0xf3: {  	s28 =	sld [smem:$0x7F9];
	[sflag:s23] =	ssyncadd.s32 $0xFFFF8000  }
0xf4: {  	[hbm4b:s6+s2] =	stream.linear.scatter [tilespmem:s2], [sflag:$0x4], $0x8000, $0x38;
	[tilespmem:$0x18000] =	vst v63  }
0xf5: {  	_ = 	snop  }
0xf6: {  	[hbm4b:s28+s2] =	stream.linear.scatter [tilespmem:s2], [sflag:$0x4], $0x8000, $0x38;
	[tilespmem:$0x18000] =	vst v63  }
0xf7: {  	s28 =	sld [smem:$0x7FA];
	_ =	sdelay $0x2  }
0xf8: {  	[hbm4b:s28+s2] =	stream.linear.scatter [tilespmem:s2], [sflag:$0x4], $0x8000, $0x38;
	[tilespmem:$0x18000] =	vst v63  }
0xf9: {  	s28 =	sld [smem:$0x7FB];
	_ =	sdelay $0x2  }
0xfa: {  	[hbm4b:s28+s2] =	stream.linear.scatter [tilespmem:s2], [sflag:$0x4], $0x8000, $0x38;
	[tilespmem:$0x18000] =	vst v63  }
0xfb: {  	_ =	swait.ge [sflag:s24], $0x8000  }
0xfc: {  	[sflag:s24] =	ssyncset.done $0x0  }
0xfd: {  	s28 =	rddreg [dreg:$0x6];
	[sflag:s24] =	ssyncadd.s32 $0xFFFF8000  }
0xfe: {  	[hbm4b:s28+s2] =	stream.linear.scatter [tilespmem:s21], [sflag:$0x5], $0x8000, $0x38;
	[tilespmem:$0x18000] =	vst v63  }
0xff: {  	s28 =	sld [smem:$0x7FC];
	_ =	sdelay $0x2  }
0x100: {  	[hbm4b:s28+s2] =	stream.linear.scatter [tilespmem:s21], [sflag:$0x5], $0x8000, $0x38;
	[tilespmem:$0x18000] =	vst v63  }
0x101: {  	s28 =	sld [smem:$0x7FD];
	_ =	sdelay $0x2  }
0x102: {  	[hbm4b:s28+s2] =	stream.linear.scatter [tilespmem:s21], [sflag:$0x5], $0x8000, $0x38;
	[tilespmem:$0x18000] =	vst v63  }
0x103: {  	s29 =	simm.s32 $0x4  }
0x104: {  	[hbm4b:s0+s2] =	stream.linear.scatter [tilespmem:s21], [sflag:$0x5], $0x8000, $0x38;
	[tilespmem:$0x18000] =	vst v63  }
0x105: {  	_ =	swait.ge [sflag:s29], $0x8000  }
0x106: {  	[sflag:s29] =	ssyncset.done $0x0  }
0x107: {  	[sflag:s29] =	ssyncadd.s32 $0xFFFF8000  }
0x108: {  	_ =	swait.ge [sflag:s29], $0x8000  }
0x109: {  	[sflag:s29] =	ssyncset.done $0x0  }
0x10a: {  	[sflag:s29] =	ssyncadd.s32 $0xFFFF8000  }
0x10b: {  	_ =	swait.ge [sflag:s29], $0x8000  }
0x10c: {  	[sflag:s29] =	ssyncset.done $0x0  }
0x10d: {  	[sflag:s29] =	ssyncadd.s32 $0xFFFF8000  }
0x10e: {  	_ =	swait.ge [sflag:s29], $0x8000  }
0x10f: {  	[sflag:s29] =	ssyncset.done $0x0  }
0x110: {  	s28 =	rddreg [dreg:$0x7];
	[sflag:s29] =	ssyncadd.s32 $0xFFFF8000  }
0x111: {  	[tilespmem:s2], [sflag:$0x1] =	stream.linear.gather [hbm4b:s28+s2], $0x8000, $0x38;
	[tilespmem:$0x18000] =	vst v63  }
0x112: {  	_ =	swait.ge [sflag:s26], $0x8000  }
0x113: {  	[sflag:s26] =	ssyncset.done $0x0  }
0x114: {  	s28 =	rddreg [dreg:$0x8];
	[sflag:s26] =	ssyncadd.s32 $0xFFFF8000  }
0x115: {  	[hbm4b:s28+s2] =	stream.linear.scatter [tilespmem:s22], [sflag:$0x6], $0x8000, $0x38;
	[tilespmem:$0x18000] =	vst v63  }
0x116: {  	_ = 	snop  }
0x117: {  	[hbm4b:s1+s2] =	stream.linear.scatter [tilespmem:s22], [sflag:$0x6], $0x8000, $0x38;
	[tilespmem:$0x18000] =	vst v63  }
0x118: {  	_ = 	snop  }
0x119: {  	[hbm4b:s3+s2] =	stream.linear.scatter [tilespmem:s22], [sflag:$0x6], $0x8000, $0x38;
	[tilespmem:$0x18000] =	vst v63  }
0x11a: {  	s28 =	simm.s32 $0x5  }
0x11b: {  	[hbm4b:s4+s2] =	stream.linear.scatter [tilespmem:s22], [sflag:$0x6], $0x8000, $0x38;
	[tilespmem:$0x18000] =	vst v63  }
0x11c: {  	_ =	swait.ge [sflag:s28], $0x8000  }
0x11d: {  	[sflag:s28] =	ssyncset.done $0x0  }
0x11e: {  	[sflag:s28] =	ssyncadd.s32 $0xFFFF8000  }
0x11f: {  	_ =	swait.ge [sflag:s28], $0x8000  }
0x120: {  	[sflag:s28] =	ssyncset.done $0x0  }
0x121: {  	[sflag:s28] =	ssyncadd.s32 $0xFFFF8000  }
0x122: {  	_ =	swait.ge [sflag:s28], $0x8000  }
0x123: {  	[sflag:s28] =	ssyncset.done $0x0  }
0x124: {  	[sflag:s28] =	ssyncadd.s32 $0xFFFF8000  }
0x125: {  	_ =	swait.ge [sflag:s28], $0x8000  }
0x126: {  	[sflag:s28] =	ssyncset.done $0x0  }
0x127: {  	s30 =	rddreg [dreg:$0x9];
	[sflag:s28] =	ssyncadd.s32 $0xFFFF8000  }
0x128: {  	[tilespmem:s21], [sflag:$0x2] =	stream.linear.gather [hbm4b:s30+s2], $0x8000, $0x38;
	[tilespmem:$0x18000] =	vst v63  }
0x129: {  	_ =	swait.ge [sflag:s23], $0x8000  }
0x12a: {  	[sflag:s23] =	ssyncset.done $0x0  }
0x12b: {  	s30 =	rddreg [dreg:$0xa];
	[sflag:s23] =	ssyncadd.s32 $0xFFFF8000  }
0x12c: {  	[hbm4b:s30+s2] =	stream.linear.scatter [tilespmem:s2], [sflag:$0x4], $0x8000, $0x38;
	[tilespmem:$0x18000] =	vst v63  }
0x12d: {  	_ = 	snop  }
0x12e: {  	[hbm4b:s5+s2] =	stream.linear.scatter [tilespmem:s2], [sflag:$0x4], $0x8000, $0x38;
	[tilespmem:$0x18000] =	vst v63  }
0x12f: {  	_ = 	snop  }
0x130: {  	[hbm4b:s7+s2] =	stream.linear.scatter [tilespmem:s2], [sflag:$0x4], $0x8000, $0x38;
	[tilespmem:$0x18000] =	vst v63  }
0x131: {  	s30 =	simm.s32 $0x6  }
0x132: {  	[hbm4b:s8+s2] =	stream.linear.scatter [tilespmem:s2], [sflag:$0x4], $0x8000, $0x38;
	[tilespmem:$0x18000] =	vst v63  }
0x133: {  	_ =	swait.ge [sflag:s30], $0x8000  }
0x134: {  	[sflag:s30] =	ssyncset.done $0x0  }
0x135: {  	[sflag:s30] =	ssyncadd.s32 $0xFFFF8000  }
0x136: {  	_ =	swait.ge [sflag:s30], $0x8000  }
0x137: {  	[sflag:s30] =	ssyncset.done $0x0  }
0x138: {  	[sflag:s30] =	ssyncadd.s32 $0xFFFF8000  }
0x139: {  	_ =	swait.ge [sflag:s30], $0x8000  }
0x13a: {  	[sflag:s30] =	ssyncset.done $0x0  }
0x13b: {  	[sflag:s30] =	ssyncadd.s32 $0xFFFF8000  }
0x13c: {  	_ =	swait.ge [sflag:s30], $0x8000  }
0x13d: {  	[sflag:s30] =	ssyncset.done $0x0  }
0x13e: {  	s31 =	rddreg [dreg:$0x14];
	[sflag:s30] =	ssyncadd.s32 $0xFFFF8000  }
0x13f: {  	[tilespmem:s22], [sflag:$0x3] =	stream.linear.gather [hbm4b:s31+s2], $0x8000, $0x38;
	[tilespmem:$0x18000] =	vst v63  }
0x140: {  	_ =	swait.ge [sflag:s24], $0x8000  }
0x141: {  	[sflag:s24] =	ssyncset.done $0x0  }
0x142: {  	s31 =	rddreg [dreg:$0x11];
	[sflag:s24] =	ssyncadd.s32 $0xFFFF8000  }
0x143: {  	[hbm4b:s31+s2] =	stream.linear.scatter [tilespmem:s21], [sflag:$0x5], $0x8000, $0x38;
	[tilespmem:$0x18000] =	vst v63  }
0x144: {  	_ = 	snop  }
0x145: {  	[hbm4b:s9+s2] =	stream.linear.scatter [tilespmem:s21], [sflag:$0x5], $0x8000, $0x38;
	[tilespmem:$0x18000] =	vst v63  }
0x146: {  	_ = 	snop  }
0x147: {  	[hbm4b:s10+s2] =	stream.linear.scatter [tilespmem:s21], [sflag:$0x5], $0x8000, $0x38;
	[tilespmem:$0x18000] =	vst v63  }
0x148: {  	_ = 	snop  }
0x149: {  	[hbm4b:s11+s2] =	stream.linear.scatter [tilespmem:s21], [sflag:$0x5], $0x8000, $0x38;
	[tilespmem:$0x18000] =	vst v63  }
0x14a: {  	_ =	swait.ge [sflag:s29], $0x8000  }
0x14b: {  	[sflag:s29] =	ssyncset.done $0x0  }
0x14c: {  	[sflag:s29] =	ssyncadd.s32 $0xFFFF8000  }
0x14d: {  	_ =	swait.ge [sflag:s29], $0x8000  }
0x14e: {  	[sflag:s29] =	ssyncset.done $0x0  }
0x14f: {  	[sflag:s29] =	ssyncadd.s32 $0xFFFF8000  }
0x150: {  	_ =	swait.ge [sflag:s29], $0x8000  }
0x151: {  	[sflag:s29] =	ssyncset.done $0x0  }
0x152: {  	[sflag:s29] =	ssyncadd.s32 $0xFFFF8000  }
0x153: {  	_ =	swait.ge [sflag:s29], $0x8000  }
0x154: {  	s31 =	sld [smem:$0x7E4]  }
0x155: {  	[sflag:s29] =	ssyncset.done $0x0  }
0x156: {  	[sflag:s29] =	ssyncadd.s32 $0xFFFF8000  }
0x157: {  	[tilespmem:s2], [sflag:$0x1] =	stream.linear.gather [hbm4b:s31+s2], $0x8000, $0x38;
	[tilespmem:$0x18000] =	vst v63  }
0x158: {  	_ =	swait.ge [sflag:s26], $0x8000  }
0x159: {  	[sflag:s26] =	ssyncset.done $0x0  }
0x15a: {  	s31 =	rddreg [dreg:$0x1a];
	[sflag:s26] =	ssyncadd.s32 $0xFFFF8000  }
0x15b: {  	[hbm4b:s31+s2] =	stream.linear.scatter [tilespmem:s22], [sflag:$0x6], $0x8000, $0x38;
	[tilespmem:$0x18000] =	vst v63  }
0x15c: {  	_ = 	snop  }
0x15d: {  	[hbm4b:s12+s2] =	stream.linear.scatter [tilespmem:s22], [sflag:$0x6], $0x8000, $0x38;
	[tilespmem:$0x18000] =	vst v63  }
0x15e: {  	_ = 	snop  }
0x15f: {  	[hbm4b:s13+s2] =	stream.linear.scatter [tilespmem:s22], [sflag:$0x6], $0x8000, $0x38;
	[tilespmem:$0x18000] =	vst v63  }
0x160: {  	_ = 	snop  }
0x161: {  	[hbm4b:s14+s2] =	stream.linear.scatter [tilespmem:s22], [sflag:$0x6], $0x8000, $0x38;
	[tilespmem:$0x18000] =	vst v63  }
0x162: {  	_ =	swait.ge [sflag:s28], $0x8000  }
0x163: {  	[sflag:s28] =	ssyncset.done $0x0  }
0x164: {  	[sflag:s28] =	ssyncadd.s32 $0xFFFF8000  }
0x165: {  	_ =	swait.ge [sflag:s28], $0x8000  }
0x166: {  	[sflag:s28] =	ssyncset.done $0x0  }
0x167: {  	[sflag:s28] =	ssyncadd.s32 $0xFFFF8000  }
0x168: {  	_ =	swait.ge [sflag:s28], $0x8000  }
0x169: {  	[sflag:s28] =	ssyncset.done $0x0  }
0x16a: {  	[sflag:s28] =	ssyncadd.s32 $0xFFFF8000  }
0x16b: {  	_ =	swait.ge [sflag:s28], $0x8000  }
0x16c: {  	s31 =	sld [smem:$0x7ED]  }
0x16d: {  	[sflag:s28] =	ssyncset.done $0x0  }
0x16e: {  	[sflag:s28] =	ssyncadd.s32 $0xFFFF8000  }
0x16f: {  	[tilespmem:s21], [sflag:$0x2] =	stream.linear.gather [hbm4b:s31+s2], $0x8000, $0x38;
	[tilespmem:$0x18000] =	vst v63  }
0x170: {  	_ =	swait.ge [sflag:s23], $0x8000  }
0x171: {  	s31 =	sld [smem:$0x7F0]  }
0x172: {  	[sflag:s23] =	ssyncset.done $0x0  }
0x173: {  	[sflag:s23] =	ssyncadd.s32 $0xFFFF8000  }
0x174: {  	[hbm4b:s31+s2] =	stream.linear.scatter [tilespmem:s2], [sflag:$0x4], $0x8000, $0x38;
	[tilespmem:$0x18000] =	vst v63  }
0x175: {  	_ = 	snop  }
0x176: {  	[hbm4b:s15+s2] =	stream.linear.scatter [tilespmem:s2], [sflag:$0x4], $0x8000, $0x38;
	[tilespmem:$0x18000] =	vst v63  }
0x177: {  	_ = 	snop  }
0x178: {  	[hbm4b:s16+s2] =	stream.linear.scatter [tilespmem:s2], [sflag:$0x4], $0x8000, $0x38;
	[tilespmem:$0x18000] =	vst v63  }
0x179: {  	_ = 	snop  }
0x17a: {  	[hbm4b:s17+s2] =	stream.linear.scatter [tilespmem:s2], [sflag:$0x4], $0x8000, $0x38;
	[tilespmem:$0x18000] =	vst v63  }
0x17b: {  	_ =	swait.ge [sflag:s24], $0x8000  }
0x17c: {  	s31 =	sld [smem:$0x7F6]  }
0x17d: {  	[sflag:s24] =	ssyncset.done $0x0  }
0x17e: {  	[sflag:s24] =	ssyncadd.s32 $0xFFFF8000  }
0x17f: {  	[hbm4b:s31+s2] =	stream.linear.scatter [tilespmem:s21], [sflag:$0x5], $0x8000, $0x38;
	[tilespmem:$0x18000] =	vst v63  }
0x180: {  	_ = 	snop  }
0x181: {  	[hbm4b:s18+s2] =	stream.linear.scatter [tilespmem:s21], [sflag:$0x5], $0x8000, $0x38;
	[tilespmem:$0x18000] =	vst v63  }
.Ltmp3:
0x182: {  	_ = 	snop;
	(pc) =	sbr.rel .LBB2_4-.Ltmp3, $4  }
0x183: {  	_ = 	snop  }
0x184: {  	[hbm4b:s19+s2] =	stream.linear.scatter [tilespmem:s21], [sflag:$0x5], $0x8000, $0x38;
	[tilespmem:$0x18000] =	vst v63  }
0x185: {  	_ = 	snop  }
0x186: {  	[hbm4b:s20+s2] =	stream.linear.scatter [tilespmem:s21], [sflag:$0x5], $0x8000, $0x38;
	[tilespmem:$0x18000] =	vst v63  }
.LBB2_5:
0x187: {  	_ =	sfence.sel $0x180000  }
0x188: {  	[bflag:$0x0] =	sbarrier.arrive $0xFFFF  }
0x189: {  	_ =	strace $0x90000047  }
0x18a: {  	s0 =	stileid.u32;
	[bflag:$0x2] =	sbarrier.arrive $0xFFFF  }
0x18b: {  	p0 =	sne.s32 s0, $0x0;
	s0 =	rddreg [dreg:$0x2]  }
0x18c: {  	s0 =	sadd.s32 @!p0 $0x100000, s0  }
0x18d: {  	[sflag:s0] =	ssyncadd.tile.s32 @!p0 $0x1;
	_ =	shalt  }
.Lfunc_end2:
_tile_overlayer_lowered:
.L_overlay_start_2:
0x18e: {  	(tag) =	ssettag $0x2  }
0x18f: {  	s0 =	rddreg [dreg:$0x0];
	s2 =	stileid.u32  }
0x190: {  	s1 =	rddreg [dreg:$0x1];
	p0 =	sne.s32 s2, $0x0  }
0x191: {  	s3 =	rddreg [dreg:$0x2];
	[bflag:$0x3] =	sbarrier.arrive $0xFFFF;
	s2 =	simm.s32 @!p0 $0x1C07  }
0x192: {  	[timem:s3], [sflag:s2] =	dma.local @!p0 [hbm:s0], s1  }
0x193: {  	s0 =	simm.s32 @!p0 $0x7  }
0x194: {  	_ =	swait.ge @!p0 [sflag:s0], s1  }
0x195: {  	s1 =	ssub.s32 @!p0 $0x0, s1;
	[sflag:s0] =	ssyncset.done @!p0 $0x0  }
0x196: {  	[sflag:s0] =	ssyncadd.s32 @!p0 s1  }
0x197: {  	[bflag:$0x3] =	sbarrier.arrive $0xFFFF  }
0x198: {  	_ =	shalt  }

</sc_bundles>
